<compile_context>
chip_gen: v7x
topology: tpu7x:2x2x1
jax: 0.10.2.dev20260603
libtpu: 0.0.44.dev20260713+nightly
codegen_flags: <defaults>
</compile_context>

<pallas_src>
import functools

import jax
import jax.numpy as jnp
from jax import lax
from jax.experimental import pallas as pl
from jax.experimental.pallas import tpu as pltpu
from jax.experimental.pallas import tpu_sc as plsc

N = 10000
E = 320000
D = 128
DH = D // 2
T = 4
VTH = 1.0
STEP = 0.1

NC = 2
NS = 16
C = 128
NCH = -(-E // (NS * C))
E_PAD = NS * NCH * C
EROWS = E_PAD // C
NA = N + 16
ROWS_PT = (N // NS) // 8 * 8
ROWS_REM = N - NS * ROWS_PT
REM0 = NS * ROWS_PT

_MESH = plsc.VectorSubcoreMesh(
    core_axis_name="c", subcore_axis_name="s", num_cores=NC, num_subcores=NS
)


def _make_agg(with_deg: bool):
    out_type = [
        jax.ShapeDtypeStruct((N, DH), jnp.float32),
        jax.ShapeDtypeStruct((N, DH), jnp.float32),
    ]
    scratch = [
        pltpu.VMEM((NCH, C), jnp.int32),
        pltpu.VMEM((NCH, C), jnp.int32),
        pltpu.VMEM((C, DH), jnp.float32),
        pltpu.VMEM((C, DH), jnp.float32),
        pltpu.VMEM((C, DH), jnp.float32),
        pltpu.VMEM((C, DH), jnp.float32),
        pltpu.VMEM_SHARED((NA, DH), jnp.float32),
        pltpu.SemaphoreType.DMA,
        pltpu.SemaphoreType.DMA,
        pltpu.SemaphoreType.DMA,
        pltpu.SemaphoreType.DMA,
        pltpu.SemaphoreType.DMA,
        pltpu.SemaphoreType.DMA,
        pltpu.SemaphoreType.DMA,
        pltpu.SemaphoreType.DMA,
    ]
    if with_deg:
        out_type.append(jax.ShapeDtypeStruct((N, 16), jnp.float32))
        scratch += [
            pltpu.VMEM((C, 16), jnp.float32),
            pltpu.VMEM_SHARED((NA, 16), jnp.float32),
        ]

    @functools.partial(
        pl.kernel, out_type=out_type, mesh=_MESH, scratch_types=scratch,
        compiler_params=pltpu.CompilerParams(use_tc_tiling_on_sc=False),
    )
    def agg(*refs):
        if with_deg:
            (xlo_hbm, xhi_hbm, edges_hbm, zeros_hbm, zeros16_hbm,
             ones_hbm, outlo_hbm, outhi_hbm, deg_hbm,
             srci, dsti, rows0, rows1, rows2, rows3, acc,
             gsem0, gsem1, gsem2, gsem3, ssem0, ssem1, ssem2, ssem3,
             ones_v, dacc) = refs
        else:
            (xlo_hbm, xhi_hbm, edges_hbm, zeros_hbm,
             outlo_hbm, outhi_hbm,
             srci, dsti, rows0, rows1, rows2, rows3, acc,
             gsem0, gsem1, gsem2, gsem3, ssem0, ssem1, ssem2, ssem3) = refs

        c = lax.axis_index("c")
        s = lax.axis_index("s")
        r0 = s * ROWS_PT
        row_base = s * NCH
        deg_here = with_deg

        pltpu.async_copy(edges_hbm.at[0].at[pl.ds(row_base, NCH)], srci, gsem0)
        pltpu.async_copy(edges_hbm.at[1].at[pl.ds(row_base, NCH)], dsti, gsem1)
        pltpu.async_copy(zeros_hbm.at[pl.ds(r0, ROWS_PT)],
                         acc.at[pl.ds(r0, ROWS_PT)], ssem0)
        if deg_here:
            pltpu.sync_copy(ones_hbm, ones_v)

            @pl.when(c == 0)
            def _zero_deg():
                pltpu.async_copy(zeros16_hbm.at[pl.ds(r0, ROWS_PT)],
                                 dacc.at[pl.ds(r0, ROWS_PT)], ssem1)

        @pl.when(s == NS - 1)
        def _zero_rem():
            pltpu.async_copy(zeros_hbm.at[pl.ds(REM0, ROWS_REM)],
                             acc.at[pl.ds(REM0, ROWS_REM)], ssem0)
            if with_deg:
                @pl.when(c == 0)
                def _zero_deg_rem():
                    pltpu.async_copy(zeros16_hbm.at[pl.ds(REM0, ROWS_REM)],
                                     dacc.at[pl.ds(REM0, ROWS_REM)], ssem1)

        pltpu.make_async_copy(edges_hbm.at[0].at[pl.ds(row_base, NCH)], srci,
                              gsem0).wait()
        pltpu.make_async_copy(edges_hbm.at[1].at[pl.ds(row_base, NCH)], dsti,
                              gsem1).wait()

        def run_core(x_hbm):
            rows = [rows0, rows1, rows2, rows3]
            gsem = [gsem0, gsem1, gsem2, gsem3]
            ssem = [ssem0, ssem1, ssem2, ssem3]

            def gather(k, b):
                pltpu.async_copy(x_hbm.at[srci.at[k]], rows[b], gsem[b])

            def gwait(k, b):
                pltpu.make_async_copy(x_hbm.at[srci.at[k]], rows[b],
                                      gsem[b]).wait()

            def scat(k, b):
                pltpu.async_copy(rows[b], acc.at[dsti.at[k]], ssem[b],
                                 add=True)
                if deg_here:
                    @pl.when(c == 0)
                    def _deg_add():
                        pltpu.sync_copy(ones_v, dacc.at[dsti.at[k]], add=True)

            def swait(k, b):
                pltpu.make_async_copy(rows[b], acc.at[dsti.at[k]],
                                      ssem[b]).wait()

            gather(0, 0)
            gather(1, 1)
            gather(2, 2)
            gather(3, 3)
            pltpu.make_async_copy(zeros_hbm.at[pl.ds(r0, ROWS_PT)],
                                  acc.at[pl.ds(r0, ROWS_PT)], ssem0).wait()

            @pl.when(s == NS - 1)
            def _zero_rem_wait():
                pltpu.make_async_copy(zeros_hbm.at[pl.ds(REM0, ROWS_REM)],
                                      acc.at[pl.ds(REM0, ROWS_REM)],
                                      ssem0).wait()

            if deg_here:
                @pl.when(c == 0)
                def _zero_deg_wait():
                    pltpu.make_async_copy(zeros16_hbm.at[pl.ds(r0, ROWS_PT)],
                                          dacc.at[pl.ds(r0, ROWS_PT)],
                                          ssem1).wait()

                    @pl.when(s == NS - 1)
                    def _zero_deg_rem_wait():
                        pltpu.make_async_copy(
                            zeros16_hbm.at[pl.ds(REM0, ROWS_REM)],
                            dacc.at[pl.ds(REM0, ROWS_REM)], ssem1).wait()

            plsc.subcore_barrier()
            gwait(0, 0)
            scat(0, 0)
            gwait(1, 1)
            scat(1, 1)

            def quad(j, _):
                for b in range(4):
                    i = j * 4 + b
                    swait(i - 4, b)
                    gather(i, b)
                    b2 = (b + 2) % 4
                    gwait(i - 2, b2)
                    scat(i - 2, b2)
                return 0

            lax.fori_loop(1, NCH // 4, quad, 0)
            swait(NCH - 5, 0)
            gather(NCH - 1, 0)
            gwait(NCH - 3, 2)
            scat(NCH - 3, 2)
            gwait(NCH - 2, 3)
            scat(NCH - 2, 3)
            gwait(NCH - 1, 0)
            scat(NCH - 1, 0)
            swait(NCH - 4, 1)
            swait(NCH - 3, 2)
            swait(NCH - 2, 3)
            swait(NCH - 1, 0)

        @pl.when(c == 0)
        def _core0():
            run_core(xlo_hbm)

        @pl.when(c == 1)
        def _core1():
            run_core(xhi_hbm)

        plsc.subcore_barrier()

        def write_out(out_hbm):
            pltpu.sync_copy(acc.at[pl.ds(r0, ROWS_PT)],
                            out_hbm.at[pl.ds(r0, ROWS_PT)])

            @pl.when(s == NS - 1)
            def _wb_rem():
                pltpu.sync_copy(acc.at[pl.ds(REM0, ROWS_REM)],
                                out_hbm.at[pl.ds(REM0, ROWS_REM)])

        @pl.when(c == 0)
        def _wb0():
            write_out(outlo_hbm)
            if deg_here:
                pltpu.sync_copy(dacc.at[pl.ds(r0, ROWS_PT)],
                                deg_hbm.at[pl.ds(r0, ROWS_PT)])

                @pl.when(s == NS - 1)
                def _wb_deg_rem():
                    pltpu.sync_copy(dacc.at[pl.ds(REM0, ROWS_REM)],
                                    deg_hbm.at[pl.ds(REM0, ROWS_REM)])

        @pl.when(c == 1)
        def _wb1():
            write_out(outhi_hbm)

    return agg


_agg_deg = _make_agg(True)
_agg = _make_agg(False)


B = 2000


def _if_rate(lo_ref, hi_ref, deg_ref):
    t = jnp.concatenate((lo_ref[...], hi_ref[...]), axis=1)
    t = t / jnp.maximum(deg_ref[:, 0:1], 1.0)
    v = jnp.zeros_like(t)
    ssum = jnp.zeros_like(t)
    for _ in range(T):
        v = v + t
        sp = (v >= VTH).astype(t.dtype)
        v = v - sp * VTH
        ssum = ssum + sp
    return ssum * (1.0 / T)


def _enc_body(f_ref, w_ref, hlo_ref, hhi_ref):
    h = jnp.dot(f_ref[...], w_ref[...], preferred_element_type=jnp.float32)
    hlo_ref[...] = h[:, :DH]
    hhi_ref[...] = h[:, DH:]


def _mid_body(lo_ref, hi_ref, deg_ref, w_ref, x_ref, hlo_ref, hhi_ref):
    x = _if_rate(lo_ref, hi_ref, deg_ref)
    x_ref[...] = x
    h = jnp.dot(x, w_ref[...], preferred_element_type=jnp.float32)
    hlo_ref[...] = h[:, :DH]
    hhi_ref[...] = h[:, DH:]


def _fin_body(lo_ref, hi_ref, deg_ref, x0_ref, x1_ref, wfc_ref, bfc_ref,
              out_ref):
    x2 = _if_rate(lo_ref, hi_ref, deg_ref)
    z = (x0_ref[...] + x1_ref[...] + x2) * STEP
    out_ref[...] = jnp.dot(z, wfc_ref[...],
                           preferred_element_type=jnp.float32) + bfc_ref[...]


_half_spec = pl.BlockSpec((B, DH), lambda i: (i, 0))
_full_spec = pl.BlockSpec((B, D), lambda i: (i, 0))
_deg_spec = pl.BlockSpec((B, 16), lambda i: (i, 0))
_w_spec = pl.BlockSpec((D, D), lambda i: (0, 0))
_half_out = [
    jax.ShapeDtypeStruct((N, DH), jnp.float32),
    jax.ShapeDtypeStruct((N, DH), jnp.float32),
]

_enc_tc = pl.pallas_call(
    _enc_body,
    grid=(N // B,),
    in_specs=[_full_spec, _w_spec],
    out_specs=[_half_spec, _half_spec],
    out_shape=_half_out,
)

_mid_tc = pl.pallas_call(
    _mid_body,
    grid=(N // B,),
    in_specs=[_half_spec, _half_spec, _deg_spec, _w_spec],
    out_specs=[_full_spec, _half_spec, _half_spec],
    out_shape=[jax.ShapeDtypeStruct((N, D), jnp.float32)] + _half_out,
)

_fin_tc = pl.pallas_call(
    _fin_body,
    grid=(N // B,),
    in_specs=[
        _half_spec,
        _half_spec,
        _deg_spec,
        _full_spec,
        _full_spec,
        pl.BlockSpec((D, 40), lambda i: (0, 0)),
        pl.BlockSpec((1, 40), lambda i: (0, 0)),
    ],
    out_specs=pl.BlockSpec((B, 40), lambda i: (i, 0)),
    out_shape=jax.ShapeDtypeStruct((N, 40), jnp.float32),
)


def kernel(features, edge_index, W_enc, W_layers, W_fc, b_fc):
    ep = jnp.pad(edge_index, ((0, 0), (0, E_PAD - E)))
    ep = ep.at[1, E:].set(N)
    edges3d = ep.reshape(2, EROWS, C)
    zeros = jnp.zeros((N, DH), jnp.float32)
    zeros16 = jnp.zeros((N, 16), jnp.float32)
    ones = jnp.ones((C, 16), jnp.float32)

    h0_lo, h0_hi = _enc_tc(features, W_enc)
    s0_lo, s0_hi, deg = _agg_deg(h0_lo, h0_hi, edges3d, zeros, zeros16,
                                 ones)
    x0, h1_lo, h1_hi = _mid_tc(s0_lo, s0_hi, deg, W_layers[0])
    s1_lo, s1_hi = _agg(h1_lo, h1_hi, edges3d, zeros)
    x1, h2_lo, h2_hi = _mid_tc(s1_lo, s1_hi, deg, W_layers[1])
    s2_lo, s2_hi = _agg(h2_lo, h2_hi, edges3d, zeros)
    logits = _fin_tc(s2_lo, s2_hi, deg, x0, x1, W_fc, b_fc.reshape(1, 40))
    return logits

# --- scband reference (transcript-rebuilt; emitter-appended) ---
"""Pipeline reference for scband-riemannian-spike-gnn-10462540333801 (READ-ONLY COPY).

The authoritative reference and input builder live on the scoring server;
editing this copy changes nothing except your own understanding.
"""

import jax, jax.numpy as jnp
import numpy as np

N = 10000
E = 320000
IN_DIM = 128
EMBED = 128
N_CLASSES = 40
T = 4
N_LAYERS = 2
STEP = 0.1
VTH = 1.0


def spike_fn(v):
    # IF neuron firing with surrogate-gradient (sigmoid) straight-through
    sg = jax.nn.sigmoid(4.0 * (v - VTH))
    hard = (v >= VTH).astype(v.dtype)
    return sg + jax.lax.stop_gradient(hard - sg)


def aggregate(h, edge_index):
    # mean aggregation over incoming edges (scatter-add + degree normalize)
    src = edge_index[0]
    dst = edge_index[1]
    deg = jnp.zeros((N,), dtype=h.dtype).at[dst].add(1.0)
    deg = jnp.clip(deg, 1.0, None)
    out = jnp.zeros_like(h).at[dst].add(jnp.take(h, src, axis=0))
    return out / deg[:, None]


def if_dynamics(inp):
    # integrate-and-fire over T steps with soft reset; returns spike rate
    v = jnp.zeros_like(inp)
    s_sum = jnp.zeros_like(inp)
    for _ in range(T):
        v = v + inp
        s = spike_fn(v)
        v = v - s * VTH
        s_sum = s_sum + s
    return s_sum / T


def setup_inputs(seed: int = 0) -> dict:
    key = jax.random.key(seed)
    ks = jax.random.split(key, 8)
    features = jax.random.normal(ks[0], (N, IN_DIM), dtype=jnp.float32)
    edge_index = jax.random.randint(ks[1], (2, E), 0, N, dtype=jnp.int32)
    W_enc = jax.random.normal(ks[2], (IN_DIM, EMBED), dtype=jnp.float32) / np.sqrt(IN_DIM)
    W_layers = jax.random.normal(ks[3], (N_LAYERS, EMBED, EMBED), dtype=jnp.float32) / np.sqrt(EMBED)
    W_fc = jax.random.normal(ks[4], (EMBED, N_CLASSES), dtype=jnp.float32) / np.sqrt(EMBED)
    b_fc = jnp.zeros((N_CLASSES,), dtype=jnp.float32)
    return {"features": features, "edge_index": edge_index, "W_enc": W_enc,
            "W_layers": W_layers, "W_fc": W_fc, "b_fc": b_fc}


def reference(features, edge_index, W_enc, W_layers, W_fc, b_fc):
    # RSEncoderLayer: project -> neighbor aggregate -> IF spiking dynamics
    h = features @ W_enc
    agg = aggregate(h, edge_index)
    x = if_dynamics(agg)
    z = STEP * x  # Euclidean expmap0(step_size * rate)
    # RiemannianSGNNLayer stack
    for l in range(N_LAYERS):
        h = x @ W_layers[l]
        agg = aggregate(h, edge_index)
        x = if_dynamics(agg)
        z = z + STEP * x  # Euclidean expmap(z, step_size * rate)
    # NC head: proju0(logmap0(z)) is identity on Euclidean manifold
    logits = z @ W_fc + b_fc
    return logits

if __name__ == "__main__":
    import jax
    _d = setup_inputs()
    print(jax.jit(kernel)(*tuple(_d.values())))

</pallas_src>

<mosaic_0001>
#map = affine_map<(d0, d1) -> (0, 0)>
#map1 = affine_map<(d0, d1) -> (0, 0, 0)>
module attributes {stable_mosaic.version = 14 : i64} {
  func.func @agg(%arg0: i32, %arg1: i32, %arg2: memref<10000x64xf32, #tpu.memory_space<hbm>>, %arg3: memref<10000x64xf32, #tpu.memory_space<hbm>>, %arg4: memref<2x2512x128xi32, #tpu.memory_space<hbm>>, %arg5: memref<10000x64xf32, #tpu.memory_space<hbm>>, %arg6: memref<10000x64xf32, #tpu.memory_space<hbm>>, %arg7: memref<10000x64xf32, #tpu.memory_space<hbm>>, %arg8: memref<157x128xi32, #tpu.memory_space<vmem>>, %arg9: memref<157x128xi32, #tpu.memory_space<vmem>>, %arg10: memref<128x64xf32, #tpu.memory_space<vmem>>, %arg11: memref<128x64xf32, #tpu.memory_space<vmem>>, %arg12: memref<128x64xf32, #tpu.memory_space<vmem>>, %arg13: memref<128x64xf32, #tpu.memory_space<vmem>>, %arg14: memref<10016x64xf32, #tpu.memory_space<vmem_shared>>, %arg15: memref<!tpu.dma_semaphore, #tpu.memory_space<semaphore_mem>>, %arg16: memref<!tpu.dma_semaphore, #tpu.memory_space<semaphore_mem>>, %arg17: memref<!tpu.dma_semaphore, #tpu.memory_space<semaphore_mem>>, %arg18: memref<!tpu.dma_semaphore, #tpu.memory_space<semaphore_mem>>, %arg19: memref<!tpu.dma_semaphore, #tpu.memory_space<semaphore_mem>>, %arg20: memref<!tpu.dma_semaphore, #tpu.memory_space<semaphore_mem>>, %arg21: memref<!tpu.dma_semaphore, #tpu.memory_space<semaphore_mem>>, %arg22: memref<!tpu.dma_semaphore, #tpu.memory_space<semaphore_mem>>) attributes {dimension_semantics = [#tpu.dimension_semantics<core_parallel>, #tpu.dimension_semantics<subcore_parallel>], iteration_bounds = array<i64: 2, 16>, scalar_prefetch = 0 : i64, scratch_operands = 15 : i64, tpu.core_type = #tpu.core_type<sc_vector_subcore>, window_params = [{transform_indices = #map}, {transform_indices = #map}, {transform_indices = #map1}, {transform_indices = #map}, {transform_indices = #map}, {transform_indices = #map}]} {
    %mul3A = arith.constant 624 : i32
    %mul3A_0 = arith.muli %arg1, %mul3A : i32
    %mul3A_1 = arith.constant 157 : i32
    %mul3A_2 = arith.muli %arg1, %mul3A_1 : i32
    %dma_start3A = arith.constant 0 : i32
    %dma_start3A_3 = arith.constant 0 : i32
    %dma_start3A_4 = arith.constant 0 : i32
    %dma_start3A_5 = tpu.memref_slice %arg4[%dma_start3A, %dma_start3A_3, %dma_start3A_4] : memref<2x2512x128xi32, #tpu.memory_space<hbm>> -> memref<1x2512x128xi32, #tpu.memory_space<hbm>>
    %dma_start3A_6 = tpu.memref_squeeze %dma_start3A_5 : memref<1x2512x128xi32, #tpu.memory_space<hbm>> -> memref<2512x128xi32, #tpu.memory_space<hbm>>
    %dma_start3A_7 = arith.constant 0 : i32
    %dma_start3A_8 = tpu.memref_slice %dma_start3A_6[%mul3A_2, %dma_start3A_7] : memref<2512x128xi32, #tpu.memory_space<hbm>> -> memref<157x128xi32, #tpu.memory_space<hbm>>
    %dma_start3A_9 = arith.constant 0 : i32
    %dma_start3A_10 = arith.constant 0 : i32
    %dma_start3A_11 = tpu.memref_slice %arg4[%dma_start3A, %dma_start3A_9, %dma_start3A_10] : memref<2x2512x128xi32, #tpu.memory_space<hbm>> -> memref<1x2512x128xi32, #tpu.memory_space<hbm>>
    %dma_start3A_12 = tpu.memref_squeeze %dma_start3A_11 : memref<1x2512x128xi32, #tpu.memory_space<hbm>> -> memref<2512x128xi32, #tpu.memory_space<hbm>>
    %dma_start3A_13 = arith.constant 0 : i32
    %dma_start3A_14 = tpu.memref_slice %dma_start3A_12[%mul3A_2, %dma_start3A_13] : memref<2512x128xi32, #tpu.memory_space<hbm>> -> memref<157x128xi32, #tpu.memory_space<hbm>>
    tpu.enqueue_dma source(%dma_start3A_14 : memref<157x128xi32, #tpu.memory_space<hbm>>) target(%arg8 : memref<157x128xi32, #tpu.memory_space<vmem>>) target_semaphore(%arg15 : memref<!tpu.dma_semaphore, #tpu.memory_space<semaphore_mem>>)
    %dma_start3A_15 = arith.constant 1 : i32
    %dma_start3A_16 = arith.constant 0 : i32
    %dma_start3A_17 = arith.constant 0 : i32
    %dma_start3A_18 = tpu.memref_slice %arg4[%dma_start3A_15, %dma_start3A_16, %dma_start3A_17] : memref<2x2512x128xi32, #tpu.memory_space<hbm>> -> memref<1x2512x128xi32, #tpu.memory_space<hbm>>
    %dma_start3A_19 = tpu.memref_squeeze %dma_start3A_18 : memref<1x2512x128xi32, #tpu.memory_space<hbm>> -> memref<2512x128xi32, #tpu.memory_space<hbm>>
    %dma_start3A_20 = arith.constant 0 : i32
    %dma_start3A_21 = tpu.memref_slice %dma_start3A_19[%mul3A_2, %dma_start3A_20] : memref<2512x128xi32, #tpu.memory_space<hbm>> -> memref<157x128xi32, #tpu.memory_space<hbm>>
    %dma_start3A_22 = arith.constant 0 : i32
    %dma_start3A_23 = arith.constant 0 : i32
    %dma_start3A_24 = tpu.memref_slice %arg4[%dma_start3A_15, %dma_start3A_22, %dma_start3A_23] : memref<2x2512x128xi32, #tpu.memory_space<hbm>> -> memref<1x2512x128xi32, #tpu.memory_space<hbm>>
    %dma_start3A_25 = tpu.memref_squeeze %dma_start3A_24 : memref<1x2512x128xi32, #tpu.memory_space<hbm>> -> memref<2512x128xi32, #tpu.memory_space<hbm>>
    %dma_start3A_26 = arith.constant 0 : i32
    %dma_start3A_27 = tpu.memref_slice %dma_start3A_25[%mul3A_2, %dma_start3A_26] : memref<2512x128xi32, #tpu.memory_space<hbm>> -> memref<157x128xi32, #tpu.memory_space<hbm>>
    tpu.enqueue_dma source(%dma_start3A_27 : memref<157x128xi32, #tpu.memory_space<hbm>>) target(%arg9 : memref<157x128xi32, #tpu.memory_space<vmem>>) target_semaphore(%arg16 : memref<!tpu.dma_semaphore, #tpu.memory_space<semaphore_mem>>)
    %dma_start3A_28 = arith.constant 0 : i32
    %dma_start3A_29 = tpu.memref_slice %arg14[%mul3A_0, %dma_start3A_28] : memref<10016x64xf32, #tpu.memory_space<vmem_shared>> -> memref<624x64xf32, #tpu.memory_space<vmem_shared>>
    %dma_start3A_30 = arith.constant 0 : i32
    %dma_start3A_31 = tpu.memref_slice %arg5[%mul3A_0, %dma_start3A_30] : memref<10000x64xf32, #tpu.memory_space<hbm>> -> memref<624x64xf32, #tpu.memory_space<hbm>>
    tpu.enqueue_dma source(%dma_start3A_31 : memref<624x64xf32, #tpu.memory_space<hbm>>) target(%dma_start3A_29 : memref<624x64xf32, #tpu.memory_space<vmem_shared>>) target_semaphore(%arg19 : memref<!tpu.dma_semaphore, #tpu.memory_space<semaphore_mem>>)
    %eq3A = arith.constant 15 : i32
    %eq3A_32 = arith.cmpi eq, %arg1, %eq3A : i32
    %convert_element_type3A = arith.extui %eq3A_32 : i1 to i32
    %cond3A = arith.constant 0 : i32
    %cond3A_33 = arith.cmpi ne, %convert_element_type3A, %cond3A : i32
    scf.if %cond3A_33 {
      %dma_start3A_79 = arith.constant 9984 : i32
      %dma_start3A_80 = arith.constant 0 : i32
      %dma_start3A_81 = tpu.memref_slice %arg14[%dma_start3A_79, %dma_start3A_80] : memref<10016x64xf32, #tpu.memory_space<vmem_shared>> -> memref<16x64xf32, #tpu.memory_space<vmem_shared>>
      %dma_start3A_82 = arith.constant 9984 : i32
      %dma_start3A_83 = arith.constant 0 : i32
      %dma_start3A_84 = tpu.memref_slice %arg5[%dma_start3A_82, %dma_start3A_83] : memref<10000x64xf32, #tpu.memory_space<hbm>> -> memref<16x64xf32, #tpu.memory_space<hbm>>
      tpu.enqueue_dma source(%dma_start3A_84 : memref<16x64xf32, #tpu.memory_space<hbm>>) target(%dma_start3A_81 : memref<16x64xf32, #tpu.memory_space<vmem_shared>>) target_semaphore(%arg19 : memref<!tpu.dma_semaphore, #tpu.memory_space<semaphore_mem>>)
    } else {
    }
    %dma_wait3A = arith.constant 0 : i32
    %dma_wait3A_34 = arith.constant 0 : i32
    %dma_wait3A_35 = arith.constant 0 : i32
    %dma_wait3A_36 = tpu.memref_slice %arg4[%dma_wait3A, %dma_wait3A_34, %dma_wait3A_35] : memref<2x2512x128xi32, #tpu.memory_space<hbm>> -> memref<1x2512x128xi32, #tpu.memory_space<hbm>>
    %dma_wait3A_37 = tpu.memref_squeeze %dma_wait3A_36 : memref<1x2512x128xi32, #tpu.memory_space<hbm>> -> memref<2512x128xi32, #tpu.memory_space<hbm>>
    %dma_wait3A_38 = arith.constant 0 : i32
    %dma_wait3A_39 = tpu.memref_slice %dma_wait3A_37[%mul3A_2, %dma_wait3A_38] : memref<2512x128xi32, #tpu.memory_space<hbm>> -> memref<157x128xi32, #tpu.memory_space<hbm>>
    %dma_wait3A_40 = arith.constant 0 : i32
    %dma_wait3A_41 = arith.constant 0 : i32
    %dma_wait3A_42 = tpu.memref_slice %arg4[%dma_wait3A, %dma_wait3A_40, %dma_wait3A_41] : memref<2x2512x128xi32, #tpu.memory_space<hbm>> -> memref<1x2512x128xi32, #tpu.memory_space<hbm>>
    %dma_wait3A_43 = tpu.memref_squeeze %dma_wait3A_42 : memref<1x2512x128xi32, #tpu.memory_space<hbm>> -> memref<2512x128xi32, #tpu.memory_space<hbm>>
    %dma_wait3A_44 = arith.constant 0 : i32
    %dma_wait3A_45 = tpu.memref_slice %dma_wait3A_43[%mul3A_2, %dma_wait3A_44] : memref<2512x128xi32, #tpu.memory_space<hbm>> -> memref<157x128xi32, #tpu.memory_space<hbm>>
    tpu.wait_dma2 semaphore(%arg15 : memref<!tpu.dma_semaphore, #tpu.memory_space<semaphore_mem>>) src(%dma_wait3A_45 : memref<157x128xi32, #tpu.memory_space<hbm>>) dst(%arg8 : memref<157x128xi32, #tpu.memory_space<vmem>>)
    %dma_wait3A_46 = arith.constant 1 : i32
    %dma_wait3A_47 = arith.constant 0 : i32
    %dma_wait3A_48 = arith.constant 0 : i32
    %dma_wait3A_49 = tpu.memref_slice %arg4[%dma_wait3A_46, %dma_wait3A_47, %dma_wait3A_48] : memref<2x2512x128xi32, #tpu.memory_space<hbm>> -> memref<1x2512x128xi32, #tpu.memory_space<hbm>>
    %dma_wait3A_50 = tpu.memref_squeeze %dma_wait3A_49 : memref<1x2512x128xi32, #tpu.memory_space<hbm>> -> memref<2512x128xi32, #tpu.memory_space<hbm>>
    %dma_wait3A_51 = arith.constant 0 : i32
    %dma_wait3A_52 = tpu.memref_slice %dma_wait3A_50[%mul3A_2, %dma_wait3A_51] : memref<2512x128xi32, #tpu.memory_space<hbm>> -> memref<157x128xi32, #tpu.memory_space<hbm>>
    %dma_wait3A_53 = arith.constant 0 : i32
    %dma_wait3A_54 = arith.constant 0 : i32
    %dma_wait3A_55 = tpu.memref_slice %arg4[%dma_wait3A_46, %dma_wait3A_53, %dma_wait3A_54] : memref<2x2512x128xi32, #tpu.memory_space<hbm>> -> memref<1x2512x128xi32, #tpu.memory_space<hbm>>
    %dma_wait3A_56 = tpu.memref_squeeze %dma_wait3A_55 : memref<1x2512x128xi32, #tpu.memory_space<hbm>> -> memref<2512x128xi32, #tpu.memory_space<hbm>>
    %dma_wait3A_57 = arith.constant 0 : i32
    %dma_wait3A_58 = tpu.memref_slice %dma_wait3A_56[%mul3A_2, %dma_wait3A_57] : memref<2512x128xi32, #tpu.memory_space<hbm>> -> memref<157x128xi32, #tpu.memory_space<hbm>>
    tpu.wait_dma2 semaphore(%arg16 : memref<!tpu.dma_semaphore, #tpu.memory_space<semaphore_mem>>) src(%dma_wait3A_58 : memref<157x128xi32, #tpu.memory_space<hbm>>) dst(%arg9 : memref<157x128xi32, #tpu.memory_space<vmem>>)
    %eq3A_59 = arith.constant 0 : i32
    %eq3A_60 = arith.cmpi eq, %arg0, %eq3A_59 : i32
    %convert_element_type3A_61 = arith.extui %eq3A_60 : i1 to i32
    %cond3A_62 = arith.constant 0 : i32
    %cond3A_63 = arith.cmpi ne, %convert_element_type3A_61, %cond3A_62 : i32
    scf.if %cond3A_63 {
      %dma_start3A_79 = arith.constant 0 : i32
      %dma_start3A_80 = arith.constant 0 : i32
      %dma_start3A_81 = tpu.memref_slice %arg8[%dma_start3A_79, %dma_start3A_80] : memref<157x128xi32, #tpu.memory_space<vmem>> -> memref<1x128xi32, #tpu.memory_space<vmem>>
      %dma_start3A_82 = tpu.memref_squeeze %dma_start3A_81 : memref<1x128xi32, #tpu.memory_space<vmem>> -> memref<128xi32, #tpu.memory_space<vmem>>
      %dma_start3A_83 = arith.constant 0 : i32
      %dma_start3A_84 = arith.constant 0 : i32
      %dma_start3A_85 = tpu.memref_slice %arg2[%dma_start3A_83, %dma_start3A_84] : memref<10000x64xf32, #tpu.memory_space<hbm>> -> memref<10000x64xf32, #tpu.memory_space<hbm>>
      tpu.enqueue_indirect_dma source(%dma_start3A_85 : memref<10000x64xf32, #tpu.memory_space<hbm>>) target(%arg10 : memref<128x64xf32, #tpu.memory_space<vmem>>) offsets(%dma_start3A_82 : memref<128xi32, #tpu.memory_space<vmem>>) semaphore(%arg15 : memref<!tpu.dma_semaphore, #tpu.memory_space<semaphore_mem>>)
      %dma_start3A_86 = arith.constant 1 : i32
      %dma_start3A_87 = arith.constant 0 : i32
      %dma_start3A_88 = tpu.memref_slice %arg8[%dma_start3A_86, %dma_start3A_87] : memref<157x128xi32, #tpu.memory_space<vmem>> -> memref<1x128xi32, #tpu.memory_space<vmem>>
      %dma_start3A_89 = tpu.memref_squeeze %dma_start3A_88 : memref<1x128xi32, #tpu.memory_space<vmem>> -> memref<128xi32, #tpu.memory_space<vmem>>
      %dma_start3A_90 = arith.constant 0 : i32
      %dma_start3A_91 = arith.constant 0 : i32
      %dma_start3A_92 = tpu.memref_slice %arg2[%dma_start3A_90, %dma_start3A_91] : memref<10000x64xf32, #tpu.memory_space<hbm>> -> memref<10000x64xf32, #tpu.memory_space<hbm>>
      tpu.enqueue_indirect_dma source(%dma_start3A_92 : memref<10000x64xf32, #tpu.memory_space<hbm>>) target(%arg11 : memref<128x64xf32, #tpu.memory_space<vmem>>) offsets(%dma_start3A_89 : memref<128xi32, #tpu.memory_space<vmem>>) semaphore(%arg16 : memref<!tpu.dma_semaphore, #tpu.memory_space<semaphore_mem>>)
      %dma_start3A_93 = arith.constant 2 : i32
      %dma_start3A_94 = arith.constant 0 : i32
      %dma_start3A_95 = tpu.memref_slice %arg8[%dma_start3A_93, %dma_start3A_94] : memref<157x128xi32, #tpu.memory_space<vmem>> -> memref<1x128xi32, #tpu.memory_space<vmem>>
      %dma_start3A_96 = tpu.memref_squeeze %dma_start3A_95 : memref<1x128xi32, #tpu.memory_space<vmem>> -> memref<128xi32, #tpu.memory_space<vmem>>
      %dma_start3A_97 = arith.constant 0 : i32
      %dma_start3A_98 = arith.constant 0 : i32
      %dma_start3A_99 = tpu.memref_slice %arg2[%dma_start3A_97, %dma_start3A_98] : memref<10000x64xf32, #tpu.memory_space<hbm>> -> memref<10000x64xf32, #tpu.memory_space<hbm>>
      tpu.enqueue_indirect_dma source(%dma_start3A_99 : memref<10000x64xf32, #tpu.memory_space<hbm>>) target(%arg12 : memref<128x64xf32, #tpu.memory_space<vmem>>) offsets(%dma_start3A_96 : memref<128xi32, #tpu.memory_space<vmem>>) semaphore(%arg17 : memref<!tpu.dma_semaphore, #tpu.memory_space<semaphore_mem>>)
      %dma_start3A_100 = arith.constant 3 : i32
      %dma_start3A_101 = arith.constant 0 : i32
      %dma_start3A_102 = tpu.memref_slice %arg8[%dma_start3A_100, %dma_start3A_101] : memref<157x128xi32, #tpu.memory_space<vmem>> -> memref<1x128xi32, #tpu.memory_space<vmem>>
      %dma_start3A_103 = tpu.memref_squeeze %dma_start3A_102 : memref<1x128xi32, #tpu.memory_space<vmem>> -> memref<128xi32, #tpu.memory_space<vmem>>
      %dma_start3A_104 = arith.constant 0 : i32
      %dma_start3A_105 = arith.constant 0 : i32
      %dma_start3A_106 = tpu.memref_slice %arg2[%dma_start3A_104, %dma_start3A_105] : memref<10000x64xf32, #tpu.memory_space<hbm>> -> memref<10000x64xf32, #tpu.memory_space<hbm>>
      tpu.enqueue_indirect_dma source(%dma_start3A_106 : memref<10000x64xf32, #tpu.memory_space<hbm>>) target(%arg13 : memref<128x64xf32, #tpu.memory_space<vmem>>) offsets(%dma_start3A_103 : memref<128xi32, #tpu.memory_space<vmem>>) semaphore(%arg18 : memref<!tpu.dma_semaphore, #tpu.memory_space<semaphore_mem>>)
      %dma_wait3A_107 = arith.constant 0 : i32
      %dma_wait3A_108 = tpu.memref_slice %arg14[%mul3A_0, %dma_wait3A_107] : memref<10016x64xf32, #tpu.memory_space<vmem_shared>> -> memref<624x64xf32, #tpu.memory_space<vmem_shared>>
      %dma_wait3A_109 = arith.constant 0 : i32
      %dma_wait3A_110 = tpu.memref_slice %arg5[%mul3A_0, %dma_wait3A_109] : memref<10000x64xf32, #tpu.memory_space<hbm>> -> memref<624x64xf32, #tpu.memory_space<hbm>>
      tpu.wait_dma2 semaphore(%arg19 : memref<!tpu.dma_semaphore, #tpu.memory_space<semaphore_mem>>) src(%dma_wait3A_110 : memref<624x64xf32, #tpu.memory_space<hbm>>) dst(%dma_wait3A_108 : memref<624x64xf32, #tpu.memory_space<vmem_shared>>)
      %eq3A_111 = arith.constant 15 : i32
      %eq3A_112 = arith.cmpi eq, %arg1, %eq3A_111 : i32
      %convert_element_type3A_113 = arith.extui %eq3A_112 : i1 to i32
      %cond3A_114 = arith.constant 0 : i32
      %cond3A_115 = arith.cmpi ne, %convert_element_type3A_113, %cond3A_114 : i32
      scf.if %cond3A_115 {
        %dma_wait3A_235 = arith.constant 9984 : i32
        %dma_wait3A_236 = arith.constant 0 : i32
        %dma_wait3A_237 = tpu.memref_slice %arg14[%dma_wait3A_235, %dma_wait3A_236] : memref<10016x64xf32, #tpu.memory_space<vmem_shared>> -> memref<16x64xf32, #tpu.memory_space<vmem_shared>>
        %dma_wait3A_238 = arith.constant 9984 : i32
        %dma_wait3A_239 = arith.constant 0 : i32
        %dma_wait3A_240 = tpu.memref_slice %arg5[%dma_wait3A_238, %dma_wait3A_239] : memref<10000x64xf32, #tpu.memory_space<hbm>> -> memref<16x64xf32, #tpu.memory_space<hbm>>
        tpu.wait_dma2 semaphore(%arg19 : memref<!tpu.dma_semaphore, #tpu.memory_space<semaphore_mem>>) src(%dma_wait3A_240 : memref<16x64xf32, #tpu.memory_space<hbm>>) dst(%dma_wait3A_237 : memref<16x64xf32, #tpu.memory_space<vmem_shared>>)
      } else {
      }
      %barrier3A_116 = arith.constant 0 : index
      tpu.barrier barrier_id(%barrier3A_116)
      %dma_wait3A_117 = arith.constant 0 : i32
      %dma_wait3A_118 = arith.constant 0 : i32
      %dma_wait3A_119 = tpu.memref_slice %arg8[%dma_wait3A_117, %dma_wait3A_118] : memref<157x128xi32, #tpu.memory_space<vmem>> -> memref<1x128xi32, #tpu.memory_space<vmem>>
      %dma_wait3A_120 = tpu.memref_squeeze %dma_wait3A_119 : memref<1x128xi32, #tpu.memory_space<vmem>> -> memref<128xi32, #tpu.memory_space<vmem>>
      %dma_wait3A_121 = arith.constant 0 : i32
      %dma_wait3A_122 = arith.constant 0 : i32
      %dma_wait3A_123 = tpu.memref_slice %arg2[%dma_wait3A_121, %dma_wait3A_122] : memref<10000x64xf32, #tpu.memory_space<hbm>> -> memref<10000x64xf32, #tpu.memory_space<hbm>>
      tpu.wait_indirect_dma semaphore(%arg15 : memref<!tpu.dma_semaphore, #tpu.memory_space<semaphore_mem>>) src(%dma_wait3A_123 : memref<10000x64xf32, #tpu.memory_space<hbm>>) dst(%arg10 : memref<128x64xf32, #tpu.memory_space<vmem>>)
      %dma_start3A_124 = arith.constant 0 : i32
      %dma_start3A_125 = arith.constant 0 : i32
      %dma_start3A_126 = tpu.memref_slice %arg9[%dma_start3A_124, %dma_start3A_125] : memref<157x128xi32, #tpu.memory_space<vmem>> -> memref<1x128xi32, #tpu.memory_space<vmem>>
      %dma_start3A_127 = tpu.memref_squeeze %dma_start3A_126 : memref<1x128xi32, #tpu.memory_space<vmem>> -> memref<128xi32, #tpu.memory_space<vmem>>
      %dma_start3A_128 = arith.constant 0 : i32
      %dma_start3A_129 = arith.constant 0 : i32
      %dma_start3A_130 = tpu.memref_slice %arg14[%dma_start3A_128, %dma_start3A_129] : memref<10016x64xf32, #tpu.memory_space<vmem_shared>> -> memref<10016x64xf32, #tpu.memory_space<vmem_shared>>
      tpu.enqueue_indirect_dma source(%arg10 : memref<128x64xf32, #tpu.memory_space<vmem>>) target(%dma_start3A_130 : memref<10016x64xf32, #tpu.memory_space<vmem_shared>>) offsets(%dma_start3A_127 : memref<128xi32, #tpu.memory_space<vmem>>) semaphore(%arg19 : memref<!tpu.dma_semaphore, #tpu.memory_space<semaphore_mem>>) {add = true}
      %dma_wait3A_131 = arith.constant 1 : i32
      %dma_wait3A_132 = arith.constant 0 : i32
      %dma_wait3A_133 = tpu.memref_slice %arg8[%dma_wait3A_131, %dma_wait3A_132] : memref<157x128xi32, #tpu.memory_space<vmem>> -> memref<1x128xi32, #tpu.memory_space<vmem>>
      %dma_wait3A_134 = tpu.memref_squeeze %dma_wait3A_133 : memref<1x128xi32, #tpu.memory_space<vmem>> -> memref<128xi32, #tpu.memory_space<vmem>>
      %dma_wait3A_135 = arith.constant 0 : i32
      %dma_wait3A_136 = arith.constant 0 : i32
      %dma_wait3A_137 = tpu.memref_slice %arg2[%dma_wait3A_135, %dma_wait3A_136] : memref<10000x64xf32, #tpu.memory_space<hbm>> -> memref<10000x64xf32, #tpu.memory_space<hbm>>
      tpu.wait_indirect_dma semaphore(%arg16 : memref<!tpu.dma_semaphore, #tpu.memory_space<semaphore_mem>>) src(%dma_wait3A_137 : memref<10000x64xf32, #tpu.memory_space<hbm>>) dst(%arg11 : memref<128x64xf32, #tpu.memory_space<vmem>>)
      %dma_start3A_138 = arith.constant 1 : i32
      %dma_start3A_139 = arith.constant 0 : i32
      %dma_start3A_140 = tpu.memref_slice %arg9[%dma_start3A_138, %dma_start3A_139] : memref<157x128xi32, #tpu.memory_space<vmem>> -> memref<1x128xi32, #tpu.memory_space<vmem>>
      %dma_start3A_141 = tpu.memref_squeeze %dma_start3A_140 : memref<1x128xi32, #tpu.memory_space<vmem>> -> memref<128xi32, #tpu.memory_space<vmem>>
      %dma_start3A_142 = arith.constant 0 : i32
      %dma_start3A_143 = arith.constant 0 : i32
      %dma_start3A_144 = tpu.memref_slice %arg14[%dma_start3A_142, %dma_start3A_143] : memref<10016x64xf32, #tpu.memory_space<vmem_shared>> -> memref<10016x64xf32, #tpu.memory_space<vmem_shared>>
      tpu.enqueue_indirect_dma source(%arg11 : memref<128x64xf32, #tpu.memory_space<vmem>>) target(%dma_start3A_144 : memref<10016x64xf32, #tpu.memory_space<vmem_shared>>) offsets(%dma_start3A_141 : memref<128xi32, #tpu.memory_space<vmem>>) semaphore(%arg20 : memref<!tpu.dma_semaphore, #tpu.memory_space<semaphore_mem>>) {add = true}
      %scan3A = arith.constant 0 : i32
      %scan3A_145 = arith.constant 1 : i32
      %scan3A_146 = arith.constant 38 : i32
      %scan3A_147 = arith.addi %scan3A_145, %scan3A_146 : i32
      %scan3A_148 = arith.constant 1 : i32
      %scan3A_149 = scf.for %scan3A_235 = %scan3A_145 to %scan3A_147 step %scan3A_148 iter_args(%scan3A_236 = %scan3A) -> (i32)  : i32 {
        %mul3A_237 = arith.constant 4 : i32
        %mul3A_238 = arith.muli %scan3A_235, %mul3A_237 : i32
        %add3A = arith.constant 0 : i32
        %add3A_239 = arith.addi %mul3A_238, %add3A : i32
        %sub3A = arith.constant 4 : i32
        %sub3A_240 = arith.subi %add3A_239, %sub3A : i32
        %dma_wait3A_241 = arith.constant 0 : i32
        %dma_wait3A_242 = tpu.memref_slice %arg9[%sub3A_240, %dma_wait3A_241] : memref<157x128xi32, #tpu.memory_space<vmem>> -> memref<1x128xi32, #tpu.memory_space<vmem>>
        %dma_wait3A_243 = tpu.memref_squeeze %dma_wait3A_242 : memref<1x128xi32, #tpu.memory_space<vmem>> -> memref<128xi32, #tpu.memory_space<vmem>>
        %dma_wait3A_244 = arith.constant 0 : i32
        %dma_wait3A_245 = arith.constant 0 : i32
        %dma_wait3A_246 = tpu.memref_slice %arg14[%dma_wait3A_244, %dma_wait3A_245] : memref<10016x64xf32, #tpu.memory_space<vmem_shared>> -> memref<10016x64xf32, #tpu.memory_space<vmem_shared>>
        tpu.wait_indirect_dma semaphore(%arg19 : memref<!tpu.dma_semaphore, #tpu.memory_space<semaphore_mem>>) src(%arg10 : memref<128x64xf32, #tpu.memory_space<vmem>>) dst(%dma_wait3A_246 : memref<10016x64xf32, #tpu.memory_space<vmem_shared>>)
        %dma_start3A_247 = arith.constant 0 : i32
        %dma_start3A_248 = tpu.memref_slice %arg8[%add3A_239, %dma_start3A_247] : memref<157x128xi32, #tpu.memory_space<vmem>> -> memref<1x128xi32, #tpu.memory_space<vmem>>
        %dma_start3A_249 = tpu.memref_squeeze %dma_start3A_248 : memref<1x128xi32, #tpu.memory_space<vmem>> -> memref<128xi32, #tpu.memory_space<vmem>>
        %dma_start3A_250 = arith.constant 0 : i32
        %dma_start3A_251 = arith.constant 0 : i32
        %dma_start3A_252 = tpu.memref_slice %arg2[%dma_start3A_250, %dma_start3A_251] : memref<10000x64xf32, #tpu.memory_space<hbm>> -> memref<10000x64xf32, #tpu.memory_space<hbm>>
        tpu.enqueue_indirect_dma source(%dma_start3A_252 : memref<10000x64xf32, #tpu.memory_space<hbm>>) target(%arg10 : memref<128x64xf32, #tpu.memory_space<vmem>>) offsets(%dma_start3A_249 : memref<128xi32, #tpu.memory_space<vmem>>) semaphore(%arg15 : memref<!tpu.dma_semaphore, #tpu.memory_space<semaphore_mem>>)
        %sub3A_253 = arith.constant 2 : i32
        %sub3A_254 = arith.subi %add3A_239, %sub3A_253 : i32
        %dma_wait3A_255 = arith.constant 0 : i32
        %dma_wait3A_256 = tpu.memref_slice %arg8[%sub3A_254, %dma_wait3A_255] : memref<157x128xi32, #tpu.memory_space<vmem>> -> memref<1x128xi32, #tpu.memory_space<vmem>>
        %dma_wait3A_257 = tpu.memref_squeeze %dma_wait3A_256 : memref<1x128xi32, #tpu.memory_space<vmem>> -> memref<128xi32, #tpu.memory_space<vmem>>
        %dma_wait3A_258 = arith.constant 0 : i32
        %dma_wait3A_259 = arith.constant 0 : i32
        %dma_wait3A_260 = tpu.memref_slice %arg2[%dma_wait3A_258, %dma_wait3A_259] : memref<10000x64xf32, #tpu.memory_space<hbm>> -> memref<10000x64xf32, #tpu.memory_space<hbm>>
        tpu.wait_indirect_dma semaphore(%arg17 : memref<!tpu.dma_semaphore, #tpu.memory_space<semaphore_mem>>) src(%dma_wait3A_260 : memref<10000x64xf32, #tpu.memory_space<hbm>>) dst(%arg12 : memref<128x64xf32, #tpu.memory_space<vmem>>)
        %sub3A_261 = arith.constant 2 : i32
        %sub3A_262 = arith.subi %add3A_239, %sub3A_261 : i32
        %dma_start3A_263 = arith.constant 0 : i32
        %dma_start3A_264 = tpu.memref_slice %arg9[%sub3A_262, %dma_start3A_263] : memref<157x128xi32, #tpu.memory_space<vmem>> -> memref<1x128xi32, #tpu.memory_space<vmem>>
        %dma_start3A_265 = tpu.memref_squeeze %dma_start3A_264 : memref<1x128xi32, #tpu.memory_space<vmem>> -> memref<128xi32, #tpu.memory_space<vmem>>
        %dma_start3A_266 = arith.constant 0 : i32
        %dma_start3A_267 = arith.constant 0 : i32
        %dma_start3A_268 = tpu.memref_slice %arg14[%dma_start3A_266, %dma_start3A_267] : memref<10016x64xf32, #tpu.memory_space<vmem_shared>> -> memref<10016x64xf32, #tpu.memory_space<vmem_shared>>
        tpu.enqueue_indirect_dma source(%arg12 : memref<128x64xf32, #tpu.memory_space<vmem>>) target(%dma_start3A_268 : memref<10016x64xf32, #tpu.memory_space<vmem_shared>>) offsets(%dma_start3A_265 : memref<128xi32, #tpu.memory_space<vmem>>) semaphore(%arg21 : memref<!tpu.dma_semaphore, #tpu.memory_space<semaphore_mem>>) {add = true}
        %mul3A_269 = arith.constant 4 : i32
        %mul3A_270 = arith.muli %scan3A_235, %mul3A_269 : i32
        %add3A_271 = arith.constant 1 : i32
        %add3A_272 = arith.addi %mul3A_270, %add3A_271 : i32
        %sub3A_273 = arith.constant 4 : i32
        %sub3A_274 = arith.subi %add3A_272, %sub3A_273 : i32
        %dma_wait3A_275 = arith.constant 0 : i32
        %dma_wait3A_276 = tpu.memref_slice %arg9[%sub3A_274, %dma_wait3A_275] : memref<157x128xi32, #tpu.memory_space<vmem>> -> memref<1x128xi32, #tpu.memory_space<vmem>>
        %dma_wait3A_277 = tpu.memref_squeeze %dma_wait3A_276 : memref<1x128xi32, #tpu.memory_space<vmem>> -> memref<128xi32, #tpu.memory_space<vmem>>
        %dma_wait3A_278 = arith.constant 0 : i32
        %dma_wait3A_279 = arith.constant 0 : i32
        %dma_wait3A_280 = tpu.memref_slice %arg14[%dma_wait3A_278, %dma_wait3A_279] : memref<10016x64xf32, #tpu.memory_space<vmem_shared>> -> memref<10016x64xf32, #tpu.memory_space<vmem_shared>>
        tpu.wait_indirect_dma semaphore(%arg20 : memref<!tpu.dma_semaphore, #tpu.memory_space<semaphore_mem>>) src(%arg11 : memref<128x64xf32, #tpu.memory_space<vmem>>) dst(%dma_wait3A_280 : memref<10016x64xf32, #tpu.memory_space<vmem_shared>>)
        %dma_start3A_281 = arith.constant 0 : i32
        %dma_start3A_282 = tpu.memref_slice %arg8[%add3A_272, %dma_start3A_281] : memref<157x128xi32, #tpu.memory_space<vmem>> -> memref<1x128xi32, #tpu.memory_space<vmem>>
        %dma_start3A_283 = tpu.memref_squeeze %dma_start3A_282 : memref<1x128xi32, #tpu.memory_space<vmem>> -> memref<128xi32, #tpu.memory_space<vmem>>
        %dma_start3A_284 = arith.constant 0 : i32
        %dma_start3A_285 = arith.constant 0 : i32
        %dma_start3A_286 = tpu.memref_slice %arg2[%dma_start3A_284, %dma_start3A_285] : memref<10000x64xf32, #tpu.memory_space<hbm>> -> memref<10000x64xf32, #tpu.memory_space<hbm>>
        tpu.enqueue_indirect_dma source(%dma_start3A_286 : memref<10000x64xf32, #tpu.memory_space<hbm>>) target(%arg11 : memref<128x64xf32, #tpu.memory_space<vmem>>) offsets(%dma_start3A_283 : memref<128xi32, #tpu.memory_space<vmem>>) semaphore(%arg16 : memref<!tpu.dma_semaphore, #tpu.memory_space<semaphore_mem>>)
        %sub3A_287 = arith.constant 2 : i32
        %sub3A_288 = arith.subi %add3A_272, %sub3A_287 : i32
        %dma_wait3A_289 = arith.constant 0 : i32
        %dma_wait3A_290 = tpu.memref_slice %arg8[%sub3A_288, %dma_wait3A_289] : memref<157x128xi32, #tpu.memory_space<vmem>> -> memref<1x128xi32, #tpu.memory_space<vmem>>
        %dma_wait3A_291 = tpu.memref_squeeze %dma_wait3A_290 : memref<1x128xi32, #tpu.memory_space<vmem>> -> memref<128xi32, #tpu.memory_space<vmem>>
        %dma_wait3A_292 = arith.constant 0 : i32
        %dma_wait3A_293 = arith.constant 0 : i32
        %dma_wait3A_294 = tpu.memref_slice %arg2[%dma_wait3A_292, %dma_wait3A_293] : memref<10000x64xf32, #tpu.memory_space<hbm>> -> memref<10000x64xf32, #tpu.memory_space<hbm>>
        tpu.wait_indirect_dma semaphore(%arg18 : memref<!tpu.dma_semaphore, #tpu.memory_space<semaphore_mem>>) src(%dma_wait3A_294 : memref<10000x64xf32, #tpu.memory_space<hbm>>) dst(%arg13 : memref<128x64xf32, #tpu.memory_space<vmem>>)
        %sub3A_295 = arith.constant 2 : i32
        %sub3A_296 = arith.subi %add3A_272, %sub3A_295 : i32
        %dma_start3A_297 = arith.constant 0 : i32
        %dma_start3A_298 = tpu.memref_slice %arg9[%sub3A_296, %dma_start3A_297] : memref<157x128xi32, #tpu.memory_space<vmem>> -> memref<1x128xi32, #tpu.memory_space<vmem>>
        %dma_start3A_299 = tpu.memref_squeeze %dma_start3A_298 : memref<1x128xi32, #tpu.memory_space<vmem>> -> memref<128xi32, #tpu.memory_space<vmem>>
        %dma_start3A_300 = arith.constant 0 : i32
        %dma_start3A_301 = arith.constant 0 : i32
        %dma_start3A_302 = tpu.memref_slice %arg14[%dma_start3A_300, %dma_start3A_301] : memref<10016x64xf32, #tpu.memory_space<vmem_shared>> -> memref<10016x64xf32, #tpu.memory_space<vmem_shared>>
        tpu.enqueue_indirect_dma source(%arg13 : memref<128x64xf32, #tpu.memory_space<vmem>>) target(%dma_start3A_302 : memref<10016x64xf32, #tpu.memory_space<vmem_shared>>) offsets(%dma_start3A_299 : memref<128xi32, #tpu.memory_space<vmem>>) semaphore(%arg22 : memref<!tpu.dma_semaphore, #tpu.memory_space<semaphore_mem>>) {add = true}
        %mul3A_303 = arith.constant 4 : i32
        %mul3A_304 = arith.muli %scan3A_235, %mul3A_303 : i32
        %add3A_305 = arith.constant 2 : i32
        %add3A_306 = arith.addi %mul3A_304, %add3A_305 : i32
        %sub3A_307 = arith.constant 4 : i32
        %sub3A_308 = arith.subi %add3A_306, %sub3A_307 : i32
        %dma_wait3A_309 = arith.constant 0 : i32
        %dma_wait3A_310 = tpu.memref_slice %arg9[%sub3A_308, %dma_wait3A_309] : memref<157x128xi32, #tpu.memory_space<vmem>> -> memref<1x128xi32, #tpu.memory_space<vmem>>
        %dma_wait3A_311 = tpu.memref_squeeze %dma_wait3A_310 : memref<1x128xi32, #tpu.memory_space<vmem>> -> memref<128xi32, #tpu.memory_space<vmem>>
        %dma_wait3A_312 = arith.constant 0 : i32
        %dma_wait3A_313 = arith.constant 0 : i32
        %dma_wait3A_314 = tpu.memref_slice %arg14[%dma_wait3A_312, %dma_wait3A_313] : memref<10016x64xf32, #tpu.memory_space<vmem_shared>> -> memref<10016x64xf32, #tpu.memory_space<vmem_shared>>
        tpu.wait_indirect_dma semaphore(%arg21 : memref<!tpu.dma_semaphore, #tpu.memory_space<semaphore_mem>>) src(%arg12 : memref<128x64xf32, #tpu.memory_space<vmem>>) dst(%dma_wait3A_314 : memref<10016x64xf32, #tpu.memory_space<vmem_shared>>)
        %dma_start3A_315 = arith.constant 0 : i32
        %dma_start3A_316 = tpu.memref_slice %arg8[%add3A_306, %dma_start3A_315] : memref<157x128xi32, #tpu.memory_space<vmem>> -> memref<1x128xi32, #tpu.memory_space<vmem>>
        %dma_start3A_317 = tpu.memref_squeeze %dma_start3A_316 : memref<1x128xi32, #tpu.memory_space<vmem>> -> memref<128xi32, #tpu.memory_space<vmem>>
        %dma_start3A_318 = arith.constant 0 : i32
        %dma_start3A_319 = arith.constant 0 : i32
        %dma_start3A_320 = tpu.memref_slice %arg2[%dma_start3A_318, %dma_start3A_319] : memref<10000x64xf32, #tpu.memory_space<hbm>> -> memref<10000x64xf32, #tpu.memory_space<hbm>>
        tpu.enqueue_indirect_dma source(%dma_start3A_320 : memref<10000x64xf32, #tpu.memory_space<hbm>>) target(%arg12 : memref<128x64xf32, #tpu.memory_space<vmem>>) offsets(%dma_start3A_317 : memref<128xi32, #tpu.memory_space<vmem>>) semaphore(%arg17 : memref<!tpu.dma_semaphore, #tpu.memory_space<semaphore_mem>>)
        %sub3A_321 = arith.constant 2 : i32
        %sub3A_322 = arith.subi %add3A_306, %sub3A_321 : i32
        %dma_wait3A_323 = arith.constant 0 : i32
        %dma_wait3A_324 = tpu.memref_slice %arg8[%sub3A_322, %dma_wait3A_323] : memref<157x128xi32, #tpu.memory_space<vmem>> -> memref<1x128xi32, #tpu.memory_space<vmem>>
        %dma_wait3A_325 = tpu.memref_squeeze %dma_wait3A_324 : memref<1x128xi32, #tpu.memory_space<vmem>> -> memref<128xi32, #tpu.memory_space<vmem>>
        %dma_wait3A_326 = arith.constant 0 : i32
        %dma_wait3A_327 = arith.constant 0 : i32
        %dma_wait3A_328 = tpu.memref_slice %arg2[%dma_wait3A_326, %dma_wait3A_327] : memref<10000x64xf32, #tpu.memory_space<hbm>> -> memref<10000x64xf32, #tpu.memory_space<hbm>>
        tpu.wait_indirect_dma semaphore(%arg15 : memref<!tpu.dma_semaphore, #tpu.memory_space<semaphore_mem>>) src(%dma_wait3A_328 : memref<10000x64xf32, #tpu.memory_space<hbm>>) dst(%arg10 : memref<128x64xf32, #tpu.memory_space<vmem>>)
        %sub3A_329 = arith.constant 2 : i32
        %sub3A_330 = arith.subi %add3A_306, %sub3A_329 : i32
        %dma_start3A_331 = arith.constant 0 : i32
        %dma_start3A_332 = tpu.memref_slice %arg9[%sub3A_330, %dma_start3A_331] : memref<157x128xi32, #tpu.memory_space<vmem>> -> memref<1x128xi32, #tpu.memory_space<vmem>>
        %dma_start3A_333 = tpu.memref_squeeze %dma_start3A_332 : memref<1x128xi32, #tpu.memory_space<vmem>> -> memref<128xi32, #tpu.memory_space<vmem>>
        %dma_start3A_334 = arith.constant 0 : i32
        %dma_start3A_335 = arith.constant 0 : i32
        %dma_start3A_336 = tpu.memref_slice %arg14[%dma_start3A_334, %dma_start3A_335] : memref<10016x64xf32, #tpu.memory_space<vmem_shared>> -> memref<10016x64xf32, #tpu.memory_space<vmem_shared>>
        tpu.enqueue_indirect_dma source(%arg10 : memref<128x64xf32, #tpu.memory_space<vmem>>) target(%dma_start3A_336 : memref<10016x64xf32, #tpu.memory_space<vmem_shared>>) offsets(%dma_start3A_333 : memref<128xi32, #tpu.memory_space<vmem>>) semaphore(%arg19 : memref<!tpu.dma_semaphore, #tpu.memory_space<semaphore_mem>>) {add = true}
        %mul3A_337 = arith.constant 4 : i32
        %mul3A_338 = arith.muli %scan3A_235, %mul3A_337 : i32
        %add3A_339 = arith.constant 3 : i32
        %add3A_340 = arith.addi %mul3A_338, %add3A_339 : i32
        %sub3A_341 = arith.constant 4 : i32
        %sub3A_342 = arith.subi %add3A_340, %sub3A_341 : i32
        %dma_wait3A_343 = arith.constant 0 : i32
        %dma_wait3A_344 = tpu.memref_slice %arg9[%sub3A_342, %dma_wait3A_343] : memref<157x128xi32, #tpu.memory_space<vmem>> -> memref<1x128xi32, #tpu.memory_space<vmem>>
        %dma_wait3A_345 = tpu.memref_squeeze %dma_wait3A_344 : memref<1x128xi32, #tpu.memory_space<vmem>> -> memref<128xi32, #tpu.memory_space<vmem>>
        %dma_wait3A_346 = arith.constant 0 : i32
        %dma_wait3A_347 = arith.constant 0 : i32
        %dma_wait3A_348 = tpu.memref_slice %arg14[%dma_wait3A_346, %dma_wait3A_347] : memref<10016x64xf32, #tpu.memory_space<vmem_shared>> -> memref<10016x64xf32, #tpu.memory_space<vmem_shared>>
        tpu.wait_indirect_dma semaphore(%arg22 : memref<!tpu.dma_semaphore, #tpu.memory_space<semaphore_mem>>) src(%arg13 : memref<128x64xf32, #tpu.memory_space<vmem>>) dst(%dma_wait3A_348 : memref<10016x64xf32, #tpu.memory_space<vmem_shared>>)
        %dma_start3A_349 = arith.constant 0 : i32
        %dma_start3A_350 = tpu.memref_slice %arg8[%add3A_340, %dma_start3A_349] : memref<157x128xi32, #tpu.memory_space<vmem>> -> memref<1x128xi32, #tpu.memory_space<vmem>>
        %dma_start3A_351 = tpu.memref_squeeze %dma_start3A_350 : memref<1x128xi32, #tpu.memory_space<vmem>> -> memref<128xi32, #tpu.memory_space<vmem>>
        %dma_start3A_352 = arith.constant 0 : i32
        %dma_start3A_353 = arith.constant 0 : i32
        %dma_start3A_354 = tpu.memref_slice %arg2[%dma_start3A_352, %dma_start3A_353] : memref<10000x64xf32, #tpu.memory_space<hbm>> -> memref<10000x64xf32, #tpu.memory_space<hbm>>
        tpu.enqueue_indirect_dma source(%dma_start3A_354 : memref<10000x64xf32, #tpu.memory_space<hbm>>) target(%arg13 : memref<128x64xf32, #tpu.memory_space<vmem>>) offsets(%dma_start3A_351 : memref<128xi32, #tpu.memory_space<vmem>>) semaphore(%arg18 : memref<!tpu.dma_semaphore, #tpu.memory_space<semaphore_mem>>)
        %sub3A_355 = arith.constant 2 : i32
        %sub3A_356 = arith.subi %add3A_340, %sub3A_355 : i32
        %dma_wait3A_357 = arith.constant 0 : i32
        %dma_wait3A_358 = tpu.memref_slice %arg8[%sub3A_356, %dma_wait3A_357] : memref<157x128xi32, #tpu.memory_space<vmem>> -> memref<1x128xi32, #tpu.memory_space<vmem>>
        %dma_wait3A_359 = tpu.memref_squeeze %dma_wait3A_358 : memref<1x128xi32, #tpu.memory_space<vmem>> -> memref<128xi32, #tpu.memory_space<vmem>>
        %dma_wait3A_360 = arith.constant 0 : i32
        %dma_wait3A_361 = arith.constant 0 : i32
        %dma_wait3A_362 = tpu.memref_slice %arg2[%dma_wait3A_360, %dma_wait3A_361] : memref<10000x64xf32, #tpu.memory_space<hbm>> -> memref<10000x64xf32, #tpu.memory_space<hbm>>
        tpu.wait_indirect_dma semaphore(%arg16 : memref<!tpu.dma_semaphore, #tpu.memory_space<semaphore_mem>>) src(%dma_wait3A_362 : memref<10000x64xf32, #tpu.memory_space<hbm>>) dst(%arg11 : memref<128x64xf32, #tpu.memory_space<vmem>>)
        %sub3A_363 = arith.constant 2 : i32
        %sub3A_364 = arith.subi %add3A_340, %sub3A_363 : i32
        %dma_start3A_365 = arith.constant 0 : i32
        %dma_start3A_366 = tpu.memref_slice %arg9[%sub3A_364, %dma_start3A_365] : memref<157x128xi32, #tpu.memory_space<vmem>> -> memref<1x128xi32, #tpu.memory_space<vmem>>
        %dma_start3A_367 = tpu.memref_squeeze %dma_start3A_366 : memref<1x128xi32, #tpu.memory_space<vmem>> -> memref<128xi32, #tpu.memory_space<vmem>>
        %dma_start3A_368 = arith.constant 0 : i32
        %dma_start3A_369 = arith.constant 0 : i32
        %dma_start3A_370 = tpu.memref_slice %arg14[%dma_start3A_368, %dma_start3A_369] : memref<10016x64xf32, #tpu.memory_space<vmem_shared>> -> memref<10016x64xf32, #tpu.memory_space<vmem_shared>>
        tpu.enqueue_indirect_dma source(%arg11 : memref<128x64xf32, #tpu.memory_space<vmem>>) target(%dma_start3A_370 : memref<10016x64xf32, #tpu.memory_space<vmem_shared>>) offsets(%dma_start3A_367 : memref<128xi32, #tpu.memory_space<vmem>>) semaphore(%arg20 : memref<!tpu.dma_semaphore, #tpu.memory_space<semaphore_mem>>) {add = true}
        %scan3A_371 = arith.constant 0 : i32
        scf.yield %scan3A_371 : i32
      }
      %scan3A_150 = arith.constant 38 : i32
      %dma_wait3A_151 = arith.constant 152 : i32
      %dma_wait3A_152 = arith.constant 0 : i32
      %dma_wait3A_153 = tpu.memref_slice %arg9[%dma_wait3A_151, %dma_wait3A_152] : memref<157x128xi32, #tpu.memory_space<vmem>> -> memref<1x128xi32, #tpu.memory_space<vmem>>
      %dma_wait3A_154 = tpu.memref_squeeze %dma_wait3A_153 : memref<1x128xi32, #tpu.memory_space<vmem>> -> memref<128xi32, #tpu.memory_space<vmem>>
      %dma_wait3A_155 = arith.constant 0 : i32
      %dma_wait3A_156 = arith.constant 0 : i32
      %dma_wait3A_157 = tpu.memref_slice %arg14[%dma_wait3A_155, %dma_wait3A_156] : memref<10016x64xf32, #tpu.memory_space<vmem_shared>> -> memref<10016x64xf32, #tpu.memory_space<vmem_shared>>
      tpu.wait_indirect_dma semaphore(%arg19 : memref<!tpu.dma_semaphore, #tpu.memory_space<semaphore_mem>>) src(%arg10 : memref<128x64xf32, #tpu.memory_space<vmem>>) dst(%dma_wait3A_157 : memref<10016x64xf32, #tpu.memory_space<vmem_shared>>)
      %dma_start3A_158 = arith.constant 156 : i32
      %dma_start3A_159 = arith.constant 0 : i32
      %dma_start3A_160 = tpu.memref_slice %arg8[%dma_start3A_158, %dma_start3A_159] : memref<157x128xi32, #tpu.memory_space<vmem>> -> memref<1x128xi32, #tpu.memory_space<vmem>>
      %dma_start3A_161 = tpu.memref_squeeze %dma_start3A_160 : memref<1x128xi32, #tpu.memory_space<vmem>> -> memref<128xi32, #tpu.memory_space<vmem>>
      %dma_start3A_162 = arith.constant 0 : i32
      %dma_start3A_163 = arith.constant 0 : i32
      %dma_start3A_164 = tpu.memref_slice %arg2[%dma_start3A_162, %dma_start3A_163] : memref<10000x64xf32, #tpu.memory_space<hbm>> -> memref<10000x64xf32, #tpu.memory_space<hbm>>
      tpu.enqueue_indirect_dma source(%dma_start3A_164 : memref<10000x64xf32, #tpu.memory_space<hbm>>) target(%arg10 : memref<128x64xf32, #tpu.memory_space<vmem>>) offsets(%dma_start3A_161 : memref<128xi32, #tpu.memory_space<vmem>>) semaphore(%arg15 : memref<!tpu.dma_semaphore, #tpu.memory_space<semaphore_mem>>)
      %dma_wait3A_165 = arith.constant 154 : i32
      %dma_wait3A_166 = arith.constant 0 : i32
      %dma_wait3A_167 = tpu.memref_slice %arg8[%dma_wait3A_165, %dma_wait3A_166] : memref<157x128xi32, #tpu.memory_space<vmem>> -> memref<1x128xi32, #tpu.memory_space<vmem>>
      %dma_wait3A_168 = tpu.memref_squeeze %dma_wait3A_167 : memref<1x128xi32, #tpu.memory_space<vmem>> -> memref<128xi32, #tpu.memory_space<vmem>>
      %dma_wait3A_169 = arith.constant 0 : i32
      %dma_wait3A_170 = arith.constant 0 : i32
      %dma_wait3A_171 = tpu.memref_slice %arg2[%dma_wait3A_169, %dma_wait3A_170] : memref<10000x64xf32, #tpu.memory_space<hbm>> -> memref<10000x64xf32, #tpu.memory_space<hbm>>
      tpu.wait_indirect_dma semaphore(%arg17 : memref<!tpu.dma_semaphore, #tpu.memory_space<semaphore_mem>>) src(%dma_wait3A_171 : memref<10000x64xf32, #tpu.memory_space<hbm>>) dst(%arg12 : memref<128x64xf32, #tpu.memory_space<vmem>>)
      %dma_start3A_172 = arith.constant 154 : i32
      %dma_start3A_173 = arith.constant 0 : i32
      %dma_start3A_174 = tpu.memref_slice %arg9[%dma_start3A_172, %dma_start3A_173] : memref<157x128xi32, #tpu.memory_space<vmem>> -> memref<1x128xi32, #tpu.memory_space<vmem>>
      %dma_start3A_175 = tpu.memref_squeeze %dma_start3A_174 : memref<1x128xi32, #tpu.memory_space<vmem>> -> memref<128xi32, #tpu.memory_space<vmem>>
      %dma_start3A_176 = arith.constant 0 : i32
      %dma_start3A_177 = arith.constant 0 : i32
      %dma_start3A_178 = tpu.memref_slice %arg14[%dma_start3A_176, %dma_start3A_177] : memref<10016x64xf32, #tpu.memory_space<vmem_shared>> -> memref<10016x64xf32, #tpu.memory_space<vmem_shared>>
      tpu.enqueue_indirect_dma source(%arg12 : memref<128x64xf32, #tpu.memory_space<vmem>>) target(%dma_start3A_178 : memref<10016x64xf32, #tpu.memory_space<vmem_shared>>) offsets(%dma_start3A_175 : memref<128xi32, #tpu.memory_space<vmem>>) semaphore(%arg21 : memref<!tpu.dma_semaphore, #tpu.memory_space<semaphore_mem>>) {add = true}
      %dma_wait3A_179 = arith.constant 155 : i32
      %dma_wait3A_180 = arith.constant 0 : i32
      %dma_wait3A_181 = tpu.memref_slice %arg8[%dma_wait3A_179, %dma_wait3A_180] : memref<157x128xi32, #tpu.memory_space<vmem>> -> memref<1x128xi32, #tpu.memory_space<vmem>>
      %dma_wait3A_182 = tpu.memref_squeeze %dma_wait3A_181 : memref<1x128xi32, #tpu.memory_space<vmem>> -> memref<128xi32, #tpu.memory_space<vmem>>
      %dma_wait3A_183 = arith.constant 0 : i32
      %dma_wait3A_184 = arith.constant 0 : i32
      %dma_wait3A_185 = tpu.memref_slice %arg2[%dma_wait3A_183, %dma_wait3A_184] : memref<10000x64xf32, #tpu.memory_space<hbm>> -> memref<10000x64xf32, #tpu.memory_space<hbm>>
      tpu.wait_indirect_dma semaphore(%arg18 : memref<!tpu.dma_semaphore, #tpu.memory_space<semaphore_mem>>) src(%dma_wait3A_185 : memref<10000x64xf32, #tpu.memory_space<hbm>>) dst(%arg13 : memref<128x64xf32, #tpu.memory_space<vmem>>)
      %dma_start3A_186 = arith.constant 155 : i32
      %dma_start3A_187 = arith.constant 0 : i32
      %dma_start3A_188 = tpu.memref_slice %arg9[%dma_start3A_186, %dma_start3A_187] : memref<157x128xi32, #tpu.memory_space<vmem>> -> memref<1x128xi32, #tpu.memory_space<vmem>>
      %dma_start3A_189 = tpu.memref_squeeze %dma_start3A_188 : memref<1x128xi32, #tpu.memory_space<vmem>> -> memref<128xi32, #tpu.memory_space<vmem>>
      %dma_start3A_190 = arith.constant 0 : i32
      %dma_start3A_191 = arith.constant 0 : i32
      %dma_start3A_192 = tpu.memref_slice %arg14[%dma_start3A_190, %dma_start3A_191] : memref<10016x64xf32, #tpu.memory_space<vmem_shared>> -> memref<10016x64xf32, #tpu.memory_space<vmem_shared>>
      tpu.enqueue_indirect_dma source(%arg13 : memref<128x64xf32, #tpu.memory_space<vmem>>) target(%dma_start3A_192 : memref<10016x64xf32, #tpu.memory_space<vmem_shared>>) offsets(%dma_start3A_189 : memref<128xi32, #tpu.memory_space<vmem>>) semaphore(%arg22 : memref<!tpu.dma_semaphore, #tpu.memory_space<semaphore_mem>>) {add = true}
      %dma_wait3A_193 = arith.constant 156 : i32
      %dma_wait3A_194 = arith.constant 0 : i32
      %dma_wait3A_195 = tpu.memref_slice %arg8[%dma_wait3A_193, %dma_wait3A_194] : memref<157x128xi32, #tpu.memory_space<vmem>> -> memref<1x128xi32, #tpu.memory_space<vmem>>
      %dma_wait3A_196 = tpu.memref_squeeze %dma_wait3A_195 : memref<1x128xi32, #tpu.memory_space<vmem>> -> memref<128xi32, #tpu.memory_space<vmem>>
      %dma_wait3A_197 = arith.constant 0 : i32
      %dma_wait3A_198 = arith.constant 0 : i32
      %dma_wait3A_199 = tpu.memref_slice %arg2[%dma_wait3A_197, %dma_wait3A_198] : memref<10000x64xf32, #tpu.memory_space<hbm>> -> memref<10000x64xf32, #tpu.memory_space<hbm>>
      tpu.wait_indirect_dma semaphore(%arg15 : memref<!tpu.dma_semaphore, #tpu.memory_space<semaphore_mem>>) src(%dma_wait3A_199 : memref<10000x64xf32, #tpu.memory_space<hbm>>) dst(%arg10 : memref<128x64xf32, #tpu.memory_space<vmem>>)
      %dma_start3A_200 = arith.constant 156 : i32
      %dma_start3A_201 = arith.constant 0 : i32
      %dma_start3A_202 = tpu.memref_slice %arg9[%dma_start3A_200, %dma_start3A_201] : memref<157x128xi32, #tpu.memory_space<vmem>> -> memref<1x128xi32, #tpu.memory_space<vmem>>
      %dma_start3A_203 = tpu.memref_squeeze %dma_start3A_202 : memref<1x128xi32, #tpu.memory_space<vmem>> -> memref<128xi32, #tpu.memory_space<vmem>>
      %dma_start3A_204 = arith.constant 0 : i32
      %dma_start3A_205 = arith.constant 0 : i32
      %dma_start3A_206 = tpu.memref_slice %arg14[%dma_start3A_204, %dma_start3A_205] : memref<10016x64xf32, #tpu.memory_space<vmem_shared>> -> memref<10016x64xf32, #tpu.memory_space<vmem_shared>>
      tpu.enqueue_indirect_dma source(%arg10 : memref<128x64xf32, #tpu.memory_space<vmem>>) target(%dma_start3A_206 : memref<10016x64xf32, #tpu.memory_space<vmem_shared>>) offsets(%dma_start3A_203 : memref<128xi32, #tpu.memory_space<vmem>>) semaphore(%arg19 : memref<!tpu.dma_semaphore, #tpu.memory_space<semaphore_mem>>) {add = true}
      %dma_wait3A_207 = arith.constant 153 : i32
      %dma_wait3A_208 = arith.constant 0 : i32
      %dma_wait3A_209 = tpu.memref_slice %arg9[%dma_wait3A_207, %dma_wait3A_208] : memref<157x128xi32, #tpu.memory_space<vmem>> -> memref<1x128xi32, #tpu.memory_space<vmem>>
      %dma_wait3A_210 = tpu.memref_squeeze %dma_wait3A_209 : memref<1x128xi32, #tpu.memory_space<vmem>> -> memref<128xi32, #tpu.memory_space<vmem>>
      %dma_wait3A_211 = arith.constant 0 : i32
      %dma_wait3A_212 = arith.constant 0 : i32
      %dma_wait3A_213 = tpu.memref_slice %arg14[%dma_wait3A_211, %dma_wait3A_212] : memref<10016x64xf32, #tpu.memory_space<vmem_shared>> -> memref<10016x64xf32, #tpu.memory_space<vmem_shared>>
      tpu.wait_indirect_dma semaphore(%arg20 : memref<!tpu.dma_semaphore, #tpu.memory_space<semaphore_mem>>) src(%arg11 : memref<128x64xf32, #tpu.memory_space<vmem>>) dst(%dma_wait3A_213 : memref<10016x64xf32, #tpu.memory_space<vmem_shared>>)
      %dma_wait3A_214 = arith.constant 154 : i32
      %dma_wait3A_215 = arith.constant 0 : i32
      %dma_wait3A_216 = tpu.memref_slice %arg9[%dma_wait3A_214, %dma_wait3A_215] : memref<157x128xi32, #tpu.memory_space<vmem>> -> memref<1x128xi32, #tpu.memory_space<vmem>>
      %dma_wait3A_217 = tpu.memref_squeeze %dma_wait3A_216 : memref<1x128xi32, #tpu.memory_space<vmem>> -> memref<128xi32, #tpu.memory_space<vmem>>
      %dma_wait3A_218 = arith.constant 0 : i32
      %dma_wait3A_219 = arith.constant 0 : i32
      %dma_wait3A_220 = tpu.memref_slice %arg14[%dma_wait3A_218, %dma_wait3A_219] : memref<10016x64xf32, #tpu.memory_space<vmem_shared>> -> memref<10016x64xf32, #tpu.memory_space<vmem_shared>>
      tpu.wait_indirect_dma semaphore(%arg21 : memref<!tpu.dma_semaphore, #tpu.memory_space<semaphore_mem>>) src(%arg12 : memref<128x64xf32, #tpu.memory_space<vmem>>) dst(%dma_wait3A_220 : memref<10016x64xf32, #tpu.memory_space<vmem_shared>>)
      %dma_wait3A_221 = arith.constant 155 : i32
      %dma_wait3A_222 = arith.constant 0 : i32
      %dma_wait3A_223 = tpu.memref_slice %arg9[%dma_wait3A_221, %dma_wait3A_222] : memref<157x128xi32, #tpu.memory_space<vmem>> -> memref<1x128xi32, #tpu.memory_space<vmem>>
      %dma_wait3A_224 = tpu.memref_squeeze %dma_wait3A_223 : memref<1x128xi32, #tpu.memory_space<vmem>> -> memref<128xi32, #tpu.memory_space<vmem>>
      %dma_wait3A_225 = arith.constant 0 : i32
      %dma_wait3A_226 = arith.constant 0 : i32
      %dma_wait3A_227 = tpu.memref_slice %arg14[%dma_wait3A_225, %dma_wait3A_226] : memref<10016x64xf32, #tpu.memory_space<vmem_shared>> -> memref<10016x64xf32, #tpu.memory_space<vmem_shared>>
      tpu.wait_indirect_dma semaphore(%arg22 : memref<!tpu.dma_semaphore, #tpu.memory_space<semaphore_mem>>) src(%arg13 : memref<128x64xf32, #tpu.memory_space<vmem>>) dst(%dma_wait3A_227 : memref<10016x64xf32, #tpu.memory_space<vmem_shared>>)
      %dma_wait3A_228 = arith.constant 156 : i32
      %dma_wait3A_229 = arith.constant 0 : i32
      %dma_wait3A_230 = tpu.memref_slice %arg9[%dma_wait3A_228, %dma_wait3A_229] : memref<157x128xi32, #tpu.memory_space<vmem>> -> memref<1x128xi32, #tpu.memory_space<vmem>>
      %dma_wait3A_231 = tpu.memref_squeeze %dma_wait3A_230 : memref<1x128xi32, #tpu.memory_space<vmem>> -> memref<128xi32, #tpu.memory_space<vmem>>
      %dma_wait3A_232 = arith.constant 0 : i32
      %dma_wait3A_233 = arith.constant 0 : i32
      %dma_wait3A_234 = tpu.memref_slice %arg14[%dma_wait3A_232, %dma_wait3A_233] : memref<10016x64xf32, #tpu.memory_space<vmem_shared>> -> memref<10016x64xf32, #tpu.memory_space<vmem_shared>>
      tpu.wait_indirect_dma semaphore(%arg19 : memref<!tpu.dma_semaphore, #tpu.memory_space<semaphore_mem>>) src(%arg10 : memref<128x64xf32, #tpu.memory_space<vmem>>) dst(%dma_wait3A_234 : memref<10016x64xf32, #tpu.memory_space<vmem_shared>>)
    } else {
    }
    %eq3A_64 = arith.constant 1 : i32
    %eq3A_65 = arith.cmpi eq, %arg0, %eq3A_64 : i32
    %convert_element_type3A_66 = arith.extui %eq3A_65 : i1 to i32
    %cond3A_67 = arith.constant 0 : i32
    %cond3A_68 = arith.cmpi ne, %convert_element_type3A_66, %cond3A_67 : i32
    scf.if %cond3A_68 {
      %dma_start3A_79 = arith.constant 0 : i32
      %dma_start3A_80 = arith.constant 0 : i32
      %dma_start3A_81 = tpu.memref_slice %arg8[%dma_start3A_79, %dma_start3A_80] : memref<157x128xi32, #tpu.memory_space<vmem>> -> memref<1x128xi32, #tpu.memory_space<vmem>>
      %dma_start3A_82 = tpu.memref_squeeze %dma_start3A_81 : memref<1x128xi32, #tpu.memory_space<vmem>> -> memref<128xi32, #tpu.memory_space<vmem>>
      %dma_start3A_83 = arith.constant 0 : i32
      %dma_start3A_84 = arith.constant 0 : i32
      %dma_start3A_85 = tpu.memref_slice %arg3[%dma_start3A_83, %dma_start3A_84] : memref<10000x64xf32, #tpu.memory_space<hbm>> -> memref<10000x64xf32, #tpu.memory_space<hbm>>
      tpu.enqueue_indirect_dma source(%dma_start3A_85 : memref<10000x64xf32, #tpu.memory_space<hbm>>) target(%arg10 : memref<128x64xf32, #tpu.memory_space<vmem>>) offsets(%dma_start3A_82 : memref<128xi32, #tpu.memory_space<vmem>>) semaphore(%arg15 : memref<!tpu.dma_semaphore, #tpu.memory_space<semaphore_mem>>)
      %dma_start3A_86 = arith.constant 1 : i32
      %dma_start3A_87 = arith.constant 0 : i32
      %dma_start3A_88 = tpu.memref_slice %arg8[%dma_start3A_86, %dma_start3A_87] : memref<157x128xi32, #tpu.memory_space<vmem>> -> memref<1x128xi32, #tpu.memory_space<vmem>>
      %dma_start3A_89 = tpu.memref_squeeze %dma_start3A_88 : memref<1x128xi32, #tpu.memory_space<vmem>> -> memref<128xi32, #tpu.memory_space<vmem>>
      %dma_start3A_90 = arith.constant 0 : i32
      %dma_start3A_91 = arith.constant 0 : i32
      %dma_start3A_92 = tpu.memref_slice %arg3[%dma_start3A_90, %dma_start3A_91] : memref<10000x64xf32, #tpu.memory_space<hbm>> -> memref<10000x64xf32, #tpu.memory_space<hbm>>
      tpu.enqueue_indirect_dma source(%dma_start3A_92 : memref<10000x64xf32, #tpu.memory_space<hbm>>) target(%arg11 : memref<128x64xf32, #tpu.memory_space<vmem>>) offsets(%dma_start3A_89 : memref<128xi32, #tpu.memory_space<vmem>>) semaphore(%arg16 : memref<!tpu.dma_semaphore, #tpu.memory_space<semaphore_mem>>)
      %dma_start3A_93 = arith.constant 2 : i32
      %dma_start3A_94 = arith.constant 0 : i32
      %dma_start3A_95 = tpu.memref_slice %arg8[%dma_start3A_93, %dma_start3A_94] : memref<157x128xi32, #tpu.memory_space<vmem>> -> memref<1x128xi32, #tpu.memory_space<vmem>>
      %dma_start3A_96 = tpu.memref_squeeze %dma_start3A_95 : memref<1x128xi32, #tpu.memory_space<vmem>> -> memref<128xi32, #tpu.memory_space<vmem>>
      %dma_start3A_97 = arith.constant 0 : i32
      %dma_start3A_98 = arith.constant 0 : i32
      %dma_start3A_99 = tpu.memref_slice %arg3[%dma_start3A_97, %dma_start3A_98] : memref<10000x64xf32, #tpu.memory_space<hbm>> -> memref<10000x64xf32, #tpu.memory_space<hbm>>
      tpu.enqueue_indirect_dma source(%dma_start3A_99 : memref<10000x64xf32, #tpu.memory_space<hbm>>) target(%arg12 : memref<128x64xf32, #tpu.memory_space<vmem>>) offsets(%dma_start3A_96 : memref<128xi32, #tpu.memory_space<vmem>>) semaphore(%arg17 : memref<!tpu.dma_semaphore, #tpu.memory_space<semaphore_mem>>)
      %dma_start3A_100 = arith.constant 3 : i32
      %dma_start3A_101 = arith.constant 0 : i32
      %dma_start3A_102 = tpu.memref_slice %arg8[%dma_start3A_100, %dma_start3A_101] : memref<157x128xi32, #tpu.memory_space<vmem>> -> memref<1x128xi32, #tpu.memory_space<vmem>>
      %dma_start3A_103 = tpu.memref_squeeze %dma_start3A_102 : memref<1x128xi32, #tpu.memory_space<vmem>> -> memref<128xi32, #tpu.memory_space<vmem>>
      %dma_start3A_104 = arith.constant 0 : i32
      %dma_start3A_105 = arith.constant 0 : i32
      %dma_start3A_106 = tpu.memref_slice %arg3[%dma_start3A_104, %dma_start3A_105] : memref<10000x64xf32, #tpu.memory_space<hbm>> -> memref<10000x64xf32, #tpu.memory_space<hbm>>
      tpu.enqueue_indirect_dma source(%dma_start3A_106 : memref<10000x64xf32, #tpu.memory_space<hbm>>) target(%arg13 : memref<128x64xf32, #tpu.memory_space<vmem>>) offsets(%dma_start3A_103 : memref<128xi32, #tpu.memory_space<vmem>>) semaphore(%arg18 : memref<!tpu.dma_semaphore, #tpu.memory_space<semaphore_mem>>)
      %dma_wait3A_107 = arith.constant 0 : i32
      %dma_wait3A_108 = tpu.memref_slice %arg14[%mul3A_0, %dma_wait3A_107] : memref<10016x64xf32, #tpu.memory_space<vmem_shared>> -> memref<624x64xf32, #tpu.memory_space<vmem_shared>>
      %dma_wait3A_109 = arith.constant 0 : i32
      %dma_wait3A_110 = tpu.memref_slice %arg5[%mul3A_0, %dma_wait3A_109] : memref<10000x64xf32, #tpu.memory_space<hbm>> -> memref<624x64xf32, #tpu.memory_space<hbm>>
      tpu.wait_dma2 semaphore(%arg19 : memref<!tpu.dma_semaphore, #tpu.memory_space<semaphore_mem>>) src(%dma_wait3A_110 : memref<624x64xf32, #tpu.memory_space<hbm>>) dst(%dma_wait3A_108 : memref<624x64xf32, #tpu.memory_space<vmem_shared>>)
      %eq3A_111 = arith.constant 15 : i32
      %eq3A_112 = arith.cmpi eq, %arg1, %eq3A_111 : i32
      %convert_element_type3A_113 = arith.extui %eq3A_112 : i1 to i32
      %cond3A_114 = arith.constant 0 : i32
      %cond3A_115 = arith.cmpi ne, %convert_element_type3A_113, %cond3A_114 : i32
      scf.if %cond3A_115 {
        %dma_wait3A_235 = arith.constant 9984 : i32
        %dma_wait3A_236 = arith.constant 0 : i32
        %dma_wait3A_237 = tpu.memref_slice %arg14[%dma_wait3A_235, %dma_wait3A_236] : memref<10016x64xf32, #tpu.memory_space<vmem_shared>> -> memref<16x64xf32, #tpu.memory_space<vmem_shared>>
        %dma_wait3A_238 = arith.constant 9984 : i32
        %dma_wait3A_239 = arith.constant 0 : i32
        %dma_wait3A_240 = tpu.memref_slice %arg5[%dma_wait3A_238, %dma_wait3A_239] : memref<10000x64xf32, #tpu.memory_space<hbm>> -> memref<16x64xf32, #tpu.memory_space<hbm>>
        tpu.wait_dma2 semaphore(%arg19 : memref<!tpu.dma_semaphore, #tpu.memory_space<semaphore_mem>>) src(%dma_wait3A_240 : memref<16x64xf32, #tpu.memory_space<hbm>>) dst(%dma_wait3A_237 : memref<16x64xf32, #tpu.memory_space<vmem_shared>>)
      } else {
      }
      %barrier3A_116 = arith.constant 0 : index
      tpu.barrier barrier_id(%barrier3A_116)
      %dma_wait3A_117 = arith.constant 0 : i32
      %dma_wait3A_118 = arith.constant 0 : i32
      %dma_wait3A_119 = tpu.memref_slice %arg8[%dma_wait3A_117, %dma_wait3A_118] : memref<157x128xi32, #tpu.memory_space<vmem>> -> memref<1x128xi32, #tpu.memory_space<vmem>>
      %dma_wait3A_120 = tpu.memref_squeeze %dma_wait3A_119 : memref<1x128xi32, #tpu.memory_space<vmem>> -> memref<128xi32, #tpu.memory_space<vmem>>
      %dma_wait3A_121 = arith.constant 0 : i32
      %dma_wait3A_122 = arith.constant 0 : i32
      %dma_wait3A_123 = tpu.memref_slice %arg3[%dma_wait3A_121, %dma_wait3A_122] : memref<10000x64xf32, #tpu.memory_space<hbm>> -> memref<10000x64xf32, #tpu.memory_space<hbm>>
      tpu.wait_indirect_dma semaphore(%arg15 : memref<!tpu.dma_semaphore, #tpu.memory_space<semaphore_mem>>) src(%dma_wait3A_123 : memref<10000x64xf32, #tpu.memory_space<hbm>>) dst(%arg10 : memref<128x64xf32, #tpu.memory_space<vmem>>)
      %dma_start3A_124 = arith.constant 0 : i32
      %dma_start3A_125 = arith.constant 0 : i32
      %dma_start3A_126 = tpu.memref_slice %arg9[%dma_start3A_124, %dma_start3A_125] : memref<157x128xi32, #tpu.memory_space<vmem>> -> memref<1x128xi32, #tpu.memory_space<vmem>>
      %dma_start3A_127 = tpu.memref_squeeze %dma_start3A_126 : memref<1x128xi32, #tpu.memory_space<vmem>> -> memref<128xi32, #tpu.memory_space<vmem>>
      %dma_start3A_128 = arith.constant 0 : i32
      %dma_start3A_129 = arith.constant 0 : i32
      %dma_start3A_130 = tpu.memref_slice %arg14[%dma_start3A_128, %dma_start3A_129] : memref<10016x64xf32, #tpu.memory_space<vmem_shared>> -> memref<10016x64xf32, #tpu.memory_space<vmem_shared>>
      tpu.enqueue_indirect_dma source(%arg10 : memref<128x64xf32, #tpu.memory_space<vmem>>) target(%dma_start3A_130 : memref<10016x64xf32, #tpu.memory_space<vmem_shared>>) offsets(%dma_start3A_127 : memref<128xi32, #tpu.memory_space<vmem>>) semaphore(%arg19 : memref<!tpu.dma_semaphore, #tpu.memory_space<semaphore_mem>>) {add = true}
      %dma_wait3A_131 = arith.constant 1 : i32
      %dma_wait3A_132 = arith.constant 0 : i32
      %dma_wait3A_133 = tpu.memref_slice %arg8[%dma_wait3A_131, %dma_wait3A_132] : memref<157x128xi32, #tpu.memory_space<vmem>> -> memref<1x128xi32, #tpu.memory_space<vmem>>
      %dma_wait3A_134 = tpu.memref_squeeze %dma_wait3A_133 : memref<1x128xi32, #tpu.memory_space<vmem>> -> memref<128xi32, #tpu.memory_space<vmem>>
      %dma_wait3A_135 = arith.constant 0 : i32
      %dma_wait3A_136 = arith.constant 0 : i32
      %dma_wait3A_137 = tpu.memref_slice %arg3[%dma_wait3A_135, %dma_wait3A_136] : memref<10000x64xf32, #tpu.memory_space<hbm>> -> memref<10000x64xf32, #tpu.memory_space<hbm>>
      tpu.wait_indirect_dma semaphore(%arg16 : memref<!tpu.dma_semaphore, #tpu.memory_space<semaphore_mem>>) src(%dma_wait3A_137 : memref<10000x64xf32, #tpu.memory_space<hbm>>) dst(%arg11 : memref<128x64xf32, #tpu.memory_space<vmem>>)
      %dma_start3A_138 = arith.constant 1 : i32
      %dma_start3A_139 = arith.constant 0 : i32
      %dma_start3A_140 = tpu.memref_slice %arg9[%dma_start3A_138, %dma_start3A_139] : memref<157x128xi32, #tpu.memory_space<vmem>> -> memref<1x128xi32, #tpu.memory_space<vmem>>
      %dma_start3A_141 = tpu.memref_squeeze %dma_start3A_140 : memref<1x128xi32, #tpu.memory_space<vmem>> -> memref<128xi32, #tpu.memory_space<vmem>>
      %dma_start3A_142 = arith.constant 0 : i32
      %dma_start3A_143 = arith.constant 0 : i32
      %dma_start3A_144 = tpu.memref_slice %arg14[%dma_start3A_142, %dma_start3A_143] : memref<10016x64xf32, #tpu.memory_space<vmem_shared>> -> memref<10016x64xf32, #tpu.memory_space<vmem_shared>>
      tpu.enqueue_indirect_dma source(%arg11 : memref<128x64xf32, #tpu.memory_space<vmem>>) target(%dma_start3A_144 : memref<10016x64xf32, #tpu.memory_space<vmem_shared>>) offsets(%dma_start3A_141 : memref<128xi32, #tpu.memory_space<vmem>>) semaphore(%arg20 : memref<!tpu.dma_semaphore, #tpu.memory_space<semaphore_mem>>) {add = true}
      %scan3A = arith.constant 0 : i32
      %scan3A_145 = arith.constant 1 : i32
      %scan3A_146 = arith.constant 38 : i32
      %scan3A_147 = arith.addi %scan3A_145, %scan3A_146 : i32
      %scan3A_148 = arith.constant 1 : i32
      %scan3A_149 = scf.for %scan3A_235 = %scan3A_145 to %scan3A_147 step %scan3A_148 iter_args(%scan3A_236 = %scan3A) -> (i32)  : i32 {
        %mul3A_237 = arith.constant 4 : i32
        %mul3A_238 = arith.muli %scan3A_235, %mul3A_237 : i32
        %add3A = arith.constant 0 : i32
        %add3A_239 = arith.addi %mul3A_238, %add3A : i32
        %sub3A = arith.constant 4 : i32
        %sub3A_240 = arith.subi %add3A_239, %sub3A : i32
        %dma_wait3A_241 = arith.constant 0 : i32
        %dma_wait3A_242 = tpu.memref_slice %arg9[%sub3A_240, %dma_wait3A_241] : memref<157x128xi32, #tpu.memory_space<vmem>> -> memref<1x128xi32, #tpu.memory_space<vmem>>
        %dma_wait3A_243 = tpu.memref_squeeze %dma_wait3A_242 : memref<1x128xi32, #tpu.memory_space<vmem>> -> memref<128xi32, #tpu.memory_space<vmem>>
        %dma_wait3A_244 = arith.constant 0 : i32
        %dma_wait3A_245 = arith.constant 0 : i32
        %dma_wait3A_246 = tpu.memref_slice %arg14[%dma_wait3A_244, %dma_wait3A_245] : memref<10016x64xf32, #tpu.memory_space<vmem_shared>> -> memref<10016x64xf32, #tpu.memory_space<vmem_shared>>
        tpu.wait_indirect_dma semaphore(%arg19 : memref<!tpu.dma_semaphore, #tpu.memory_space<semaphore_mem>>) src(%arg10 : memref<128x64xf32, #tpu.memory_space<vmem>>) dst(%dma_wait3A_246 : memref<10016x64xf32, #tpu.memory_space<vmem_shared>>)
        %dma_start3A_247 = arith.constant 0 : i32
        %dma_start3A_248 = tpu.memref_slice %arg8[%add3A_239, %dma_start3A_247] : memref<157x128xi32, #tpu.memory_space<vmem>> -> memref<1x128xi32, #tpu.memory_space<vmem>>
        %dma_start3A_249 = tpu.memref_squeeze %dma_start3A_248 : memref<1x128xi32, #tpu.memory_space<vmem>> -> memref<128xi32, #tpu.memory_space<vmem>>
        %dma_start3A_250 = arith.constant 0 : i32
        %dma_start3A_251 = arith.constant 0 : i32
        %dma_start3A_252 = tpu.memref_slice %arg3[%dma_start3A_250, %dma_start3A_251] : memref<10000x64xf32, #tpu.memory_space<hbm>> -> memref<10000x64xf32, #tpu.memory_space<hbm>>
        tpu.enqueue_indirect_dma source(%dma_start3A_252 : memref<10000x64xf32, #tpu.memory_space<hbm>>) target(%arg10 : memref<128x64xf32, #tpu.memory_space<vmem>>) offsets(%dma_start3A_249 : memref<128xi32, #tpu.memory_space<vmem>>) semaphore(%arg15 : memref<!tpu.dma_semaphore, #tpu.memory_space<semaphore_mem>>)
        %sub3A_253 = arith.constant 2 : i32
        %sub3A_254 = arith.subi %add3A_239, %sub3A_253 : i32
        %dma_wait3A_255 = arith.constant 0 : i32
        %dma_wait3A_256 = tpu.memref_slice %arg8[%sub3A_254, %dma_wait3A_255] : memref<157x128xi32, #tpu.memory_space<vmem>> -> memref<1x128xi32, #tpu.memory_space<vmem>>
        %dma_wait3A_257 = tpu.memref_squeeze %dma_wait3A_256 : memref<1x128xi32, #tpu.memory_space<vmem>> -> memref<128xi32, #tpu.memory_space<vmem>>
        %dma_wait3A_258 = arith.constant 0 : i32
        %dma_wait3A_259 = arith.constant 0 : i32
        %dma_wait3A_260 = tpu.memref_slice %arg3[%dma_wait3A_258, %dma_wait3A_259] : memref<10000x64xf32, #tpu.memory_space<hbm>> -> memref<10000x64xf32, #tpu.memory_space<hbm>>
        tpu.wait_indirect_dma semaphore(%arg17 : memref<!tpu.dma_semaphore, #tpu.memory_space<semaphore_mem>>) src(%dma_wait3A_260 : memref<10000x64xf32, #tpu.memory_space<hbm>>) dst(%arg12 : memref<128x64xf32, #tpu.memory_space<vmem>>)
        %sub3A_261 = arith.constant 2 : i32
        %sub3A_262 = arith.subi %add3A_239, %sub3A_261 : i32
        %dma_start3A_263 = arith.constant 0 : i32
        %dma_start3A_264 = tpu.memref_slice %arg9[%sub3A_262, %dma_start3A_263] : memref<157x128xi32, #tpu.memory_space<vmem>> -> memref<1x128xi32, #tpu.memory_space<vmem>>
        %dma_start3A_265 = tpu.memref_squeeze %dma_start3A_264 : memref<1x128xi32, #tpu.memory_space<vmem>> -> memref<128xi32, #tpu.memory_space<vmem>>
        %dma_start3A_266 = arith.constant 0 : i32
        %dma_start3A_267 = arith.constant 0 : i32
        %dma_start3A_268 = tpu.memref_slice %arg14[%dma_start3A_266, %dma_start3A_267] : memref<10016x64xf32, #tpu.memory_space<vmem_shared>> -> memref<10016x64xf32, #tpu.memory_space<vmem_shared>>
        tpu.enqueue_indirect_dma source(%arg12 : memref<128x64xf32, #tpu.memory_space<vmem>>) target(%dma_start3A_268 : memref<10016x64xf32, #tpu.memory_space<vmem_shared>>) offsets(%dma_start3A_265 : memref<128xi32, #tpu.memory_space<vmem>>) semaphore(%arg21 : memref<!tpu.dma_semaphore, #tpu.memory_space<semaphore_mem>>) {add = true}
        %mul3A_269 = arith.constant 4 : i32
        %mul3A_270 = arith.muli %scan3A_235, %mul3A_269 : i32
        %add3A_271 = arith.constant 1 : i32
        %add3A_272 = arith.addi %mul3A_270, %add3A_271 : i32
        %sub3A_273 = arith.constant 4 : i32
        %sub3A_274 = arith.subi %add3A_272, %sub3A_273 : i32
        %dma_wait3A_275 = arith.constant 0 : i32
        %dma_wait3A_276 = tpu.memref_slice %arg9[%sub3A_274, %dma_wait3A_275] : memref<157x128xi32, #tpu.memory_space<vmem>> -> memref<1x128xi32, #tpu.memory_space<vmem>>
        %dma_wait3A_277 = tpu.memref_squeeze %dma_wait3A_276 : memref<1x128xi32, #tpu.memory_space<vmem>> -> memref<128xi32, #tpu.memory_space<vmem>>
        %dma_wait3A_278 = arith.constant 0 : i32
        %dma_wait3A_279 = arith.constant 0 : i32
        %dma_wait3A_280 = tpu.memref_slice %arg14[%dma_wait3A_278, %dma_wait3A_279] : memref<10016x64xf32, #tpu.memory_space<vmem_shared>> -> memref<10016x64xf32, #tpu.memory_space<vmem_shared>>
        tpu.wait_indirect_dma semaphore(%arg20 : memref<!tpu.dma_semaphore, #tpu.memory_space<semaphore_mem>>) src(%arg11 : memref<128x64xf32, #tpu.memory_space<vmem>>) dst(%dma_wait3A_280 : memref<10016x64xf32, #tpu.memory_space<vmem_shared>>)
        %dma_start3A_281 = arith.constant 0 : i32
        %dma_start3A_282 = tpu.memref_slice %arg8[%add3A_272, %dma_start3A_281] : memref<157x128xi32, #tpu.memory_space<vmem>> -> memref<1x128xi32, #tpu.memory_space<vmem>>
        %dma_start3A_283 = tpu.memref_squeeze %dma_start3A_282 : memref<1x128xi32, #tpu.memory_space<vmem>> -> memref<128xi32, #tpu.memory_space<vmem>>
        %dma_start3A_284 = arith.constant 0 : i32
        %dma_start3A_285 = arith.constant 0 : i32
        %dma_start3A_286 = tpu.memref_slice %arg3[%dma_start3A_284, %dma_start3A_285] : memref<10000x64xf32, #tpu.memory_space<hbm>> -> memref<10000x64xf32, #tpu.memory_space<hbm>>
        tpu.enqueue_indirect_dma source(%dma_start3A_286 : memref<10000x64xf32, #tpu.memory_space<hbm>>) target(%arg11 : memref<128x64xf32, #tpu.memory_space<vmem>>) offsets(%dma_start3A_283 : memref<128xi32, #tpu.memory_space<vmem>>) semaphore(%arg16 : memref<!tpu.dma_semaphore, #tpu.memory_space<semaphore_mem>>)
        %sub3A_287 = arith.constant 2 : i32
        %sub3A_288 = arith.subi %add3A_272, %sub3A_287 : i32
        %dma_wait3A_289 = arith.constant 0 : i32
        %dma_wait3A_290 = tpu.memref_slice %arg8[%sub3A_288, %dma_wait3A_289] : memref<157x128xi32, #tpu.memory_space<vmem>> -> memref<1x128xi32, #tpu.memory_space<vmem>>
        %dma_wait3A_291 = tpu.memref_squeeze %dma_wait3A_290 : memref<1x128xi32, #tpu.memory_space<vmem>> -> memref<128xi32, #tpu.memory_space<vmem>>
        %dma_wait3A_292 = arith.constant 0 : i32
        %dma_wait3A_293 = arith.constant 0 : i32
        %dma_wait3A_294 = tpu.memref_slice %arg3[%dma_wait3A_292, %dma_wait3A_293] : memref<10000x64xf32, #tpu.memory_space<hbm>> -> memref<10000x64xf32, #tpu.memory_space<hbm>>
        tpu.wait_indirect_dma semaphore(%arg18 : memref<!tpu.dma_semaphore, #tpu.memory_space<semaphore_mem>>) src(%dma_wait3A_294 : memref<10000x64xf32, #tpu.memory_space<hbm>>) dst(%arg13 : memref<128x64xf32, #tpu.memory_space<vmem>>)
        %sub3A_295 = arith.constant 2 : i32
        %sub3A_296 = arith.subi %add3A_272, %sub3A_295 : i32
        %dma_start3A_297 = arith.constant 0 : i32
        %dma_start3A_298 = tpu.memref_slice %arg9[%sub3A_296, %dma_start3A_297] : memref<157x128xi32, #tpu.memory_space<vmem>> -> memref<1x128xi32, #tpu.memory_space<vmem>>
        %dma_start3A_299 = tpu.memref_squeeze %dma_start3A_298 : memref<1x128xi32, #tpu.memory_space<vmem>> -> memref<128xi32, #tpu.memory_space<vmem>>
        %dma_start3A_300 = arith.constant 0 : i32
        %dma_start3A_301 = arith.constant 0 : i32
        %dma_start3A_302 = tpu.memref_slice %arg14[%dma_start3A_300, %dma_start3A_301] : memref<10016x64xf32, #tpu.memory_space<vmem_shared>> -> memref<10016x64xf32, #tpu.memory_space<vmem_shared>>
        tpu.enqueue_indirect_dma source(%arg13 : memref<128x64xf32, #tpu.memory_space<vmem>>) target(%dma_start3A_302 : memref<10016x64xf32, #tpu.memory_space<vmem_shared>>) offsets(%dma_start3A_299 : memref<128xi32, #tpu.memory_space<vmem>>) semaphore(%arg22 : memref<!tpu.dma_semaphore, #tpu.memory_space<semaphore_mem>>) {add = true}
        %mul3A_303 = arith.constant 4 : i32
        %mul3A_304 = arith.muli %scan3A_235, %mul3A_303 : i32
        %add3A_305 = arith.constant 2 : i32
        %add3A_306 = arith.addi %mul3A_304, %add3A_305 : i32
        %sub3A_307 = arith.constant 4 : i32
        %sub3A_308 = arith.subi %add3A_306, %sub3A_307 : i32
        %dma_wait3A_309 = arith.constant 0 : i32
        %dma_wait3A_310 = tpu.memref_slice %arg9[%sub3A_308, %dma_wait3A_309] : memref<157x128xi32, #tpu.memory_space<vmem>> -> memref<1x128xi32, #tpu.memory_space<vmem>>
        %dma_wait3A_311 = tpu.memref_squeeze %dma_wait3A_310 : memref<1x128xi32, #tpu.memory_space<vmem>> -> memref<128xi32, #tpu.memory_space<vmem>>
        %dma_wait3A_312 = arith.constant 0 : i32
        %dma_wait3A_313 = arith.constant 0 : i32
        %dma_wait3A_314 = tpu.memref_slice %arg14[%dma_wait3A_312, %dma_wait3A_313] : memref<10016x64xf32, #tpu.memory_space<vmem_shared>> -> memref<10016x64xf32, #tpu.memory_space<vmem_shared>>
        tpu.wait_indirect_dma semaphore(%arg21 : memref<!tpu.dma_semaphore, #tpu.memory_space<semaphore_mem>>) src(%arg12 : memref<128x64xf32, #tpu.memory_space<vmem>>) dst(%dma_wait3A_314 : memref<10016x64xf32, #tpu.memory_space<vmem_shared>>)
        %dma_start3A_315 = arith.constant 0 : i32
        %dma_start3A_316 = tpu.memref_slice %arg8[%add3A_306, %dma_start3A_315] : memref<157x128xi32, #tpu.memory_space<vmem>> -> memref<1x128xi32, #tpu.memory_space<vmem>>
        %dma_start3A_317 = tpu.memref_squeeze %dma_start3A_316 : memref<1x128xi32, #tpu.memory_space<vmem>> -> memref<128xi32, #tpu.memory_space<vmem>>
        %dma_start3A_318 = arith.constant 0 : i32
        %dma_start3A_319 = arith.constant 0 : i32
        %dma_start3A_320 = tpu.memref_slice %arg3[%dma_start3A_318, %dma_start3A_319] : memref<10000x64xf32, #tpu.memory_space<hbm>> -> memref<10000x64xf32, #tpu.memory_space<hbm>>
        tpu.enqueue_indirect_dma source(%dma_start3A_320 : memref<10000x64xf32, #tpu.memory_space<hbm>>) target(%arg12 : memref<128x64xf32, #tpu.memory_space<vmem>>) offsets(%dma_start3A_317 : memref<128xi32, #tpu.memory_space<vmem>>) semaphore(%arg17 : memref<!tpu.dma_semaphore, #tpu.memory_space<semaphore_mem>>)
        %sub3A_321 = arith.constant 2 : i32
        %sub3A_322 = arith.subi %add3A_306, %sub3A_321 : i32
        %dma_wait3A_323 = arith.constant 0 : i32
        %dma_wait3A_324 = tpu.memref_slice %arg8[%sub3A_322, %dma_wait3A_323] : memref<157x128xi32, #tpu.memory_space<vmem>> -> memref<1x128xi32, #tpu.memory_space<vmem>>
        %dma_wait3A_325 = tpu.memref_squeeze %dma_wait3A_324 : memref<1x128xi32, #tpu.memory_space<vmem>> -> memref<128xi32, #tpu.memory_space<vmem>>
        %dma_wait3A_326 = arith.constant 0 : i32
        %dma_wait3A_327 = arith.constant 0 : i32
        %dma_wait3A_328 = tpu.memref_slice %arg3[%dma_wait3A_326, %dma_wait3A_327] : memref<10000x64xf32, #tpu.memory_space<hbm>> -> memref<10000x64xf32, #tpu.memory_space<hbm>>
        tpu.wait_indirect_dma semaphore(%arg15 : memref<!tpu.dma_semaphore, #tpu.memory_space<semaphore_mem>>) src(%dma_wait3A_328 : memref<10000x64xf32, #tpu.memory_space<hbm>>) dst(%arg10 : memref<128x64xf32, #tpu.memory_space<vmem>>)
        %sub3A_329 = arith.constant 2 : i32
        %sub3A_330 = arith.subi %add3A_306, %sub3A_329 : i32
        %dma_start3A_331 = arith.constant 0 : i32
        %dma_start3A_332 = tpu.memref_slice %arg9[%sub3A_330, %dma_start3A_331] : memref<157x128xi32, #tpu.memory_space<vmem>> -> memref<1x128xi32, #tpu.memory_space<vmem>>
        %dma_start3A_333 = tpu.memref_squeeze %dma_start3A_332 : memref<1x128xi32, #tpu.memory_space<vmem>> -> memref<128xi32, #tpu.memory_space<vmem>>
        %dma_start3A_334 = arith.constant 0 : i32
        %dma_start3A_335 = arith.constant 0 : i32
        %dma_start3A_336 = tpu.memref_slice %arg14[%dma_start3A_334, %dma_start3A_335] : memref<10016x64xf32, #tpu.memory_space<vmem_shared>> -> memref<10016x64xf32, #tpu.memory_space<vmem_shared>>
        tpu.enqueue_indirect_dma source(%arg10 : memref<128x64xf32, #tpu.memory_space<vmem>>) target(%dma_start3A_336 : memref<10016x64xf32, #tpu.memory_space<vmem_shared>>) offsets(%dma_start3A_333 : memref<128xi32, #tpu.memory_space<vmem>>) semaphore(%arg19 : memref<!tpu.dma_semaphore, #tpu.memory_space<semaphore_mem>>) {add = true}
        %mul3A_337 = arith.constant 4 : i32
        %mul3A_338 = arith.muli %scan3A_235, %mul3A_337 : i32
        %add3A_339 = arith.constant 3 : i32
        %add3A_340 = arith.addi %mul3A_338, %add3A_339 : i32
        %sub3A_341 = arith.constant 4 : i32
        %sub3A_342 = arith.subi %add3A_340, %sub3A_341 : i32
        %dma_wait3A_343 = arith.constant 0 : i32
        %dma_wait3A_344 = tpu.memref_slice %arg9[%sub3A_342, %dma_wait3A_343] : memref<157x128xi32, #tpu.memory_space<vmem>> -> memref<1x128xi32, #tpu.memory_space<vmem>>
        %dma_wait3A_345 = tpu.memref_squeeze %dma_wait3A_344 : memref<1x128xi32, #tpu.memory_space<vmem>> -> memref<128xi32, #tpu.memory_space<vmem>>
        %dma_wait3A_346 = arith.constant 0 : i32
        %dma_wait3A_347 = arith.constant 0 : i32
        %dma_wait3A_348 = tpu.memref_slice %arg14[%dma_wait3A_346, %dma_wait3A_347] : memref<10016x64xf32, #tpu.memory_space<vmem_shared>> -> memref<10016x64xf32, #tpu.memory_space<vmem_shared>>
        tpu.wait_indirect_dma semaphore(%arg22 : memref<!tpu.dma_semaphore, #tpu.memory_space<semaphore_mem>>) src(%arg13 : memref<128x64xf32, #tpu.memory_space<vmem>>) dst(%dma_wait3A_348 : memref<10016x64xf32, #tpu.memory_space<vmem_shared>>)
        %dma_start3A_349 = arith.constant 0 : i32
        %dma_start3A_350 = tpu.memref_slice %arg8[%add3A_340, %dma_start3A_349] : memref<157x128xi32, #tpu.memory_space<vmem>> -> memref<1x128xi32, #tpu.memory_space<vmem>>
        %dma_start3A_351 = tpu.memref_squeeze %dma_start3A_350 : memref<1x128xi32, #tpu.memory_space<vmem>> -> memref<128xi32, #tpu.memory_space<vmem>>
        %dma_start3A_352 = arith.constant 0 : i32
        %dma_start3A_353 = arith.constant 0 : i32
        %dma_start3A_354 = tpu.memref_slice %arg3[%dma_start3A_352, %dma_start3A_353] : memref<10000x64xf32, #tpu.memory_space<hbm>> -> memref<10000x64xf32, #tpu.memory_space<hbm>>
        tpu.enqueue_indirect_dma source(%dma_start3A_354 : memref<10000x64xf32, #tpu.memory_space<hbm>>) target(%arg13 : memref<128x64xf32, #tpu.memory_space<vmem>>) offsets(%dma_start3A_351 : memref<128xi32, #tpu.memory_space<vmem>>) semaphore(%arg18 : memref<!tpu.dma_semaphore, #tpu.memory_space<semaphore_mem>>)
        %sub3A_355 = arith.constant 2 : i32
        %sub3A_356 = arith.subi %add3A_340, %sub3A_355 : i32
        %dma_wait3A_357 = arith.constant 0 : i32
        %dma_wait3A_358 = tpu.memref_slice %arg8[%sub3A_356, %dma_wait3A_357] : memref<157x128xi32, #tpu.memory_space<vmem>> -> memref<1x128xi32, #tpu.memory_space<vmem>>
        %dma_wait3A_359 = tpu.memref_squeeze %dma_wait3A_358 : memref<1x128xi32, #tpu.memory_space<vmem>> -> memref<128xi32, #tpu.memory_space<vmem>>
        %dma_wait3A_360 = arith.constant 0 : i32
        %dma_wait3A_361 = arith.constant 0 : i32
        %dma_wait3A_362 = tpu.memref_slice %arg3[%dma_wait3A_360, %dma_wait3A_361] : memref<10000x64xf32, #tpu.memory_space<hbm>> -> memref<10000x64xf32, #tpu.memory_space<hbm>>
        tpu.wait_indirect_dma semaphore(%arg16 : memref<!tpu.dma_semaphore, #tpu.memory_space<semaphore_mem>>) src(%dma_wait3A_362 : memref<10000x64xf32, #tpu.memory_space<hbm>>) dst(%arg11 : memref<128x64xf32, #tpu.memory_space<vmem>>)
        %sub3A_363 = arith.constant 2 : i32
        %sub3A_364 = arith.subi %add3A_340, %sub3A_363 : i32
        %dma_start3A_365 = arith.constant 0 : i32
        %dma_start3A_366 = tpu.memref_slice %arg9[%sub3A_364, %dma_start3A_365] : memref<157x128xi32, #tpu.memory_space<vmem>> -> memref<1x128xi32, #tpu.memory_space<vmem>>
        %dma_start3A_367 = tpu.memref_squeeze %dma_start3A_366 : memref<1x128xi32, #tpu.memory_space<vmem>> -> memref<128xi32, #tpu.memory_space<vmem>>
        %dma_start3A_368 = arith.constant 0 : i32
        %dma_start3A_369 = arith.constant 0 : i32
        %dma_start3A_370 = tpu.memref_slice %arg14[%dma_start3A_368, %dma_start3A_369] : memref<10016x64xf32, #tpu.memory_space<vmem_shared>> -> memref<10016x64xf32, #tpu.memory_space<vmem_shared>>
        tpu.enqueue_indirect_dma source(%arg11 : memref<128x64xf32, #tpu.memory_space<vmem>>) target(%dma_start3A_370 : memref<10016x64xf32, #tpu.memory_space<vmem_shared>>) offsets(%dma_start3A_367 : memref<128xi32, #tpu.memory_space<vmem>>) semaphore(%arg20 : memref<!tpu.dma_semaphore, #tpu.memory_space<semaphore_mem>>) {add = true}
        %scan3A_371 = arith.constant 0 : i32
        scf.yield %scan3A_371 : i32
      }
      %scan3A_150 = arith.constant 38 : i32
      %dma_wait3A_151 = arith.constant 152 : i32
      %dma_wait3A_152 = arith.constant 0 : i32
      %dma_wait3A_153 = tpu.memref_slice %arg9[%dma_wait3A_151, %dma_wait3A_152] : memref<157x128xi32, #tpu.memory_space<vmem>> -> memref<1x128xi32, #tpu.memory_space<vmem>>
      %dma_wait3A_154 = tpu.memref_squeeze %dma_wait3A_153 : memref<1x128xi32, #tpu.memory_space<vmem>> -> memref<128xi32, #tpu.memory_space<vmem>>
      %dma_wait3A_155 = arith.constant 0 : i32
      %dma_wait3A_156 = arith.constant 0 : i32
      %dma_wait3A_157 = tpu.memref_slice %arg14[%dma_wait3A_155, %dma_wait3A_156] : memref<10016x64xf32, #tpu.memory_space<vmem_shared>> -> memref<10016x64xf32, #tpu.memory_space<vmem_shared>>
      tpu.wait_indirect_dma semaphore(%arg19 : memref<!tpu.dma_semaphore, #tpu.memory_space<semaphore_mem>>) src(%arg10 : memref<128x64xf32, #tpu.memory_space<vmem>>) dst(%dma_wait3A_157 : memref<10016x64xf32, #tpu.memory_space<vmem_shared>>)
      %dma_start3A_158 = arith.constant 156 : i32
      %dma_start3A_159 = arith.constant 0 : i32
      %dma_start3A_160 = tpu.memref_slice %arg8[%dma_start3A_158, %dma_start3A_159] : memref<157x128xi32, #tpu.memory_space<vmem>> -> memref<1x128xi32, #tpu.memory_space<vmem>>
      %dma_start3A_161 = tpu.memref_squeeze %dma_start3A_160 : memref<1x128xi32, #tpu.memory_space<vmem>> -> memref<128xi32, #tpu.memory_space<vmem>>
      %dma_start3A_162 = arith.constant 0 : i32
      %dma_start3A_163 = arith.constant 0 : i32
      %dma_start3A_164 = tpu.memref_slice %arg3[%dma_start3A_162, %dma_start3A_163] : memref<10000x64xf32, #tpu.memory_space<hbm>> -> memref<10000x64xf32, #tpu.memory_space<hbm>>
      tpu.enqueue_indirect_dma source(%dma_start3A_164 : memref<10000x64xf32, #tpu.memory_space<hbm>>) target(%arg10 : memref<128x64xf32, #tpu.memory_space<vmem>>) offsets(%dma_start3A_161 : memref<128xi32, #tpu.memory_space<vmem>>) semaphore(%arg15 : memref<!tpu.dma_semaphore, #tpu.memory_space<semaphore_mem>>)
      %dma_wait3A_165 = arith.constant 154 : i32
      %dma_wait3A_166 = arith.constant 0 : i32
      %dma_wait3A_167 = tpu.memref_slice %arg8[%dma_wait3A_165, %dma_wait3A_166] : memref<157x128xi32, #tpu.memory_space<vmem>> -> memref<1x128xi32, #tpu.memory_space<vmem>>
      %dma_wait3A_168 = tpu.memref_squeeze %dma_wait3A_167 : memref<1x128xi32, #tpu.memory_space<vmem>> -> memref<128xi32, #tpu.memory_space<vmem>>
      %dma_wait3A_169 = arith.constant 0 : i32
      %dma_wait3A_170 = arith.constant 0 : i32
      %dma_wait3A_171 = tpu.memref_slice %arg3[%dma_wait3A_169, %dma_wait3A_170] : memref<10000x64xf32, #tpu.memory_space<hbm>> -> memref<10000x64xf32, #tpu.memory_space<hbm>>
      tpu.wait_indirect_dma semaphore(%arg17 : memref<!tpu.dma_semaphore, #tpu.memory_space<semaphore_mem>>) src(%dma_wait3A_171 : memref<10000x64xf32, #tpu.memory_space<hbm>>) dst(%arg12 : memref<128x64xf32, #tpu.memory_space<vmem>>)
      %dma_start3A_172 = arith.constant 154 : i32
      %dma_start3A_173 = arith.constant 0 : i32
      %dma_start3A_174 = tpu.memref_slice %arg9[%dma_start3A_172, %dma_start3A_173] : memref<157x128xi32, #tpu.memory_space<vmem>> -> memref<1x128xi32, #tpu.memory_space<vmem>>
      %dma_start3A_175 = tpu.memref_squeeze %dma_start3A_174 : memref<1x128xi32, #tpu.memory_space<vmem>> -> memref<128xi32, #tpu.memory_space<vmem>>
      %dma_start3A_176 = arith.constant 0 : i32
      %dma_start3A_177 = arith.constant 0 : i32
      %dma_start3A_178 = tpu.memref_slice %arg14[%dma_start3A_176, %dma_start3A_177] : memref<10016x64xf32, #tpu.memory_space<vmem_shared>> -> memref<10016x64xf32, #tpu.memory_space<vmem_shared>>
      tpu.enqueue_indirect_dma source(%arg12 : memref<128x64xf32, #tpu.memory_space<vmem>>) target(%dma_start3A_178 : memref<10016x64xf32, #tpu.memory_space<vmem_shared>>) offsets(%dma_start3A_175 : memref<128xi32, #tpu.memory_space<vmem>>) semaphore(%arg21 : memref<!tpu.dma_semaphore, #tpu.memory_space<semaphore_mem>>) {add = true}
      %dma_wait3A_179 = arith.constant 155 : i32
      %dma_wait3A_180 = arith.constant 0 : i32
      %dma_wait3A_181 = tpu.memref_slice %arg8[%dma_wait3A_179, %dma_wait3A_180] : memref<157x128xi32, #tpu.memory_space<vmem>> -> memref<1x128xi32, #tpu.memory_space<vmem>>
      %dma_wait3A_182 = tpu.memref_squeeze %dma_wait3A_181 : memref<1x128xi32, #tpu.memory_space<vmem>> -> memref<128xi32, #tpu.memory_space<vmem>>
      %dma_wait3A_183 = arith.constant 0 : i32
      %dma_wait3A_184 = arith.constant 0 : i32
      %dma_wait3A_185 = tpu.memref_slice %arg3[%dma_wait3A_183, %dma_wait3A_184] : memref<10000x64xf32, #tpu.memory_space<hbm>> -> memref<10000x64xf32, #tpu.memory_space<hbm>>
      tpu.wait_indirect_dma semaphore(%arg18 : memref<!tpu.dma_semaphore, #tpu.memory_space<semaphore_mem>>) src(%dma_wait3A_185 : memref<10000x64xf32, #tpu.memory_space<hbm>>) dst(%arg13 : memref<128x64xf32, #tpu.memory_space<vmem>>)
      %dma_start3A_186 = arith.constant 155 : i32
      %dma_start3A_187 = arith.constant 0 : i32
      %dma_start3A_188 = tpu.memref_slice %arg9[%dma_start3A_186, %dma_start3A_187] : memref<157x128xi32, #tpu.memory_space<vmem>> -> memref<1x128xi32, #tpu.memory_space<vmem>>
      %dma_start3A_189 = tpu.memref_squeeze %dma_start3A_188 : memref<1x128xi32, #tpu.memory_space<vmem>> -> memref<128xi32, #tpu.memory_space<vmem>>
      %dma_start3A_190 = arith.constant 0 : i32
      %dma_start3A_191 = arith.constant 0 : i32
      %dma_start3A_192 = tpu.memref_slice %arg14[%dma_start3A_190, %dma_start3A_191] : memref<10016x64xf32, #tpu.memory_space<vmem_shared>> -> memref<10016x64xf32, #tpu.memory_space<vmem_shared>>
      tpu.enqueue_indirect_dma source(%arg13 : memref<128x64xf32, #tpu.memory_space<vmem>>) target(%dma_start3A_192 : memref<10016x64xf32, #tpu.memory_space<vmem_shared>>) offsets(%dma_start3A_189 : memref<128xi32, #tpu.memory_space<vmem>>) semaphore(%arg22 : memref<!tpu.dma_semaphore, #tpu.memory_space<semaphore_mem>>) {add = true}
      %dma_wait3A_193 = arith.constant 156 : i32
      %dma_wait3A_194 = arith.constant 0 : i32
      %dma_wait3A_195 = tpu.memref_slice %arg8[%dma_wait3A_193, %dma_wait3A_194] : memref<157x128xi32, #tpu.memory_space<vmem>> -> memref<1x128xi32, #tpu.memory_space<vmem>>
      %dma_wait3A_196 = tpu.memref_squeeze %dma_wait3A_195 : memref<1x128xi32, #tpu.memory_space<vmem>> -> memref<128xi32, #tpu.memory_space<vmem>>
      %dma_wait3A_197 = arith.constant 0 : i32
      %dma_wait3A_198 = arith.constant 0 : i32
      %dma_wait3A_199 = tpu.memref_slice %arg3[%dma_wait3A_197, %dma_wait3A_198] : memref<10000x64xf32, #tpu.memory_space<hbm>> -> memref<10000x64xf32, #tpu.memory_space<hbm>>
      tpu.wait_indirect_dma semaphore(%arg15 : memref<!tpu.dma_semaphore, #tpu.memory_space<semaphore_mem>>) src(%dma_wait3A_199 : memref<10000x64xf32, #tpu.memory_space<hbm>>) dst(%arg10 : memref<128x64xf32, #tpu.memory_space<vmem>>)
      %dma_start3A_200 = arith.constant 156 : i32
      %dma_start3A_201 = arith.constant 0 : i32
      %dma_start3A_202 = tpu.memref_slice %arg9[%dma_start3A_200, %dma_start3A_201] : memref<157x128xi32, #tpu.memory_space<vmem>> -> memref<1x128xi32, #tpu.memory_space<vmem>>
      %dma_start3A_203 = tpu.memref_squeeze %dma_start3A_202 : memref<1x128xi32, #tpu.memory_space<vmem>> -> memref<128xi32, #tpu.memory_space<vmem>>
      %dma_start3A_204 = arith.constant 0 : i32
      %dma_start3A_205 = arith.constant 0 : i32
      %dma_start3A_206 = tpu.memref_slice %arg14[%dma_start3A_204, %dma_start3A_205] : memref<10016x64xf32, #tpu.memory_space<vmem_shared>> -> memref<10016x64xf32, #tpu.memory_space<vmem_shared>>
      tpu.enqueue_indirect_dma source(%arg10 : memref<128x64xf32, #tpu.memory_space<vmem>>) target(%dma_start3A_206 : memref<10016x64xf32, #tpu.memory_space<vmem_shared>>) offsets(%dma_start3A_203 : memref<128xi32, #tpu.memory_space<vmem>>) semaphore(%arg19 : memref<!tpu.dma_semaphore, #tpu.memory_space<semaphore_mem>>) {add = true}
      %dma_wait3A_207 = arith.constant 153 : i32
      %dma_wait3A_208 = arith.constant 0 : i32
      %dma_wait3A_209 = tpu.memref_slice %arg9[%dma_wait3A_207, %dma_wait3A_208] : memref<157x128xi32, #tpu.memory_space<vmem>> -> memref<1x128xi32, #tpu.memory_space<vmem>>
      %dma_wait3A_210 = tpu.memref_squeeze %dma_wait3A_209 : memref<1x128xi32, #tpu.memory_space<vmem>> -> memref<128xi32, #tpu.memory_space<vmem>>
      %dma_wait3A_211 = arith.constant 0 : i32
      %dma_wait3A_212 = arith.constant 0 : i32
      %dma_wait3A_213 = tpu.memref_slice %arg14[%dma_wait3A_211, %dma_wait3A_212] : memref<10016x64xf32, #tpu.memory_space<vmem_shared>> -> memref<10016x64xf32, #tpu.memory_space<vmem_shared>>
      tpu.wait_indirect_dma semaphore(%arg20 : memref<!tpu.dma_semaphore, #tpu.memory_space<semaphore_mem>>) src(%arg11 : memref<128x64xf32, #tpu.memory_space<vmem>>) dst(%dma_wait3A_213 : memref<10016x64xf32, #tpu.memory_space<vmem_shared>>)
      %dma_wait3A_214 = arith.constant 154 : i32
      %dma_wait3A_215 = arith.constant 0 : i32
      %dma_wait3A_216 = tpu.memref_slice %arg9[%dma_wait3A_214, %dma_wait3A_215] : memref<157x128xi32, #tpu.memory_space<vmem>> -> memref<1x128xi32, #tpu.memory_space<vmem>>
      %dma_wait3A_217 = tpu.memref_squeeze %dma_wait3A_216 : memref<1x128xi32, #tpu.memory_space<vmem>> -> memref<128xi32, #tpu.memory_space<vmem>>
      %dma_wait3A_218 = arith.constant 0 : i32
      %dma_wait3A_219 = arith.constant 0 : i32
      %dma_wait3A_220 = tpu.memref_slice %arg14[%dma_wait3A_218, %dma_wait3A_219] : memref<10016x64xf32, #tpu.memory_space<vmem_shared>> -> memref<10016x64xf32, #tpu.memory_space<vmem_shared>>
      tpu.wait_indirect_dma semaphore(%arg21 : memref<!tpu.dma_semaphore, #tpu.memory_space<semaphore_mem>>) src(%arg12 : memref<128x64xf32, #tpu.memory_space<vmem>>) dst(%dma_wait3A_220 : memref<10016x64xf32, #tpu.memory_space<vmem_shared>>)
      %dma_wait3A_221 = arith.constant 155 : i32
      %dma_wait3A_222 = arith.constant 0 : i32
      %dma_wait3A_223 = tpu.memref_slice %arg9[%dma_wait3A_221, %dma_wait3A_222] : memref<157x128xi32, #tpu.memory_space<vmem>> -> memref<1x128xi32, #tpu.memory_space<vmem>>
      %dma_wait3A_224 = tpu.memref_squeeze %dma_wait3A_223 : memref<1x128xi32, #tpu.memory_space<vmem>> -> memref<128xi32, #tpu.memory_space<vmem>>
      %dma_wait3A_225 = arith.constant 0 : i32
      %dma_wait3A_226 = arith.constant 0 : i32
      %dma_wait3A_227 = tpu.memref_slice %arg14[%dma_wait3A_225, %dma_wait3A_226] : memref<10016x64xf32, #tpu.memory_space<vmem_shared>> -> memref<10016x64xf32, #tpu.memory_space<vmem_shared>>
      tpu.wait_indirect_dma semaphore(%arg22 : memref<!tpu.dma_semaphore, #tpu.memory_space<semaphore_mem>>) src(%arg13 : memref<128x64xf32, #tpu.memory_space<vmem>>) dst(%dma_wait3A_227 : memref<10016x64xf32, #tpu.memory_space<vmem_shared>>)
      %dma_wait3A_228 = arith.constant 156 : i32
      %dma_wait3A_229 = arith.constant 0 : i32
      %dma_wait3A_230 = tpu.memref_slice %arg9[%dma_wait3A_228, %dma_wait3A_229] : memref<157x128xi32, #tpu.memory_space<vmem>> -> memref<1x128xi32, #tpu.memory_space<vmem>>
      %dma_wait3A_231 = tpu.memref_squeeze %dma_wait3A_230 : memref<1x128xi32, #tpu.memory_space<vmem>> -> memref<128xi32, #tpu.memory_space<vmem>>
      %dma_wait3A_232 = arith.constant 0 : i32
      %dma_wait3A_233 = arith.constant 0 : i32
      %dma_wait3A_234 = tpu.memref_slice %arg14[%dma_wait3A_232, %dma_wait3A_233] : memref<10016x64xf32, #tpu.memory_space<vmem_shared>> -> memref<10016x64xf32, #tpu.memory_space<vmem_shared>>
      tpu.wait_indirect_dma semaphore(%arg19 : memref<!tpu.dma_semaphore, #tpu.memory_space<semaphore_mem>>) src(%arg10 : memref<128x64xf32, #tpu.memory_space<vmem>>) dst(%dma_wait3A_234 : memref<10016x64xf32, #tpu.memory_space<vmem_shared>>)
    } else {
    }
    %barrier3A = arith.constant 0 : index
    tpu.barrier barrier_id(%barrier3A)
    %eq3A_69 = arith.constant 0 : i32
    %eq3A_70 = arith.cmpi eq, %arg0, %eq3A_69 : i32
    %convert_element_type3A_71 = arith.extui %eq3A_70 : i1 to i32
    %cond3A_72 = arith.constant 0 : i32
    %cond3A_73 = arith.cmpi ne, %convert_element_type3A_71, %cond3A_72 : i32
    scf.if %cond3A_73 {
      "tpu.region"() ({
        %run_scoped3A = tpu.sem_alloc : memref<!tpu.dma_semaphore, #tpu.memory_space<semaphore_mem>>
        %dma_start3A_84 = arith.constant 0 : i32
        %dma_start3A_85 = tpu.memref_slice %arg6[%mul3A_0, %dma_start3A_84] : memref<10000x64xf32, #tpu.memory_space<hbm>> -> memref<624x64xf32, #tpu.memory_space<hbm>>
        %dma_start3A_86 = arith.constant 0 : i32
        %dma_start3A_87 = tpu.memref_slice %arg14[%mul3A_0, %dma_start3A_86] : memref<10016x64xf32, #tpu.memory_space<vmem_shared>> -> memref<624x64xf32, #tpu.memory_space<vmem_shared>>
        tpu.enqueue_dma source(%dma_start3A_87 : memref<624x64xf32, #tpu.memory_space<vmem_shared>>) target(%dma_start3A_85 : memref<624x64xf32, #tpu.memory_space<hbm>>) target_semaphore(%run_scoped3A : memref<!tpu.dma_semaphore, #tpu.memory_space<semaphore_mem>>)
        %dma_wait3A_88 = arith.constant 0 : i32
        %dma_wait3A_89 = tpu.memref_slice %arg6[%mul3A_0, %dma_wait3A_88] : memref<10000x64xf32, #tpu.memory_space<hbm>> -> memref<624x64xf32, #tpu.memory_space<hbm>>
        %dma_wait3A_90 = arith.constant 0 : i32
        %dma_wait3A_91 = tpu.memref_slice %arg14[%mul3A_0, %dma_wait3A_90] : memref<10016x64xf32, #tpu.memory_space<vmem_shared>> -> memref<624x64xf32, #tpu.memory_space<vmem_shared>>
        tpu.wait_dma2 semaphore(%run_scoped3A : memref<!tpu.dma_semaphore, #tpu.memory_space<semaphore_mem>>) src(%dma_wait3A_91 : memref<624x64xf32, #tpu.memory_space<vmem_shared>>) dst(%dma_wait3A_89 : memref<624x64xf32, #tpu.memory_space<hbm>>)
        tpu.yield
      }) : () -> ()
      %eq3A_79 = arith.constant 15 : i32
      %eq3A_80 = arith.cmpi eq, %arg1, %eq3A_79 : i32
      %convert_element_type3A_81 = arith.extui %eq3A_80 : i1 to i32
      %cond3A_82 = arith.constant 0 : i32
      %cond3A_83 = arith.cmpi ne, %convert_element_type3A_81, %cond3A_82 : i32
      scf.if %cond3A_83 {
        "tpu.region"() ({
          %run_scoped3A = tpu.sem_alloc : memref<!tpu.dma_semaphore, #tpu.memory_space<semaphore_mem>>
          %dma_start3A_84 = arith.constant 9984 : i32
          %dma_start3A_85 = arith.constant 0 : i32
          %dma_start3A_86 = tpu.memref_slice %arg6[%dma_start3A_84, %dma_start3A_85] : memref<10000x64xf32, #tpu.memory_space<hbm>> -> memref<16x64xf32, #tpu.memory_space<hbm>>
          %dma_start3A_87 = arith.constant 9984 : i32
          %dma_start3A_88 = arith.constant 0 : i32
          %dma_start3A_89 = tpu.memref_slice %arg14[%dma_start3A_87, %dma_start3A_88] : memref<10016x64xf32, #tpu.memory_space<vmem_shared>> -> memref<16x64xf32, #tpu.memory_space<vmem_shared>>
          tpu.enqueue_dma source(%dma_start3A_89 : memref<16x64xf32, #tpu.memory_space<vmem_shared>>) target(%dma_start3A_86 : memref<16x64xf32, #tpu.memory_space<hbm>>) target_semaphore(%run_scoped3A : memref<!tpu.dma_semaphore, #tpu.memory_space<semaphore_mem>>)
          %dma_wait3A_90 = arith.constant 9984 : i32
          %dma_wait3A_91 = arith.constant 0 : i32
          %dma_wait3A_92 = tpu.memref_slice %arg6[%dma_wait3A_90, %dma_wait3A_91] : memref<10000x64xf32, #tpu.memory_space<hbm>> -> memref<16x64xf32, #tpu.memory_space<hbm>>
          %dma_wait3A_93 = arith.constant 9984 : i32
          %dma_wait3A_94 = arith.constant 0 : i32
          %dma_wait3A_95 = tpu.memref_slice %arg14[%dma_wait3A_93, %dma_wait3A_94] : memref<10016x64xf32, #tpu.memory_space<vmem_shared>> -> memref<16x64xf32, #tpu.memory_space<vmem_shared>>
          tpu.wait_dma2 semaphore(%run_scoped3A : memref<!tpu.dma_semaphore, #tpu.memory_space<semaphore_mem>>) src(%dma_wait3A_95 : memref<16x64xf32, #tpu.memory_space<vmem_shared>>) dst(%dma_wait3A_92 : memref<16x64xf32, #tpu.memory_space<hbm>>)
          tpu.yield
        }) : () -> ()
      } else {
      }
    } else {
    }
    %eq3A_74 = arith.constant 1 : i32
    %eq3A_75 = arith.cmpi eq, %arg0, %eq3A_74 : i32
    %convert_element_type3A_76 = arith.extui %eq3A_75 : i1 to i32
    %cond3A_77 = arith.constant 0 : i32
    %cond3A_78 = arith.cmpi ne, %convert_element_type3A_76, %cond3A_77 : i32
    scf.if %cond3A_78 {
      "tpu.region"() ({
        %run_scoped3A = tpu.sem_alloc : memref<!tpu.dma_semaphore, #tpu.memory_space<semaphore_mem>>
        %dma_start3A_84 = arith.constant 0 : i32
        %dma_start3A_85 = tpu.memref_slice %arg7[%mul3A_0, %dma_start3A_84] : memref<10000x64xf32, #tpu.memory_space<hbm>> -> memref<624x64xf32, #tpu.memory_space<hbm>>
        %dma_start3A_86 = arith.constant 0 : i32
        %dma_start3A_87 = tpu.memref_slice %arg14[%mul3A_0, %dma_start3A_86] : memref<10016x64xf32, #tpu.memory_space<vmem_shared>> -> memref<624x64xf32, #tpu.memory_space<vmem_shared>>
        tpu.enqueue_dma source(%dma_start3A_87 : memref<624x64xf32, #tpu.memory_space<vmem_shared>>) target(%dma_start3A_85 : memref<624x64xf32, #tpu.memory_space<hbm>>) target_semaphore(%run_scoped3A : memref<!tpu.dma_semaphore, #tpu.memory_space<semaphore_mem>>)
        %dma_wait3A_88 = arith.constant 0 : i32
        %dma_wait3A_89 = tpu.memref_slice %arg7[%mul3A_0, %dma_wait3A_88] : memref<10000x64xf32, #tpu.memory_space<hbm>> -> memref<624x64xf32, #tpu.memory_space<hbm>>
        %dma_wait3A_90 = arith.constant 0 : i32
        %dma_wait3A_91 = tpu.memref_slice %arg14[%mul3A_0, %dma_wait3A_90] : memref<10016x64xf32, #tpu.memory_space<vmem_shared>> -> memref<624x64xf32, #tpu.memory_space<vmem_shared>>
        tpu.wait_dma2 semaphore(%run_scoped3A : memref<!tpu.dma_semaphore, #tpu.memory_space<semaphore_mem>>) src(%dma_wait3A_91 : memref<624x64xf32, #tpu.memory_space<vmem_shared>>) dst(%dma_wait3A_89 : memref<624x64xf32, #tpu.memory_space<hbm>>)
        tpu.yield
      }) : () -> ()
      %eq3A_79 = arith.constant 15 : i32
      %eq3A_80 = arith.cmpi eq, %arg1, %eq3A_79 : i32
      %convert_element_type3A_81 = arith.extui %eq3A_80 : i1 to i32
      %cond3A_82 = arith.constant 0 : i32
      %cond3A_83 = arith.cmpi ne, %convert_element_type3A_81, %cond3A_82 : i32
      scf.if %cond3A_83 {
        "tpu.region"() ({
          %run_scoped3A = tpu.sem_alloc : memref<!tpu.dma_semaphore, #tpu.memory_space<semaphore_mem>>
          %dma_start3A_84 = arith.constant 9984 : i32
          %dma_start3A_85 = arith.constant 0 : i32
          %dma_start3A_86 = tpu.memref_slice %arg7[%dma_start3A_84, %dma_start3A_85] : memref<10000x64xf32, #tpu.memory_space<hbm>> -> memref<16x64xf32, #tpu.memory_space<hbm>>
          %dma_start3A_87 = arith.constant 9984 : i32
          %dma_start3A_88 = arith.constant 0 : i32
          %dma_start3A_89 = tpu.memref_slice %arg14[%dma_start3A_87, %dma_start3A_88] : memref<10016x64xf32, #tpu.memory_space<vmem_shared>> -> memref<16x64xf32, #tpu.memory_space<vmem_shared>>
          tpu.enqueue_dma source(%dma_start3A_89 : memref<16x64xf32, #tpu.memory_space<vmem_shared>>) target(%dma_start3A_86 : memref<16x64xf32, #tpu.memory_space<hbm>>) target_semaphore(%run_scoped3A : memref<!tpu.dma_semaphore, #tpu.memory_space<semaphore_mem>>)
          %dma_wait3A_90 = arith.constant 9984 : i32
          %dma_wait3A_91 = arith.constant 0 : i32
          %dma_wait3A_92 = tpu.memref_slice %arg7[%dma_wait3A_90, %dma_wait3A_91] : memref<10000x64xf32, #tpu.memory_space<hbm>> -> memref<16x64xf32, #tpu.memory_space<hbm>>
          %dma_wait3A_93 = arith.constant 9984 : i32
          %dma_wait3A_94 = arith.constant 0 : i32
          %dma_wait3A_95 = tpu.memref_slice %arg14[%dma_wait3A_93, %dma_wait3A_94] : memref<10016x64xf32, #tpu.memory_space<vmem_shared>> -> memref<16x64xf32, #tpu.memory_space<vmem_shared>>
          tpu.wait_dma2 semaphore(%run_scoped3A : memref<!tpu.dma_semaphore, #tpu.memory_space<semaphore_mem>>) src(%dma_wait3A_95 : memref<16x64xf32, #tpu.memory_space<vmem_shared>>) dst(%dma_wait3A_92 : memref<16x64xf32, #tpu.memory_space<hbm>>)
          tpu.yield
        }) : () -> ()
      } else {
      }
    } else {
    }
    return
  }
}

#map = affine_map<(d0, d1) -> (0, 0)>
#map1 = affine_map<(d0, d1) -> (0, 0, 0)>
module attributes {stable_mosaic.version = 14 : i64} {
  func.func @agg(%arg0: i32, %arg1: i32, %arg2: memref<10000x64xf32, #tpu.memory_space<hbm>>, %arg3: memref<10000x64xf32, #tpu.memory_space<hbm>>, %arg4: memref<2x2512x128xi32, #tpu.memory_space<hbm>>, %arg5: memref<10000x64xf32, #tpu.memory_space<hbm>>, %arg6: memref<10000x16xf32, #tpu.memory_space<hbm>>, %arg7: memref<128x16xf32, #tpu.memory_space<hbm>>, %arg8: memref<10000x64xf32, #tpu.memory_space<hbm>>, %arg9: memref<10000x64xf32, #tpu.memory_space<hbm>>, %arg10: memref<10000x16xf32, #tpu.memory_space<hbm>>, %arg11: memref<157x128xi32, #tpu.memory_space<vmem>>, %arg12: memref<157x128xi32, #tpu.memory_space<vmem>>, %arg13: memref<128x64xf32, #tpu.memory_space<vmem>>, %arg14: memref<128x64xf32, #tpu.memory_space<vmem>>, %arg15: memref<128x64xf32, #tpu.memory_space<vmem>>, %arg16: memref<128x64xf32, #tpu.memory_space<vmem>>, %arg17: memref<10016x64xf32, #tpu.memory_space<vmem_shared>>, %arg18: memref<!tpu.dma_semaphore, #tpu.memory_space<semaphore_mem>>, %arg19: memref<!tpu.dma_semaphore, #tpu.memory_space<semaphore_mem>>, %arg20: memref<!tpu.dma_semaphore, #tpu.memory_space<semaphore_mem>>, %arg21: memref<!tpu.dma_semaphore, #tpu.memory_space<semaphore_mem>>, %arg22: memref<!tpu.dma_semaphore, #tpu.memory_space<semaphore_mem>>, %arg23: memref<!tpu.dma_semaphore, #tpu.memory_space<semaphore_mem>>, %arg24: memref<!tpu.dma_semaphore, #tpu.memory_space<semaphore_mem>>, %arg25: memref<!tpu.dma_semaphore, #tpu.memory_space<semaphore_mem>>, %arg26: memref<128x16xf32, #tpu.memory_space<vmem>>, %arg27: memref<10016x16xf32, #tpu.memory_space<vmem_shared>>) attributes {dimension_semantics = [#tpu.dimension_semantics<core_parallel>, #tpu.dimension_semantics<subcore_parallel>], iteration_bounds = array<i64: 2, 16>, scalar_prefetch = 0 : i64, scratch_operands = 17 : i64, tpu.core_type = #tpu.core_type<sc_vector_subcore>, window_params = [{transform_indices = #map}, {transform_indices = #map}, {transform_indices = #map1}, {transform_indices = #map}, {transform_indices = #map}, {transform_indices = #map}, {transform_indices = #map}, {transform_indices = #map}, {transform_indices = #map}]} {
    %mul3A = arith.constant 624 : i32
    %mul3A_0 = arith.muli %arg1, %mul3A : i32
    %mul3A_1 = arith.constant 157 : i32
    %mul3A_2 = arith.muli %arg1, %mul3A_1 : i32
    %dma_start3A = arith.constant 0 : i32
    %dma_start3A_3 = arith.constant 0 : i32
    %dma_start3A_4 = arith.constant 0 : i32
    %dma_start3A_5 = tpu.memref_slice %arg4[%dma_start3A, %dma_start3A_3, %dma_start3A_4] : memref<2x2512x128xi32, #tpu.memory_space<hbm>> -> memref<1x2512x128xi32, #tpu.memory_space<hbm>>
    %dma_start3A_6 = tpu.memref_squeeze %dma_start3A_5 : memref<1x2512x128xi32, #tpu.memory_space<hbm>> -> memref<2512x128xi32, #tpu.memory_space<hbm>>
    %dma_start3A_7 = arith.constant 0 : i32
    %dma_start3A_8 = tpu.memref_slice %dma_start3A_6[%mul3A_2, %dma_start3A_7] : memref<2512x128xi32, #tpu.memory_space<hbm>> -> memref<157x128xi32, #tpu.memory_space<hbm>>
    %dma_start3A_9 = arith.constant 0 : i32
    %dma_start3A_10 = arith.constant 0 : i32
    %dma_start3A_11 = tpu.memref_slice %arg4[%dma_start3A, %dma_start3A_9, %dma_start3A_10] : memref<2x2512x128xi32, #tpu.memory_space<hbm>> -> memref<1x2512x128xi32, #tpu.memory_space<hbm>>
    %dma_start3A_12 = tpu.memref_squeeze %dma_start3A_11 : memref<1x2512x128xi32, #tpu.memory_space<hbm>> -> memref<2512x128xi32, #tpu.memory_space<hbm>>
    %dma_start3A_13 = arith.constant 0 : i32
    %dma_start3A_14 = tpu.memref_slice %dma_start3A_12[%mul3A_2, %dma_start3A_13] : memref<2512x128xi32, #tpu.memory_space<hbm>> -> memref<157x128xi32, #tpu.memory_space<hbm>>
    tpu.enqueue_dma source(%dma_start3A_14 : memref<157x128xi32, #tpu.memory_space<hbm>>) target(%arg11 : memref<157x128xi32, #tpu.memory_space<vmem>>) target_semaphore(%arg18 : memref<!tpu.dma_semaphore, #tpu.memory_space<semaphore_mem>>)
    %dma_start3A_15 = arith.constant 1 : i32
    %dma_start3A_16 = arith.constant 0 : i32
    %dma_start3A_17 = arith.constant 0 : i32
    %dma_start3A_18 = tpu.memref_slice %arg4[%dma_start3A_15, %dma_start3A_16, %dma_start3A_17] : memref<2x2512x128xi32, #tpu.memory_space<hbm>> -> memref<1x2512x128xi32, #tpu.memory_space<hbm>>
    %dma_start3A_19 = tpu.memref_squeeze %dma_start3A_18 : memref<1x2512x128xi32, #tpu.memory_space<hbm>> -> memref<2512x128xi32, #tpu.memory_space<hbm>>
    %dma_start3A_20 = arith.constant 0 : i32
    %dma_start3A_21 = tpu.memref_slice %dma_start3A_19[%mul3A_2, %dma_start3A_20] : memref<2512x128xi32, #tpu.memory_space<hbm>> -> memref<157x128xi32, #tpu.memory_space<hbm>>
    %dma_start3A_22 = arith.constant 0 : i32
    %dma_start3A_23 = arith.constant 0 : i32
    %dma_start3A_24 = tpu.memref_slice %arg4[%dma_start3A_15, %dma_start3A_22, %dma_start3A_23] : memref<2x2512x128xi32, #tpu.memory_space<hbm>> -> memref<1x2512x128xi32, #tpu.memory_space<hbm>>
    %dma_start3A_25 = tpu.memref_squeeze %dma_start3A_24 : memref<1x2512x128xi32, #tpu.memory_space<hbm>> -> memref<2512x128xi32, #tpu.memory_space<hbm>>
    %dma_start3A_26 = arith.constant 0 : i32
    %dma_start3A_27 = tpu.memref_slice %dma_start3A_25[%mul3A_2, %dma_start3A_26] : memref<2512x128xi32, #tpu.memory_space<hbm>> -> memref<157x128xi32, #tpu.memory_space<hbm>>
    tpu.enqueue_dma source(%dma_start3A_27 : memref<157x128xi32, #tpu.memory_space<hbm>>) target(%arg12 : memref<157x128xi32, #tpu.memory_space<vmem>>) target_semaphore(%arg19 : memref<!tpu.dma_semaphore, #tpu.memory_space<semaphore_mem>>)
    %dma_start3A_28 = arith.constant 0 : i32
    %dma_start3A_29 = tpu.memref_slice %arg17[%mul3A_0, %dma_start3A_28] : memref<10016x64xf32, #tpu.memory_space<vmem_shared>> -> memref<624x64xf32, #tpu.memory_space<vmem_shared>>
    %dma_start3A_30 = arith.constant 0 : i32
    %dma_start3A_31 = tpu.memref_slice %arg5[%mul3A_0, %dma_start3A_30] : memref<10000x64xf32, #tpu.memory_space<hbm>> -> memref<624x64xf32, #tpu.memory_space<hbm>>
    tpu.enqueue_dma source(%dma_start3A_31 : memref<624x64xf32, #tpu.memory_space<hbm>>) target(%dma_start3A_29 : memref<624x64xf32, #tpu.memory_space<vmem_shared>>) target_semaphore(%arg22 : memref<!tpu.dma_semaphore, #tpu.memory_space<semaphore_mem>>)
    "tpu.region"() ({
      %run_scoped3A = tpu.sem_alloc : memref<!tpu.dma_semaphore, #tpu.memory_space<semaphore_mem>>
      tpu.enqueue_dma source(%arg7 : memref<128x16xf32, #tpu.memory_space<hbm>>) target(%arg26 : memref<128x16xf32, #tpu.memory_space<vmem>>) target_semaphore(%run_scoped3A : memref<!tpu.dma_semaphore, #tpu.memory_space<semaphore_mem>>)
      tpu.wait_dma2 semaphore(%run_scoped3A : memref<!tpu.dma_semaphore, #tpu.memory_space<semaphore_mem>>) src(%arg7 : memref<128x16xf32, #tpu.memory_space<hbm>>) dst(%arg26 : memref<128x16xf32, #tpu.memory_space<vmem>>)
      tpu.yield
    }) : () -> ()
    %eq3A = arith.constant 0 : i32
    %eq3A_32 = arith.cmpi eq, %arg0, %eq3A : i32
    %convert_element_type3A = arith.extui %eq3A_32 : i1 to i32
    %cond3A = arith.constant 0 : i32
    %cond3A_33 = arith.cmpi ne, %convert_element_type3A, %cond3A : i32
    scf.if %cond3A_33 {
      %dma_start3A_84 = arith.constant 0 : i32
      %dma_start3A_85 = tpu.memref_slice %arg27[%mul3A_0, %dma_start3A_84] : memref<10016x16xf32, #tpu.memory_space<vmem_shared>> -> memref<624x16xf32, #tpu.memory_space<vmem_shared>>
      %dma_start3A_86 = arith.constant 0 : i32
      %dma_start3A_87 = tpu.memref_slice %arg6[%mul3A_0, %dma_start3A_86] : memref<10000x16xf32, #tpu.memory_space<hbm>> -> memref<624x16xf32, #tpu.memory_space<hbm>>
      tpu.enqueue_dma source(%dma_start3A_87 : memref<624x16xf32, #tpu.memory_space<hbm>>) target(%dma_start3A_85 : memref<624x16xf32, #tpu.memory_space<vmem_shared>>) target_semaphore(%arg23 : memref<!tpu.dma_semaphore, #tpu.memory_space<semaphore_mem>>)
    } else {
    }
    %eq3A_34 = arith.constant 15 : i32
    %eq3A_35 = arith.cmpi eq, %arg1, %eq3A_34 : i32
    %convert_element_type3A_36 = arith.extui %eq3A_35 : i1 to i32
    %cond3A_37 = arith.constant 0 : i32
    %cond3A_38 = arith.cmpi ne, %convert_element_type3A_36, %cond3A_37 : i32
    scf.if %cond3A_38 {
      %dma_start3A_84 = arith.constant 9984 : i32
      %dma_start3A_85 = arith.constant 0 : i32
      %dma_start3A_86 = tpu.memref_slice %arg17[%dma_start3A_84, %dma_start3A_85] : memref<10016x64xf32, #tpu.memory_space<vmem_shared>> -> memref<16x64xf32, #tpu.memory_space<vmem_shared>>
      %dma_start3A_87 = arith.constant 9984 : i32
      %dma_start3A_88 = arith.constant 0 : i32
      %dma_start3A_89 = tpu.memref_slice %arg5[%dma_start3A_87, %dma_start3A_88] : memref<10000x64xf32, #tpu.memory_space<hbm>> -> memref<16x64xf32, #tpu.memory_space<hbm>>
      tpu.enqueue_dma source(%dma_start3A_89 : memref<16x64xf32, #tpu.memory_space<hbm>>) target(%dma_start3A_86 : memref<16x64xf32, #tpu.memory_space<vmem_shared>>) target_semaphore(%arg22 : memref<!tpu.dma_semaphore, #tpu.memory_space<semaphore_mem>>)
      %eq3A_90 = arith.constant 0 : i32
      %eq3A_91 = arith.cmpi eq, %arg0, %eq3A_90 : i32
      %convert_element_type3A_92 = arith.extui %eq3A_91 : i1 to i32
      %cond3A_93 = arith.constant 0 : i32
      %cond3A_94 = arith.cmpi ne, %convert_element_type3A_92, %cond3A_93 : i32
      scf.if %cond3A_94 {
        %dma_start3A_95 = arith.constant 9984 : i32
        %dma_start3A_96 = arith.constant 0 : i32
        %dma_start3A_97 = tpu.memref_slice %arg27[%dma_start3A_95, %dma_start3A_96] : memref<10016x16xf32, #tpu.memory_space<vmem_shared>> -> memref<16x16xf32, #tpu.memory_space<vmem_shared>>
        %dma_start3A_98 = arith.constant 9984 : i32
        %dma_start3A_99 = arith.constant 0 : i32
        %dma_start3A_100 = tpu.memref_slice %arg6[%dma_start3A_98, %dma_start3A_99] : memref<10000x16xf32, #tpu.memory_space<hbm>> -> memref<16x16xf32, #tpu.memory_space<hbm>>
        tpu.enqueue_dma source(%dma_start3A_100 : memref<16x16xf32, #tpu.memory_space<hbm>>) target(%dma_start3A_97 : memref<16x16xf32, #tpu.memory_space<vmem_shared>>) target_semaphore(%arg23 : memref<!tpu.dma_semaphore, #tpu.memory_space<semaphore_mem>>)
      } else {
      }
    } else {
    }
    %dma_wait3A = arith.constant 0 : i32
    %dma_wait3A_39 = arith.constant 0 : i32
    %dma_wait3A_40 = arith.constant 0 : i32
    %dma_wait3A_41 = tpu.memref_slice %arg4[%dma_wait3A, %dma_wait3A_39, %dma_wait3A_40] : memref<2x2512x128xi32, #tpu.memory_space<hbm>> -> memref<1x2512x128xi32, #tpu.memory_space<hbm>>
    %dma_wait3A_42 = tpu.memref_squeeze %dma_wait3A_41 : memref<1x2512x128xi32, #tpu.memory_space<hbm>> -> memref<2512x128xi32, #tpu.memory_space<hbm>>
    %dma_wait3A_43 = arith.constant 0 : i32
    %dma_wait3A_44 = tpu.memref_slice %dma_wait3A_42[%mul3A_2, %dma_wait3A_43] : memref<2512x128xi32, #tpu.memory_space<hbm>> -> memref<157x128xi32, #tpu.memory_space<hbm>>
    %dma_wait3A_45 = arith.constant 0 : i32
    %dma_wait3A_46 = arith.constant 0 : i32
    %dma_wait3A_47 = tpu.memref_slice %arg4[%dma_wait3A, %dma_wait3A_45, %dma_wait3A_46] : memref<2x2512x128xi32, #tpu.memory_space<hbm>> -> memref<1x2512x128xi32, #tpu.memory_space<hbm>>
    %dma_wait3A_48 = tpu.memref_squeeze %dma_wait3A_47 : memref<1x2512x128xi32, #tpu.memory_space<hbm>> -> memref<2512x128xi32, #tpu.memory_space<hbm>>
    %dma_wait3A_49 = arith.constant 0 : i32
    %dma_wait3A_50 = tpu.memref_slice %dma_wait3A_48[%mul3A_2, %dma_wait3A_49] : memref<2512x128xi32, #tpu.memory_space<hbm>> -> memref<157x128xi32, #tpu.memory_space<hbm>>
    tpu.wait_dma2 semaphore(%arg18 : memref<!tpu.dma_semaphore, #tpu.memory_space<semaphore_mem>>) src(%dma_wait3A_50 : memref<157x128xi32, #tpu.memory_space<hbm>>) dst(%arg11 : memref<157x128xi32, #tpu.memory_space<vmem>>)
    %dma_wait3A_51 = arith.constant 1 : i32
    %dma_wait3A_52 = arith.constant 0 : i32
    %dma_wait3A_53 = arith.constant 0 : i32
    %dma_wait3A_54 = tpu.memref_slice %arg4[%dma_wait3A_51, %dma_wait3A_52, %dma_wait3A_53] : memref<2x2512x128xi32, #tpu.memory_space<hbm>> -> memref<1x2512x128xi32, #tpu.memory_space<hbm>>
    %dma_wait3A_55 = tpu.memref_squeeze %dma_wait3A_54 : memref<1x2512x128xi32, #tpu.memory_space<hbm>> -> memref<2512x128xi32, #tpu.memory_space<hbm>>
    %dma_wait3A_56 = arith.constant 0 : i32
    %dma_wait3A_57 = tpu.memref_slice %dma_wait3A_55[%mul3A_2, %dma_wait3A_56] : memref<2512x128xi32, #tpu.memory_space<hbm>> -> memref<157x128xi32, #tpu.memory_space<hbm>>
    %dma_wait3A_58 = arith.constant 0 : i32
    %dma_wait3A_59 = arith.constant 0 : i32
    %dma_wait3A_60 = tpu.memref_slice %arg4[%dma_wait3A_51, %dma_wait3A_58, %dma_wait3A_59] : memref<2x2512x128xi32, #tpu.memory_space<hbm>> -> memref<1x2512x128xi32, #tpu.memory_space<hbm>>
    %dma_wait3A_61 = tpu.memref_squeeze %dma_wait3A_60 : memref<1x2512x128xi32, #tpu.memory_space<hbm>> -> memref<2512x128xi32, #tpu.memory_space<hbm>>
    %dma_wait3A_62 = arith.constant 0 : i32
    %dma_wait3A_63 = tpu.memref_slice %dma_wait3A_61[%mul3A_2, %dma_wait3A_62] : memref<2512x128xi32, #tpu.memory_space<hbm>> -> memref<157x128xi32, #tpu.memory_space<hbm>>
    tpu.wait_dma2 semaphore(%arg19 : memref<!tpu.dma_semaphore, #tpu.memory_space<semaphore_mem>>) src(%dma_wait3A_63 : memref<157x128xi32, #tpu.memory_space<hbm>>) dst(%arg12 : memref<157x128xi32, #tpu.memory_space<vmem>>)
    %eq3A_64 = arith.constant 0 : i32
    %eq3A_65 = arith.cmpi eq, %arg0, %eq3A_64 : i32
    %convert_element_type3A_66 = arith.extui %eq3A_65 : i1 to i32
    %cond3A_67 = arith.constant 0 : i32
    %cond3A_68 = arith.cmpi ne, %convert_element_type3A_66, %cond3A_67 : i32
    scf.if %cond3A_68 {
      %dma_start3A_84 = arith.constant 0 : i32
      %dma_start3A_85 = arith.constant 0 : i32
      %dma_start3A_86 = tpu.memref_slice %arg11[%dma_start3A_84, %dma_start3A_85] : memref<157x128xi32, #tpu.memory_space<vmem>> -> memref<1x128xi32, #tpu.memory_space<vmem>>
      %dma_start3A_87 = tpu.memref_squeeze %dma_start3A_86 : memref<1x128xi32, #tpu.memory_space<vmem>> -> memref<128xi32, #tpu.memory_space<vmem>>
      %dma_start3A_88 = arith.constant 0 : i32
      %dma_start3A_89 = arith.constant 0 : i32
      %dma_start3A_90 = tpu.memref_slice %arg2[%dma_start3A_88, %dma_start3A_89] : memref<10000x64xf32, #tpu.memory_space<hbm>> -> memref<10000x64xf32, #tpu.memory_space<hbm>>
      tpu.enqueue_indirect_dma source(%dma_start3A_90 : memref<10000x64xf32, #tpu.memory_space<hbm>>) target(%arg13 : memref<128x64xf32, #tpu.memory_space<vmem>>) offsets(%dma_start3A_87 : memref<128xi32, #tpu.memory_space<vmem>>) semaphore(%arg18 : memref<!tpu.dma_semaphore, #tpu.memory_space<semaphore_mem>>)
      %dma_start3A_91 = arith.constant 1 : i32
      %dma_start3A_92 = arith.constant 0 : i32
      %dma_start3A_93 = tpu.memref_slice %arg11[%dma_start3A_91, %dma_start3A_92] : memref<157x128xi32, #tpu.memory_space<vmem>> -> memref<1x128xi32, #tpu.memory_space<vmem>>
      %dma_start3A_94 = tpu.memref_squeeze %dma_start3A_93 : memref<1x128xi32, #tpu.memory_space<vmem>> -> memref<128xi32, #tpu.memory_space<vmem>>
      %dma_start3A_95 = arith.constant 0 : i32
      %dma_start3A_96 = arith.constant 0 : i32
      %dma_start3A_97 = tpu.memref_slice %arg2[%dma_start3A_95, %dma_start3A_96] : memref<10000x64xf32, #tpu.memory_space<hbm>> -> memref<10000x64xf32, #tpu.memory_space<hbm>>
      tpu.enqueue_indirect_dma source(%dma_start3A_97 : memref<10000x64xf32, #tpu.memory_space<hbm>>) target(%arg14 : memref<128x64xf32, #tpu.memory_space<vmem>>) offsets(%dma_start3A_94 : memref<128xi32, #tpu.memory_space<vmem>>) semaphore(%arg19 : memref<!tpu.dma_semaphore, #tpu.memory_space<semaphore_mem>>)
      %dma_start3A_98 = arith.constant 2 : i32
      %dma_start3A_99 = arith.constant 0 : i32
      %dma_start3A_100 = tpu.memref_slice %arg11[%dma_start3A_98, %dma_start3A_99] : memref<157x128xi32, #tpu.memory_space<vmem>> -> memref<1x128xi32, #tpu.memory_space<vmem>>
      %dma_start3A_101 = tpu.memref_squeeze %dma_start3A_100 : memref<1x128xi32, #tpu.memory_space<vmem>> -> memref<128xi32, #tpu.memory_space<vmem>>
      %dma_start3A_102 = arith.constant 0 : i32
      %dma_start3A_103 = arith.constant 0 : i32
      %dma_start3A_104 = tpu.memref_slice %arg2[%dma_start3A_102, %dma_start3A_103] : memref<10000x64xf32, #tpu.memory_space<hbm>> -> memref<10000x64xf32, #tpu.memory_space<hbm>>
      tpu.enqueue_indirect_dma source(%dma_start3A_104 : memref<10000x64xf32, #tpu.memory_space<hbm>>) target(%arg15 : memref<128x64xf32, #tpu.memory_space<vmem>>) offsets(%dma_start3A_101 : memref<128xi32, #tpu.memory_space<vmem>>) semaphore(%arg20 : memref<!tpu.dma_semaphore, #tpu.memory_space<semaphore_mem>>)
      %dma_start3A_105 = arith.constant 3 : i32
      %dma_start3A_106 = arith.constant 0 : i32
      %dma_start3A_107 = tpu.memref_slice %arg11[%dma_start3A_105, %dma_start3A_106] : memref<157x128xi32, #tpu.memory_space<vmem>> -> memref<1x128xi32, #tpu.memory_space<vmem>>
      %dma_start3A_108 = tpu.memref_squeeze %dma_start3A_107 : memref<1x128xi32, #tpu.memory_space<vmem>> -> memref<128xi32, #tpu.memory_space<vmem>>
      %dma_start3A_109 = arith.constant 0 : i32
      %dma_start3A_110 = arith.constant 0 : i32
      %dma_start3A_111 = tpu.memref_slice %arg2[%dma_start3A_109, %dma_start3A_110] : memref<10000x64xf32, #tpu.memory_space<hbm>> -> memref<10000x64xf32, #tpu.memory_space<hbm>>
      tpu.enqueue_indirect_dma source(%dma_start3A_111 : memref<10000x64xf32, #tpu.memory_space<hbm>>) target(%arg16 : memref<128x64xf32, #tpu.memory_space<vmem>>) offsets(%dma_start3A_108 : memref<128xi32, #tpu.memory_space<vmem>>) semaphore(%arg21 : memref<!tpu.dma_semaphore, #tpu.memory_space<semaphore_mem>>)
      %dma_wait3A_112 = arith.constant 0 : i32
      %dma_wait3A_113 = tpu.memref_slice %arg17[%mul3A_0, %dma_wait3A_112] : memref<10016x64xf32, #tpu.memory_space<vmem_shared>> -> memref<624x64xf32, #tpu.memory_space<vmem_shared>>
      %dma_wait3A_114 = arith.constant 0 : i32
      %dma_wait3A_115 = tpu.memref_slice %arg5[%mul3A_0, %dma_wait3A_114] : memref<10000x64xf32, #tpu.memory_space<hbm>> -> memref<624x64xf32, #tpu.memory_space<hbm>>
      tpu.wait_dma2 semaphore(%arg22 : memref<!tpu.dma_semaphore, #tpu.memory_space<semaphore_mem>>) src(%dma_wait3A_115 : memref<624x64xf32, #tpu.memory_space<hbm>>) dst(%dma_wait3A_113 : memref<624x64xf32, #tpu.memory_space<vmem_shared>>)
      %eq3A_116 = arith.constant 15 : i32
      %eq3A_117 = arith.cmpi eq, %arg1, %eq3A_116 : i32
      %convert_element_type3A_118 = arith.extui %eq3A_117 : i1 to i32
      %cond3A_119 = arith.constant 0 : i32
      %cond3A_120 = arith.cmpi ne, %convert_element_type3A_118, %cond3A_119 : i32
      scf.if %cond3A_120 {
        %dma_wait3A_270 = arith.constant 9984 : i32
        %dma_wait3A_271 = arith.constant 0 : i32
        %dma_wait3A_272 = tpu.memref_slice %arg17[%dma_wait3A_270, %dma_wait3A_271] : memref<10016x64xf32, #tpu.memory_space<vmem_shared>> -> memref<16x64xf32, #tpu.memory_space<vmem_shared>>
        %dma_wait3A_273 = arith.constant 9984 : i32
        %dma_wait3A_274 = arith.constant 0 : i32
        %dma_wait3A_275 = tpu.memref_slice %arg5[%dma_wait3A_273, %dma_wait3A_274] : memref<10000x64xf32, #tpu.memory_space<hbm>> -> memref<16x64xf32, #tpu.memory_space<hbm>>
        tpu.wait_dma2 semaphore(%arg22 : memref<!tpu.dma_semaphore, #tpu.memory_space<semaphore_mem>>) src(%dma_wait3A_275 : memref<16x64xf32, #tpu.memory_space<hbm>>) dst(%dma_wait3A_272 : memref<16x64xf32, #tpu.memory_space<vmem_shared>>)
      } else {
      }
      %eq3A_121 = arith.constant 0 : i32
      %eq3A_122 = arith.cmpi eq, %arg0, %eq3A_121 : i32
      %convert_element_type3A_123 = arith.extui %eq3A_122 : i1 to i32
      %cond3A_124 = arith.constant 0 : i32
      %cond3A_125 = arith.cmpi ne, %convert_element_type3A_123, %cond3A_124 : i32
      scf.if %cond3A_125 {
        %dma_wait3A_270 = arith.constant 0 : i32
        %dma_wait3A_271 = tpu.memref_slice %arg27[%mul3A_0, %dma_wait3A_270] : memref<10016x16xf32, #tpu.memory_space<vmem_shared>> -> memref<624x16xf32, #tpu.memory_space<vmem_shared>>
        %dma_wait3A_272 = arith.constant 0 : i32
        %dma_wait3A_273 = tpu.memref_slice %arg6[%mul3A_0, %dma_wait3A_272] : memref<10000x16xf32, #tpu.memory_space<hbm>> -> memref<624x16xf32, #tpu.memory_space<hbm>>
        tpu.wait_dma2 semaphore(%arg23 : memref<!tpu.dma_semaphore, #tpu.memory_space<semaphore_mem>>) src(%dma_wait3A_273 : memref<624x16xf32, #tpu.memory_space<hbm>>) dst(%dma_wait3A_271 : memref<624x16xf32, #tpu.memory_space<vmem_shared>>)
        %eq3A_274 = arith.constant 15 : i32
        %eq3A_275 = arith.cmpi eq, %arg1, %eq3A_274 : i32
        %convert_element_type3A_276 = arith.extui %eq3A_275 : i1 to i32
        %cond3A_277 = arith.constant 0 : i32
        %cond3A_278 = arith.cmpi ne, %convert_element_type3A_276, %cond3A_277 : i32
        scf.if %cond3A_278 {
          %dma_wait3A_279 = arith.constant 9984 : i32
          %dma_wait3A_280 = arith.constant 0 : i32
          %dma_wait3A_281 = tpu.memref_slice %arg27[%dma_wait3A_279, %dma_wait3A_280] : memref<10016x16xf32, #tpu.memory_space<vmem_shared>> -> memref<16x16xf32, #tpu.memory_space<vmem_shared>>
          %dma_wait3A_282 = arith.constant 9984 : i32
          %dma_wait3A_283 = arith.constant 0 : i32
          %dma_wait3A_284 = tpu.memref_slice %arg6[%dma_wait3A_282, %dma_wait3A_283] : memref<10000x16xf32, #tpu.memory_space<hbm>> -> memref<16x16xf32, #tpu.memory_space<hbm>>
          tpu.wait_dma2 semaphore(%arg23 : memref<!tpu.dma_semaphore, #tpu.memory_space<semaphore_mem>>) src(%dma_wait3A_284 : memref<16x16xf32, #tpu.memory_space<hbm>>) dst(%dma_wait3A_281 : memref<16x16xf32, #tpu.memory_space<vmem_shared>>)
        } else {
        }
      } else {
      }
      %barrier3A_126 = arith.constant 0 : index
      tpu.barrier barrier_id(%barrier3A_126)
      %dma_wait3A_127 = arith.constant 0 : i32
      %dma_wait3A_128 = arith.constant 0 : i32
      %dma_wait3A_129 = tpu.memref_slice %arg11[%dma_wait3A_127, %dma_wait3A_128] : memref<157x128xi32, #tpu.memory_space<vmem>> -> memref<1x128xi32, #tpu.memory_space<vmem>>
      %dma_wait3A_130 = tpu.memref_squeeze %dma_wait3A_129 : memref<1x128xi32, #tpu.memory_space<vmem>> -> memref<128xi32, #tpu.memory_space<vmem>>
      %dma_wait3A_131 = arith.constant 0 : i32
      %dma_wait3A_132 = arith.constant 0 : i32
      %dma_wait3A_133 = tpu.memref_slice %arg2[%dma_wait3A_131, %dma_wait3A_132] : memref<10000x64xf32, #tpu.memory_space<hbm>> -> memref<10000x64xf32, #tpu.memory_space<hbm>>
      tpu.wait_indirect_dma semaphore(%arg18 : memref<!tpu.dma_semaphore, #tpu.memory_space<semaphore_mem>>) src(%dma_wait3A_133 : memref<10000x64xf32, #tpu.memory_space<hbm>>) dst(%arg13 : memref<128x64xf32, #tpu.memory_space<vmem>>)
      %dma_start3A_134 = arith.constant 0 : i32
      %dma_start3A_135 = arith.constant 0 : i32
      %dma_start3A_136 = tpu.memref_slice %arg12[%dma_start3A_134, %dma_start3A_135] : memref<157x128xi32, #tpu.memory_space<vmem>> -> memref<1x128xi32, #tpu.memory_space<vmem>>
      %dma_start3A_137 = tpu.memref_squeeze %dma_start3A_136 : memref<1x128xi32, #tpu.memory_space<vmem>> -> memref<128xi32, #tpu.memory_space<vmem>>
      %dma_start3A_138 = arith.constant 0 : i32
      %dma_start3A_139 = arith.constant 0 : i32
      %dma_start3A_140 = tpu.memref_slice %arg17[%dma_start3A_138, %dma_start3A_139] : memref<10016x64xf32, #tpu.memory_space<vmem_shared>> -> memref<10016x64xf32, #tpu.memory_space<vmem_shared>>
      tpu.enqueue_indirect_dma source(%arg13 : memref<128x64xf32, #tpu.memory_space<vmem>>) target(%dma_start3A_140 : memref<10016x64xf32, #tpu.memory_space<vmem_shared>>) offsets(%dma_start3A_137 : memref<128xi32, #tpu.memory_space<vmem>>) semaphore(%arg22 : memref<!tpu.dma_semaphore, #tpu.memory_space<semaphore_mem>>) {add = true}
      %eq3A_141 = arith.constant 0 : i32
      %eq3A_142 = arith.cmpi eq, %arg0, %eq3A_141 : i32
      %convert_element_type3A_143 = arith.extui %eq3A_142 : i1 to i32
      %cond3A_144 = arith.constant 0 : i32
      %cond3A_145 = arith.cmpi ne, %convert_element_type3A_143, %cond3A_144 : i32
      scf.if %cond3A_145 {
        %run_scoped3A = arith.constant 0 : i32
        "tpu.region"() ({
          %run_scoped3A_270 = tpu.sem_alloc : memref<!tpu.dma_semaphore, #tpu.memory_space<semaphore_mem>>
          %dma_start3A_271 = arith.constant 0 : i32
          %dma_start3A_272 = tpu.memref_slice %arg12[%run_scoped3A, %dma_start3A_271] : memref<157x128xi32, #tpu.memory_space<vmem>> -> memref<1x128xi32, #tpu.memory_space<vmem>>
          %dma_start3A_273 = tpu.memref_squeeze %dma_start3A_272 : memref<1x128xi32, #tpu.memory_space<vmem>> -> memref<128xi32, #tpu.memory_space<vmem>>
          %dma_start3A_274 = arith.constant 0 : i32
          %dma_start3A_275 = arith.constant 0 : i32
          %dma_start3A_276 = tpu.memref_slice %arg27[%dma_start3A_274, %dma_start3A_275] : memref<10016x16xf32, #tpu.memory_space<vmem_shared>> -> memref<10016x16xf32, #tpu.memory_space<vmem_shared>>
          tpu.enqueue_indirect_dma source(%arg26 : memref<128x16xf32, #tpu.memory_space<vmem>>) target(%dma_start3A_276 : memref<10016x16xf32, #tpu.memory_space<vmem_shared>>) offsets(%dma_start3A_273 : memref<128xi32, #tpu.memory_space<vmem>>) semaphore(%run_scoped3A_270 : memref<!tpu.dma_semaphore, #tpu.memory_space<semaphore_mem>>) {add = true}
          %dma_wait3A_277 = arith.constant 0 : i32
          %dma_wait3A_278 = tpu.memref_slice %arg12[%run_scoped3A, %dma_wait3A_277] : memref<157x128xi32, #tpu.memory_space<vmem>> -> memref<1x128xi32, #tpu.memory_space<vmem>>
          %dma_wait3A_279 = tpu.memref_squeeze %dma_wait3A_278 : memref<1x128xi32, #tpu.memory_space<vmem>> -> memref<128xi32, #tpu.memory_space<vmem>>
          %dma_wait3A_280 = arith.constant 0 : i32
          %dma_wait3A_281 = arith.constant 0 : i32
          %dma_wait3A_282 = tpu.memref_slice %arg27[%dma_wait3A_280, %dma_wait3A_281] : memref<10016x16xf32, #tpu.memory_space<vmem_shared>> -> memref<10016x16xf32, #tpu.memory_space<vmem_shared>>
          tpu.wait_indirect_dma semaphore(%run_scoped3A_270 : memref<!tpu.dma_semaphore, #tpu.memory_space<semaphore_mem>>) src(%arg26 : memref<128x16xf32, #tpu.memory_space<vmem>>) dst(%dma_wait3A_282 : memref<10016x16xf32, #tpu.memory_space<vmem_shared>>)
          tpu.yield
        }) : () -> ()
      } else {
      }
      %dma_wait3A_146 = arith.constant 1 : i32
      %dma_wait3A_147 = arith.constant 0 : i32
      %dma_wait3A_148 = tpu.memref_slice %arg11[%dma_wait3A_146, %dma_wait3A_147] : memref<157x128xi32, #tpu.memory_space<vmem>> -> memref<1x128xi32, #tpu.memory_space<vmem>>
      %dma_wait3A_149 = tpu.memref_squeeze %dma_wait3A_148 : memref<1x128xi32, #tpu.memory_space<vmem>> -> memref<128xi32, #tpu.memory_space<vmem>>
      %dma_wait3A_150 = arith.constant 0 : i32
      %dma_wait3A_151 = arith.constant 0 : i32
      %dma_wait3A_152 = tpu.memref_slice %arg2[%dma_wait3A_150, %dma_wait3A_151] : memref<10000x64xf32, #tpu.memory_space<hbm>> -> memref<10000x64xf32, #tpu.memory_space<hbm>>
      tpu.wait_indirect_dma semaphore(%arg19 : memref<!tpu.dma_semaphore, #tpu.memory_space<semaphore_mem>>) src(%dma_wait3A_152 : memref<10000x64xf32, #tpu.memory_space<hbm>>) dst(%arg14 : memref<128x64xf32, #tpu.memory_space<vmem>>)
      %dma_start3A_153 = arith.constant 1 : i32
      %dma_start3A_154 = arith.constant 0 : i32
      %dma_start3A_155 = tpu.memref_slice %arg12[%dma_start3A_153, %dma_start3A_154] : memref<157x128xi32, #tpu.memory_space<vmem>> -> memref<1x128xi32, #tpu.memory_space<vmem>>
      %dma_start3A_156 = tpu.memref_squeeze %dma_start3A_155 : memref<1x128xi32, #tpu.memory_space<vmem>> -> memref<128xi32, #tpu.memory_space<vmem>>
      %dma_start3A_157 = arith.constant 0 : i32
      %dma_start3A_158 = arith.constant 0 : i32
      %dma_start3A_159 = tpu.memref_slice %arg17[%dma_start3A_157, %dma_start3A_158] : memref<10016x64xf32, #tpu.memory_space<vmem_shared>> -> memref<10016x64xf32, #tpu.memory_space<vmem_shared>>
      tpu.enqueue_indirect_dma source(%arg14 : memref<128x64xf32, #tpu.memory_space<vmem>>) target(%dma_start3A_159 : memref<10016x64xf32, #tpu.memory_space<vmem_shared>>) offsets(%dma_start3A_156 : memref<128xi32, #tpu.memory_space<vmem>>) semaphore(%arg23 : memref<!tpu.dma_semaphore, #tpu.memory_space<semaphore_mem>>) {add = true}
      %eq3A_160 = arith.constant 0 : i32
      %eq3A_161 = arith.cmpi eq, %arg0, %eq3A_160 : i32
      %convert_element_type3A_162 = arith.extui %eq3A_161 : i1 to i32
      %cond3A_163 = arith.constant 0 : i32
      %cond3A_164 = arith.cmpi ne, %convert_element_type3A_162, %cond3A_163 : i32
      scf.if %cond3A_164 {
        %run_scoped3A = arith.constant 1 : i32
        "tpu.region"() ({
          %run_scoped3A_270 = tpu.sem_alloc : memref<!tpu.dma_semaphore, #tpu.memory_space<semaphore_mem>>
          %dma_start3A_271 = arith.constant 0 : i32
          %dma_start3A_272 = tpu.memref_slice %arg12[%run_scoped3A, %dma_start3A_271] : memref<157x128xi32, #tpu.memory_space<vmem>> -> memref<1x128xi32, #tpu.memory_space<vmem>>
          %dma_start3A_273 = tpu.memref_squeeze %dma_start3A_272 : memref<1x128xi32, #tpu.memory_space<vmem>> -> memref<128xi32, #tpu.memory_space<vmem>>
          %dma_start3A_274 = arith.constant 0 : i32
          %dma_start3A_275 = arith.constant 0 : i32
          %dma_start3A_276 = tpu.memref_slice %arg27[%dma_start3A_274, %dma_start3A_275] : memref<10016x16xf32, #tpu.memory_space<vmem_shared>> -> memref<10016x16xf32, #tpu.memory_space<vmem_shared>>
          tpu.enqueue_indirect_dma source(%arg26 : memref<128x16xf32, #tpu.memory_space<vmem>>) target(%dma_start3A_276 : memref<10016x16xf32, #tpu.memory_space<vmem_shared>>) offsets(%dma_start3A_273 : memref<128xi32, #tpu.memory_space<vmem>>) semaphore(%run_scoped3A_270 : memref<!tpu.dma_semaphore, #tpu.memory_space<semaphore_mem>>) {add = true}
          %dma_wait3A_277 = arith.constant 0 : i32
          %dma_wait3A_278 = tpu.memref_slice %arg12[%run_scoped3A, %dma_wait3A_277] : memref<157x128xi32, #tpu.memory_space<vmem>> -> memref<1x128xi32, #tpu.memory_space<vmem>>
          %dma_wait3A_279 = tpu.memref_squeeze %dma_wait3A_278 : memref<1x128xi32, #tpu.memory_space<vmem>> -> memref<128xi32, #tpu.memory_space<vmem>>
          %dma_wait3A_280 = arith.constant 0 : i32
          %dma_wait3A_281 = arith.constant 0 : i32
          %dma_wait3A_282 = tpu.memref_slice %arg27[%dma_wait3A_280, %dma_wait3A_281] : memref<10016x16xf32, #tpu.memory_space<vmem_shared>> -> memref<10016x16xf32, #tpu.memory_space<vmem_shared>>
          tpu.wait_indirect_dma semaphore(%run_scoped3A_270 : memref<!tpu.dma_semaphore, #tpu.memory_space<semaphore_mem>>) src(%arg26 : memref<128x16xf32, #tpu.memory_space<vmem>>) dst(%dma_wait3A_282 : memref<10016x16xf32, #tpu.memory_space<vmem_shared>>)
          tpu.yield
        }) : () -> ()
      } else {
      }
      %scan3A = arith.constant 0 : i32
      %scan3A_165 = arith.constant 1 : i32
      %scan3A_166 = arith.constant 38 : i32
      %scan3A_167 = arith.addi %scan3A_165, %scan3A_166 : i32
      %scan3A_168 = arith.constant 1 : i32
      %scan3A_169 = scf.for %scan3A_270 = %scan3A_165 to %scan3A_167 step %scan3A_168 iter_args(%scan3A_271 = %scan3A) -> (i32)  : i32 {
        %mul3A_272 = arith.constant 4 : i32
        %mul3A_273 = arith.muli %scan3A_270, %mul3A_272 : i32
        %add3A = arith.constant 0 : i32
        %add3A_274 = arith.addi %mul3A_273, %add3A : i32
        %sub3A = arith.constant 4 : i32
        %sub3A_275 = arith.subi %add3A_274, %sub3A : i32
        %dma_wait3A_276 = arith.constant 0 : i32
        %dma_wait3A_277 = tpu.memref_slice %arg12[%sub3A_275, %dma_wait3A_276] : memref<157x128xi32, #tpu.memory_space<vmem>> -> memref<1x128xi32, #tpu.memory_space<vmem>>
        %dma_wait3A_278 = tpu.memref_squeeze %dma_wait3A_277 : memref<1x128xi32, #tpu.memory_space<vmem>> -> memref<128xi32, #tpu.memory_space<vmem>>
        %dma_wait3A_279 = arith.constant 0 : i32
        %dma_wait3A_280 = arith.constant 0 : i32
        %dma_wait3A_281 = tpu.memref_slice %arg17[%dma_wait3A_279, %dma_wait3A_280] : memref<10016x64xf32, #tpu.memory_space<vmem_shared>> -> memref<10016x64xf32, #tpu.memory_space<vmem_shared>>
        tpu.wait_indirect_dma semaphore(%arg22 : memref<!tpu.dma_semaphore, #tpu.memory_space<semaphore_mem>>) src(%arg13 : memref<128x64xf32, #tpu.memory_space<vmem>>) dst(%dma_wait3A_281 : memref<10016x64xf32, #tpu.memory_space<vmem_shared>>)
        %dma_start3A_282 = arith.constant 0 : i32
        %dma_start3A_283 = tpu.memref_slice %arg11[%add3A_274, %dma_start3A_282] : memref<157x128xi32, #tpu.memory_space<vmem>> -> memref<1x128xi32, #tpu.memory_space<vmem>>
        %dma_start3A_284 = tpu.memref_squeeze %dma_start3A_283 : memref<1x128xi32, #tpu.memory_space<vmem>> -> memref<128xi32, #tpu.memory_space<vmem>>
        %dma_start3A_285 = arith.constant 0 : i32
        %dma_start3A_286 = arith.constant 0 : i32
        %dma_start3A_287 = tpu.memref_slice %arg2[%dma_start3A_285, %dma_start3A_286] : memref<10000x64xf32, #tpu.memory_space<hbm>> -> memref<10000x64xf32, #tpu.memory_space<hbm>>
        tpu.enqueue_indirect_dma source(%dma_start3A_287 : memref<10000x64xf32, #tpu.memory_space<hbm>>) target(%arg13 : memref<128x64xf32, #tpu.memory_space<vmem>>) offsets(%dma_start3A_284 : memref<128xi32, #tpu.memory_space<vmem>>) semaphore(%arg18 : memref<!tpu.dma_semaphore, #tpu.memory_space<semaphore_mem>>)
        %sub3A_288 = arith.constant 2 : i32
        %sub3A_289 = arith.subi %add3A_274, %sub3A_288 : i32
        %dma_wait3A_290 = arith.constant 0 : i32
        %dma_wait3A_291 = tpu.memref_slice %arg11[%sub3A_289, %dma_wait3A_290] : memref<157x128xi32, #tpu.memory_space<vmem>> -> memref<1x128xi32, #tpu.memory_space<vmem>>
        %dma_wait3A_292 = tpu.memref_squeeze %dma_wait3A_291 : memref<1x128xi32, #tpu.memory_space<vmem>> -> memref<128xi32, #tpu.memory_space<vmem>>
        %dma_wait3A_293 = arith.constant 0 : i32
        %dma_wait3A_294 = arith.constant 0 : i32
        %dma_wait3A_295 = tpu.memref_slice %arg2[%dma_wait3A_293, %dma_wait3A_294] : memref<10000x64xf32, #tpu.memory_space<hbm>> -> memref<10000x64xf32, #tpu.memory_space<hbm>>
        tpu.wait_indirect_dma semaphore(%arg20 : memref<!tpu.dma_semaphore, #tpu.memory_space<semaphore_mem>>) src(%dma_wait3A_295 : memref<10000x64xf32, #tpu.memory_space<hbm>>) dst(%arg15 : memref<128x64xf32, #tpu.memory_space<vmem>>)
        %sub3A_296 = arith.constant 2 : i32
        %sub3A_297 = arith.subi %add3A_274, %sub3A_296 : i32
        %dma_start3A_298 = arith.constant 0 : i32
        %dma_start3A_299 = tpu.memref_slice %arg12[%sub3A_297, %dma_start3A_298] : memref<157x128xi32, #tpu.memory_space<vmem>> -> memref<1x128xi32, #tpu.memory_space<vmem>>
        %dma_start3A_300 = tpu.memref_squeeze %dma_start3A_299 : memref<1x128xi32, #tpu.memory_space<vmem>> -> memref<128xi32, #tpu.memory_space<vmem>>
        %dma_start3A_301 = arith.constant 0 : i32
        %dma_start3A_302 = arith.constant 0 : i32
        %dma_start3A_303 = tpu.memref_slice %arg17[%dma_start3A_301, %dma_start3A_302] : memref<10016x64xf32, #tpu.memory_space<vmem_shared>> -> memref<10016x64xf32, #tpu.memory_space<vmem_shared>>
        tpu.enqueue_indirect_dma source(%arg15 : memref<128x64xf32, #tpu.memory_space<vmem>>) target(%dma_start3A_303 : memref<10016x64xf32, #tpu.memory_space<vmem_shared>>) offsets(%dma_start3A_300 : memref<128xi32, #tpu.memory_space<vmem>>) semaphore(%arg24 : memref<!tpu.dma_semaphore, #tpu.memory_space<semaphore_mem>>) {add = true}
        %eq3A_304 = arith.constant 0 : i32
        %eq3A_305 = arith.cmpi eq, %arg0, %eq3A_304 : i32
        %convert_element_type3A_306 = arith.extui %eq3A_305 : i1 to i32
        %cond3A_307 = arith.constant 0 : i32
        %cond3A_308 = arith.cmpi ne, %convert_element_type3A_306, %cond3A_307 : i32
        scf.if %cond3A_308 {
          "tpu.region"() ({
            %run_scoped3A = tpu.sem_alloc : memref<!tpu.dma_semaphore, #tpu.memory_space<semaphore_mem>>
            %dma_start3A_427 = arith.constant 0 : i32
            %dma_start3A_428 = tpu.memref_slice %arg12[%sub3A_297, %dma_start3A_427] : memref<157x128xi32, #tpu.memory_space<vmem>> -> memref<1x128xi32, #tpu.memory_space<vmem>>
            %dma_start3A_429 = tpu.memref_squeeze %dma_start3A_428 : memref<1x128xi32, #tpu.memory_space<vmem>> -> memref<128xi32, #tpu.memory_space<vmem>>
            %dma_start3A_430 = arith.constant 0 : i32
            %dma_start3A_431 = arith.constant 0 : i32
            %dma_start3A_432 = tpu.memref_slice %arg27[%dma_start3A_430, %dma_start3A_431] : memref<10016x16xf32, #tpu.memory_space<vmem_shared>> -> memref<10016x16xf32, #tpu.memory_space<vmem_shared>>
            tpu.enqueue_indirect_dma source(%arg26 : memref<128x16xf32, #tpu.memory_space<vmem>>) target(%dma_start3A_432 : memref<10016x16xf32, #tpu.memory_space<vmem_shared>>) offsets(%dma_start3A_429 : memref<128xi32, #tpu.memory_space<vmem>>) semaphore(%run_scoped3A : memref<!tpu.dma_semaphore, #tpu.memory_space<semaphore_mem>>) {add = true}
            %dma_wait3A_433 = arith.constant 0 : i32
            %dma_wait3A_434 = tpu.memref_slice %arg12[%sub3A_297, %dma_wait3A_433] : memref<157x128xi32, #tpu.memory_space<vmem>> -> memref<1x128xi32, #tpu.memory_space<vmem>>
            %dma_wait3A_435 = tpu.memref_squeeze %dma_wait3A_434 : memref<1x128xi32, #tpu.memory_space<vmem>> -> memref<128xi32, #tpu.memory_space<vmem>>
            %dma_wait3A_436 = arith.constant 0 : i32
            %dma_wait3A_437 = arith.constant 0 : i32
            %dma_wait3A_438 = tpu.memref_slice %arg27[%dma_wait3A_436, %dma_wait3A_437] : memref<10016x16xf32, #tpu.memory_space<vmem_shared>> -> memref<10016x16xf32, #tpu.memory_space<vmem_shared>>
            tpu.wait_indirect_dma semaphore(%run_scoped3A : memref<!tpu.dma_semaphore, #tpu.memory_space<semaphore_mem>>) src(%arg26 : memref<128x16xf32, #tpu.memory_space<vmem>>) dst(%dma_wait3A_438 : memref<10016x16xf32, #tpu.memory_space<vmem_shared>>)
            tpu.yield
          }) : () -> ()
        } else {
        }
        %mul3A_309 = arith.constant 4 : i32
        %mul3A_310 = arith.muli %scan3A_270, %mul3A_309 : i32
        %add3A_311 = arith.constant 1 : i32
        %add3A_312 = arith.addi %mul3A_310, %add3A_311 : i32
        %sub3A_313 = arith.constant 4 : i32
        %sub3A_314 = arith.subi %add3A_312, %sub3A_313 : i32
        %dma_wait3A_315 = arith.constant 0 : i32
        %dma_wait3A_316 = tpu.memref_slice %arg12[%sub3A_314, %dma_wait3A_315] : memref<157x128xi32, #tpu.memory_space<vmem>> -> memref<1x128xi32, #tpu.memory_space<vmem>>
        %dma_wait3A_317 = tpu.memref_squeeze %dma_wait3A_316 : memref<1x128xi32, #tpu.memory_space<vmem>> -> memref<128xi32, #tpu.memory_space<vmem>>
        %dma_wait3A_318 = arith.constant 0 : i32
        %dma_wait3A_319 = arith.constant 0 : i32
        %dma_wait3A_320 = tpu.memref_slice %arg17[%dma_wait3A_318, %dma_wait3A_319] : memref<10016x64xf32, #tpu.memory_space<vmem_shared>> -> memref<10016x64xf32, #tpu.memory_space<vmem_shared>>
        tpu.wait_indirect_dma semaphore(%arg23 : memref<!tpu.dma_semaphore, #tpu.memory_space<semaphore_mem>>) src(%arg14 : memref<128x64xf32, #tpu.memory_space<vmem>>) dst(%dma_wait3A_320 : memref<10016x64xf32, #tpu.memory_space<vmem_shared>>)
        %dma_start3A_321 = arith.constant 0 : i32
        %dma_start3A_322 = tpu.memref_slice %arg11[%add3A_312, %dma_start3A_321] : memref<157x128xi32, #tpu.memory_space<vmem>> -> memref<1x128xi32, #tpu.memory_space<vmem>>
        %dma_start3A_323 = tpu.memref_squeeze %dma_start3A_322 : memref<1x128xi32, #tpu.memory_space<vmem>> -> memref<128xi32, #tpu.memory_space<vmem>>
        %dma_start3A_324 = arith.constant 0 : i32
        %dma_start3A_325 = arith.constant 0 : i32
        %dma_start3A_326 = tpu.memref_slice %arg2[%dma_start3A_324, %dma_start3A_325] : memref<10000x64xf32, #tpu.memory_space<hbm>> -> memref<10000x64xf32, #tpu.memory_space<hbm>>
        tpu.enqueue_indirect_dma source(%dma_start3A_326 : memref<10000x64xf32, #tpu.memory_space<hbm>>) target(%arg14 : memref<128x64xf32, #tpu.memory_space<vmem>>) offsets(%dma_start3A_323 : memref<128xi32, #tpu.memory_space<vmem>>) semaphore(%arg19 : memref<!tpu.dma_semaphore, #tpu.memory_space<semaphore_mem>>)
        %sub3A_327 = arith.constant 2 : i32
        %sub3A_328 = arith.subi %add3A_312, %sub3A_327 : i32
        %dma_wait3A_329 = arith.constant 0 : i32
        %dma_wait3A_330 = tpu.memref_slice %arg11[%sub3A_328, %dma_wait3A_329] : memref<157x128xi32, #tpu.memory_space<vmem>> -> memref<1x128xi32, #tpu.memory_space<vmem>>
        %dma_wait3A_331 = tpu.memref_squeeze %dma_wait3A_330 : memref<1x128xi32, #tpu.memory_space<vmem>> -> memref<128xi32, #tpu.memory_space<vmem>>
        %dma_wait3A_332 = arith.constant 0 : i32
        %dma_wait3A_333 = arith.constant 0 : i32
        %dma_wait3A_334 = tpu.memref_slice %arg2[%dma_wait3A_332, %dma_wait3A_333] : memref<10000x64xf32, #tpu.memory_space<hbm>> -> memref<10000x64xf32, #tpu.memory_space<hbm>>
        tpu.wait_indirect_dma semaphore(%arg21 : memref<!tpu.dma_semaphore, #tpu.memory_space<semaphore_mem>>) src(%dma_wait3A_334 : memref<10000x64xf32, #tpu.memory_space<hbm>>) dst(%arg16 : memref<128x64xf32, #tpu.memory_space<vmem>>)
        %sub3A_335 = arith.constant 2 : i32
        %sub3A_336 = arith.subi %add3A_312, %sub3A_335 : i32
        %dma_start3A_337 = arith.constant 0 : i32
        %dma_start3A_338 = tpu.memref_slice %arg12[%sub3A_336, %dma_start3A_337] : memref<157x128xi32, #tpu.memory_space<vmem>> -> memref<1x128xi32, #tpu.memory_space<vmem>>
        %dma_start3A_339 = tpu.memref_squeeze %dma_start3A_338 : memref<1x128xi32, #tpu.memory_space<vmem>> -> memref<128xi32, #tpu.memory_space<vmem>>
        %dma_start3A_340 = arith.constant 0 : i32
        %dma_start3A_341 = arith.constant 0 : i32
        %dma_start3A_342 = tpu.memref_slice %arg17[%dma_start3A_340, %dma_start3A_341] : memref<10016x64xf32, #tpu.memory_space<vmem_shared>> -> memref<10016x64xf32, #tpu.memory_space<vmem_shared>>
        tpu.enqueue_indirect_dma source(%arg16 : memref<128x64xf32, #tpu.memory_space<vmem>>) target(%dma_start3A_342 : memref<10016x64xf32, #tpu.memory_space<vmem_shared>>) offsets(%dma_start3A_339 : memref<128xi32, #tpu.memory_space<vmem>>) semaphore(%arg25 : memref<!tpu.dma_semaphore, #tpu.memory_space<semaphore_mem>>) {add = true}
        %eq3A_343 = arith.constant 0 : i32
        %eq3A_344 = arith.cmpi eq, %arg0, %eq3A_343 : i32
        %convert_element_type3A_345 = arith.extui %eq3A_344 : i1 to i32
        %cond3A_346 = arith.constant 0 : i32
        %cond3A_347 = arith.cmpi ne, %convert_element_type3A_345, %cond3A_346 : i32
        scf.if %cond3A_347 {
          "tpu.region"() ({
            %run_scoped3A = tpu.sem_alloc : memref<!tpu.dma_semaphore, #tpu.memory_space<semaphore_mem>>
            %dma_start3A_427 = arith.constant 0 : i32
            %dma_start3A_428 = tpu.memref_slice %arg12[%sub3A_336, %dma_start3A_427] : memref<157x128xi32, #tpu.memory_space<vmem>> -> memref<1x128xi32, #tpu.memory_space<vmem>>
            %dma_start3A_429 = tpu.memref_squeeze %dma_start3A_428 : memref<1x128xi32, #tpu.memory_space<vmem>> -> memref<128xi32, #tpu.memory_space<vmem>>
            %dma_start3A_430 = arith.constant 0 : i32
            %dma_start3A_431 = arith.constant 0 : i32
            %dma_start3A_432 = tpu.memref_slice %arg27[%dma_start3A_430, %dma_start3A_431] : memref<10016x16xf32, #tpu.memory_space<vmem_shared>> -> memref<10016x16xf32, #tpu.memory_space<vmem_shared>>
            tpu.enqueue_indirect_dma source(%arg26 : memref<128x16xf32, #tpu.memory_space<vmem>>) target(%dma_start3A_432 : memref<10016x16xf32, #tpu.memory_space<vmem_shared>>) offsets(%dma_start3A_429 : memref<128xi32, #tpu.memory_space<vmem>>) semaphore(%run_scoped3A : memref<!tpu.dma_semaphore, #tpu.memory_space<semaphore_mem>>) {add = true}
            %dma_wait3A_433 = arith.constant 0 : i32
            %dma_wait3A_434 = tpu.memref_slice %arg12[%sub3A_336, %dma_wait3A_433] : memref<157x128xi32, #tpu.memory_space<vmem>> -> memref<1x128xi32, #tpu.memory_space<vmem>>
            %dma_wait3A_435 = tpu.memref_squeeze %dma_wait3A_434 : memref<1x128xi32, #tpu.memory_space<vmem>> -> memref<128xi32, #tpu.memory_space<vmem>>
            %dma_wait3A_436 = arith.constant 0 : i32
            %dma_wait3A_437 = arith.constant 0 : i32
            %dma_wait3A_438 = tpu.memref_slice %arg27[%dma_wait3A_436, %dma_wait3A_437] : memref<10016x16xf32, #tpu.memory_space<vmem_shared>> -> memref<10016x16xf32, #tpu.memory_space<vmem_shared>>
            tpu.wait_indirect_dma semaphore(%run_scoped3A : memref<!tpu.dma_semaphore, #tpu.memory_space<semaphore_mem>>) src(%arg26 : memref<128x16xf32, #tpu.memory_space<vmem>>) dst(%dma_wait3A_438 : memref<10016x16xf32, #tpu.memory_space<vmem_shared>>)
            tpu.yield
          }) : () -> ()
        } else {
        }
        %mul3A_348 = arith.constant 4 : i32
        %mul3A_349 = arith.muli %scan3A_270, %mul3A_348 : i32
        %add3A_350 = arith.constant 2 : i32
        %add3A_351 = arith.addi %mul3A_349, %add3A_350 : i32
        %sub3A_352 = arith.constant 4 : i32
        %sub3A_353 = arith.subi %add3A_351, %sub3A_352 : i32
        %dma_wait3A_354 = arith.constant 0 : i32
        %dma_wait3A_355 = tpu.memref_slice %arg12[%sub3A_353, %dma_wait3A_354] : memref<157x128xi32, #tpu.memory_space<vmem>> -> memref<1x128xi32, #tpu.memory_space<vmem>>
        %dma_wait3A_356 = tpu.memref_squeeze %dma_wait3A_355 : memref<1x128xi32, #tpu.memory_space<vmem>> -> memref<128xi32, #tpu.memory_space<vmem>>
        %dma_wait3A_357 = arith.constant 0 : i32
        %dma_wait3A_358 = arith.constant 0 : i32
        %dma_wait3A_359 = tpu.memref_slice %arg17[%dma_wait3A_357, %dma_wait3A_358] : memref<10016x64xf32, #tpu.memory_space<vmem_shared>> -> memref<10016x64xf32, #tpu.memory_space<vmem_shared>>
        tpu.wait_indirect_dma semaphore(%arg24 : memref<!tpu.dma_semaphore, #tpu.memory_space<semaphore_mem>>) src(%arg15 : memref<128x64xf32, #tpu.memory_space<vmem>>) dst(%dma_wait3A_359 : memref<10016x64xf32, #tpu.memory_space<vmem_shared>>)
        %dma_start3A_360 = arith.constant 0 : i32
        %dma_start3A_361 = tpu.memref_slice %arg11[%add3A_351, %dma_start3A_360] : memref<157x128xi32, #tpu.memory_space<vmem>> -> memref<1x128xi32, #tpu.memory_space<vmem>>
        %dma_start3A_362 = tpu.memref_squeeze %dma_start3A_361 : memref<1x128xi32, #tpu.memory_space<vmem>> -> memref<128xi32, #tpu.memory_space<vmem>>
        %dma_start3A_363 = arith.constant 0 : i32
        %dma_start3A_364 = arith.constant 0 : i32
        %dma_start3A_365 = tpu.memref_slice %arg2[%dma_start3A_363, %dma_start3A_364] : memref<10000x64xf32, #tpu.memory_space<hbm>> -> memref<10000x64xf32, #tpu.memory_space<hbm>>
        tpu.enqueue_indirect_dma source(%dma_start3A_365 : memref<10000x64xf32, #tpu.memory_space<hbm>>) target(%arg15 : memref<128x64xf32, #tpu.memory_space<vmem>>) offsets(%dma_start3A_362 : memref<128xi32, #tpu.memory_space<vmem>>) semaphore(%arg20 : memref<!tpu.dma_semaphore, #tpu.memory_space<semaphore_mem>>)
        %sub3A_366 = arith.constant 2 : i32
        %sub3A_367 = arith.subi %add3A_351, %sub3A_366 : i32
        %dma_wait3A_368 = arith.constant 0 : i32
        %dma_wait3A_369 = tpu.memref_slice %arg11[%sub3A_367, %dma_wait3A_368] : memref<157x128xi32, #tpu.memory_space<vmem>> -> memref<1x128xi32, #tpu.memory_space<vmem>>
        %dma_wait3A_370 = tpu.memref_squeeze %dma_wait3A_369 : memref<1x128xi32, #tpu.memory_space<vmem>> -> memref<128xi32, #tpu.memory_space<vmem>>
        %dma_wait3A_371 = arith.constant 0 : i32
        %dma_wait3A_372 = arith.constant 0 : i32
        %dma_wait3A_373 = tpu.memref_slice %arg2[%dma_wait3A_371, %dma_wait3A_372] : memref<10000x64xf32, #tpu.memory_space<hbm>> -> memref<10000x64xf32, #tpu.memory_space<hbm>>
        tpu.wait_indirect_dma semaphore(%arg18 : memref<!tpu.dma_semaphore, #tpu.memory_space<semaphore_mem>>) src(%dma_wait3A_373 : memref<10000x64xf32, #tpu.memory_space<hbm>>) dst(%arg13 : memref<128x64xf32, #tpu.memory_space<vmem>>)
        %sub3A_374 = arith.constant 2 : i32
        %sub3A_375 = arith.subi %add3A_351, %sub3A_374 : i32
        %dma_start3A_376 = arith.constant 0 : i32
        %dma_start3A_377 = tpu.memref_slice %arg12[%sub3A_375, %dma_start3A_376] : memref<157x128xi32, #tpu.memory_space<vmem>> -> memref<1x128xi32, #tpu.memory_space<vmem>>
        %dma_start3A_378 = tpu.memref_squeeze %dma_start3A_377 : memref<1x128xi32, #tpu.memory_space<vmem>> -> memref<128xi32, #tpu.memory_space<vmem>>
        %dma_start3A_379 = arith.constant 0 : i32
        %dma_start3A_380 = arith.constant 0 : i32
        %dma_start3A_381 = tpu.memref_slice %arg17[%dma_start3A_379, %dma_start3A_380] : memref<10016x64xf32, #tpu.memory_space<vmem_shared>> -> memref<10016x64xf32, #tpu.memory_space<vmem_shared>>
        tpu.enqueue_indirect_dma source(%arg13 : memref<128x64xf32, #tpu.memory_space<vmem>>) target(%dma_start3A_381 : memref<10016x64xf32, #tpu.memory_space<vmem_shared>>) offsets(%dma_start3A_378 : memref<128xi32, #tpu.memory_space<vmem>>) semaphore(%arg22 : memref<!tpu.dma_semaphore, #tpu.memory_space<semaphore_mem>>) {add = true}
        %eq3A_382 = arith.constant 0 : i32
        %eq3A_383 = arith.cmpi eq, %arg0, %eq3A_382 : i32
        %convert_element_type3A_384 = arith.extui %eq3A_383 : i1 to i32
        %cond3A_385 = arith.constant 0 : i32
        %cond3A_386 = arith.cmpi ne, %convert_element_type3A_384, %cond3A_385 : i32
        scf.if %cond3A_386 {
          "tpu.region"() ({
            %run_scoped3A = tpu.sem_alloc : memref<!tpu.dma_semaphore, #tpu.memory_space<semaphore_mem>>
            %dma_start3A_427 = arith.constant 0 : i32
            %dma_start3A_428 = tpu.memref_slice %arg12[%sub3A_375, %dma_start3A_427] : memref<157x128xi32, #tpu.memory_space<vmem>> -> memref<1x128xi32, #tpu.memory_space<vmem>>
            %dma_start3A_429 = tpu.memref_squeeze %dma_start3A_428 : memref<1x128xi32, #tpu.memory_space<vmem>> -> memref<128xi32, #tpu.memory_space<vmem>>
            %dma_start3A_430 = arith.constant 0 : i32
            %dma_start3A_431 = arith.constant 0 : i32
            %dma_start3A_432 = tpu.memref_slice %arg27[%dma_start3A_430, %dma_start3A_431] : memref<10016x16xf32, #tpu.memory_space<vmem_shared>> -> memref<10016x16xf32, #tpu.memory_space<vmem_shared>>
            tpu.enqueue_indirect_dma source(%arg26 : memref<128x16xf32, #tpu.memory_space<vmem>>) target(%dma_start3A_432 : memref<10016x16xf32, #tpu.memory_space<vmem_shared>>) offsets(%dma_start3A_429 : memref<128xi32, #tpu.memory_space<vmem>>) semaphore(%run_scoped3A : memref<!tpu.dma_semaphore, #tpu.memory_space<semaphore_mem>>) {add = true}
            %dma_wait3A_433 = arith.constant 0 : i32
            %dma_wait3A_434 = tpu.memref_slice %arg12[%sub3A_375, %dma_wait3A_433] : memref<157x128xi32, #tpu.memory_space<vmem>> -> memref<1x128xi32, #tpu.memory_space<vmem>>
            %dma_wait3A_435 = tpu.memref_squeeze %dma_wait3A_434 : memref<1x128xi32, #tpu.memory_space<vmem>> -> memref<128xi32, #tpu.memory_space<vmem>>
            %dma_wait3A_436 = arith.constant 0 : i32
            %dma_wait3A_437 = arith.constant 0 : i32
            %dma_wait3A_438 = tpu.memref_slice %arg27[%dma_wait3A_436, %dma_wait3A_437] : memref<10016x16xf32, #tpu.memory_space<vmem_shared>> -> memref<10016x16xf32, #tpu.memory_space<vmem_shared>>
            tpu.wait_indirect_dma semaphore(%run_scoped3A : memref<!tpu.dma_semaphore, #tpu.memory_space<semaphore_mem>>) src(%arg26 : memref<128x16xf32, #tpu.memory_space<vmem>>) dst(%dma_wait3A_438 : memref<10016x16xf32, #tpu.memory_space<vmem_shared>>)
            tpu.yield
          }) : () -> ()
        } else {
        }
        %mul3A_387 = arith.constant 4 : i32
        %mul3A_388 = arith.muli %scan3A_270, %mul3A_387 : i32
        %add3A_389 = arith.constant 3 : i32
        %add3A_390 = arith.addi %mul3A_388, %add3A_389 : i32
        %sub3A_391 = arith.constant 4 : i32
        %sub3A_392 = arith.subi %add3A_390, %sub3A_391 : i32
        %dma_wait3A_393 = arith.constant 0 : i32
        %dma_wait3A_394 = tpu.memref_slice %arg12[%sub3A_392, %dma_wait3A_393] : memref<157x128xi32, #tpu.memory_space<vmem>> -> memref<1x128xi32, #tpu.memory_space<vmem>>
        %dma_wait3A_395 = tpu.memref_squeeze %dma_wait3A_394 : memref<1x128xi32, #tpu.memory_space<vmem>> -> memref<128xi32, #tpu.memory_space<vmem>>
        %dma_wait3A_396 = arith.constant 0 : i32
        %dma_wait3A_397 = arith.constant 0 : i32
        %dma_wait3A_398 = tpu.memref_slice %arg17[%dma_wait3A_396, %dma_wait3A_397] : memref<10016x64xf32, #tpu.memory_space<vmem_shared>> -> memref<10016x64xf32, #tpu.memory_space<vmem_shared>>
        tpu.wait_indirect_dma semaphore(%arg25 : memref<!tpu.dma_semaphore, #tpu.memory_space<semaphore_mem>>) src(%arg16 : memref<128x64xf32, #tpu.memory_space<vmem>>) dst(%dma_wait3A_398 : memref<10016x64xf32, #tpu.memory_space<vmem_shared>>)
        %dma_start3A_399 = arith.constant 0 : i32
        %dma_start3A_400 = tpu.memref_slice %arg11[%add3A_390, %dma_start3A_399] : memref<157x128xi32, #tpu.memory_space<vmem>> -> memref<1x128xi32, #tpu.memory_space<vmem>>
        %dma_start3A_401 = tpu.memref_squeeze %dma_start3A_400 : memref<1x128xi32, #tpu.memory_space<vmem>> -> memref<128xi32, #tpu.memory_space<vmem>>
        %dma_start3A_402 = arith.constant 0 : i32
        %dma_start3A_403 = arith.constant 0 : i32
        %dma_start3A_404 = tpu.memref_slice %arg2[%dma_start3A_402, %dma_start3A_403] : memref<10000x64xf32, #tpu.memory_space<hbm>> -> memref<10000x64xf32, #tpu.memory_space<hbm>>
        tpu.enqueue_indirect_dma source(%dma_start3A_404 : memref<10000x64xf32, #tpu.memory_space<hbm>>) target(%arg16 : memref<128x64xf32, #tpu.memory_space<vmem>>) offsets(%dma_start3A_401 : memref<128xi32, #tpu.memory_space<vmem>>) semaphore(%arg21 : memref<!tpu.dma_semaphore, #tpu.memory_space<semaphore_mem>>)
        %sub3A_405 = arith.constant 2 : i32
        %sub3A_406 = arith.subi %add3A_390, %sub3A_405 : i32
        %dma_wait3A_407 = arith.constant 0 : i32
        %dma_wait3A_408 = tpu.memref_slice %arg11[%sub3A_406, %dma_wait3A_407] : memref<157x128xi32, #tpu.memory_space<vmem>> -> memref<1x128xi32, #tpu.memory_space<vmem>>
        %dma_wait3A_409 = tpu.memref_squeeze %dma_wait3A_408 : memref<1x128xi32, #tpu.memory_space<vmem>> -> memref<128xi32, #tpu.memory_space<vmem>>
        %dma_wait3A_410 = arith.constant 0 : i32
        %dma_wait3A_411 = arith.constant 0 : i32
        %dma_wait3A_412 = tpu.memref_slice %arg2[%dma_wait3A_410, %dma_wait3A_411] : memref<10000x64xf32, #tpu.memory_space<hbm>> -> memref<10000x64xf32, #tpu.memory_space<hbm>>
        tpu.wait_indirect_dma semaphore(%arg19 : memref<!tpu.dma_semaphore, #tpu.memory_space<semaphore_mem>>) src(%dma_wait3A_412 : memref<10000x64xf32, #tpu.memory_space<hbm>>) dst(%arg14 : memref<128x64xf32, #tpu.memory_space<vmem>>)
        %sub3A_413 = arith.constant 2 : i32
        %sub3A_414 = arith.subi %add3A_390, %sub3A_413 : i32
        %dma_start3A_415 = arith.constant 0 : i32
        %dma_start3A_416 = tpu.memref_slice %arg12[%sub3A_414, %dma_start3A_415] : memref<157x128xi32, #tpu.memory_space<vmem>> -> memref<1x128xi32, #tpu.memory_space<vmem>>
        %dma_start3A_417 = tpu.memref_squeeze %dma_start3A_416 : memref<1x128xi32, #tpu.memory_space<vmem>> -> memref<128xi32, #tpu.memory_space<vmem>>
        %dma_start3A_418 = arith.constant 0 : i32
        %dma_start3A_419 = arith.constant 0 : i32
        %dma_start3A_420 = tpu.memref_slice %arg17[%dma_start3A_418, %dma_start3A_419] : memref<10016x64xf32, #tpu.memory_space<vmem_shared>> -> memref<10016x64xf32, #tpu.memory_space<vmem_shared>>
        tpu.enqueue_indirect_dma source(%arg14 : memref<128x64xf32, #tpu.memory_space<vmem>>) target(%dma_start3A_420 : memref<10016x64xf32, #tpu.memory_space<vmem_shared>>) offsets(%dma_start3A_417 : memref<128xi32, #tpu.memory_space<vmem>>) semaphore(%arg23 : memref<!tpu.dma_semaphore, #tpu.memory_space<semaphore_mem>>) {add = true}
        %eq3A_421 = arith.constant 0 : i32
        %eq3A_422 = arith.cmpi eq, %arg0, %eq3A_421 : i32
        %convert_element_type3A_423 = arith.extui %eq3A_422 : i1 to i32
        %cond3A_424 = arith.constant 0 : i32
        %cond3A_425 = arith.cmpi ne, %convert_element_type3A_423, %cond3A_424 : i32
        scf.if %cond3A_425 {
          "tpu.region"() ({
            %run_scoped3A = tpu.sem_alloc : memref<!tpu.dma_semaphore, #tpu.memory_space<semaphore_mem>>
            %dma_start3A_427 = arith.constant 0 : i32
            %dma_start3A_428 = tpu.memref_slice %arg12[%sub3A_414, %dma_start3A_427] : memref<157x128xi32, #tpu.memory_space<vmem>> -> memref<1x128xi32, #tpu.memory_space<vmem>>
            %dma_start3A_429 = tpu.memref_squeeze %dma_start3A_428 : memref<1x128xi32, #tpu.memory_space<vmem>> -> memref<128xi32, #tpu.memory_space<vmem>>
            %dma_start3A_430 = arith.constant 0 : i32
            %dma_start3A_431 = arith.constant 0 : i32
            %dma_start3A_432 = tpu.memref_slice %arg27[%dma_start3A_430, %dma_start3A_431] : memref<10016x16xf32, #tpu.memory_space<vmem_shared>> -> memref<10016x16xf32, #tpu.memory_space<vmem_shared>>
            tpu.enqueue_indirect_dma source(%arg26 : memref<128x16xf32, #tpu.memory_space<vmem>>) target(%dma_start3A_432 : memref<10016x16xf32, #tpu.memory_space<vmem_shared>>) offsets(%dma_start3A_429 : memref<128xi32, #tpu.memory_space<vmem>>) semaphore(%run_scoped3A : memref<!tpu.dma_semaphore, #tpu.memory_space<semaphore_mem>>) {add = true}
            %dma_wait3A_433 = arith.constant 0 : i32
            %dma_wait3A_434 = tpu.memref_slice %arg12[%sub3A_414, %dma_wait3A_433] : memref<157x128xi32, #tpu.memory_space<vmem>> -> memref<1x128xi32, #tpu.memory_space<vmem>>
            %dma_wait3A_435 = tpu.memref_squeeze %dma_wait3A_434 : memref<1x128xi32, #tpu.memory_space<vmem>> -> memref<128xi32, #tpu.memory_space<vmem>>
            %dma_wait3A_436 = arith.constant 0 : i32
            %dma_wait3A_437 = arith.constant 0 : i32
            %dma_wait3A_438 = tpu.memref_slice %arg27[%dma_wait3A_436, %dma_wait3A_437] : memref<10016x16xf32, #tpu.memory_space<vmem_shared>> -> memref<10016x16xf32, #tpu.memory_space<vmem_shared>>
            tpu.wait_indirect_dma semaphore(%run_scoped3A : memref<!tpu.dma_semaphore, #tpu.memory_space<semaphore_mem>>) src(%arg26 : memref<128x16xf32, #tpu.memory_space<vmem>>) dst(%dma_wait3A_438 : memref<10016x16xf32, #tpu.memory_space<vmem_shared>>)
            tpu.yield
          }) : () -> ()
        } else {
        }
        %scan3A_426 = arith.constant 0 : i32
        scf.yield %scan3A_426 : i32
      }
      %scan3A_170 = arith.constant 38 : i32
      %dma_wait3A_171 = arith.constant 152 : i32
      %dma_wait3A_172 = arith.constant 0 : i32
      %dma_wait3A_173 = tpu.memref_slice %arg12[%dma_wait3A_171, %dma_wait3A_172] : memref<157x128xi32, #tpu.memory_space<vmem>> -> memref<1x128xi32, #tpu.memory_space<vmem>>
      %dma_wait3A_174 = tpu.memref_squeeze %dma_wait3A_173 : memref<1x128xi32, #tpu.memory_space<vmem>> -> memref<128xi32, #tpu.memory_space<vmem>>
      %dma_wait3A_175 = arith.constant 0 : i32
      %dma_wait3A_176 = arith.constant 0 : i32
      %dma_wait3A_177 = tpu.memref_slice %arg17[%dma_wait3A_175, %dma_wait3A_176] : memref<10016x64xf32, #tpu.memory_space<vmem_shared>> -> memref<10016x64xf32, #tpu.memory_space<vmem_shared>>
      tpu.wait_indirect_dma semaphore(%arg22 : memref<!tpu.dma_semaphore, #tpu.memory_space<semaphore_mem>>) src(%arg13 : memref<128x64xf32, #tpu.memory_space<vmem>>) dst(%dma_wait3A_177 : memref<10016x64xf32, #tpu.memory_space<vmem_shared>>)
      %dma_start3A_178 = arith.constant 156 : i32
      %dma_start3A_179 = arith.constant 0 : i32
      %dma_start3A_180 = tpu.memref_slice %arg11[%dma_start3A_178, %dma_start3A_179] : memref<157x128xi32, #tpu.memory_space<vmem>> -> memref<1x128xi32, #tpu.memory_space<vmem>>
      %dma_start3A_181 = tpu.memref_squeeze %dma_start3A_180 : memref<1x128xi32, #tpu.memory_space<vmem>> -> memref<128xi32, #tpu.memory_space<vmem>>
      %dma_start3A_182 = arith.constant 0 : i32
      %dma_start3A_183 = arith.constant 0 : i32
      %dma_start3A_184 = tpu.memref_slice %arg2[%dma_start3A_182, %dma_start3A_183] : memref<10000x64xf32, #tpu.memory_space<hbm>> -> memref<10000x64xf32, #tpu.memory_space<hbm>>
      tpu.enqueue_indirect_dma source(%dma_start3A_184 : memref<10000x64xf32, #tpu.memory_space<hbm>>) target(%arg13 : memref<128x64xf32, #tpu.memory_space<vmem>>) offsets(%dma_start3A_181 : memref<128xi32, #tpu.memory_space<vmem>>) semaphore(%arg18 : memref<!tpu.dma_semaphore, #tpu.memory_space<semaphore_mem>>)
      %dma_wait3A_185 = arith.constant 154 : i32
      %dma_wait3A_186 = arith.constant 0 : i32
      %dma_wait3A_187 = tpu.memref_slice %arg11[%dma_wait3A_185, %dma_wait3A_186] : memref<157x128xi32, #tpu.memory_space<vmem>> -> memref<1x128xi32, #tpu.memory_space<vmem>>
      %dma_wait3A_188 = tpu.memref_squeeze %dma_wait3A_187 : memref<1x128xi32, #tpu.memory_space<vmem>> -> memref<128xi32, #tpu.memory_space<vmem>>
      %dma_wait3A_189 = arith.constant 0 : i32
      %dma_wait3A_190 = arith.constant 0 : i32
      %dma_wait3A_191 = tpu.memref_slice %arg2[%dma_wait3A_189, %dma_wait3A_190] : memref<10000x64xf32, #tpu.memory_space<hbm>> -> memref<10000x64xf32, #tpu.memory_space<hbm>>
      tpu.wait_indirect_dma semaphore(%arg20 : memref<!tpu.dma_semaphore, #tpu.memory_space<semaphore_mem>>) src(%dma_wait3A_191 : memref<10000x64xf32, #tpu.memory_space<hbm>>) dst(%arg15 : memref<128x64xf32, #tpu.memory_space<vmem>>)
      %dma_start3A_192 = arith.constant 154 : i32
      %dma_start3A_193 = arith.constant 0 : i32
      %dma_start3A_194 = tpu.memref_slice %arg12[%dma_start3A_192, %dma_start3A_193] : memref<157x128xi32, #tpu.memory_space<vmem>> -> memref<1x128xi32, #tpu.memory_space<vmem>>
      %dma_start3A_195 = tpu.memref_squeeze %dma_start3A_194 : memref<1x128xi32, #tpu.memory_space<vmem>> -> memref<128xi32, #tpu.memory_space<vmem>>
      %dma_start3A_196 = arith.constant 0 : i32
      %dma_start3A_197 = arith.constant 0 : i32
      %dma_start3A_198 = tpu.memref_slice %arg17[%dma_start3A_196, %dma_start3A_197] : memref<10016x64xf32, #tpu.memory_space<vmem_shared>> -> memref<10016x64xf32, #tpu.memory_space<vmem_shared>>
      tpu.enqueue_indirect_dma source(%arg15 : memref<128x64xf32, #tpu.memory_space<vmem>>) target(%dma_start3A_198 : memref<10016x64xf32, #tpu.memory_space<vmem_shared>>) offsets(%dma_start3A_195 : memref<128xi32, #tpu.memory_space<vmem>>) semaphore(%arg24 : memref<!tpu.dma_semaphore, #tpu.memory_space<semaphore_mem>>) {add = true}
      %eq3A_199 = arith.constant 0 : i32
      %eq3A_200 = arith.cmpi eq, %arg0, %eq3A_199 : i32
      %convert_element_type3A_201 = arith.extui %eq3A_200 : i1 to i32
      %cond3A_202 = arith.constant 0 : i32
      %cond3A_203 = arith.cmpi ne, %convert_element_type3A_201, %cond3A_202 : i32
      scf.if %cond3A_203 {
        %run_scoped3A = arith.constant 154 : i32
        "tpu.region"() ({
          %run_scoped3A_270 = tpu.sem_alloc : memref<!tpu.dma_semaphore, #tpu.memory_space<semaphore_mem>>
          %dma_start3A_271 = arith.constant 0 : i32
          %dma_start3A_272 = tpu.memref_slice %arg12[%run_scoped3A, %dma_start3A_271] : memref<157x128xi32, #tpu.memory_space<vmem>> -> memref<1x128xi32, #tpu.memory_space<vmem>>
          %dma_start3A_273 = tpu.memref_squeeze %dma_start3A_272 : memref<1x128xi32, #tpu.memory_space<vmem>> -> memref<128xi32, #tpu.memory_space<vmem>>
          %dma_start3A_274 = arith.constant 0 : i32
          %dma_start3A_275 = arith.constant 0 : i32
          %dma_start3A_276 = tpu.memref_slice %arg27[%dma_start3A_274, %dma_start3A_275] : memref<10016x16xf32, #tpu.memory_space<vmem_shared>> -> memref<10016x16xf32, #tpu.memory_space<vmem_shared>>
          tpu.enqueue_indirect_dma source(%arg26 : memref<128x16xf32, #tpu.memory_space<vmem>>) target(%dma_start3A_276 : memref<10016x16xf32, #tpu.memory_space<vmem_shared>>) offsets(%dma_start3A_273 : memref<128xi32, #tpu.memory_space<vmem>>) semaphore(%run_scoped3A_270 : memref<!tpu.dma_semaphore, #tpu.memory_space<semaphore_mem>>) {add = true}
          %dma_wait3A_277 = arith.constant 0 : i32
          %dma_wait3A_278 = tpu.memref_slice %arg12[%run_scoped3A, %dma_wait3A_277] : memref<157x128xi32, #tpu.memory_space<vmem>> -> memref<1x128xi32, #tpu.memory_space<vmem>>
          %dma_wait3A_279 = tpu.memref_squeeze %dma_wait3A_278 : memref<1x128xi32, #tpu.memory_space<vmem>> -> memref<128xi32, #tpu.memory_space<vmem>>
          %dma_wait3A_280 = arith.constant 0 : i32
          %dma_wait3A_281 = arith.constant 0 : i32
          %dma_wait3A_282 = tpu.memref_slice %arg27[%dma_wait3A_280, %dma_wait3A_281] : memref<10016x16xf32, #tpu.memory_space<vmem_shared>> -> memref<10016x16xf32, #tpu.memory_space<vmem_shared>>
          tpu.wait_indirect_dma semaphore(%run_scoped3A_270 : memref<!tpu.dma_semaphore, #tpu.memory_space<semaphore_mem>>) src(%arg26 : memref<128x16xf32, #tpu.memory_space<vmem>>) dst(%dma_wait3A_282 : memref<10016x16xf32, #tpu.memory_space<vmem_shared>>)
          tpu.yield
        }) : () -> ()
      } else {
      }
      %dma_wait3A_204 = arith.constant 155 : i32
      %dma_wait3A_205 = arith.constant 0 : i32
      %dma_wait3A_206 = tpu.memref_slice %arg11[%dma_wait3A_204, %dma_wait3A_205] : memref<157x128xi32, #tpu.memory_space<vmem>> -> memref<1x128xi32, #tpu.memory_space<vmem>>
      %dma_wait3A_207 = tpu.memref_squeeze %dma_wait3A_206 : memref<1x128xi32, #tpu.memory_space<vmem>> -> memref<128xi32, #tpu.memory_space<vmem>>
      %dma_wait3A_208 = arith.constant 0 : i32
      %dma_wait3A_209 = arith.constant 0 : i32
      %dma_wait3A_210 = tpu.memref_slice %arg2[%dma_wait3A_208, %dma_wait3A_209] : memref<10000x64xf32, #tpu.memory_space<hbm>> -> memref<10000x64xf32, #tpu.memory_space<hbm>>
      tpu.wait_indirect_dma semaphore(%arg21 : memref<!tpu.dma_semaphore, #tpu.memory_space<semaphore_mem>>) src(%dma_wait3A_210 : memref<10000x64xf32, #tpu.memory_space<hbm>>) dst(%arg16 : memref<128x64xf32, #tpu.memory_space<vmem>>)
      %dma_start3A_211 = arith.constant 155 : i32
      %dma_start3A_212 = arith.constant 0 : i32
      %dma_start3A_213 = tpu.memref_slice %arg12[%dma_start3A_211, %dma_start3A_212] : memref<157x128xi32, #tpu.memory_space<vmem>> -> memref<1x128xi32, #tpu.memory_space<vmem>>
      %dma_start3A_214 = tpu.memref_squeeze %dma_start3A_213 : memref<1x128xi32, #tpu.memory_space<vmem>> -> memref<128xi32, #tpu.memory_space<vmem>>
      %dma_start3A_215 = arith.constant 0 : i32
      %dma_start3A_216 = arith.constant 0 : i32
      %dma_start3A_217 = tpu.memref_slice %arg17[%dma_start3A_215, %dma_start3A_216] : memref<10016x64xf32, #tpu.memory_space<vmem_shared>> -> memref<10016x64xf32, #tpu.memory_space<vmem_shared>>
      tpu.enqueue_indirect_dma source(%arg16 : memref<128x64xf32, #tpu.memory_space<vmem>>) target(%dma_start3A_217 : memref<10016x64xf32, #tpu.memory_space<vmem_shared>>) offsets(%dma_start3A_214 : memref<128xi32, #tpu.memory_space<vmem>>) semaphore(%arg25 : memref<!tpu.dma_semaphore, #tpu.memory_space<semaphore_mem>>) {add = true}
      %eq3A_218 = arith.constant 0 : i32
      %eq3A_219 = arith.cmpi eq, %arg0, %eq3A_218 : i32
      %convert_element_type3A_220 = arith.extui %eq3A_219 : i1 to i32
      %cond3A_221 = arith.constant 0 : i32
      %cond3A_222 = arith.cmpi ne, %convert_element_type3A_220, %cond3A_221 : i32
      scf.if %cond3A_222 {
        %run_scoped3A = arith.constant 155 : i32
        "tpu.region"() ({
          %run_scoped3A_270 = tpu.sem_alloc : memref<!tpu.dma_semaphore, #tpu.memory_space<semaphore_mem>>
          %dma_start3A_271 = arith.constant 0 : i32
          %dma_start3A_272 = tpu.memref_slice %arg12[%run_scoped3A, %dma_start3A_271] : memref<157x128xi32, #tpu.memory_space<vmem>> -> memref<1x128xi32, #tpu.memory_space<vmem>>
          %dma_start3A_273 = tpu.memref_squeeze %dma_start3A_272 : memref<1x128xi32, #tpu.memory_space<vmem>> -> memref<128xi32, #tpu.memory_space<vmem>>
          %dma_start3A_274 = arith.constant 0 : i32
          %dma_start3A_275 = arith.constant 0 : i32
          %dma_start3A_276 = tpu.memref_slice %arg27[%dma_start3A_274, %dma_start3A_275] : memref<10016x16xf32, #tpu.memory_space<vmem_shared>> -> memref<10016x16xf32, #tpu.memory_space<vmem_shared>>
          tpu.enqueue_indirect_dma source(%arg26 : memref<128x16xf32, #tpu.memory_space<vmem>>) target(%dma_start3A_276 : memref<10016x16xf32, #tpu.memory_space<vmem_shared>>) offsets(%dma_start3A_273 : memref<128xi32, #tpu.memory_space<vmem>>) semaphore(%run_scoped3A_270 : memref<!tpu.dma_semaphore, #tpu.memory_space<semaphore_mem>>) {add = true}
          %dma_wait3A_277 = arith.constant 0 : i32
          %dma_wait3A_278 = tpu.memref_slice %arg12[%run_scoped3A, %dma_wait3A_277] : memref<157x128xi32, #tpu.memory_space<vmem>> -> memref<1x128xi32, #tpu.memory_space<vmem>>
          %dma_wait3A_279 = tpu.memref_squeeze %dma_wait3A_278 : memref<1x128xi32, #tpu.memory_space<vmem>> -> memref<128xi32, #tpu.memory_space<vmem>>
          %dma_wait3A_280 = arith.constant 0 : i32
          %dma_wait3A_281 = arith.constant 0 : i32
          %dma_wait3A_282 = tpu.memref_slice %arg27[%dma_wait3A_280, %dma_wait3A_281] : memref<10016x16xf32, #tpu.memory_space<vmem_shared>> -> memref<10016x16xf32, #tpu.memory_space<vmem_shared>>
          tpu.wait_indirect_dma semaphore(%run_scoped3A_270 : memref<!tpu.dma_semaphore, #tpu.memory_space<semaphore_mem>>) src(%arg26 : memref<128x16xf32, #tpu.memory_space<vmem>>) dst(%dma_wait3A_282 : memref<10016x16xf32, #tpu.memory_space<vmem_shared>>)
          tpu.yield
        }) : () -> ()
      } else {
      }
      %dma_wait3A_223 = arith.constant 156 : i32
      %dma_wait3A_224 = arith.constant 0 : i32
      %dma_wait3A_225 = tpu.memref_slice %arg11[%dma_wait3A_223, %dma_wait3A_224] : memref<157x128xi32, #tpu.memory_space<vmem>> -> memref<1x128xi32, #tpu.memory_space<vmem>>
      %dma_wait3A_226 = tpu.memref_squeeze %dma_wait3A_225 : memref<1x128xi32, #tpu.memory_space<vmem>> -> memref<128xi32, #tpu.memory_space<vmem>>
      %dma_wait3A_227 = arith.constant 0 : i32
      %dma_wait3A_228 = arith.constant 0 : i32
      %dma_wait3A_229 = tpu.memref_slice %arg2[%dma_wait3A_227, %dma_wait3A_228] : memref<10000x64xf32, #tpu.memory_space<hbm>> -> memref<10000x64xf32, #tpu.memory_space<hbm>>
      tpu.wait_indirect_dma semaphore(%arg18 : memref<!tpu.dma_semaphore, #tpu.memory_space<semaphore_mem>>) src(%dma_wait3A_229 : memref<10000x64xf32, #tpu.memory_space<hbm>>) dst(%arg13 : memref<128x64xf32, #tpu.memory_space<vmem>>)
      %dma_start3A_230 = arith.constant 156 : i32
      %dma_start3A_231 = arith.constant 0 : i32
      %dma_start3A_232 = tpu.memref_slice %arg12[%dma_start3A_230, %dma_start3A_231] : memref<157x128xi32, #tpu.memory_space<vmem>> -> memref<1x128xi32, #tpu.memory_space<vmem>>
      %dma_start3A_233 = tpu.memref_squeeze %dma_start3A_232 : memref<1x128xi32, #tpu.memory_space<vmem>> -> memref<128xi32, #tpu.memory_space<vmem>>
      %dma_start3A_234 = arith.constant 0 : i32
      %dma_start3A_235 = arith.constant 0 : i32
      %dma_start3A_236 = tpu.memref_slice %arg17[%dma_start3A_234, %dma_start3A_235] : memref<10016x64xf32, #tpu.memory_space<vmem_shared>> -> memref<10016x64xf32, #tpu.memory_space<vmem_shared>>
      tpu.enqueue_indirect_dma source(%arg13 : memref<128x64xf32, #tpu.memory_space<vmem>>) target(%dma_start3A_236 : memref<10016x64xf32, #tpu.memory_space<vmem_shared>>) offsets(%dma_start3A_233 : memref<128xi32, #tpu.memory_space<vmem>>) semaphore(%arg22 : memref<!tpu.dma_semaphore, #tpu.memory_space<semaphore_mem>>) {add = true}
      %eq3A_237 = arith.constant 0 : i32
      %eq3A_238 = arith.cmpi eq, %arg0, %eq3A_237 : i32
      %convert_element_type3A_239 = arith.extui %eq3A_238 : i1 to i32
      %cond3A_240 = arith.constant 0 : i32
      %cond3A_241 = arith.cmpi ne, %convert_element_type3A_239, %cond3A_240 : i32
      scf.if %cond3A_241 {
        %run_scoped3A = arith.constant 156 : i32
        "tpu.region"() ({
          %run_scoped3A_270 = tpu.sem_alloc : memref<!tpu.dma_semaphore, #tpu.memory_space<semaphore_mem>>
          %dma_start3A_271 = arith.constant 0 : i32
          %dma_start3A_272 = tpu.memref_slice %arg12[%run_scoped3A, %dma_start3A_271] : memref<157x128xi32, #tpu.memory_space<vmem>> -> memref<1x128xi32, #tpu.memory_space<vmem>>
          %dma_start3A_273 = tpu.memref_squeeze %dma_start3A_272 : memref<1x128xi32, #tpu.memory_space<vmem>> -> memref<128xi32, #tpu.memory_space<vmem>>
          %dma_start3A_274 = arith.constant 0 : i32
          %dma_start3A_275 = arith.constant 0 : i32
          %dma_start3A_276 = tpu.memref_slice %arg27[%dma_start3A_274, %dma_start3A_275] : memref<10016x16xf32, #tpu.memory_space<vmem_shared>> -> memref<10016x16xf32, #tpu.memory_space<vmem_shared>>
          tpu.enqueue_indirect_dma source(%arg26 : memref<128x16xf32, #tpu.memory_space<vmem>>) target(%dma_start3A_276 : memref<10016x16xf32, #tpu.memory_space<vmem_shared>>) offsets(%dma_start3A_273 : memref<128xi32, #tpu.memory_space<vmem>>) semaphore(%run_scoped3A_270 : memref<!tpu.dma_semaphore, #tpu.memory_space<semaphore_mem>>) {add = true}
          %dma_wait3A_277 = arith.constant 0 : i32
          %dma_wait3A_278 = tpu.memref_slice %arg12[%run_scoped3A, %dma_wait3A_277] : memref<157x128xi32, #tpu.memory_space<vmem>> -> memref<1x128xi32, #tpu.memory_space<vmem>>
          %dma_wait3A_279 = tpu.memref_squeeze %dma_wait3A_278 : memref<1x128xi32, #tpu.memory_space<vmem>> -> memref<128xi32, #tpu.memory_space<vmem>>
          %dma_wait3A_280 = arith.constant 0 : i32
          %dma_wait3A_281 = arith.constant 0 : i32
          %dma_wait3A_282 = tpu.memref_slice %arg27[%dma_wait3A_280, %dma_wait3A_281] : memref<10016x16xf32, #tpu.memory_space<vmem_shared>> -> memref<10016x16xf32, #tpu.memory_space<vmem_shared>>
          tpu.wait_indirect_dma semaphore(%run_scoped3A_270 : memref<!tpu.dma_semaphore, #tpu.memory_space<semaphore_mem>>) src(%arg26 : memref<128x16xf32, #tpu.memory_space<vmem>>) dst(%dma_wait3A_282 : memref<10016x16xf32, #tpu.memory_space<vmem_shared>>)
          tpu.yield
        }) : () -> ()
      } else {
      }
      %dma_wait3A_242 = arith.constant 153 : i32
      %dma_wait3A_243 = arith.constant 0 : i32
      %dma_wait3A_244 = tpu.memref_slice %arg12[%dma_wait3A_242, %dma_wait3A_243] : memref<157x128xi32, #tpu.memory_space<vmem>> -> memref<1x128xi32, #tpu.memory_space<vmem>>
      %dma_wait3A_245 = tpu.memref_squeeze %dma_wait3A_244 : memref<1x128xi32, #tpu.memory_space<vmem>> -> memref<128xi32, #tpu.memory_space<vmem>>
      %dma_wait3A_246 = arith.constant 0 : i32
      %dma_wait3A_247 = arith.constant 0 : i32
      %dma_wait3A_248 = tpu.memref_slice %arg17[%dma_wait3A_246, %dma_wait3A_247] : memref<10016x64xf32, #tpu.memory_space<vmem_shared>> -> memref<10016x64xf32, #tpu.memory_space<vmem_shared>>
      tpu.wait_indirect_dma semaphore(%arg23 : memref<!tpu.dma_semaphore, #tpu.memory_space<semaphore_mem>>) src(%arg14 : memref<128x64xf32, #tpu.memory_space<vmem>>) dst(%dma_wait3A_248 : memref<10016x64xf32, #tpu.memory_space<vmem_shared>>)
      %dma_wait3A_249 = arith.constant 154 : i32
      %dma_wait3A_250 = arith.constant 0 : i32
      %dma_wait3A_251 = tpu.memref_slice %arg12[%dma_wait3A_249, %dma_wait3A_250] : memref<157x128xi32, #tpu.memory_space<vmem>> -> memref<1x128xi32, #tpu.memory_space<vmem>>
      %dma_wait3A_252 = tpu.memref_squeeze %dma_wait3A_251 : memref<1x128xi32, #tpu.memory_space<vmem>> -> memref<128xi32, #tpu.memory_space<vmem>>
      %dma_wait3A_253 = arith.constant 0 : i32
      %dma_wait3A_254 = arith.constant 0 : i32
      %dma_wait3A_255 = tpu.memref_slice %arg17[%dma_wait3A_253, %dma_wait3A_254] : memref<10016x64xf32, #tpu.memory_space<vmem_shared>> -> memref<10016x64xf32, #tpu.memory_space<vmem_shared>>
      tpu.wait_indirect_dma semaphore(%arg24 : memref<!tpu.dma_semaphore, #tpu.memory_space<semaphore_mem>>) src(%arg15 : memref<128x64xf32, #tpu.memory_space<vmem>>) dst(%dma_wait3A_255 : memref<10016x64xf32, #tpu.memory_space<vmem_shared>>)
      %dma_wait3A_256 = arith.constant 155 : i32
      %dma_wait3A_257 = arith.constant 0 : i32
      %dma_wait3A_258 = tpu.memref_slice %arg12[%dma_wait3A_256, %dma_wait3A_257] : memref<157x128xi32, #tpu.memory_space<vmem>> -> memref<1x128xi32, #tpu.memory_space<vmem>>
      %dma_wait3A_259 = tpu.memref_squeeze %dma_wait3A_258 : memref<1x128xi32, #tpu.memory_space<vmem>> -> memref<128xi32, #tpu.memory_space<vmem>>
      %dma_wait3A_260 = arith.constant 0 : i32
      %dma_wait3A_261 = arith.constant 0 : i32
      %dma_wait3A_262 = tpu.memref_slice %arg17[%dma_wait3A_260, %dma_wait3A_261] : memref<10016x64xf32, #tpu.memory_space<vmem_shared>> -> memref<10016x64xf32, #tpu.memory_space<vmem_shared>>
      tpu.wait_indirect_dma semaphore(%arg25 : memref<!tpu.dma_semaphore, #tpu.memory_space<semaphore_mem>>) src(%arg16 : memref<128x64xf32, #tpu.memory_space<vmem>>) dst(%dma_wait3A_262 : memref<10016x64xf32, #tpu.memory_space<vmem_shared>>)
      %dma_wait3A_263 = arith.constant 156 : i32
      %dma_wait3A_264 = arith.constant 0 : i32
      %dma_wait3A_265 = tpu.memref_slice %arg12[%dma_wait3A_263, %dma_wait3A_264] : memref<157x128xi32, #tpu.memory_space<vmem>> -> memref<1x128xi32, #tpu.memory_space<vmem>>
      %dma_wait3A_266 = tpu.memref_squeeze %dma_wait3A_265 : memref<1x128xi32, #tpu.memory_space<vmem>> -> memref<128xi32, #tpu.memory_space<vmem>>
      %dma_wait3A_267 = arith.constant 0 : i32
      %dma_wait3A_268 = arith.constant 0 : i32
      %dma_wait3A_269 = tpu.memref_slice %arg17[%dma_wait3A_267, %dma_wait3A_268] : memref<10016x64xf32, #tpu.memory_space<vmem_shared>> -> memref<10016x64xf32, #tpu.memory_space<vmem_shared>>
      tpu.wait_indirect_dma semaphore(%arg22 : memref<!tpu.dma_semaphore, #tpu.memory_space<semaphore_mem>>) src(%arg13 : memref<128x64xf32, #tpu.memory_space<vmem>>) dst(%dma_wait3A_269 : memref<10016x64xf32, #tpu.memory_space<vmem_shared>>)
    } else {
    }
    %eq3A_69 = arith.constant 1 : i32
    %eq3A_70 = arith.cmpi eq, %arg0, %eq3A_69 : i32
    %convert_element_type3A_71 = arith.extui %eq3A_70 : i1 to i32
    %cond3A_72 = arith.constant 0 : i32
    %cond3A_73 = arith.cmpi ne, %convert_element_type3A_71, %cond3A_72 : i32
    scf.if %cond3A_73 {
      %dma_start3A_84 = arith.constant 0 : i32
      %dma_start3A_85 = arith.constant 0 : i32
      %dma_start3A_86 = tpu.memref_slice %arg11[%dma_start3A_84, %dma_start3A_85] : memref<157x128xi32, #tpu.memory_space<vmem>> -> memref<1x128xi32, #tpu.memory_space<vmem>>
      %dma_start3A_87 = tpu.memref_squeeze %dma_start3A_86 : memref<1x128xi32, #tpu.memory_space<vmem>> -> memref<128xi32, #tpu.memory_space<vmem>>
      %dma_start3A_88 = arith.constant 0 : i32
      %dma_start3A_89 = arith.constant 0 : i32
      %dma_start3A_90 = tpu.memref_slice %arg3[%dma_start3A_88, %dma_start3A_89] : memref<10000x64xf32, #tpu.memory_space<hbm>> -> memref<10000x64xf32, #tpu.memory_space<hbm>>
      tpu.enqueue_indirect_dma source(%dma_start3A_90 : memref<10000x64xf32, #tpu.memory_space<hbm>>) target(%arg13 : memref<128x64xf32, #tpu.memory_space<vmem>>) offsets(%dma_start3A_87 : memref<128xi32, #tpu.memory_space<vmem>>) semaphore(%arg18 : memref<!tpu.dma_semaphore, #tpu.memory_space<semaphore_mem>>)
      %dma_start3A_91 = arith.constant 1 : i32
      %dma_start3A_92 = arith.constant 0 : i32
      %dma_start3A_93 = tpu.memref_slice %arg11[%dma_start3A_91, %dma_start3A_92] : memref<157x128xi32, #tpu.memory_space<vmem>> -> memref<1x128xi32, #tpu.memory_space<vmem>>
      %dma_start3A_94 = tpu.memref_squeeze %dma_start3A_93 : memref<1x128xi32, #tpu.memory_space<vmem>> -> memref<128xi32, #tpu.memory_space<vmem>>
      %dma_start3A_95 = arith.constant 0 : i32
      %dma_start3A_96 = arith.constant 0 : i32
      %dma_start3A_97 = tpu.memref_slice %arg3[%dma_start3A_95, %dma_start3A_96] : memref<10000x64xf32, #tpu.memory_space<hbm>> -> memref<10000x64xf32, #tpu.memory_space<hbm>>
      tpu.enqueue_indirect_dma source(%dma_start3A_97 : memref<10000x64xf32, #tpu.memory_space<hbm>>) target(%arg14 : memref<128x64xf32, #tpu.memory_space<vmem>>) offsets(%dma_start3A_94 : memref<128xi32, #tpu.memory_space<vmem>>) semaphore(%arg19 : memref<!tpu.dma_semaphore, #tpu.memory_space<semaphore_mem>>)
      %dma_start3A_98 = arith.constant 2 : i32
      %dma_start3A_99 = arith.constant 0 : i32
      %dma_start3A_100 = tpu.memref_slice %arg11[%dma_start3A_98, %dma_start3A_99] : memref<157x128xi32, #tpu.memory_space<vmem>> -> memref<1x128xi32, #tpu.memory_space<vmem>>
      %dma_start3A_101 = tpu.memref_squeeze %dma_start3A_100 : memref<1x128xi32, #tpu.memory_space<vmem>> -> memref<128xi32, #tpu.memory_space<vmem>>
      %dma_start3A_102 = arith.constant 0 : i32
      %dma_start3A_103 = arith.constant 0 : i32
      %dma_start3A_104 = tpu.memref_slice %arg3[%dma_start3A_102, %dma_start3A_103] : memref<10000x64xf32, #tpu.memory_space<hbm>> -> memref<10000x64xf32, #tpu.memory_space<hbm>>
      tpu.enqueue_indirect_dma source(%dma_start3A_104 : memref<10000x64xf32, #tpu.memory_space<hbm>>) target(%arg15 : memref<128x64xf32, #tpu.memory_space<vmem>>) offsets(%dma_start3A_101 : memref<128xi32, #tpu.memory_space<vmem>>) semaphore(%arg20 : memref<!tpu.dma_semaphore, #tpu.memory_space<semaphore_mem>>)
      %dma_start3A_105 = arith.constant 3 : i32
      %dma_start3A_106 = arith.constant 0 : i32
      %dma_start3A_107 = tpu.memref_slice %arg11[%dma_start3A_105, %dma_start3A_106] : memref<157x128xi32, #tpu.memory_space<vmem>> -> memref<1x128xi32, #tpu.memory_space<vmem>>
      %dma_start3A_108 = tpu.memref_squeeze %dma_start3A_107 : memref<1x128xi32, #tpu.memory_space<vmem>> -> memref<128xi32, #tpu.memory_space<vmem>>
      %dma_start3A_109 = arith.constant 0 : i32
      %dma_start3A_110 = arith.constant 0 : i32
      %dma_start3A_111 = tpu.memref_slice %arg3[%dma_start3A_109, %dma_start3A_110] : memref<10000x64xf32, #tpu.memory_space<hbm>> -> memref<10000x64xf32, #tpu.memory_space<hbm>>
      tpu.enqueue_indirect_dma source(%dma_start3A_111 : memref<10000x64xf32, #tpu.memory_space<hbm>>) target(%arg16 : memref<128x64xf32, #tpu.memory_space<vmem>>) offsets(%dma_start3A_108 : memref<128xi32, #tpu.memory_space<vmem>>) semaphore(%arg21 : memref<!tpu.dma_semaphore, #tpu.memory_space<semaphore_mem>>)
      %dma_wait3A_112 = arith.constant 0 : i32
      %dma_wait3A_113 = tpu.memref_slice %arg17[%mul3A_0, %dma_wait3A_112] : memref<10016x64xf32, #tpu.memory_space<vmem_shared>> -> memref<624x64xf32, #tpu.memory_space<vmem_shared>>
      %dma_wait3A_114 = arith.constant 0 : i32
      %dma_wait3A_115 = tpu.memref_slice %arg5[%mul3A_0, %dma_wait3A_114] : memref<10000x64xf32, #tpu.memory_space<hbm>> -> memref<624x64xf32, #tpu.memory_space<hbm>>
      tpu.wait_dma2 semaphore(%arg22 : memref<!tpu.dma_semaphore, #tpu.memory_space<semaphore_mem>>) src(%dma_wait3A_115 : memref<624x64xf32, #tpu.memory_space<hbm>>) dst(%dma_wait3A_113 : memref<624x64xf32, #tpu.memory_space<vmem_shared>>)
      %eq3A_116 = arith.constant 15 : i32
      %eq3A_117 = arith.cmpi eq, %arg1, %eq3A_116 : i32
      %convert_element_type3A_118 = arith.extui %eq3A_117 : i1 to i32
      %cond3A_119 = arith.constant 0 : i32
      %cond3A_120 = arith.cmpi ne, %convert_element_type3A_118, %cond3A_119 : i32
      scf.if %cond3A_120 {
        %dma_wait3A_270 = arith.constant 9984 : i32
        %dma_wait3A_271 = arith.constant 0 : i32
        %dma_wait3A_272 = tpu.memref_slice %arg17[%dma_wait3A_270, %dma_wait3A_271] : memref<10016x64xf32, #tpu.memory_space<vmem_shared>> -> memref<16x64xf32, #tpu.memory_space<vmem_shared>>
        %dma_wait3A_273 = arith.constant 9984 : i32
        %dma_wait3A_274 = arith.constant 0 : i32
        %dma_wait3A_275 = tpu.memref_slice %arg5[%dma_wait3A_273, %dma_wait3A_274] : memref<10000x64xf32, #tpu.memory_space<hbm>> -> memref<16x64xf32, #tpu.memory_space<hbm>>
        tpu.wait_dma2 semaphore(%arg22 : memref<!tpu.dma_semaphore, #tpu.memory_space<semaphore_mem>>) src(%dma_wait3A_275 : memref<16x64xf32, #tpu.memory_space<hbm>>) dst(%dma_wait3A_272 : memref<16x64xf32, #tpu.memory_space<vmem_shared>>)
      } else {
      }
      %eq3A_121 = arith.constant 0 : i32
      %eq3A_122 = arith.cmpi eq, %arg0, %eq3A_121 : i32
      %convert_element_type3A_123 = arith.extui %eq3A_122 : i1 to i32
      %cond3A_124 = arith.constant 0 : i32
      %cond3A_125 = arith.cmpi ne, %convert_element_type3A_123, %cond3A_124 : i32
      scf.if %cond3A_125 {
        %dma_wait3A_270 = arith.constant 0 : i32
        %dma_wait3A_271 = tpu.memref_slice %arg27[%mul3A_0, %dma_wait3A_270] : memref<10016x16xf32, #tpu.memory_space<vmem_shared>> -> memref<624x16xf32, #tpu.memory_space<vmem_shared>>
        %dma_wait3A_272 = arith.constant 0 : i32
        %dma_wait3A_273 = tpu.memref_slice %arg6[%mul3A_0, %dma_wait3A_272] : memref<10000x16xf32, #tpu.memory_space<hbm>> -> memref<624x16xf32, #tpu.memory_space<hbm>>
        tpu.wait_dma2 semaphore(%arg23 : memref<!tpu.dma_semaphore, #tpu.memory_space<semaphore_mem>>) src(%dma_wait3A_273 : memref<624x16xf32, #tpu.memory_space<hbm>>) dst(%dma_wait3A_271 : memref<624x16xf32, #tpu.memory_space<vmem_shared>>)
        %eq3A_274 = arith.constant 15 : i32
        %eq3A_275 = arith.cmpi eq, %arg1, %eq3A_274 : i32
        %convert_element_type3A_276 = arith.extui %eq3A_275 : i1 to i32
        %cond3A_277 = arith.constant 0 : i32
        %cond3A_278 = arith.cmpi ne, %convert_element_type3A_276, %cond3A_277 : i32
        scf.if %cond3A_278 {
          %dma_wait3A_279 = arith.constant 9984 : i32
          %dma_wait3A_280 = arith.constant 0 : i32
          %dma_wait3A_281 = tpu.memref_slice %arg27[%dma_wait3A_279, %dma_wait3A_280] : memref<10016x16xf32, #tpu.memory_space<vmem_shared>> -> memref<16x16xf32, #tpu.memory_space<vmem_shared>>
          %dma_wait3A_282 = arith.constant 9984 : i32
          %dma_wait3A_283 = arith.constant 0 : i32
          %dma_wait3A_284 = tpu.memref_slice %arg6[%dma_wait3A_282, %dma_wait3A_283] : memref<10000x16xf32, #tpu.memory_space<hbm>> -> memref<16x16xf32, #tpu.memory_space<hbm>>
          tpu.wait_dma2 semaphore(%arg23 : memref<!tpu.dma_semaphore, #tpu.memory_space<semaphore_mem>>) src(%dma_wait3A_284 : memref<16x16xf32, #tpu.memory_space<hbm>>) dst(%dma_wait3A_281 : memref<16x16xf32, #tpu.memory_space<vmem_shared>>)
        } else {
        }
      } else {
      }
      %barrier3A_126 = arith.constant 0 : index
      tpu.barrier barrier_id(%barrier3A_126)
      %dma_wait3A_127 = arith.constant 0 : i32
      %dma_wait3A_128 = arith.constant 0 : i32
      %dma_wait3A_129 = tpu.memref_slice %arg11[%dma_wait3A_127, %dma_wait3A_128] : memref<157x128xi32, #tpu.memory_space<vmem>> -> memref<1x128xi32, #tpu.memory_space<vmem>>
      %dma_wait3A_130 = tpu.memref_squeeze %dma_wait3A_129 : memref<1x128xi32, #tpu.memory_space<vmem>> -> memref<128xi32, #tpu.memory_space<vmem>>
      %dma_wait3A_131 = arith.constant 0 : i32
      %dma_wait3A_132 = arith.constant 0 : i32
      %dma_wait3A_133 = tpu.memref_slice %arg3[%dma_wait3A_131, %dma_wait3A_132] : memref<10000x64xf32, #tpu.memory_space<hbm>> -> memref<10000x64xf32, #tpu.memory_space<hbm>>
      tpu.wait_indirect_dma semaphore(%arg18 : memref<!tpu.dma_semaphore, #tpu.memory_space<semaphore_mem>>) src(%dma_wait3A_133 : memref<10000x64xf32, #tpu.memory_space<hbm>>) dst(%arg13 : memref<128x64xf32, #tpu.memory_space<vmem>>)
      %dma_start3A_134 = arith.constant 0 : i32
      %dma_start3A_135 = arith.constant 0 : i32
      %dma_start3A_136 = tpu.memref_slice %arg12[%dma_start3A_134, %dma_start3A_135] : memref<157x128xi32, #tpu.memory_space<vmem>> -> memref<1x128xi32, #tpu.memory_space<vmem>>
      %dma_start3A_137 = tpu.memref_squeeze %dma_start3A_136 : memref<1x128xi32, #tpu.memory_space<vmem>> -> memref<128xi32, #tpu.memory_space<vmem>>
      %dma_start3A_138 = arith.constant 0 : i32
      %dma_start3A_139 = arith.constant 0 : i32
      %dma_start3A_140 = tpu.memref_slice %arg17[%dma_start3A_138, %dma_start3A_139] : memref<10016x64xf32, #tpu.memory_space<vmem_shared>> -> memref<10016x64xf32, #tpu.memory_space<vmem_shared>>
      tpu.enqueue_indirect_dma source(%arg13 : memref<128x64xf32, #tpu.memory_space<vmem>>) target(%dma_start3A_140 : memref<10016x64xf32, #tpu.memory_space<vmem_shared>>) offsets(%dma_start3A_137 : memref<128xi32, #tpu.memory_space<vmem>>) semaphore(%arg22 : memref<!tpu.dma_semaphore, #tpu.memory_space<semaphore_mem>>) {add = true}
      %eq3A_141 = arith.constant 0 : i32
      %eq3A_142 = arith.cmpi eq, %arg0, %eq3A_141 : i32
      %convert_element_type3A_143 = arith.extui %eq3A_142 : i1 to i32
      %cond3A_144 = arith.constant 0 : i32
      %cond3A_145 = arith.cmpi ne, %convert_element_type3A_143, %cond3A_144 : i32
      scf.if %cond3A_145 {
        %run_scoped3A = arith.constant 0 : i32
        "tpu.region"() ({
          %run_scoped3A_270 = tpu.sem_alloc : memref<!tpu.dma_semaphore, #tpu.memory_space<semaphore_mem>>
          %dma_start3A_271 = arith.constant 0 : i32
          %dma_start3A_272 = tpu.memref_slice %arg12[%run_scoped3A, %dma_start3A_271] : memref<157x128xi32, #tpu.memory_space<vmem>> -> memref<1x128xi32, #tpu.memory_space<vmem>>
          %dma_start3A_273 = tpu.memref_squeeze %dma_start3A_272 : memref<1x128xi32, #tpu.memory_space<vmem>> -> memref<128xi32, #tpu.memory_space<vmem>>
          %dma_start3A_274 = arith.constant 0 : i32
          %dma_start3A_275 = arith.constant 0 : i32
          %dma_start3A_276 = tpu.memref_slice %arg27[%dma_start3A_274, %dma_start3A_275] : memref<10016x16xf32, #tpu.memory_space<vmem_shared>> -> memref<10016x16xf32, #tpu.memory_space<vmem_shared>>
          tpu.enqueue_indirect_dma source(%arg26 : memref<128x16xf32, #tpu.memory_space<vmem>>) target(%dma_start3A_276 : memref<10016x16xf32, #tpu.memory_space<vmem_shared>>) offsets(%dma_start3A_273 : memref<128xi32, #tpu.memory_space<vmem>>) semaphore(%run_scoped3A_270 : memref<!tpu.dma_semaphore, #tpu.memory_space<semaphore_mem>>) {add = true}
          %dma_wait3A_277 = arith.constant 0 : i32
          %dma_wait3A_278 = tpu.memref_slice %arg12[%run_scoped3A, %dma_wait3A_277] : memref<157x128xi32, #tpu.memory_space<vmem>> -> memref<1x128xi32, #tpu.memory_space<vmem>>
          %dma_wait3A_279 = tpu.memref_squeeze %dma_wait3A_278 : memref<1x128xi32, #tpu.memory_space<vmem>> -> memref<128xi32, #tpu.memory_space<vmem>>
          %dma_wait3A_280 = arith.constant 0 : i32
          %dma_wait3A_281 = arith.constant 0 : i32
          %dma_wait3A_282 = tpu.memref_slice %arg27[%dma_wait3A_280, %dma_wait3A_281] : memref<10016x16xf32, #tpu.memory_space<vmem_shared>> -> memref<10016x16xf32, #tpu.memory_space<vmem_shared>>
          tpu.wait_indirect_dma semaphore(%run_scoped3A_270 : memref<!tpu.dma_semaphore, #tpu.memory_space<semaphore_mem>>) src(%arg26 : memref<128x16xf32, #tpu.memory_space<vmem>>) dst(%dma_wait3A_282 : memref<10016x16xf32, #tpu.memory_space<vmem_shared>>)
          tpu.yield
        }) : () -> ()
      } else {
      }
      %dma_wait3A_146 = arith.constant 1 : i32
      %dma_wait3A_147 = arith.constant 0 : i32
      %dma_wait3A_148 = tpu.memref_slice %arg11[%dma_wait3A_146, %dma_wait3A_147] : memref<157x128xi32, #tpu.memory_space<vmem>> -> memref<1x128xi32, #tpu.memory_space<vmem>>
      %dma_wait3A_149 = tpu.memref_squeeze %dma_wait3A_148 : memref<1x128xi32, #tpu.memory_space<vmem>> -> memref<128xi32, #tpu.memory_space<vmem>>
      %dma_wait3A_150 = arith.constant 0 : i32
      %dma_wait3A_151 = arith.constant 0 : i32
      %dma_wait3A_152 = tpu.memref_slice %arg3[%dma_wait3A_150, %dma_wait3A_151] : memref<10000x64xf32, #tpu.memory_space<hbm>> -> memref<10000x64xf32, #tpu.memory_space<hbm>>
      tpu.wait_indirect_dma semaphore(%arg19 : memref<!tpu.dma_semaphore, #tpu.memory_space<semaphore_mem>>) src(%dma_wait3A_152 : memref<10000x64xf32, #tpu.memory_space<hbm>>) dst(%arg14 : memref<128x64xf32, #tpu.memory_space<vmem>>)
      %dma_start3A_153 = arith.constant 1 : i32
      %dma_start3A_154 = arith.constant 0 : i32
      %dma_start3A_155 = tpu.memref_slice %arg12[%dma_start3A_153, %dma_start3A_154] : memref<157x128xi32, #tpu.memory_space<vmem>> -> memref<1x128xi32, #tpu.memory_space<vmem>>
      %dma_start3A_156 = tpu.memref_squeeze %dma_start3A_155 : memref<1x128xi32, #tpu.memory_space<vmem>> -> memref<128xi32, #tpu.memory_space<vmem>>
      %dma_start3A_157 = arith.constant 0 : i32
      %dma_start3A_158 = arith.constant 0 : i32
      %dma_start3A_159 = tpu.memref_slice %arg17[%dma_start3A_157, %dma_start3A_158] : memref<10016x64xf32, #tpu.memory_space<vmem_shared>> -> memref<10016x64xf32, #tpu.memory_space<vmem_shared>>
      tpu.enqueue_indirect_dma source(%arg14 : memref<128x64xf32, #tpu.memory_space<vmem>>) target(%dma_start3A_159 : memref<10016x64xf32, #tpu.memory_space<vmem_shared>>) offsets(%dma_start3A_156 : memref<128xi32, #tpu.memory_space<vmem>>) semaphore(%arg23 : memref<!tpu.dma_semaphore, #tpu.memory_space<semaphore_mem>>) {add = true}
      %eq3A_160 = arith.constant 0 : i32
      %eq3A_161 = arith.cmpi eq, %arg0, %eq3A_160 : i32
      %convert_element_type3A_162 = arith.extui %eq3A_161 : i1 to i32
      %cond3A_163 = arith.constant 0 : i32
      %cond3A_164 = arith.cmpi ne, %convert_element_type3A_162, %cond3A_163 : i32
      scf.if %cond3A_164 {
        %run_scoped3A = arith.constant 1 : i32
        "tpu.region"() ({
          %run_scoped3A_270 = tpu.sem_alloc : memref<!tpu.dma_semaphore, #tpu.memory_space<semaphore_mem>>
          %dma_start3A_271 = arith.constant 0 : i32
          %dma_start3A_272 = tpu.memref_slice %arg12[%run_scoped3A, %dma_start3A_271] : memref<157x128xi32, #tpu.memory_space<vmem>> -> memref<1x128xi32, #tpu.memory_space<vmem>>
          %dma_start3A_273 = tpu.memref_squeeze %dma_start3A_272 : memref<1x128xi32, #tpu.memory_space<vmem>> -> memref<128xi32, #tpu.memory_space<vmem>>
          %dma_start3A_274 = arith.constant 0 : i32
          %dma_start3A_275 = arith.constant 0 : i32
          %dma_start3A_276 = tpu.memref_slice %arg27[%dma_start3A_274, %dma_start3A_275] : memref<10016x16xf32, #tpu.memory_space<vmem_shared>> -> memref<10016x16xf32, #tpu.memory_space<vmem_shared>>
          tpu.enqueue_indirect_dma source(%arg26 : memref<128x16xf32, #tpu.memory_space<vmem>>) target(%dma_start3A_276 : memref<10016x16xf32, #tpu.memory_space<vmem_shared>>) offsets(%dma_start3A_273 : memref<128xi32, #tpu.memory_space<vmem>>) semaphore(%run_scoped3A_270 : memref<!tpu.dma_semaphore, #tpu.memory_space<semaphore_mem>>) {add = true}
          %dma_wait3A_277 = arith.constant 0 : i32
          %dma_wait3A_278 = tpu.memref_slice %arg12[%run_scoped3A, %dma_wait3A_277] : memref<157x128xi32, #tpu.memory_space<vmem>> -> memref<1x128xi32, #tpu.memory_space<vmem>>
          %dma_wait3A_279 = tpu.memref_squeeze %dma_wait3A_278 : memref<1x128xi32, #tpu.memory_space<vmem>> -> memref<128xi32, #tpu.memory_space<vmem>>
          %dma_wait3A_280 = arith.constant 0 : i32
          %dma_wait3A_281 = arith.constant 0 : i32
          %dma_wait3A_282 = tpu.memref_slice %arg27[%dma_wait3A_280, %dma_wait3A_281] : memref<10016x16xf32, #tpu.memory_space<vmem_shared>> -> memref<10016x16xf32, #tpu.memory_space<vmem_shared>>
          tpu.wait_indirect_dma semaphore(%run_scoped3A_270 : memref<!tpu.dma_semaphore, #tpu.memory_space<semaphore_mem>>) src(%arg26 : memref<128x16xf32, #tpu.memory_space<vmem>>) dst(%dma_wait3A_282 : memref<10016x16xf32, #tpu.memory_space<vmem_shared>>)
          tpu.yield
        }) : () -> ()
      } else {
      }
      %scan3A = arith.constant 0 : i32
      %scan3A_165 = arith.constant 1 : i32
      %scan3A_166 = arith.constant 38 : i32
      %scan3A_167 = arith.addi %scan3A_165, %scan3A_166 : i32
      %scan3A_168 = arith.constant 1 : i32
      %scan3A_169 = scf.for %scan3A_270 = %scan3A_165 to %scan3A_167 step %scan3A_168 iter_args(%scan3A_271 = %scan3A) -> (i32)  : i32 {
        %mul3A_272 = arith.constant 4 : i32
        %mul3A_273 = arith.muli %scan3A_270, %mul3A_272 : i32
        %add3A = arith.constant 0 : i32
        %add3A_274 = arith.addi %mul3A_273, %add3A : i32
        %sub3A = arith.constant 4 : i32
        %sub3A_275 = arith.subi %add3A_274, %sub3A : i32
        %dma_wait3A_276 = arith.constant 0 : i32
        %dma_wait3A_277 = tpu.memref_slice %arg12[%sub3A_275, %dma_wait3A_276] : memref<157x128xi32, #tpu.memory_space<vmem>> -> memref<1x128xi32, #tpu.memory_space<vmem>>
        %dma_wait3A_278 = tpu.memref_squeeze %dma_wait3A_277 : memref<1x128xi32, #tpu.memory_space<vmem>> -> memref<128xi32, #tpu.memory_space<vmem>>
        %dma_wait3A_279 = arith.constant 0 : i32
        %dma_wait3A_280 = arith.constant 0 : i32
        %dma_wait3A_281 = tpu.memref_slice %arg17[%dma_wait3A_279, %dma_wait3A_280] : memref<10016x64xf32, #tpu.memory_space<vmem_shared>> -> memref<10016x64xf32, #tpu.memory_space<vmem_shared>>
        tpu.wait_indirect_dma semaphore(%arg22 : memref<!tpu.dma_semaphore, #tpu.memory_space<semaphore_mem>>) src(%arg13 : memref<128x64xf32, #tpu.memory_space<vmem>>) dst(%dma_wait3A_281 : memref<10016x64xf32, #tpu.memory_space<vmem_shared>>)
        %dma_start3A_282 = arith.constant 0 : i32
        %dma_start3A_283 = tpu.memref_slice %arg11[%add3A_274, %dma_start3A_282] : memref<157x128xi32, #tpu.memory_space<vmem>> -> memref<1x128xi32, #tpu.memory_space<vmem>>
        %dma_start3A_284 = tpu.memref_squeeze %dma_start3A_283 : memref<1x128xi32, #tpu.memory_space<vmem>> -> memref<128xi32, #tpu.memory_space<vmem>>
        %dma_start3A_285 = arith.constant 0 : i32
        %dma_start3A_286 = arith.constant 0 : i32
        %dma_start3A_287 = tpu.memref_slice %arg3[%dma_start3A_285, %dma_start3A_286] : memref<10000x64xf32, #tpu.memory_space<hbm>> -> memref<10000x64xf32, #tpu.memory_space<hbm>>
        tpu.enqueue_indirect_dma source(%dma_start3A_287 : memref<10000x64xf32, #tpu.memory_space<hbm>>) target(%arg13 : memref<128x64xf32, #tpu.memory_space<vmem>>) offsets(%dma_start3A_284 : memref<128xi32, #tpu.memory_space<vmem>>) semaphore(%arg18 : memref<!tpu.dma_semaphore, #tpu.memory_space<semaphore_mem>>)
        %sub3A_288 = arith.constant 2 : i32
        %sub3A_289 = arith.subi %add3A_274, %sub3A_288 : i32
        %dma_wait3A_290 = arith.constant 0 : i32
        %dma_wait3A_291 = tpu.memref_slice %arg11[%sub3A_289, %dma_wait3A_290] : memref<157x128xi32, #tpu.memory_space<vmem>> -> memref<1x128xi32, #tpu.memory_space<vmem>>
        %dma_wait3A_292 = tpu.memref_squeeze %dma_wait3A_291 : memref<1x128xi32, #tpu.memory_space<vmem>> -> memref<128xi32, #tpu.memory_space<vmem>>
        %dma_wait3A_293 = arith.constant 0 : i32
        %dma_wait3A_294 = arith.constant 0 : i32
        %dma_wait3A_295 = tpu.memref_slice %arg3[%dma_wait3A_293, %dma_wait3A_294] : memref<10000x64xf32, #tpu.memory_space<hbm>> -> memref<10000x64xf32, #tpu.memory_space<hbm>>
        tpu.wait_indirect_dma semaphore(%arg20 : memref<!tpu.dma_semaphore, #tpu.memory_space<semaphore_mem>>) src(%dma_wait3A_295 : memref<10000x64xf32, #tpu.memory_space<hbm>>) dst(%arg15 : memref<128x64xf32, #tpu.memory_space<vmem>>)
        %sub3A_296 = arith.constant 2 : i32
        %sub3A_297 = arith.subi %add3A_274, %sub3A_296 : i32
        %dma_start3A_298 = arith.constant 0 : i32
        %dma_start3A_299 = tpu.memref_slice %arg12[%sub3A_297, %dma_start3A_298] : memref<157x128xi32, #tpu.memory_space<vmem>> -> memref<1x128xi32, #tpu.memory_space<vmem>>
        %dma_start3A_300 = tpu.memref_squeeze %dma_start3A_299 : memref<1x128xi32, #tpu.memory_space<vmem>> -> memref<128xi32, #tpu.memory_space<vmem>>
        %dma_start3A_301 = arith.constant 0 : i32
        %dma_start3A_302 = arith.constant 0 : i32
        %dma_start3A_303 = tpu.memref_slice %arg17[%dma_start3A_301, %dma_start3A_302] : memref<10016x64xf32, #tpu.memory_space<vmem_shared>> -> memref<10016x64xf32, #tpu.memory_space<vmem_shared>>
        tpu.enqueue_indirect_dma source(%arg15 : memref<128x64xf32, #tpu.memory_space<vmem>>) target(%dma_start3A_303 : memref<10016x64xf32, #tpu.memory_space<vmem_shared>>) offsets(%dma_start3A_300 : memref<128xi32, #tpu.memory_space<vmem>>) semaphore(%arg24 : memref<!tpu.dma_semaphore, #tpu.memory_space<semaphore_mem>>) {add = true}
        %eq3A_304 = arith.constant 0 : i32
        %eq3A_305 = arith.cmpi eq, %arg0, %eq3A_304 : i32
        %convert_element_type3A_306 = arith.extui %eq3A_305 : i1 to i32
        %cond3A_307 = arith.constant 0 : i32
        %cond3A_308 = arith.cmpi ne, %convert_element_type3A_306, %cond3A_307 : i32
        scf.if %cond3A_308 {
          "tpu.region"() ({
            %run_scoped3A = tpu.sem_alloc : memref<!tpu.dma_semaphore, #tpu.memory_space<semaphore_mem>>
            %dma_start3A_427 = arith.constant 0 : i32
            %dma_start3A_428 = tpu.memref_slice %arg12[%sub3A_297, %dma_start3A_427] : memref<157x128xi32, #tpu.memory_space<vmem>> -> memref<1x128xi32, #tpu.memory_space<vmem>>
            %dma_start3A_429 = tpu.memref_squeeze %dma_start3A_428 : memref<1x128xi32, #tpu.memory_space<vmem>> -> memref<128xi32, #tpu.memory_space<vmem>>
            %dma_start3A_430 = arith.constant 0 : i32
            %dma_start3A_431 = arith.constant 0 : i32
            %dma_start3A_432 = tpu.memref_slice %arg27[%dma_start3A_430, %dma_start3A_431] : memref<10016x16xf32, #tpu.memory_space<vmem_shared>> -> memref<10016x16xf32, #tpu.memory_space<vmem_shared>>
            tpu.enqueue_indirect_dma source(%arg26 : memref<128x16xf32, #tpu.memory_space<vmem>>) target(%dma_start3A_432 : memref<10016x16xf32, #tpu.memory_space<vmem_shared>>) offsets(%dma_start3A_429 : memref<128xi32, #tpu.memory_space<vmem>>) semaphore(%run_scoped3A : memref<!tpu.dma_semaphore, #tpu.memory_space<semaphore_mem>>) {add = true}
            %dma_wait3A_433 = arith.constant 0 : i32
            %dma_wait3A_434 = tpu.memref_slice %arg12[%sub3A_297, %dma_wait3A_433] : memref<157x128xi32, #tpu.memory_space<vmem>> -> memref<1x128xi32, #tpu.memory_space<vmem>>
            %dma_wait3A_435 = tpu.memref_squeeze %dma_wait3A_434 : memref<1x128xi32, #tpu.memory_space<vmem>> -> memref<128xi32, #tpu.memory_space<vmem>>
            %dma_wait3A_436 = arith.constant 0 : i32
            %dma_wait3A_437 = arith.constant 0 : i32
            %dma_wait3A_438 = tpu.memref_slice %arg27[%dma_wait3A_436, %dma_wait3A_437] : memref<10016x16xf32, #tpu.memory_space<vmem_shared>> -> memref<10016x16xf32, #tpu.memory_space<vmem_shared>>
            tpu.wait_indirect_dma semaphore(%run_scoped3A : memref<!tpu.dma_semaphore, #tpu.memory_space<semaphore_mem>>) src(%arg26 : memref<128x16xf32, #tpu.memory_space<vmem>>) dst(%dma_wait3A_438 : memref<10016x16xf32, #tpu.memory_space<vmem_shared>>)
            tpu.yield
          }) : () -> ()
        } else {
        }
        %mul3A_309 = arith.constant 4 : i32
        %mul3A_310 = arith.muli %scan3A_270, %mul3A_309 : i32
        %add3A_311 = arith.constant 1 : i32
        %add3A_312 = arith.addi %mul3A_310, %add3A_311 : i32
        %sub3A_313 = arith.constant 4 : i32
        %sub3A_314 = arith.subi %add3A_312, %sub3A_313 : i32
        %dma_wait3A_315 = arith.constant 0 : i32
        %dma_wait3A_316 = tpu.memref_slice %arg12[%sub3A_314, %dma_wait3A_315] : memref<157x128xi32, #tpu.memory_space<vmem>> -> memref<1x128xi32, #tpu.memory_space<vmem>>
        %dma_wait3A_317 = tpu.memref_squeeze %dma_wait3A_316 : memref<1x128xi32, #tpu.memory_space<vmem>> -> memref<128xi32, #tpu.memory_space<vmem>>
        %dma_wait3A_318 = arith.constant 0 : i32
        %dma_wait3A_319 = arith.constant 0 : i32
        %dma_wait3A_320 = tpu.memref_slice %arg17[%dma_wait3A_318, %dma_wait3A_319] : memref<10016x64xf32, #tpu.memory_space<vmem_shared>> -> memref<10016x64xf32, #tpu.memory_space<vmem_shared>>
        tpu.wait_indirect_dma semaphore(%arg23 : memref<!tpu.dma_semaphore, #tpu.memory_space<semaphore_mem>>) src(%arg14 : memref<128x64xf32, #tpu.memory_space<vmem>>) dst(%dma_wait3A_320 : memref<10016x64xf32, #tpu.memory_space<vmem_shared>>)
        %dma_start3A_321 = arith.constant 0 : i32
        %dma_start3A_322 = tpu.memref_slice %arg11[%add3A_312, %dma_start3A_321] : memref<157x128xi32, #tpu.memory_space<vmem>> -> memref<1x128xi32, #tpu.memory_space<vmem>>
        %dma_start3A_323 = tpu.memref_squeeze %dma_start3A_322 : memref<1x128xi32, #tpu.memory_space<vmem>> -> memref<128xi32, #tpu.memory_space<vmem>>
        %dma_start3A_324 = arith.constant 0 : i32
        %dma_start3A_325 = arith.constant 0 : i32
        %dma_start3A_326 = tpu.memref_slice %arg3[%dma_start3A_324, %dma_start3A_325] : memref<10000x64xf32, #tpu.memory_space<hbm>> -> memref<10000x64xf32, #tpu.memory_space<hbm>>
        tpu.enqueue_indirect_dma source(%dma_start3A_326 : memref<10000x64xf32, #tpu.memory_space<hbm>>) target(%arg14 : memref<128x64xf32, #tpu.memory_space<vmem>>) offsets(%dma_start3A_323 : memref<128xi32, #tpu.memory_space<vmem>>) semaphore(%arg19 : memref<!tpu.dma_semaphore, #tpu.memory_space<semaphore_mem>>)
        %sub3A_327 = arith.constant 2 : i32
        %sub3A_328 = arith.subi %add3A_312, %sub3A_327 : i32
        %dma_wait3A_329 = arith.constant 0 : i32
        %dma_wait3A_330 = tpu.memref_slice %arg11[%sub3A_328, %dma_wait3A_329] : memref<157x128xi32, #tpu.memory_space<vmem>> -> memref<1x128xi32, #tpu.memory_space<vmem>>
        %dma_wait3A_331 = tpu.memref_squeeze %dma_wait3A_330 : memref<1x128xi32, #tpu.memory_space<vmem>> -> memref<128xi32, #tpu.memory_space<vmem>>
        %dma_wait3A_332 = arith.constant 0 : i32
        %dma_wait3A_333 = arith.constant 0 : i32
        %dma_wait3A_334 = tpu.memref_slice %arg3[%dma_wait3A_332, %dma_wait3A_333] : memref<10000x64xf32, #tpu.memory_space<hbm>> -> memref<10000x64xf32, #tpu.memory_space<hbm>>
        tpu.wait_indirect_dma semaphore(%arg21 : memref<!tpu.dma_semaphore, #tpu.memory_space<semaphore_mem>>) src(%dma_wait3A_334 : memref<10000x64xf32, #tpu.memory_space<hbm>>) dst(%arg16 : memref<128x64xf32, #tpu.memory_space<vmem>>)
        %sub3A_335 = arith.constant 2 : i32
        %sub3A_336 = arith.subi %add3A_312, %sub3A_335 : i32
        %dma_start3A_337 = arith.constant 0 : i32
        %dma_start3A_338 = tpu.memref_slice %arg12[%sub3A_336, %dma_start3A_337] : memref<157x128xi32, #tpu.memory_space<vmem>> -> memref<1x128xi32, #tpu.memory_space<vmem>>
        %dma_start3A_339 = tpu.memref_squeeze %dma_start3A_338 : memref<1x128xi32, #tpu.memory_space<vmem>> -> memref<128xi32, #tpu.memory_space<vmem>>
        %dma_start3A_340 = arith.constant 0 : i32
        %dma_start3A_341 = arith.constant 0 : i32
        %dma_start3A_342 = tpu.memref_slice %arg17[%dma_start3A_340, %dma_start3A_341] : memref<10016x64xf32, #tpu.memory_space<vmem_shared>> -> memref<10016x64xf32, #tpu.memory_space<vmem_shared>>
        tpu.enqueue_indirect_dma source(%arg16 : memref<128x64xf32, #tpu.memory_space<vmem>>) target(%dma_start3A_342 : memref<10016x64xf32, #tpu.memory_space<vmem_shared>>) offsets(%dma_start3A_339 : memref<128xi32, #tpu.memory_space<vmem>>) semaphore(%arg25 : memref<!tpu.dma_semaphore, #tpu.memory_space<semaphore_mem>>) {add = true}
        %eq3A_343 = arith.constant 0 : i32
        %eq3A_344 = arith.cmpi eq, %arg0, %eq3A_343 : i32
        %convert_element_type3A_345 = arith.extui %eq3A_344 : i1 to i32
        %cond3A_346 = arith.constant 0 : i32
        %cond3A_347 = arith.cmpi ne, %convert_element_type3A_345, %cond3A_346 : i32
        scf.if %cond3A_347 {
          "tpu.region"() ({
            %run_scoped3A = tpu.sem_alloc : memref<!tpu.dma_semaphore, #tpu.memory_space<semaphore_mem>>
            %dma_start3A_427 = arith.constant 0 : i32
            %dma_start3A_428 = tpu.memref_slice %arg12[%sub3A_336, %dma_start3A_427] : memref<157x128xi32, #tpu.memory_space<vmem>> -> memref<1x128xi32, #tpu.memory_space<vmem>>
            %dma_start3A_429 = tpu.memref_squeeze %dma_start3A_428 : memref<1x128xi32, #tpu.memory_space<vmem>> -> memref<128xi32, #tpu.memory_space<vmem>>
            %dma_start3A_430 = arith.constant 0 : i32
            %dma_start3A_431 = arith.constant 0 : i32
            %dma_start3A_432 = tpu.memref_slice %arg27[%dma_start3A_430, %dma_start3A_431] : memref<10016x16xf32, #tpu.memory_space<vmem_shared>> -> memref<10016x16xf32, #tpu.memory_space<vmem_shared>>
            tpu.enqueue_indirect_dma source(%arg26 : memref<128x16xf32, #tpu.memory_space<vmem>>) target(%dma_start3A_432 : memref<10016x16xf32, #tpu.memory_space<vmem_shared>>) offsets(%dma_start3A_429 : memref<128xi32, #tpu.memory_space<vmem>>) semaphore(%run_scoped3A : memref<!tpu.dma_semaphore, #tpu.memory_space<semaphore_mem>>) {add = true}
            %dma_wait3A_433 = arith.constant 0 : i32
            %dma_wait3A_434 = tpu.memref_slice %arg12[%sub3A_336, %dma_wait3A_433] : memref<157x128xi32, #tpu.memory_space<vmem>> -> memref<1x128xi32, #tpu.memory_space<vmem>>
            %dma_wait3A_435 = tpu.memref_squeeze %dma_wait3A_434 : memref<1x128xi32, #tpu.memory_space<vmem>> -> memref<128xi32, #tpu.memory_space<vmem>>
            %dma_wait3A_436 = arith.constant 0 : i32
            %dma_wait3A_437 = arith.constant 0 : i32
            %dma_wait3A_438 = tpu.memref_slice %arg27[%dma_wait3A_436, %dma_wait3A_437] : memref<10016x16xf32, #tpu.memory_space<vmem_shared>> -> memref<10016x16xf32, #tpu.memory_space<vmem_shared>>
            tpu.wait_indirect_dma semaphore(%run_scoped3A : memref<!tpu.dma_semaphore, #tpu.memory_space<semaphore_mem>>) src(%arg26 : memref<128x16xf32, #tpu.memory_space<vmem>>) dst(%dma_wait3A_438 : memref<10016x16xf32, #tpu.memory_space<vmem_shared>>)
            tpu.yield
          }) : () -> ()
        } else {
        }
        %mul3A_348 = arith.constant 4 : i32
        %mul3A_349 = arith.muli %scan3A_270, %mul3A_348 : i32
        %add3A_350 = arith.constant 2 : i32
        %add3A_351 = arith.addi %mul3A_349, %add3A_350 : i32
        %sub3A_352 = arith.constant 4 : i32
        %sub3A_353 = arith.subi %add3A_351, %sub3A_352 : i32
        %dma_wait3A_354 = arith.constant 0 : i32
        %dma_wait3A_355 = tpu.memref_slice %arg12[%sub3A_353, %dma_wait3A_354] : memref<157x128xi32, #tpu.memory_space<vmem>> -> memref<1x128xi32, #tpu.memory_space<vmem>>
        %dma_wait3A_356 = tpu.memref_squeeze %dma_wait3A_355 : memref<1x128xi32, #tpu.memory_space<vmem>> -> memref<128xi32, #tpu.memory_space<vmem>>
        %dma_wait3A_357 = arith.constant 0 : i32
        %dma_wait3A_358 = arith.constant 0 : i32
        %dma_wait3A_359 = tpu.memref_slice %arg17[%dma_wait3A_357, %dma_wait3A_358] : memref<10016x64xf32, #tpu.memory_space<vmem_shared>> -> memref<10016x64xf32, #tpu.memory_space<vmem_shared>>
        tpu.wait_indirect_dma semaphore(%arg24 : memref<!tpu.dma_semaphore, #tpu.memory_space<semaphore_mem>>) src(%arg15 : memref<128x64xf32, #tpu.memory_space<vmem>>) dst(%dma_wait3A_359 : memref<10016x64xf32, #tpu.memory_space<vmem_shared>>)
        %dma_start3A_360 = arith.constant 0 : i32
        %dma_start3A_361 = tpu.memref_slice %arg11[%add3A_351, %dma_start3A_360] : memref<157x128xi32, #tpu.memory_space<vmem>> -> memref<1x128xi32, #tpu.memory_space<vmem>>
        %dma_start3A_362 = tpu.memref_squeeze %dma_start3A_361 : memref<1x128xi32, #tpu.memory_space<vmem>> -> memref<128xi32, #tpu.memory_space<vmem>>
        %dma_start3A_363 = arith.constant 0 : i32
        %dma_start3A_364 = arith.constant 0 : i32
        %dma_start3A_365 = tpu.memref_slice %arg3[%dma_start3A_363, %dma_start3A_364] : memref<10000x64xf32, #tpu.memory_space<hbm>> -> memref<10000x64xf32, #tpu.memory_space<hbm>>
        tpu.enqueue_indirect_dma source(%dma_start3A_365 : memref<10000x64xf32, #tpu.memory_space<hbm>>) target(%arg15 : memref<128x64xf32, #tpu.memory_space<vmem>>) offsets(%dma_start3A_362 : memref<128xi32, #tpu.memory_space<vmem>>) semaphore(%arg20 : memref<!tpu.dma_semaphore, #tpu.memory_space<semaphore_mem>>)
        %sub3A_366 = arith.constant 2 : i32
        %sub3A_367 = arith.subi %add3A_351, %sub3A_366 : i32
        %dma_wait3A_368 = arith.constant 0 : i32
        %dma_wait3A_369 = tpu.memref_slice %arg11[%sub3A_367, %dma_wait3A_368] : memref<157x128xi32, #tpu.memory_space<vmem>> -> memref<1x128xi32, #tpu.memory_space<vmem>>
        %dma_wait3A_370 = tpu.memref_squeeze %dma_wait3A_369 : memref<1x128xi32, #tpu.memory_space<vmem>> -> memref<128xi32, #tpu.memory_space<vmem>>
        %dma_wait3A_371 = arith.constant 0 : i32
        %dma_wait3A_372 = arith.constant 0 : i32
        %dma_wait3A_373 = tpu.memref_slice %arg3[%dma_wait3A_371, %dma_wait3A_372] : memref<10000x64xf32, #tpu.memory_space<hbm>> -> memref<10000x64xf32, #tpu.memory_space<hbm>>
        tpu.wait_indirect_dma semaphore(%arg18 : memref<!tpu.dma_semaphore, #tpu.memory_space<semaphore_mem>>) src(%dma_wait3A_373 : memref<10000x64xf32, #tpu.memory_space<hbm>>) dst(%arg13 : memref<128x64xf32, #tpu.memory_space<vmem>>)
        %sub3A_374 = arith.constant 2 : i32
        %sub3A_375 = arith.subi %add3A_351, %sub3A_374 : i32
        %dma_start3A_376 = arith.constant 0 : i32
        %dma_start3A_377 = tpu.memref_slice %arg12[%sub3A_375, %dma_start3A_376] : memref<157x128xi32, #tpu.memory_space<vmem>> -> memref<1x128xi32, #tpu.memory_space<vmem>>
        %dma_start3A_378 = tpu.memref_squeeze %dma_start3A_377 : memref<1x128xi32, #tpu.memory_space<vmem>> -> memref<128xi32, #tpu.memory_space<vmem>>
        %dma_start3A_379 = arith.constant 0 : i32
        %dma_start3A_380 = arith.constant 0 : i32
        %dma_start3A_381 = tpu.memref_slice %arg17[%dma_start3A_379, %dma_start3A_380] : memref<10016x64xf32, #tpu.memory_space<vmem_shared>> -> memref<10016x64xf32, #tpu.memory_space<vmem_shared>>
        tpu.enqueue_indirect_dma source(%arg13 : memref<128x64xf32, #tpu.memory_space<vmem>>) target(%dma_start3A_381 : memref<10016x64xf32, #tpu.memory_space<vmem_shared>>) offsets(%dma_start3A_378 : memref<128xi32, #tpu.memory_space<vmem>>) semaphore(%arg22 : memref<!tpu.dma_semaphore, #tpu.memory_space<semaphore_mem>>) {add = true}
        %eq3A_382 = arith.constant 0 : i32
        %eq3A_383 = arith.cmpi eq, %arg0, %eq3A_382 : i32
        %convert_element_type3A_384 = arith.extui %eq3A_383 : i1 to i32
        %cond3A_385 = arith.constant 0 : i32
        %cond3A_386 = arith.cmpi ne, %convert_element_type3A_384, %cond3A_385 : i32
        scf.if %cond3A_386 {
          "tpu.region"() ({
            %run_scoped3A = tpu.sem_alloc : memref<!tpu.dma_semaphore, #tpu.memory_space<semaphore_mem>>
            %dma_start3A_427 = arith.constant 0 : i32
            %dma_start3A_428 = tpu.memref_slice %arg12[%sub3A_375, %dma_start3A_427] : memref<157x128xi32, #tpu.memory_space<vmem>> -> memref<1x128xi32, #tpu.memory_space<vmem>>
            %dma_start3A_429 = tpu.memref_squeeze %dma_start3A_428 : memref<1x128xi32, #tpu.memory_space<vmem>> -> memref<128xi32, #tpu.memory_space<vmem>>
            %dma_start3A_430 = arith.constant 0 : i32
            %dma_start3A_431 = arith.constant 0 : i32
            %dma_start3A_432 = tpu.memref_slice %arg27[%dma_start3A_430, %dma_start3A_431] : memref<10016x16xf32, #tpu.memory_space<vmem_shared>> -> memref<10016x16xf32, #tpu.memory_space<vmem_shared>>
            tpu.enqueue_indirect_dma source(%arg26 : memref<128x16xf32, #tpu.memory_space<vmem>>) target(%dma_start3A_432 : memref<10016x16xf32, #tpu.memory_space<vmem_shared>>) offsets(%dma_start3A_429 : memref<128xi32, #tpu.memory_space<vmem>>) semaphore(%run_scoped3A : memref<!tpu.dma_semaphore, #tpu.memory_space<semaphore_mem>>) {add = true}
            %dma_wait3A_433 = arith.constant 0 : i32
            %dma_wait3A_434 = tpu.memref_slice %arg12[%sub3A_375, %dma_wait3A_433] : memref<157x128xi32, #tpu.memory_space<vmem>> -> memref<1x128xi32, #tpu.memory_space<vmem>>
            %dma_wait3A_435 = tpu.memref_squeeze %dma_wait3A_434 : memref<1x128xi32, #tpu.memory_space<vmem>> -> memref<128xi32, #tpu.memory_space<vmem>>
            %dma_wait3A_436 = arith.constant 0 : i32
            %dma_wait3A_437 = arith.constant 0 : i32
            %dma_wait3A_438 = tpu.memref_slice %arg27[%dma_wait3A_436, %dma_wait3A_437] : memref<10016x16xf32, #tpu.memory_space<vmem_shared>> -> memref<10016x16xf32, #tpu.memory_space<vmem_shared>>
            tpu.wait_indirect_dma semaphore(%run_scoped3A : memref<!tpu.dma_semaphore, #tpu.memory_space<semaphore_mem>>) src(%arg26 : memref<128x16xf32, #tpu.memory_space<vmem>>) dst(%dma_wait3A_438 : memref<10016x16xf32, #tpu.memory_space<vmem_shared>>)
            tpu.yield
          }) : () -> ()
        } else {
        }
        %mul3A_387 = arith.constant 4 : i32
        %mul3A_388 = arith.muli %scan3A_270, %mul3A_387 : i32
        %add3A_389 = arith.constant 3 : i32
        %add3A_390 = arith.addi %mul3A_388, %add3A_389 : i32
        %sub3A_391 = arith.constant 4 : i32
        %sub3A_392 = arith.subi %add3A_390, %sub3A_391 : i32
        %dma_wait3A_393 = arith.constant 0 : i32
        %dma_wait3A_394 = tpu.memref_slice %arg12[%sub3A_392, %dma_wait3A_393] : memref<157x128xi32, #tpu.memory_space<vmem>> -> memref<1x128xi32, #tpu.memory_space<vmem>>
        %dma_wait3A_395 = tpu.memref_squeeze %dma_wait3A_394 : memref<1x128xi32, #tpu.memory_space<vmem>> -> memref<128xi32, #tpu.memory_space<vmem>>
        %dma_wait3A_396 = arith.constant 0 : i32
        %dma_wait3A_397 = arith.constant 0 : i32
        %dma_wait3A_398 = tpu.memref_slice %arg17[%dma_wait3A_396, %dma_wait3A_397] : memref<10016x64xf32, #tpu.memory_space<vmem_shared>> -> memref<10016x64xf32, #tpu.memory_space<vmem_shared>>
        tpu.wait_indirect_dma semaphore(%arg25 : memref<!tpu.dma_semaphore, #tpu.memory_space<semaphore_mem>>) src(%arg16 : memref<128x64xf32, #tpu.memory_space<vmem>>) dst(%dma_wait3A_398 : memref<10016x64xf32, #tpu.memory_space<vmem_shared>>)
        %dma_start3A_399 = arith.constant 0 : i32
        %dma_start3A_400 = tpu.memref_slice %arg11[%add3A_390, %dma_start3A_399] : memref<157x128xi32, #tpu.memory_space<vmem>> -> memref<1x128xi32, #tpu.memory_space<vmem>>
        %dma_start3A_401 = tpu.memref_squeeze %dma_start3A_400 : memref<1x128xi32, #tpu.memory_space<vmem>> -> memref<128xi32, #tpu.memory_space<vmem>>
        %dma_start3A_402 = arith.constant 0 : i32
        %dma_start3A_403 = arith.constant 0 : i32
        %dma_start3A_404 = tpu.memref_slice %arg3[%dma_start3A_402, %dma_start3A_403] : memref<10000x64xf32, #tpu.memory_space<hbm>> -> memref<10000x64xf32, #tpu.memory_space<hbm>>
        tpu.enqueue_indirect_dma source(%dma_start3A_404 : memref<10000x64xf32, #tpu.memory_space<hbm>>) target(%arg16 : memref<128x64xf32, #tpu.memory_space<vmem>>) offsets(%dma_start3A_401 : memref<128xi32, #tpu.memory_space<vmem>>) semaphore(%arg21 : memref<!tpu.dma_semaphore, #tpu.memory_space<semaphore_mem>>)
        %sub3A_405 = arith.constant 2 : i32
        %sub3A_406 = arith.subi %add3A_390, %sub3A_405 : i32
        %dma_wait3A_407 = arith.constant 0 : i32
        %dma_wait3A_408 = tpu.memref_slice %arg11[%sub3A_406, %dma_wait3A_407] : memref<157x128xi32, #tpu.memory_space<vmem>> -> memref<1x128xi32, #tpu.memory_space<vmem>>
        %dma_wait3A_409 = tpu.memref_squeeze %dma_wait3A_408 : memref<1x128xi32, #tpu.memory_space<vmem>> -> memref<128xi32, #tpu.memory_space<vmem>>
        %dma_wait3A_410 = arith.constant 0 : i32
        %dma_wait3A_411 = arith.constant 0 : i32
        %dma_wait3A_412 = tpu.memref_slice %arg3[%dma_wait3A_410, %dma_wait3A_411] : memref<10000x64xf32, #tpu.memory_space<hbm>> -> memref<10000x64xf32, #tpu.memory_space<hbm>>
        tpu.wait_indirect_dma semaphore(%arg19 : memref<!tpu.dma_semaphore, #tpu.memory_space<semaphore_mem>>) src(%dma_wait3A_412 : memref<10000x64xf32, #tpu.memory_space<hbm>>) dst(%arg14 : memref<128x64xf32, #tpu.memory_space<vmem>>)
        %sub3A_413 = arith.constant 2 : i32
        %sub3A_414 = arith.subi %add3A_390, %sub3A_413 : i32
        %dma_start3A_415 = arith.constant 0 : i32
        %dma_start3A_416 = tpu.memref_slice %arg12[%sub3A_414, %dma_start3A_415] : memref<157x128xi32, #tpu.memory_space<vmem>> -> memref<1x128xi32, #tpu.memory_space<vmem>>
        %dma_start3A_417 = tpu.memref_squeeze %dma_start3A_416 : memref<1x128xi32, #tpu.memory_space<vmem>> -> memref<128xi32, #tpu.memory_space<vmem>>
        %dma_start3A_418 = arith.constant 0 : i32
        %dma_start3A_419 = arith.constant 0 : i32
        %dma_start3A_420 = tpu.memref_slice %arg17[%dma_start3A_418, %dma_start3A_419] : memref<10016x64xf32, #tpu.memory_space<vmem_shared>> -> memref<10016x64xf32, #tpu.memory_space<vmem_shared>>
        tpu.enqueue_indirect_dma source(%arg14 : memref<128x64xf32, #tpu.memory_space<vmem>>) target(%dma_start3A_420 : memref<10016x64xf32, #tpu.memory_space<vmem_shared>>) offsets(%dma_start3A_417 : memref<128xi32, #tpu.memory_space<vmem>>) semaphore(%arg23 : memref<!tpu.dma_semaphore, #tpu.memory_space<semaphore_mem>>) {add = true}
        %eq3A_421 = arith.constant 0 : i32
        %eq3A_422 = arith.cmpi eq, %arg0, %eq3A_421 : i32
        %convert_element_type3A_423 = arith.extui %eq3A_422 : i1 to i32
        %cond3A_424 = arith.constant 0 : i32
        %cond3A_425 = arith.cmpi ne, %convert_element_type3A_423, %cond3A_424 : i32
        scf.if %cond3A_425 {
          "tpu.region"() ({
            %run_scoped3A = tpu.sem_alloc : memref<!tpu.dma_semaphore, #tpu.memory_space<semaphore_mem>>
            %dma_start3A_427 = arith.constant 0 : i32
            %dma_start3A_428 = tpu.memref_slice %arg12[%sub3A_414, %dma_start3A_427] : memref<157x128xi32, #tpu.memory_space<vmem>> -> memref<1x128xi32, #tpu.memory_space<vmem>>
            %dma_start3A_429 = tpu.memref_squeeze %dma_start3A_428 : memref<1x128xi32, #tpu.memory_space<vmem>> -> memref<128xi32, #tpu.memory_space<vmem>>
            %dma_start3A_430 = arith.constant 0 : i32
            %dma_start3A_431 = arith.constant 0 : i32
            %dma_start3A_432 = tpu.memref_slice %arg27[%dma_start3A_430, %dma_start3A_431] : memref<10016x16xf32, #tpu.memory_space<vmem_shared>> -> memref<10016x16xf32, #tpu.memory_space<vmem_shared>>
            tpu.enqueue_indirect_dma source(%arg26 : memref<128x16xf32, #tpu.memory_space<vmem>>) target(%dma_start3A_432 : memref<10016x16xf32, #tpu.memory_space<vmem_shared>>) offsets(%dma_start3A_429 : memref<128xi32, #tpu.memory_space<vmem>>) semaphore(%run_scoped3A : memref<!tpu.dma_semaphore, #tpu.memory_space<semaphore_mem>>) {add = true}
            %dma_wait3A_433 = arith.constant 0 : i32
            %dma_wait3A_434 = tpu.memref_slice %arg12[%sub3A_414, %dma_wait3A_433] : memref<157x128xi32, #tpu.memory_space<vmem>> -> memref<1x128xi32, #tpu.memory_space<vmem>>
            %dma_wait3A_435 = tpu.memref_squeeze %dma_wait3A_434 : memref<1x128xi32, #tpu.memory_space<vmem>> -> memref<128xi32, #tpu.memory_space<vmem>>
            %dma_wait3A_436 = arith.constant 0 : i32
            %dma_wait3A_437 = arith.constant 0 : i32
            %dma_wait3A_438 = tpu.memref_slice %arg27[%dma_wait3A_436, %dma_wait3A_437] : memref<10016x16xf32, #tpu.memory_space<vmem_shared>> -> memref<10016x16xf32, #tpu.memory_space<vmem_shared>>
            tpu.wait_indirect_dma semaphore(%run_scoped3A : memref<!tpu.dma_semaphore, #tpu.memory_space<semaphore_mem>>) src(%arg26 : memref<128x16xf32, #tpu.memory_space<vmem>>) dst(%dma_wait3A_438 : memref<10016x16xf32, #tpu.memory_space<vmem_shared>>)
            tpu.yield
          }) : () -> ()
        } else {
        }
        %scan3A_426 = arith.constant 0 : i32
        scf.yield %scan3A_426 : i32
      }
      %scan3A_170 = arith.constant 38 : i32
      %dma_wait3A_171 = arith.constant 152 : i32
      %dma_wait3A_172 = arith.constant 0 : i32
      %dma_wait3A_173 = tpu.memref_slice %arg12[%dma_wait3A_171, %dma_wait3A_172] : memref<157x128xi32, #tpu.memory_space<vmem>> -> memref<1x128xi32, #tpu.memory_space<vmem>>
      %dma_wait3A_174 = tpu.memref_squeeze %dma_wait3A_173 : memref<1x128xi32, #tpu.memory_space<vmem>> -> memref<128xi32, #tpu.memory_space<vmem>>
      %dma_wait3A_175 = arith.constant 0 : i32
      %dma_wait3A_176 = arith.constant 0 : i32
      %dma_wait3A_177 = tpu.memref_slice %arg17[%dma_wait3A_175, %dma_wait3A_176] : memref<10016x64xf32, #tpu.memory_space<vmem_shared>> -> memref<10016x64xf32, #tpu.memory_space<vmem_shared>>
      tpu.wait_indirect_dma semaphore(%arg22 : memref<!tpu.dma_semaphore, #tpu.memory_space<semaphore_mem>>) src(%arg13 : memref<128x64xf32, #tpu.memory_space<vmem>>) dst(%dma_wait3A_177 : memref<10016x64xf32, #tpu.memory_space<vmem_shared>>)
      %dma_start3A_178 = arith.constant 156 : i32
      %dma_start3A_179 = arith.constant 0 : i32
      %dma_start3A_180 = tpu.memref_slice %arg11[%dma_start3A_178, %dma_start3A_179] : memref<157x128xi32, #tpu.memory_space<vmem>> -> memref<1x128xi32, #tpu.memory_space<vmem>>
      %dma_start3A_181 = tpu.memref_squeeze %dma_start3A_180 : memref<1x128xi32, #tpu.memory_space<vmem>> -> memref<128xi32, #tpu.memory_space<vmem>>
      %dma_start3A_182 = arith.constant 0 : i32
      %dma_start3A_183 = arith.constant 0 : i32
      %dma_start3A_184 = tpu.memref_slice %arg3[%dma_start3A_182, %dma_start3A_183] : memref<10000x64xf32, #tpu.memory_space<hbm>> -> memref<10000x64xf32, #tpu.memory_space<hbm>>
      tpu.enqueue_indirect_dma source(%dma_start3A_184 : memref<10000x64xf32, #tpu.memory_space<hbm>>) target(%arg13 : memref<128x64xf32, #tpu.memory_space<vmem>>) offsets(%dma_start3A_181 : memref<128xi32, #tpu.memory_space<vmem>>) semaphore(%arg18 : memref<!tpu.dma_semaphore, #tpu.memory_space<semaphore_mem>>)
      %dma_wait3A_185 = arith.constant 154 : i32
      %dma_wait3A_186 = arith.constant 0 : i32
      %dma_wait3A_187 = tpu.memref_slice %arg11[%dma_wait3A_185, %dma_wait3A_186] : memref<157x128xi32, #tpu.memory_space<vmem>> -> memref<1x128xi32, #tpu.memory_space<vmem>>
      %dma_wait3A_188 = tpu.memref_squeeze %dma_wait3A_187 : memref<1x128xi32, #tpu.memory_space<vmem>> -> memref<128xi32, #tpu.memory_space<vmem>>
      %dma_wait3A_189 = arith.constant 0 : i32
      %dma_wait3A_190 = arith.constant 0 : i32
      %dma_wait3A_191 = tpu.memref_slice %arg3[%dma_wait3A_189, %dma_wait3A_190] : memref<10000x64xf32, #tpu.memory_space<hbm>> -> memref<10000x64xf32, #tpu.memory_space<hbm>>
      tpu.wait_indirect_dma semaphore(%arg20 : memref<!tpu.dma_semaphore, #tpu.memory_space<semaphore_mem>>) src(%dma_wait3A_191 : memref<10000x64xf32, #tpu.memory_space<hbm>>) dst(%arg15 : memref<128x64xf32, #tpu.memory_space<vmem>>)
      %dma_start3A_192 = arith.constant 154 : i32
      %dma_start3A_193 = arith.constant 0 : i32
      %dma_start3A_194 = tpu.memref_slice %arg12[%dma_start3A_192, %dma_start3A_193] : memref<157x128xi32, #tpu.memory_space<vmem>> -> memref<1x128xi32, #tpu.memory_space<vmem>>
      %dma_start3A_195 = tpu.memref_squeeze %dma_start3A_194 : memref<1x128xi32, #tpu.memory_space<vmem>> -> memref<128xi32, #tpu.memory_space<vmem>>
      %dma_start3A_196 = arith.constant 0 : i32
      %dma_start3A_197 = arith.constant 0 : i32
      %dma_start3A_198 = tpu.memref_slice %arg17[%dma_start3A_196, %dma_start3A_197] : memref<10016x64xf32, #tpu.memory_space<vmem_shared>> -> memref<10016x64xf32, #tpu.memory_space<vmem_shared>>
      tpu.enqueue_indirect_dma source(%arg15 : memref<128x64xf32, #tpu.memory_space<vmem>>) target(%dma_start3A_198 : memref<10016x64xf32, #tpu.memory_space<vmem_shared>>) offsets(%dma_start3A_195 : memref<128xi32, #tpu.memory_space<vmem>>) semaphore(%arg24 : memref<!tpu.dma_semaphore, #tpu.memory_space<semaphore_mem>>) {add = true}
      %eq3A_199 = arith.constant 0 : i32
      %eq3A_200 = arith.cmpi eq, %arg0, %eq3A_199 : i32
      %convert_element_type3A_201 = arith.extui %eq3A_200 : i1 to i32
      %cond3A_202 = arith.constant 0 : i32
      %cond3A_203 = arith.cmpi ne, %convert_element_type3A_201, %cond3A_202 : i32
      scf.if %cond3A_203 {
        %run_scoped3A = arith.constant 154 : i32
        "tpu.region"() ({
          %run_scoped3A_270 = tpu.sem_alloc : memref<!tpu.dma_semaphore, #tpu.memory_space<semaphore_mem>>
          %dma_start3A_271 = arith.constant 0 : i32
          %dma_start3A_272 = tpu.memref_slice %arg12[%run_scoped3A, %dma_start3A_271] : memref<157x128xi32, #tpu.memory_space<vmem>> -> memref<1x128xi32, #tpu.memory_space<vmem>>
          %dma_start3A_273 = tpu.memref_squeeze %dma_start3A_272 : memref<1x128xi32, #tpu.memory_space<vmem>> -> memref<128xi32, #tpu.memory_space<vmem>>
          %dma_start3A_274 = arith.constant 0 : i32
          %dma_start3A_275 = arith.constant 0 : i32
          %dma_start3A_276 = tpu.memref_slice %arg27[%dma_start3A_274, %dma_start3A_275] : memref<10016x16xf32, #tpu.memory_space<vmem_shared>> -> memref<10016x16xf32, #tpu.memory_space<vmem_shared>>
          tpu.enqueue_indirect_dma source(%arg26 : memref<128x16xf32, #tpu.memory_space<vmem>>) target(%dma_start3A_276 : memref<10016x16xf32, #tpu.memory_space<vmem_shared>>) offsets(%dma_start3A_273 : memref<128xi32, #tpu.memory_space<vmem>>) semaphore(%run_scoped3A_270 : memref<!tpu.dma_semaphore, #tpu.memory_space<semaphore_mem>>) {add = true}
          %dma_wait3A_277 = arith.constant 0 : i32
          %dma_wait3A_278 = tpu.memref_slice %arg12[%run_scoped3A, %dma_wait3A_277] : memref<157x128xi32, #tpu.memory_space<vmem>> -> memref<1x128xi32, #tpu.memory_space<vmem>>
          %dma_wait3A_279 = tpu.memref_squeeze %dma_wait3A_278 : memref<1x128xi32, #tpu.memory_space<vmem>> -> memref<128xi32, #tpu.memory_space<vmem>>
          %dma_wait3A_280 = arith.constant 0 : i32
          %dma_wait3A_281 = arith.constant 0 : i32
          %dma_wait3A_282 = tpu.memref_slice %arg27[%dma_wait3A_280, %dma_wait3A_281] : memref<10016x16xf32, #tpu.memory_space<vmem_shared>> -> memref<10016x16xf32, #tpu.memory_space<vmem_shared>>
          tpu.wait_indirect_dma semaphore(%run_scoped3A_270 : memref<!tpu.dma_semaphore, #tpu.memory_space<semaphore_mem>>) src(%arg26 : memref<128x16xf32, #tpu.memory_space<vmem>>) dst(%dma_wait3A_282 : memref<10016x16xf32, #tpu.memory_space<vmem_shared>>)
          tpu.yield
        }) : () -> ()
      } else {
      }
      %dma_wait3A_204 = arith.constant 155 : i32
      %dma_wait3A_205 = arith.constant 0 : i32
      %dma_wait3A_206 = tpu.memref_slice %arg11[%dma_wait3A_204, %dma_wait3A_205] : memref<157x128xi32, #tpu.memory_space<vmem>> -> memref<1x128xi32, #tpu.memory_space<vmem>>
      %dma_wait3A_207 = tpu.memref_squeeze %dma_wait3A_206 : memref<1x128xi32, #tpu.memory_space<vmem>> -> memref<128xi32, #tpu.memory_space<vmem>>
      %dma_wait3A_208 = arith.constant 0 : i32
      %dma_wait3A_209 = arith.constant 0 : i32
      %dma_wait3A_210 = tpu.memref_slice %arg3[%dma_wait3A_208, %dma_wait3A_209] : memref<10000x64xf32, #tpu.memory_space<hbm>> -> memref<10000x64xf32, #tpu.memory_space<hbm>>
      tpu.wait_indirect_dma semaphore(%arg21 : memref<!tpu.dma_semaphore, #tpu.memory_space<semaphore_mem>>) src(%dma_wait3A_210 : memref<10000x64xf32, #tpu.memory_space<hbm>>) dst(%arg16 : memref<128x64xf32, #tpu.memory_space<vmem>>)
      %dma_start3A_211 = arith.constant 155 : i32
      %dma_start3A_212 = arith.constant 0 : i32
      %dma_start3A_213 = tpu.memref_slice %arg12[%dma_start3A_211, %dma_start3A_212] : memref<157x128xi32, #tpu.memory_space<vmem>> -> memref<1x128xi32, #tpu.memory_space<vmem>>
      %dma_start3A_214 = tpu.memref_squeeze %dma_start3A_213 : memref<1x128xi32, #tpu.memory_space<vmem>> -> memref<128xi32, #tpu.memory_space<vmem>>
      %dma_start3A_215 = arith.constant 0 : i32
      %dma_start3A_216 = arith.constant 0 : i32
      %dma_start3A_217 = tpu.memref_slice %arg17[%dma_start3A_215, %dma_start3A_216] : memref<10016x64xf32, #tpu.memory_space<vmem_shared>> -> memref<10016x64xf32, #tpu.memory_space<vmem_shared>>
      tpu.enqueue_indirect_dma source(%arg16 : memref<128x64xf32, #tpu.memory_space<vmem>>) target(%dma_start3A_217 : memref<10016x64xf32, #tpu.memory_space<vmem_shared>>) offsets(%dma_start3A_214 : memref<128xi32, #tpu.memory_space<vmem>>) semaphore(%arg25 : memref<!tpu.dma_semaphore, #tpu.memory_space<semaphore_mem>>) {add = true}
      %eq3A_218 = arith.constant 0 : i32
      %eq3A_219 = arith.cmpi eq, %arg0, %eq3A_218 : i32
      %convert_element_type3A_220 = arith.extui %eq3A_219 : i1 to i32
      %cond3A_221 = arith.constant 0 : i32
      %cond3A_222 = arith.cmpi ne, %convert_element_type3A_220, %cond3A_221 : i32
      scf.if %cond3A_222 {
        %run_scoped3A = arith.constant 155 : i32
        "tpu.region"() ({
          %run_scoped3A_270 = tpu.sem_alloc : memref<!tpu.dma_semaphore, #tpu.memory_space<semaphore_mem>>
          %dma_start3A_271 = arith.constant 0 : i32
          %dma_start3A_272 = tpu.memref_slice %arg12[%run_scoped3A, %dma_start3A_271] : memref<157x128xi32, #tpu.memory_space<vmem>> -> memref<1x128xi32, #tpu.memory_space<vmem>>
          %dma_start3A_273 = tpu.memref_squeeze %dma_start3A_272 : memref<1x128xi32, #tpu.memory_space<vmem>> -> memref<128xi32, #tpu.memory_space<vmem>>
          %dma_start3A_274 = arith.constant 0 : i32
          %dma_start3A_275 = arith.constant 0 : i32
          %dma_start3A_276 = tpu.memref_slice %arg27[%dma_start3A_274, %dma_start3A_275] : memref<10016x16xf32, #tpu.memory_space<vmem_shared>> -> memref<10016x16xf32, #tpu.memory_space<vmem_shared>>
          tpu.enqueue_indirect_dma source(%arg26 : memref<128x16xf32, #tpu.memory_space<vmem>>) target(%dma_start3A_276 : memref<10016x16xf32, #tpu.memory_space<vmem_shared>>) offsets(%dma_start3A_273 : memref<128xi32, #tpu.memory_space<vmem>>) semaphore(%run_scoped3A_270 : memref<!tpu.dma_semaphore, #tpu.memory_space<semaphore_mem>>) {add = true}
          %dma_wait3A_277 = arith.constant 0 : i32
          %dma_wait3A_278 = tpu.memref_slice %arg12[%run_scoped3A, %dma_wait3A_277] : memref<157x128xi32, #tpu.memory_space<vmem>> -> memref<1x128xi32, #tpu.memory_space<vmem>>
          %dma_wait3A_279 = tpu.memref_squeeze %dma_wait3A_278 : memref<1x128xi32, #tpu.memory_space<vmem>> -> memref<128xi32, #tpu.memory_space<vmem>>
          %dma_wait3A_280 = arith.constant 0 : i32
          %dma_wait3A_281 = arith.constant 0 : i32
          %dma_wait3A_282 = tpu.memref_slice %arg27[%dma_wait3A_280, %dma_wait3A_281] : memref<10016x16xf32, #tpu.memory_space<vmem_shared>> -> memref<10016x16xf32, #tpu.memory_space<vmem_shared>>
          tpu.wait_indirect_dma semaphore(%run_scoped3A_270 : memref<!tpu.dma_semaphore, #tpu.memory_space<semaphore_mem>>) src(%arg26 : memref<128x16xf32, #tpu.memory_space<vmem>>) dst(%dma_wait3A_282 : memref<10016x16xf32, #tpu.memory_space<vmem_shared>>)
          tpu.yield
        }) : () -> ()
      } else {
      }
      %dma_wait3A_223 = arith.constant 156 : i32
      %dma_wait3A_224 = arith.constant 0 : i32
      %dma_wait3A_225 = tpu.memref_slice %arg11[%dma_wait3A_223, %dma_wait3A_224] : memref<157x128xi32, #tpu.memory_space<vmem>> -> memref<1x128xi32, #tpu.memory_space<vmem>>
      %dma_wait3A_226 = tpu.memref_squeeze %dma_wait3A_225 : memref<1x128xi32, #tpu.memory_space<vmem>> -> memref<128xi32, #tpu.memory_space<vmem>>
      %dma_wait3A_227 = arith.constant 0 : i32
      %dma_wait3A_228 = arith.constant 0 : i32
      %dma_wait3A_229 = tpu.memref_slice %arg3[%dma_wait3A_227, %dma_wait3A_228] : memref<10000x64xf32, #tpu.memory_space<hbm>> -> memref<10000x64xf32, #tpu.memory_space<hbm>>
      tpu.wait_indirect_dma semaphore(%arg18 : memref<!tpu.dma_semaphore, #tpu.memory_space<semaphore_mem>>) src(%dma_wait3A_229 : memref<10000x64xf32, #tpu.memory_space<hbm>>) dst(%arg13 : memref<128x64xf32, #tpu.memory_space<vmem>>)
      %dma_start3A_230 = arith.constant 156 : i32
      %dma_start3A_231 = arith.constant 0 : i32
      %dma_start3A_232 = tpu.memref_slice %arg12[%dma_start3A_230, %dma_start3A_231] : memref<157x128xi32, #tpu.memory_space<vmem>> -> memref<1x128xi32, #tpu.memory_space<vmem>>
      %dma_start3A_233 = tpu.memref_squeeze %dma_start3A_232 : memref<1x128xi32, #tpu.memory_space<vmem>> -> memref<128xi32, #tpu.memory_space<vmem>>
      %dma_start3A_234 = arith.constant 0 : i32
      %dma_start3A_235 = arith.constant 0 : i32
      %dma_start3A_236 = tpu.memref_slice %arg17[%dma_start3A_234, %dma_start3A_235] : memref<10016x64xf32, #tpu.memory_space<vmem_shared>> -> memref<10016x64xf32, #tpu.memory_space<vmem_shared>>
      tpu.enqueue_indirect_dma source(%arg13 : memref<128x64xf32, #tpu.memory_space<vmem>>) target(%dma_start3A_236 : memref<10016x64xf32, #tpu.memory_space<vmem_shared>>) offsets(%dma_start3A_233 : memref<128xi32, #tpu.memory_space<vmem>>) semaphore(%arg22 : memref<!tpu.dma_semaphore, #tpu.memory_space<semaphore_mem>>) {add = true}
      %eq3A_237 = arith.constant 0 : i32
      %eq3A_238 = arith.cmpi eq, %arg0, %eq3A_237 : i32
      %convert_element_type3A_239 = arith.extui %eq3A_238 : i1 to i32
      %cond3A_240 = arith.constant 0 : i32
      %cond3A_241 = arith.cmpi ne, %convert_element_type3A_239, %cond3A_240 : i32
      scf.if %cond3A_241 {
        %run_scoped3A = arith.constant 156 : i32
        "tpu.region"() ({
          %run_scoped3A_270 = tpu.sem_alloc : memref<!tpu.dma_semaphore, #tpu.memory_space<semaphore_mem>>
          %dma_start3A_271 = arith.constant 0 : i32
          %dma_start3A_272 = tpu.memref_slice %arg12[%run_scoped3A, %dma_start3A_271] : memref<157x128xi32, #tpu.memory_space<vmem>> -> memref<1x128xi32, #tpu.memory_space<vmem>>
          %dma_start3A_273 = tpu.memref_squeeze %dma_start3A_272 : memref<1x128xi32, #tpu.memory_space<vmem>> -> memref<128xi32, #tpu.memory_space<vmem>>
          %dma_start3A_274 = arith.constant 0 : i32
          %dma_start3A_275 = arith.constant 0 : i32
          %dma_start3A_276 = tpu.memref_slice %arg27[%dma_start3A_274, %dma_start3A_275] : memref<10016x16xf32, #tpu.memory_space<vmem_shared>> -> memref<10016x16xf32, #tpu.memory_space<vmem_shared>>
          tpu.enqueue_indirect_dma source(%arg26 : memref<128x16xf32, #tpu.memory_space<vmem>>) target(%dma_start3A_276 : memref<10016x16xf32, #tpu.memory_space<vmem_shared>>) offsets(%dma_start3A_273 : memref<128xi32, #tpu.memory_space<vmem>>) semaphore(%run_scoped3A_270 : memref<!tpu.dma_semaphore, #tpu.memory_space<semaphore_mem>>) {add = true}
          %dma_wait3A_277 = arith.constant 0 : i32
          %dma_wait3A_278 = tpu.memref_slice %arg12[%run_scoped3A, %dma_wait3A_277] : memref<157x128xi32, #tpu.memory_space<vmem>> -> memref<1x128xi32, #tpu.memory_space<vmem>>
          %dma_wait3A_279 = tpu.memref_squeeze %dma_wait3A_278 : memref<1x128xi32, #tpu.memory_space<vmem>> -> memref<128xi32, #tpu.memory_space<vmem>>
          %dma_wait3A_280 = arith.constant 0 : i32
          %dma_wait3A_281 = arith.constant 0 : i32
          %dma_wait3A_282 = tpu.memref_slice %arg27[%dma_wait3A_280, %dma_wait3A_281] : memref<10016x16xf32, #tpu.memory_space<vmem_shared>> -> memref<10016x16xf32, #tpu.memory_space<vmem_shared>>
          tpu.wait_indirect_dma semaphore(%run_scoped3A_270 : memref<!tpu.dma_semaphore, #tpu.memory_space<semaphore_mem>>) src(%arg26 : memref<128x16xf32, #tpu.memory_space<vmem>>) dst(%dma_wait3A_282 : memref<10016x16xf32, #tpu.memory_space<vmem_shared>>)
          tpu.yield
        }) : () -> ()
      } else {
      }
      %dma_wait3A_242 = arith.constant 153 : i32
      %dma_wait3A_243 = arith.constant 0 : i32
      %dma_wait3A_244 = tpu.memref_slice %arg12[%dma_wait3A_242, %dma_wait3A_243] : memref<157x128xi32, #tpu.memory_space<vmem>> -> memref<1x128xi32, #tpu.memory_space<vmem>>
      %dma_wait3A_245 = tpu.memref_squeeze %dma_wait3A_244 : memref<1x128xi32, #tpu.memory_space<vmem>> -> memref<128xi32, #tpu.memory_space<vmem>>
      %dma_wait3A_246 = arith.constant 0 : i32
      %dma_wait3A_247 = arith.constant 0 : i32
      %dma_wait3A_248 = tpu.memref_slice %arg17[%dma_wait3A_246, %dma_wait3A_247] : memref<10016x64xf32, #tpu.memory_space<vmem_shared>> -> memref<10016x64xf32, #tpu.memory_space<vmem_shared>>
      tpu.wait_indirect_dma semaphore(%arg23 : memref<!tpu.dma_semaphore, #tpu.memory_space<semaphore_mem>>) src(%arg14 : memref<128x64xf32, #tpu.memory_space<vmem>>) dst(%dma_wait3A_248 : memref<10016x64xf32, #tpu.memory_space<vmem_shared>>)
      %dma_wait3A_249 = arith.constant 154 : i32
      %dma_wait3A_250 = arith.constant 0 : i32
      %dma_wait3A_251 = tpu.memref_slice %arg12[%dma_wait3A_249, %dma_wait3A_250] : memref<157x128xi32, #tpu.memory_space<vmem>> -> memref<1x128xi32, #tpu.memory_space<vmem>>
      %dma_wait3A_252 = tpu.memref_squeeze %dma_wait3A_251 : memref<1x128xi32, #tpu.memory_space<vmem>> -> memref<128xi32, #tpu.memory_space<vmem>>
      %dma_wait3A_253 = arith.constant 0 : i32
      %dma_wait3A_254 = arith.constant 0 : i32
      %dma_wait3A_255 = tpu.memref_slice %arg17[%dma_wait3A_253, %dma_wait3A_254] : memref<10016x64xf32, #tpu.memory_space<vmem_shared>> -> memref<10016x64xf32, #tpu.memory_space<vmem_shared>>
      tpu.wait_indirect_dma semaphore(%arg24 : memref<!tpu.dma_semaphore, #tpu.memory_space<semaphore_mem>>) src(%arg15 : memref<128x64xf32, #tpu.memory_space<vmem>>) dst(%dma_wait3A_255 : memref<10016x64xf32, #tpu.memory_space<vmem_shared>>)
      %dma_wait3A_256 = arith.constant 155 : i32
      %dma_wait3A_257 = arith.constant 0 : i32
      %dma_wait3A_258 = tpu.memref_slice %arg12[%dma_wait3A_256, %dma_wait3A_257] : memref<157x128xi32, #tpu.memory_space<vmem>> -> memref<1x128xi32, #tpu.memory_space<vmem>>
      %dma_wait3A_259 = tpu.memref_squeeze %dma_wait3A_258 : memref<1x128xi32, #tpu.memory_space<vmem>> -> memref<128xi32, #tpu.memory_space<vmem>>
      %dma_wait3A_260 = arith.constant 0 : i32
      %dma_wait3A_261 = arith.constant 0 : i32
      %dma_wait3A_262 = tpu.memref_slice %arg17[%dma_wait3A_260, %dma_wait3A_261] : memref<10016x64xf32, #tpu.memory_space<vmem_shared>> -> memref<10016x64xf32, #tpu.memory_space<vmem_shared>>
      tpu.wait_indirect_dma semaphore(%arg25 : memref<!tpu.dma_semaphore, #tpu.memory_space<semaphore_mem>>) src(%arg16 : memref<128x64xf32, #tpu.memory_space<vmem>>) dst(%dma_wait3A_262 : memref<10016x64xf32, #tpu.memory_space<vmem_shared>>)
      %dma_wait3A_263 = arith.constant 156 : i32
      %dma_wait3A_264 = arith.constant 0 : i32
      %dma_wait3A_265 = tpu.memref_slice %arg12[%dma_wait3A_263, %dma_wait3A_264] : memref<157x128xi32, #tpu.memory_space<vmem>> -> memref<1x128xi32, #tpu.memory_space<vmem>>
      %dma_wait3A_266 = tpu.memref_squeeze %dma_wait3A_265 : memref<1x128xi32, #tpu.memory_space<vmem>> -> memref<128xi32, #tpu.memory_space<vmem>>
      %dma_wait3A_267 = arith.constant 0 : i32
      %dma_wait3A_268 = arith.constant 0 : i32
      %dma_wait3A_269 = tpu.memref_slice %arg17[%dma_wait3A_267, %dma_wait3A_268] : memref<10016x64xf32, #tpu.memory_space<vmem_shared>> -> memref<10016x64xf32, #tpu.memory_space<vmem_shared>>
      tpu.wait_indirect_dma semaphore(%arg22 : memref<!tpu.dma_semaphore, #tpu.memory_space<semaphore_mem>>) src(%arg13 : memref<128x64xf32, #tpu.memory_space<vmem>>) dst(%dma_wait3A_269 : memref<10016x64xf32, #tpu.memory_space<vmem_shared>>)
    } else {
    }
    %barrier3A = arith.constant 0 : index
    tpu.barrier barrier_id(%barrier3A)
    %eq3A_74 = arith.constant 0 : i32
    %eq3A_75 = arith.cmpi eq, %arg0, %eq3A_74 : i32
    %convert_element_type3A_76 = arith.extui %eq3A_75 : i1 to i32
    %cond3A_77 = arith.constant 0 : i32
    %cond3A_78 = arith.cmpi ne, %convert_element_type3A_76, %cond3A_77 : i32
    scf.if %cond3A_78 {
      "tpu.region"() ({
        %run_scoped3A = tpu.sem_alloc : memref<!tpu.dma_semaphore, #tpu.memory_space<semaphore_mem>>
        %dma_start3A_94 = arith.constant 0 : i32
        %dma_start3A_95 = tpu.memref_slice %arg8[%mul3A_0, %dma_start3A_94] : memref<10000x64xf32, #tpu.memory_space<hbm>> -> memref<624x64xf32, #tpu.memory_space<hbm>>
        %dma_start3A_96 = arith.constant 0 : i32
        %dma_start3A_97 = tpu.memref_slice %arg17[%mul3A_0, %dma_start3A_96] : memref<10016x64xf32, #tpu.memory_space<vmem_shared>> -> memref<624x64xf32, #tpu.memory_space<vmem_shared>>
        tpu.enqueue_dma source(%dma_start3A_97 : memref<624x64xf32, #tpu.memory_space<vmem_shared>>) target(%dma_start3A_95 : memref<624x64xf32, #tpu.memory_space<hbm>>) target_semaphore(%run_scoped3A : memref<!tpu.dma_semaphore, #tpu.memory_space<semaphore_mem>>)
        %dma_wait3A_98 = arith.constant 0 : i32
        %dma_wait3A_99 = tpu.memref_slice %arg8[%mul3A_0, %dma_wait3A_98] : memref<10000x64xf32, #tpu.memory_space<hbm>> -> memref<624x64xf32, #tpu.memory_space<hbm>>
        %dma_wait3A_100 = arith.constant 0 : i32
        %dma_wait3A_101 = tpu.memref_slice %arg17[%mul3A_0, %dma_wait3A_100] : memref<10016x64xf32, #tpu.memory_space<vmem_shared>> -> memref<624x64xf32, #tpu.memory_space<vmem_shared>>
        tpu.wait_dma2 semaphore(%run_scoped3A : memref<!tpu.dma_semaphore, #tpu.memory_space<semaphore_mem>>) src(%dma_wait3A_101 : memref<624x64xf32, #tpu.memory_space<vmem_shared>>) dst(%dma_wait3A_99 : memref<624x64xf32, #tpu.memory_space<hbm>>)
        tpu.yield
      }) : () -> ()
      %eq3A_84 = arith.constant 15 : i32
      %eq3A_85 = arith.cmpi eq, %arg1, %eq3A_84 : i32
      %convert_element_type3A_86 = arith.extui %eq3A_85 : i1 to i32
      %cond3A_87 = arith.constant 0 : i32
      %cond3A_88 = arith.cmpi ne, %convert_element_type3A_86, %cond3A_87 : i32
      scf.if %cond3A_88 {
        "tpu.region"() ({
          %run_scoped3A = tpu.sem_alloc : memref<!tpu.dma_semaphore, #tpu.memory_space<semaphore_mem>>
          %dma_start3A_94 = arith.constant 9984 : i32
          %dma_start3A_95 = arith.constant 0 : i32
          %dma_start3A_96 = tpu.memref_slice %arg8[%dma_start3A_94, %dma_start3A_95] : memref<10000x64xf32, #tpu.memory_space<hbm>> -> memref<16x64xf32, #tpu.memory_space<hbm>>
          %dma_start3A_97 = arith.constant 9984 : i32
          %dma_start3A_98 = arith.constant 0 : i32
          %dma_start3A_99 = tpu.memref_slice %arg17[%dma_start3A_97, %dma_start3A_98] : memref<10016x64xf32, #tpu.memory_space<vmem_shared>> -> memref<16x64xf32, #tpu.memory_space<vmem_shared>>
          tpu.enqueue_dma source(%dma_start3A_99 : memref<16x64xf32, #tpu.memory_space<vmem_shared>>) target(%dma_start3A_96 : memref<16x64xf32, #tpu.memory_space<hbm>>) target_semaphore(%run_scoped3A : memref<!tpu.dma_semaphore, #tpu.memory_space<semaphore_mem>>)
          %dma_wait3A_100 = arith.constant 9984 : i32
          %dma_wait3A_101 = arith.constant 0 : i32
          %dma_wait3A_102 = tpu.memref_slice %arg8[%dma_wait3A_100, %dma_wait3A_101] : memref<10000x64xf32, #tpu.memory_space<hbm>> -> memref<16x64xf32, #tpu.memory_space<hbm>>
          %dma_wait3A_103 = arith.constant 9984 : i32
          %dma_wait3A_104 = arith.constant 0 : i32
          %dma_wait3A_105 = tpu.memref_slice %arg17[%dma_wait3A_103, %dma_wait3A_104] : memref<10016x64xf32, #tpu.memory_space<vmem_shared>> -> memref<16x64xf32, #tpu.memory_space<vmem_shared>>
          tpu.wait_dma2 semaphore(%run_scoped3A : memref<!tpu.dma_semaphore, #tpu.memory_space<semaphore_mem>>) src(%dma_wait3A_105 : memref<16x64xf32, #tpu.memory_space<vmem_shared>>) dst(%dma_wait3A_102 : memref<16x64xf32, #tpu.memory_space<hbm>>)
          tpu.yield
        }) : () -> ()
      } else {
      }
      "tpu.region"() ({
        %run_scoped3A = tpu.sem_alloc : memref<!tpu.dma_semaphore, #tpu.memory_space<semaphore_mem>>
        %dma_start3A_94 = arith.constant 0 : i32
        %dma_start3A_95 = tpu.memref_slice %arg10[%mul3A_0, %dma_start3A_94] : memref<10000x16xf32, #tpu.memory_space<hbm>> -> memref<624x16xf32, #tpu.memory_space<hbm>>
        %dma_start3A_96 = arith.constant 0 : i32
        %dma_start3A_97 = tpu.memref_slice %arg27[%mul3A_0, %dma_start3A_96] : memref<10016x16xf32, #tpu.memory_space<vmem_shared>> -> memref<624x16xf32, #tpu.memory_space<vmem_shared>>
        tpu.enqueue_dma source(%dma_start3A_97 : memref<624x16xf32, #tpu.memory_space<vmem_shared>>) target(%dma_start3A_95 : memref<624x16xf32, #tpu.memory_space<hbm>>) target_semaphore(%run_scoped3A : memref<!tpu.dma_semaphore, #tpu.memory_space<semaphore_mem>>)
        %dma_wait3A_98 = arith.constant 0 : i32
        %dma_wait3A_99 = tpu.memref_slice %arg10[%mul3A_0, %dma_wait3A_98] : memref<10000x16xf32, #tpu.memory_space<hbm>> -> memref<624x16xf32, #tpu.memory_space<hbm>>
        %dma_wait3A_100 = arith.constant 0 : i32
        %dma_wait3A_101 = tpu.memref_slice %arg27[%mul3A_0, %dma_wait3A_100] : memref<10016x16xf32, #tpu.memory_space<vmem_shared>> -> memref<624x16xf32, #tpu.memory_space<vmem_shared>>
        tpu.wait_dma2 semaphore(%run_scoped3A : memref<!tpu.dma_semaphore, #tpu.memory_space<semaphore_mem>>) src(%dma_wait3A_101 : memref<624x16xf32, #tpu.memory_space<vmem_shared>>) dst(%dma_wait3A_99 : memref<624x16xf32, #tpu.memory_space<hbm>>)
        tpu.yield
      }) : () -> ()
      %eq3A_89 = arith.constant 15 : i32
      %eq3A_90 = arith.cmpi eq, %arg1, %eq3A_89 : i32
      %convert_element_type3A_91 = arith.extui %eq3A_90 : i1 to i32
      %cond3A_92 = arith.constant 0 : i32
      %cond3A_93 = arith.cmpi ne, %convert_element_type3A_91, %cond3A_92 : i32
      scf.if %cond3A_93 {
        "tpu.region"() ({
          %run_scoped3A = tpu.sem_alloc : memref<!tpu.dma_semaphore, #tpu.memory_space<semaphore_mem>>
          %dma_start3A_94 = arith.constant 9984 : i32
          %dma_start3A_95 = arith.constant 0 : i32
          %dma_start3A_96 = tpu.memref_slice %arg10[%dma_start3A_94, %dma_start3A_95] : memref<10000x16xf32, #tpu.memory_space<hbm>> -> memref<16x16xf32, #tpu.memory_space<hbm>>
          %dma_start3A_97 = arith.constant 9984 : i32
          %dma_start3A_98 = arith.constant 0 : i32
          %dma_start3A_99 = tpu.memref_slice %arg27[%dma_start3A_97, %dma_start3A_98] : memref<10016x16xf32, #tpu.memory_space<vmem_shared>> -> memref<16x16xf32, #tpu.memory_space<vmem_shared>>
          tpu.enqueue_dma source(%dma_start3A_99 : memref<16x16xf32, #tpu.memory_space<vmem_shared>>) target(%dma_start3A_96 : memref<16x16xf32, #tpu.memory_space<hbm>>) target_semaphore(%run_scoped3A : memref<!tpu.dma_semaphore, #tpu.memory_space<semaphore_mem>>)
          %dma_wait3A_100 = arith.constant 9984 : i32
          %dma_wait3A_101 = arith.constant 0 : i32
          %dma_wait3A_102 = tpu.memref_slice %arg10[%dma_wait3A_100, %dma_wait3A_101] : memref<10000x16xf32, #tpu.memory_space<hbm>> -> memref<16x16xf32, #tpu.memory_space<hbm>>
          %dma_wait3A_103 = arith.constant 9984 : i32
          %dma_wait3A_104 = arith.constant 0 : i32
          %dma_wait3A_105 = tpu.memref_slice %arg27[%dma_wait3A_103, %dma_wait3A_104] : memref<10016x16xf32, #tpu.memory_space<vmem_shared>> -> memref<16x16xf32, #tpu.memory_space<vmem_shared>>
          tpu.wait_dma2 semaphore(%run_scoped3A : memref<!tpu.dma_semaphore, #tpu.memory_space<semaphore_mem>>) src(%dma_wait3A_105 : memref<16x16xf32, #tpu.memory_space<vmem_shared>>) dst(%dma_wait3A_102 : memref<16x16xf32, #tpu.memory_space<hbm>>)
          tpu.yield
        }) : () -> ()
      } else {
      }
    } else {
    }
    %eq3A_79 = arith.constant 1 : i32
    %eq3A_80 = arith.cmpi eq, %arg0, %eq3A_79 : i32
    %convert_element_type3A_81 = arith.extui %eq3A_80 : i1 to i32
    %cond3A_82 = arith.constant 0 : i32
    %cond3A_83 = arith.cmpi ne, %convert_element_type3A_81, %cond3A_82 : i32
    scf.if %cond3A_83 {
      "tpu.region"() ({
        %run_scoped3A = tpu.sem_alloc : memref<!tpu.dma_semaphore, #tpu.memory_space<semaphore_mem>>
        %dma_start3A_89 = arith.constant 0 : i32
        %dma_start3A_90 = tpu.memref_slice %arg9[%mul3A_0, %dma_start3A_89] : memref<10000x64xf32, #tpu.memory_space<hbm>> -> memref<624x64xf32, #tpu.memory_space<hbm>>
        %dma_start3A_91 = arith.constant 0 : i32
        %dma_start3A_92 = tpu.memref_slice %arg17[%mul3A_0, %dma_start3A_91] : memref<10016x64xf32, #tpu.memory_space<vmem_shared>> -> memref<624x64xf32, #tpu.memory_space<vmem_shared>>
        tpu.enqueue_dma source(%dma_start3A_92 : memref<624x64xf32, #tpu.memory_space<vmem_shared>>) target(%dma_start3A_90 : memref<624x64xf32, #tpu.memory_space<hbm>>) target_semaphore(%run_scoped3A : memref<!tpu.dma_semaphore, #tpu.memory_space<semaphore_mem>>)
        %dma_wait3A_93 = arith.constant 0 : i32
        %dma_wait3A_94 = tpu.memref_slice %arg9[%mul3A_0, %dma_wait3A_93] : memref<10000x64xf32, #tpu.memory_space<hbm>> -> memref<624x64xf32, #tpu.memory_space<hbm>>
        %dma_wait3A_95 = arith.constant 0 : i32
        %dma_wait3A_96 = tpu.memref_slice %arg17[%mul3A_0, %dma_wait3A_95] : memref<10016x64xf32, #tpu.memory_space<vmem_shared>> -> memref<624x64xf32, #tpu.memory_space<vmem_shared>>
        tpu.wait_dma2 semaphore(%run_scoped3A : memref<!tpu.dma_semaphore, #tpu.memory_space<semaphore_mem>>) src(%dma_wait3A_96 : memref<624x64xf32, #tpu.memory_space<vmem_shared>>) dst(%dma_wait3A_94 : memref<624x64xf32, #tpu.memory_space<hbm>>)
        tpu.yield
      }) : () -> ()
      %eq3A_84 = arith.constant 15 : i32
      %eq3A_85 = arith.cmpi eq, %arg1, %eq3A_84 : i32
      %convert_element_type3A_86 = arith.extui %eq3A_85 : i1 to i32
      %cond3A_87 = arith.constant 0 : i32
      %cond3A_88 = arith.cmpi ne, %convert_element_type3A_86, %cond3A_87 : i32
      scf.if %cond3A_88 {
        "tpu.region"() ({
          %run_scoped3A = tpu.sem_alloc : memref<!tpu.dma_semaphore, #tpu.memory_space<semaphore_mem>>
          %dma_start3A_89 = arith.constant 9984 : i32
          %dma_start3A_90 = arith.constant 0 : i32
          %dma_start3A_91 = tpu.memref_slice %arg9[%dma_start3A_89, %dma_start3A_90] : memref<10000x64xf32, #tpu.memory_space<hbm>> -> memref<16x64xf32, #tpu.memory_space<hbm>>
          %dma_start3A_92 = arith.constant 9984 : i32
          %dma_start3A_93 = arith.constant 0 : i32
          %dma_start3A_94 = tpu.memref_slice %arg17[%dma_start3A_92, %dma_start3A_93] : memref<10016x64xf32, #tpu.memory_space<vmem_shared>> -> memref<16x64xf32, #tpu.memory_space<vmem_shared>>
          tpu.enqueue_dma source(%dma_start3A_94 : memref<16x64xf32, #tpu.memory_space<vmem_shared>>) target(%dma_start3A_91 : memref<16x64xf32, #tpu.memory_space<hbm>>) target_semaphore(%run_scoped3A : memref<!tpu.dma_semaphore, #tpu.memory_space<semaphore_mem>>)
          %dma_wait3A_95 = arith.constant 9984 : i32
          %dma_wait3A_96 = arith.constant 0 : i32
          %dma_wait3A_97 = tpu.memref_slice %arg9[%dma_wait3A_95, %dma_wait3A_96] : memref<10000x64xf32, #tpu.memory_space<hbm>> -> memref<16x64xf32, #tpu.memory_space<hbm>>
          %dma_wait3A_98 = arith.constant 9984 : i32
          %dma_wait3A_99 = arith.constant 0 : i32
          %dma_wait3A_100 = tpu.memref_slice %arg17[%dma_wait3A_98, %dma_wait3A_99] : memref<10016x64xf32, #tpu.memory_space<vmem_shared>> -> memref<16x64xf32, #tpu.memory_space<vmem_shared>>
          tpu.wait_dma2 semaphore(%run_scoped3A : memref<!tpu.dma_semaphore, #tpu.memory_space<semaphore_mem>>) src(%dma_wait3A_100 : memref<16x64xf32, #tpu.memory_space<vmem_shared>>) dst(%dma_wait3A_97 : memref<16x64xf32, #tpu.memory_space<hbm>>)
          tpu.yield
        }) : () -> ()
      } else {
      }
    } else {
    }
    return
  }
}

#map = affine_map<(d0, d1) -> (0, 0)>
#map1 = affine_map<(d0, d1) -> (0, 0, 0)>
module attributes {stable_mosaic.version = 14 : i64} {
  func.func @agg(%arg0: i32, %arg1: i32, %arg2: memref<10000x64xf32, #tpu.memory_space<hbm>>, %arg3: memref<10000x64xf32, #tpu.memory_space<hbm>>, %arg4: memref<2x2512x128xi32, #tpu.memory_space<hbm>>, %arg5: memref<10000x64xf32, #tpu.memory_space<hbm>>, %arg6: memref<10000x64xf32, #tpu.memory_space<hbm>>, %arg7: memref<10000x64xf32, #tpu.memory_space<hbm>>, %arg8: memref<157x128xi32, #tpu.memory_space<vmem>>, %arg9: memref<157x128xi32, #tpu.memory_space<vmem>>, %arg10: memref<128x64xf32, #tpu.memory_space<vmem>>, %arg11: memref<128x64xf32, #tpu.memory_space<vmem>>, %arg12: memref<128x64xf32, #tpu.memory_space<vmem>>, %arg13: memref<128x64xf32, #tpu.memory_space<vmem>>, %arg14: memref<10016x64xf32, #tpu.memory_space<vmem_shared>>, %arg15: memref<!tpu.dma_semaphore, #tpu.memory_space<semaphore_mem>>, %arg16: memref<!tpu.dma_semaphore, #tpu.memory_space<semaphore_mem>>, %arg17: memref<!tpu.dma_semaphore, #tpu.memory_space<semaphore_mem>>, %arg18: memref<!tpu.dma_semaphore, #tpu.memory_space<semaphore_mem>>, %arg19: memref<!tpu.dma_semaphore, #tpu.memory_space<semaphore_mem>>, %arg20: memref<!tpu.dma_semaphore, #tpu.memory_space<semaphore_mem>>, %arg21: memref<!tpu.dma_semaphore, #tpu.memory_space<semaphore_mem>>, %arg22: memref<!tpu.dma_semaphore, #tpu.memory_space<semaphore_mem>>) attributes {dimension_semantics = [#tpu.dimension_semantics<core_parallel>, #tpu.dimension_semantics<subcore_parallel>], iteration_bounds = array<i64: 2, 16>, scalar_prefetch = 0 : i64, scratch_operands = 15 : i64, tpu.core_type = #tpu.core_type<sc_vector_subcore>, window_params = [{transform_indices = #map}, {transform_indices = #map}, {transform_indices = #map1}, {transform_indices = #map}, {transform_indices = #map}, {transform_indices = #map}]} {
    %mul3A = arith.constant 624 : i32
    %mul3A_0 = arith.muli %arg1, %mul3A : i32
    %mul3A_1 = arith.constant 157 : i32
    %mul3A_2 = arith.muli %arg1, %mul3A_1 : i32
    %dma_start3A = arith.constant 0 : i32
    %dma_start3A_3 = arith.constant 0 : i32
    %dma_start3A_4 = arith.constant 0 : i32
    %dma_start3A_5 = tpu.memref_slice %arg4[%dma_start3A, %dma_start3A_3, %dma_start3A_4] : memref<2x2512x128xi32, #tpu.memory_space<hbm>> -> memref<1x2512x128xi32, #tpu.memory_space<hbm>>
    %dma_start3A_6 = tpu.memref_squeeze %dma_start3A_5 : memref<1x2512x128xi32, #tpu.memory_space<hbm>> -> memref<2512x128xi32, #tpu.memory_space<hbm>>
    %dma_start3A_7 = arith.constant 0 : i32
    %dma_start3A_8 = tpu.memref_slice %dma_start3A_6[%mul3A_2, %dma_start3A_7] : memref<2512x128xi32, #tpu.memory_space<hbm>> -> memref<157x128xi32, #tpu.memory_space<hbm>>
    %dma_start3A_9 = arith.constant 0 : i32
    %dma_start3A_10 = arith.constant 0 : i32
    %dma_start3A_11 = tpu.memref_slice %arg4[%dma_start3A, %dma_start3A_9, %dma_start3A_10] : memref<2x2512x128xi32, #tpu.memory_space<hbm>> -> memref<1x2512x128xi32, #tpu.memory_space<hbm>>
    %dma_start3A_12 = tpu.memref_squeeze %dma_start3A_11 : memref<1x2512x128xi32, #tpu.memory_space<hbm>> -> memref<2512x128xi32, #tpu.memory_space<hbm>>
    %dma_start3A_13 = arith.constant 0 : i32
    %dma_start3A_14 = tpu.memref_slice %dma_start3A_12[%mul3A_2, %dma_start3A_13] : memref<2512x128xi32, #tpu.memory_space<hbm>> -> memref<157x128xi32, #tpu.memory_space<hbm>>
    tpu.enqueue_dma source(%dma_start3A_14 : memref<157x128xi32, #tpu.memory_space<hbm>>) target(%arg8 : memref<157x128xi32, #tpu.memory_space<vmem>>) target_semaphore(%arg15 : memref<!tpu.dma_semaphore, #tpu.memory_space<semaphore_mem>>)
    %dma_start3A_15 = arith.constant 1 : i32
    %dma_start3A_16 = arith.constant 0 : i32
    %dma_start3A_17 = arith.constant 0 : i32
    %dma_start3A_18 = tpu.memref_slice %arg4[%dma_start3A_15, %dma_start3A_16, %dma_start3A_17] : memref<2x2512x128xi32, #tpu.memory_space<hbm>> -> memref<1x2512x128xi32, #tpu.memory_space<hbm>>
    %dma_start3A_19 = tpu.memref_squeeze %dma_start3A_18 : memref<1x2512x128xi32, #tpu.memory_space<hbm>> -> memref<2512x128xi32, #tpu.memory_space<hbm>>
    %dma_start3A_20 = arith.constant 0 : i32
    %dma_start3A_21 = tpu.memref_slice %dma_start3A_19[%mul3A_2, %dma_start3A_20] : memref<2512x128xi32, #tpu.memory_space<hbm>> -> memref<157x128xi32, #tpu.memory_space<hbm>>
    %dma_start3A_22 = arith.constant 0 : i32
    %dma_start3A_23 = arith.constant 0 : i32
    %dma_start3A_24 = tpu.memref_slice %arg4[%dma_start3A_15, %dma_start3A_22, %dma_start3A_23] : memref<2x2512x128xi32, #tpu.memory_space<hbm>> -> memref<1x2512x128xi32, #tpu.memory_space<hbm>>
    %dma_start3A_25 = tpu.memref_squeeze %dma_start3A_24 : memref<1x2512x128xi32, #tpu.memory_space<hbm>> -> memref<2512x128xi32, #tpu.memory_space<hbm>>
    %dma_start3A_26 = arith.constant 0 : i32
    %dma_start3A_27 = tpu.memref_slice %dma_start3A_25[%mul3A_2, %dma_start3A_26] : memref<2512x128xi32, #tpu.memory_space<hbm>> -> memref<157x128xi32, #tpu.memory_space<hbm>>
    tpu.enqueue_dma source(%dma_start3A_27 : memref<157x128xi32, #tpu.memory_space<hbm>>) target(%arg9 : memref<157x128xi32, #tpu.memory_space<vmem>>) target_semaphore(%arg16 : memref<!tpu.dma_semaphore, #tpu.memory_space<semaphore_mem>>)
    %dma_start3A_28 = arith.constant 0 : i32
    %dma_start3A_29 = tpu.memref_slice %arg14[%mul3A_0, %dma_start3A_28] : memref<10016x64xf32, #tpu.memory_space<vmem_shared>> -> memref<624x64xf32, #tpu.memory_space<vmem_shared>>
    %dma_start3A_30 = arith.constant 0 : i32
    %dma_start3A_31 = tpu.memref_slice %arg5[%mul3A_0, %dma_start3A_30] : memref<10000x64xf32, #tpu.memory_space<hbm>> -> memref<624x64xf32, #tpu.memory_space<hbm>>
    tpu.enqueue_dma source(%dma_start3A_31 : memref<624x64xf32, #tpu.memory_space<hbm>>) target(%dma_start3A_29 : memref<624x64xf32, #tpu.memory_space<vmem_shared>>) target_semaphore(%arg19 : memref<!tpu.dma_semaphore, #tpu.memory_space<semaphore_mem>>)
    %eq3A = arith.constant 15 : i32
    %eq3A_32 = arith.cmpi eq, %arg1, %eq3A : i32
    %convert_element_type3A = arith.extui %eq3A_32 : i1 to i32
    %cond3A = arith.constant 0 : i32
    %cond3A_33 = arith.cmpi ne, %convert_element_type3A, %cond3A : i32
    scf.if %cond3A_33 {
      %dma_start3A_79 = arith.constant 9984 : i32
      %dma_start3A_80 = arith.constant 0 : i32
      %dma_start3A_81 = tpu.memref_slice %arg14[%dma_start3A_79, %dma_start3A_80] : memref<10016x64xf32, #tpu.memory_space<vmem_shared>> -> memref<16x64xf32, #tpu.memory_space<vmem_shared>>
      %dma_start3A_82 = arith.constant 9984 : i32
      %dma_start3A_83 = arith.constant 0 : i32
      %dma_start3A_84 = tpu.memref_slice %arg5[%dma_start3A_82, %dma_start3A_83] : memref<10000x64xf32, #tpu.memory_space<hbm>> -> memref<16x64xf32, #tpu.memory_space<hbm>>
      tpu.enqueue_dma source(%dma_start3A_84 : memref<16x64xf32, #tpu.memory_space<hbm>>) target(%dma_start3A_81 : memref<16x64xf32, #tpu.memory_space<vmem_shared>>) target_semaphore(%arg19 : memref<!tpu.dma_semaphore, #tpu.memory_space<semaphore_mem>>)
    } else {
    }
    %dma_wait3A = arith.constant 0 : i32
    %dma_wait3A_34 = arith.constant 0 : i32
    %dma_wait3A_35 = arith.constant 0 : i32
    %dma_wait3A_36 = tpu.memref_slice %arg4[%dma_wait3A, %dma_wait3A_34, %dma_wait3A_35] : memref<2x2512x128xi32, #tpu.memory_space<hbm>> -> memref<1x2512x128xi32, #tpu.memory_space<hbm>>
    %dma_wait3A_37 = tpu.memref_squeeze %dma_wait3A_36 : memref<1x2512x128xi32, #tpu.memory_space<hbm>> -> memref<2512x128xi32, #tpu.memory_space<hbm>>
    %dma_wait3A_38 = arith.constant 0 : i32
    %dma_wait3A_39 = tpu.memref_slice %dma_wait3A_37[%mul3A_2, %dma_wait3A_38] : memref<2512x128xi32, #tpu.memory_space<hbm>> -> memref<157x128xi32, #tpu.memory_space<hbm>>
    %dma_wait3A_40 = arith.constant 0 : i32
    %dma_wait3A_41 = arith.constant 0 : i32
    %dma_wait3A_42 = tpu.memref_slice %arg4[%dma_wait3A, %dma_wait3A_40, %dma_wait3A_41] : memref<2x2512x128xi32, #tpu.memory_space<hbm>> -> memref<1x2512x128xi32, #tpu.memory_space<hbm>>
    %dma_wait3A_43 = tpu.memref_squeeze %dma_wait3A_42 : memref<1x2512x128xi32, #tpu.memory_space<hbm>> -> memref<2512x128xi32, #tpu.memory_space<hbm>>
    %dma_wait3A_44 = arith.constant 0 : i32
    %dma_wait3A_45 = tpu.memref_slice %dma_wait3A_43[%mul3A_2, %dma_wait3A_44] : memref<2512x128xi32, #tpu.memory_space<hbm>> -> memref<157x128xi32, #tpu.memory_space<hbm>>
    tpu.wait_dma2 semaphore(%arg15 : memref<!tpu.dma_semaphore, #tpu.memory_space<semaphore_mem>>) src(%dma_wait3A_45 : memref<157x128xi32, #tpu.memory_space<hbm>>) dst(%arg8 : memref<157x128xi32, #tpu.memory_space<vmem>>)
    %dma_wait3A_46 = arith.constant 1 : i32
    %dma_wait3A_47 = arith.constant 0 : i32
    %dma_wait3A_48 = arith.constant 0 : i32
    %dma_wait3A_49 = tpu.memref_slice %arg4[%dma_wait3A_46, %dma_wait3A_47, %dma_wait3A_48] : memref<2x2512x128xi32, #tpu.memory_space<hbm>> -> memref<1x2512x128xi32, #tpu.memory_space<hbm>>
    %dma_wait3A_50 = tpu.memref_squeeze %dma_wait3A_49 : memref<1x2512x128xi32, #tpu.memory_space<hbm>> -> memref<2512x128xi32, #tpu.memory_space<hbm>>
    %dma_wait3A_51 = arith.constant 0 : i32
    %dma_wait3A_52 = tpu.memref_slice %dma_wait3A_50[%mul3A_2, %dma_wait3A_51] : memref<2512x128xi32, #tpu.memory_space<hbm>> -> memref<157x128xi32, #tpu.memory_space<hbm>>
    %dma_wait3A_53 = arith.constant 0 : i32
    %dma_wait3A_54 = arith.constant 0 : i32
    %dma_wait3A_55 = tpu.memref_slice %arg4[%dma_wait3A_46, %dma_wait3A_53, %dma_wait3A_54] : memref<2x2512x128xi32, #tpu.memory_space<hbm>> -> memref<1x2512x128xi32, #tpu.memory_space<hbm>>
    %dma_wait3A_56 = tpu.memref_squeeze %dma_wait3A_55 : memref<1x2512x128xi32, #tpu.memory_space<hbm>> -> memref<2512x128xi32, #tpu.memory_space<hbm>>
    %dma_wait3A_57 = arith.constant 0 : i32
    %dma_wait3A_58 = tpu.memref_slice %dma_wait3A_56[%mul3A_2, %dma_wait3A_57] : memref<2512x128xi32, #tpu.memory_space<hbm>> -> memref<157x128xi32, #tpu.memory_space<hbm>>
    tpu.wait_dma2 semaphore(%arg16 : memref<!tpu.dma_semaphore, #tpu.memory_space<semaphore_mem>>) src(%dma_wait3A_58 : memref<157x128xi32, #tpu.memory_space<hbm>>) dst(%arg9 : memref<157x128xi32, #tpu.memory_space<vmem>>)
    %eq3A_59 = arith.constant 0 : i32
    %eq3A_60 = arith.cmpi eq, %arg0, %eq3A_59 : i32
    %convert_element_type3A_61 = arith.extui %eq3A_60 : i1 to i32
    %cond3A_62 = arith.constant 0 : i32
    %cond3A_63 = arith.cmpi ne, %convert_element_type3A_61, %cond3A_62 : i32
    scf.if %cond3A_63 {
      %dma_start3A_79 = arith.constant 0 : i32
      %dma_start3A_80 = arith.constant 0 : i32
      %dma_start3A_81 = tpu.memref_slice %arg8[%dma_start3A_79, %dma_start3A_80] : memref<157x128xi32, #tpu.memory_space<vmem>> -> memref<1x128xi32, #tpu.memory_space<vmem>>
      %dma_start3A_82 = tpu.memref_squeeze %dma_start3A_81 : memref<1x128xi32, #tpu.memory_space<vmem>> -> memref<128xi32, #tpu.memory_space<vmem>>
      %dma_start3A_83 = arith.constant 0 : i32
      %dma_start3A_84 = arith.constant 0 : i32
      %dma_start3A_85 = tpu.memref_slice %arg2[%dma_start3A_83, %dma_start3A_84] : memref<10000x64xf32, #tpu.memory_space<hbm>> -> memref<10000x64xf32, #tpu.memory_space<hbm>>
      tpu.enqueue_indirect_dma source(%dma_start3A_85 : memref<10000x64xf32, #tpu.memory_space<hbm>>) target(%arg10 : memref<128x64xf32, #tpu.memory_space<vmem>>) offsets(%dma_start3A_82 : memref<128xi32, #tpu.memory_space<vmem>>) semaphore(%arg15 : memref<!tpu.dma_semaphore, #tpu.memory_space<semaphore_mem>>)
      %dma_start3A_86 = arith.constant 1 : i32
      %dma_start3A_87 = arith.constant 0 : i32
      %dma_start3A_88 = tpu.memref_slice %arg8[%dma_start3A_86, %dma_start3A_87] : memref<157x128xi32, #tpu.memory_space<vmem>> -> memref<1x128xi32, #tpu.memory_space<vmem>>
      %dma_start3A_89 = tpu.memref_squeeze %dma_start3A_88 : memref<1x128xi32, #tpu.memory_space<vmem>> -> memref<128xi32, #tpu.memory_space<vmem>>
      %dma_start3A_90 = arith.constant 0 : i32
      %dma_start3A_91 = arith.constant 0 : i32
      %dma_start3A_92 = tpu.memref_slice %arg2[%dma_start3A_90, %dma_start3A_91] : memref<10000x64xf32, #tpu.memory_space<hbm>> -> memref<10000x64xf32, #tpu.memory_space<hbm>>
      tpu.enqueue_indirect_dma source(%dma_start3A_92 : memref<10000x64xf32, #tpu.memory_space<hbm>>) target(%arg11 : memref<128x64xf32, #tpu.memory_space<vmem>>) offsets(%dma_start3A_89 : memref<128xi32, #tpu.memory_space<vmem>>) semaphore(%arg16 : memref<!tpu.dma_semaphore, #tpu.memory_space<semaphore_mem>>)
      %dma_start3A_93 = arith.constant 2 : i32
      %dma_start3A_94 = arith.constant 0 : i32
      %dma_start3A_95 = tpu.memref_slice %arg8[%dma_start3A_93, %dma_start3A_94] : memref<157x128xi32, #tpu.memory_space<vmem>> -> memref<1x128xi32, #tpu.memory_space<vmem>>
      %dma_start3A_96 = tpu.memref_squeeze %dma_start3A_95 : memref<1x128xi32, #tpu.memory_space<vmem>> -> memref<128xi32, #tpu.memory_space<vmem>>
      %dma_start3A_97 = arith.constant 0 : i32
      %dma_start3A_98 = arith.constant 0 : i32
      %dma_start3A_99 = tpu.memref_slice %arg2[%dma_start3A_97, %dma_start3A_98] : memref<10000x64xf32, #tpu.memory_space<hbm>> -> memref<10000x64xf32, #tpu.memory_space<hbm>>
      tpu.enqueue_indirect_dma source(%dma_start3A_99 : memref<10000x64xf32, #tpu.memory_space<hbm>>) target(%arg12 : memref<128x64xf32, #tpu.memory_space<vmem>>) offsets(%dma_start3A_96 : memref<128xi32, #tpu.memory_space<vmem>>) semaphore(%arg17 : memref<!tpu.dma_semaphore, #tpu.memory_space<semaphore_mem>>)
      %dma_start3A_100 = arith.constant 3 : i32
      %dma_start3A_101 = arith.constant 0 : i32
      %dma_start3A_102 = tpu.memref_slice %arg8[%dma_start3A_100, %dma_start3A_101] : memref<157x128xi32, #tpu.memory_space<vmem>> -> memref<1x128xi32, #tpu.memory_space<vmem>>
      %dma_start3A_103 = tpu.memref_squeeze %dma_start3A_102 : memref<1x128xi32, #tpu.memory_space<vmem>> -> memref<128xi32, #tpu.memory_space<vmem>>
      %dma_start3A_104 = arith.constant 0 : i32
      %dma_start3A_105 = arith.constant 0 : i32
      %dma_start3A_106 = tpu.memref_slice %arg2[%dma_start3A_104, %dma_start3A_105] : memref<10000x64xf32, #tpu.memory_space<hbm>> -> memref<10000x64xf32, #tpu.memory_space<hbm>>
      tpu.enqueue_indirect_dma source(%dma_start3A_106 : memref<10000x64xf32, #tpu.memory_space<hbm>>) target(%arg13 : memref<128x64xf32, #tpu.memory_space<vmem>>) offsets(%dma_start3A_103 : memref<128xi32, #tpu.memory_space<vmem>>) semaphore(%arg18 : memref<!tpu.dma_semaphore, #tpu.memory_space<semaphore_mem>>)
      %dma_wait3A_107 = arith.constant 0 : i32
      %dma_wait3A_108 = tpu.memref_slice %arg14[%mul3A_0, %dma_wait3A_107] : memref<10016x64xf32, #tpu.memory_space<vmem_shared>> -> memref<624x64xf32, #tpu.memory_space<vmem_shared>>
      %dma_wait3A_109 = arith.constant 0 : i32
      %dma_wait3A_110 = tpu.memref_slice %arg5[%mul3A_0, %dma_wait3A_109] : memref<10000x64xf32, #tpu.memory_space<hbm>> -> memref<624x64xf32, #tpu.memory_space<hbm>>
      tpu.wait_dma2 semaphore(%arg19 : memref<!tpu.dma_semaphore, #tpu.memory_space<semaphore_mem>>) src(%dma_wait3A_110 : memref<624x64xf32, #tpu.memory_space<hbm>>) dst(%dma_wait3A_108 : memref<624x64xf32, #tpu.memory_space<vmem_shared>>)
      %eq3A_111 = arith.constant 15 : i32
      %eq3A_112 = arith.cmpi eq, %arg1, %eq3A_111 : i32
      %convert_element_type3A_113 = arith.extui %eq3A_112 : i1 to i32
      %cond3A_114 = arith.constant 0 : i32
      %cond3A_115 = arith.cmpi ne, %convert_element_type3A_113, %cond3A_114 : i32
      scf.if %cond3A_115 {
        %dma_wait3A_235 = arith.constant 9984 : i32
        %dma_wait3A_236 = arith.constant 0 : i32
        %dma_wait3A_237 = tpu.memref_slice %arg14[%dma_wait3A_235, %dma_wait3A_236] : memref<10016x64xf32, #tpu.memory_space<vmem_shared>> -> memref<16x64xf32, #tpu.memory_space<vmem_shared>>
        %dma_wait3A_238 = arith.constant 9984 : i32
        %dma_wait3A_239 = arith.constant 0 : i32
        %dma_wait3A_240 = tpu.memref_slice %arg5[%dma_wait3A_238, %dma_wait3A_239] : memref<10000x64xf32, #tpu.memory_space<hbm>> -> memref<16x64xf32, #tpu.memory_space<hbm>>
        tpu.wait_dma2 semaphore(%arg19 : memref<!tpu.dma_semaphore, #tpu.memory_space<semaphore_mem>>) src(%dma_wait3A_240 : memref<16x64xf32, #tpu.memory_space<hbm>>) dst(%dma_wait3A_237 : memref<16x64xf32, #tpu.memory_space<vmem_shared>>)
      } else {
      }
      %barrier3A_116 = arith.constant 0 : index
      tpu.barrier barrier_id(%barrier3A_116)
      %dma_wait3A_117 = arith.constant 0 : i32
      %dma_wait3A_118 = arith.constant 0 : i32
      %dma_wait3A_119 = tpu.memref_slice %arg8[%dma_wait3A_117, %dma_wait3A_118] : memref<157x128xi32, #tpu.memory_space<vmem>> -> memref<1x128xi32, #tpu.memory_space<vmem>>
      %dma_wait3A_120 = tpu.memref_squeeze %dma_wait3A_119 : memref<1x128xi32, #tpu.memory_space<vmem>> -> memref<128xi32, #tpu.memory_space<vmem>>
      %dma_wait3A_121 = arith.constant 0 : i32
      %dma_wait3A_122 = arith.constant 0 : i32
      %dma_wait3A_123 = tpu.memref_slice %arg2[%dma_wait3A_121, %dma_wait3A_122] : memref<10000x64xf32, #tpu.memory_space<hbm>> -> memref<10000x64xf32, #tpu.memory_space<hbm>>
      tpu.wait_indirect_dma semaphore(%arg15 : memref<!tpu.dma_semaphore, #tpu.memory_space<semaphore_mem>>) src(%dma_wait3A_123 : memref<10000x64xf32, #tpu.memory_space<hbm>>) dst(%arg10 : memref<128x64xf32, #tpu.memory_space<vmem>>)
      %dma_start3A_124 = arith.constant 0 : i32
      %dma_start3A_125 = arith.constant 0 : i32
      %dma_start3A_126 = tpu.memref_slice %arg9[%dma_start3A_124, %dma_start3A_125] : memref<157x128xi32, #tpu.memory_space<vmem>> -> memref<1x128xi32, #tpu.memory_space<vmem>>
      %dma_start3A_127 = tpu.memref_squeeze %dma_start3A_126 : memref<1x128xi32, #tpu.memory_space<vmem>> -> memref<128xi32, #tpu.memory_space<vmem>>
      %dma_start3A_128 = arith.constant 0 : i32
      %dma_start3A_129 = arith.constant 0 : i32
      %dma_start3A_130 = tpu.memref_slice %arg14[%dma_start3A_128, %dma_start3A_129] : memref<10016x64xf32, #tpu.memory_space<vmem_shared>> -> memref<10016x64xf32, #tpu.memory_space<vmem_shared>>
      tpu.enqueue_indirect_dma source(%arg10 : memref<128x64xf32, #tpu.memory_space<vmem>>) target(%dma_start3A_130 : memref<10016x64xf32, #tpu.memory_space<vmem_shared>>) offsets(%dma_start3A_127 : memref<128xi32, #tpu.memory_space<vmem>>) semaphore(%arg19 : memref<!tpu.dma_semaphore, #tpu.memory_space<semaphore_mem>>) {add = true}
      %dma_wait3A_131 = arith.constant 1 : i32
      %dma_wait3A_132 = arith.constant 0 : i32
      %dma_wait3A_133 = tpu.memref_slice %arg8[%dma_wait3A_131, %dma_wait3A_132] : memref<157x128xi32, #tpu.memory_space<vmem>> -> memref<1x128xi32, #tpu.memory_space<vmem>>
      %dma_wait3A_134 = tpu.memref_squeeze %dma_wait3A_133 : memref<1x128xi32, #tpu.memory_space<vmem>> -> memref<128xi32, #tpu.memory_space<vmem>>
      %dma_wait3A_135 = arith.constant 0 : i32
      %dma_wait3A_136 = arith.constant 0 : i32
      %dma_wait3A_137 = tpu.memref_slice %arg2[%dma_wait3A_135, %dma_wait3A_136] : memref<10000x64xf32, #tpu.memory_space<hbm>> -> memref<10000x64xf32, #tpu.memory_space<hbm>>
      tpu.wait_indirect_dma semaphore(%arg16 : memref<!tpu.dma_semaphore, #tpu.memory_space<semaphore_mem>>) src(%dma_wait3A_137 : memref<10000x64xf32, #tpu.memory_space<hbm>>) dst(%arg11 : memref<128x64xf32, #tpu.memory_space<vmem>>)
      %dma_start3A_138 = arith.constant 1 : i32
      %dma_start3A_139 = arith.constant 0 : i32
      %dma_start3A_140 = tpu.memref_slice %arg9[%dma_start3A_138, %dma_start3A_139] : memref<157x128xi32, #tpu.memory_space<vmem>> -> memref<1x128xi32, #tpu.memory_space<vmem>>
      %dma_start3A_141 = tpu.memref_squeeze %dma_start3A_140 : memref<1x128xi32, #tpu.memory_space<vmem>> -> memref<128xi32, #tpu.memory_space<vmem>>
      %dma_start3A_142 = arith.constant 0 : i32
      %dma_start3A_143 = arith.constant 0 : i32
      %dma_start3A_144 = tpu.memref_slice %arg14[%dma_start3A_142, %dma_start3A_143] : memref<10016x64xf32, #tpu.memory_space<vmem_shared>> -> memref<10016x64xf32, #tpu.memory_space<vmem_shared>>
      tpu.enqueue_indirect_dma source(%arg11 : memref<128x64xf32, #tpu.memory_space<vmem>>) target(%dma_start3A_144 : memref<10016x64xf32, #tpu.memory_space<vmem_shared>>) offsets(%dma_start3A_141 : memref<128xi32, #tpu.memory_space<vmem>>) semaphore(%arg20 : memref<!tpu.dma_semaphore, #tpu.memory_space<semaphore_mem>>) {add = true}
      %scan3A = arith.constant 0 : i32
      %scan3A_145 = arith.constant 1 : i32
      %scan3A_146 = arith.constant 38 : i32
      %scan3A_147 = arith.addi %scan3A_145, %scan3A_146 : i32
      %scan3A_148 = arith.constant 1 : i32
      %scan3A_149 = scf.for %scan3A_235 = %scan3A_145 to %scan3A_147 step %scan3A_148 iter_args(%scan3A_236 = %scan3A) -> (i32)  : i32 {
        %mul3A_237 = arith.constant 4 : i32
        %mul3A_238 = arith.muli %scan3A_235, %mul3A_237 : i32
        %add3A = arith.constant 0 : i32
        %add3A_239 = arith.addi %mul3A_238, %add3A : i32
        %sub3A = arith.constant 4 : i32
        %sub3A_240 = arith.subi %add3A_239, %sub3A : i32
        %dma_wait3A_241 = arith.constant 0 : i32
        %dma_wait3A_242 = tpu.memref_slice %arg9[%sub3A_240, %dma_wait3A_241] : memref<157x128xi32, #tpu.memory_space<vmem>> -> memref<1x128xi32, #tpu.memory_space<vmem>>
        %dma_wait3A_243 = tpu.memref_squeeze %dma_wait3A_242 : memref<1x128xi32, #tpu.memory_space<vmem>> -> memref<128xi32, #tpu.memory_space<vmem>>
        %dma_wait3A_244 = arith.constant 0 : i32
        %dma_wait3A_245 = arith.constant 0 : i32
        %dma_wait3A_246 = tpu.memref_slice %arg14[%dma_wait3A_244, %dma_wait3A_245] : memref<10016x64xf32, #tpu.memory_space<vmem_shared>> -> memref<10016x64xf32, #tpu.memory_space<vmem_shared>>
        tpu.wait_indirect_dma semaphore(%arg19 : memref<!tpu.dma_semaphore, #tpu.memory_space<semaphore_mem>>) src(%arg10 : memref<128x64xf32, #tpu.memory_space<vmem>>) dst(%dma_wait3A_246 : memref<10016x64xf32, #tpu.memory_space<vmem_shared>>)
        %dma_start3A_247 = arith.constant 0 : i32
        %dma_start3A_248 = tpu.memref_slice %arg8[%add3A_239, %dma_start3A_247] : memref<157x128xi32, #tpu.memory_space<vmem>> -> memref<1x128xi32, #tpu.memory_space<vmem>>
        %dma_start3A_249 = tpu.memref_squeeze %dma_start3A_248 : memref<1x128xi32, #tpu.memory_space<vmem>> -> memref<128xi32, #tpu.memory_space<vmem>>
        %dma_start3A_250 = arith.constant 0 : i32
        %dma_start3A_251 = arith.constant 0 : i32
        %dma_start3A_252 = tpu.memref_slice %arg2[%dma_start3A_250, %dma_start3A_251] : memref<10000x64xf32, #tpu.memory_space<hbm>> -> memref<10000x64xf32, #tpu.memory_space<hbm>>
        tpu.enqueue_indirect_dma source(%dma_start3A_252 : memref<10000x64xf32, #tpu.memory_space<hbm>>) target(%arg10 : memref<128x64xf32, #tpu.memory_space<vmem>>) offsets(%dma_start3A_249 : memref<128xi32, #tpu.memory_space<vmem>>) semaphore(%arg15 : memref<!tpu.dma_semaphore, #tpu.memory_space<semaphore_mem>>)
        %sub3A_253 = arith.constant 2 : i32
        %sub3A_254 = arith.subi %add3A_239, %sub3A_253 : i32
        %dma_wait3A_255 = arith.constant 0 : i32
        %dma_wait3A_256 = tpu.memref_slice %arg8[%sub3A_254, %dma_wait3A_255] : memref<157x128xi32, #tpu.memory_space<vmem>> -> memref<1x128xi32, #tpu.memory_space<vmem>>
        %dma_wait3A_257 = tpu.memref_squeeze %dma_wait3A_256 : memref<1x128xi32, #tpu.memory_space<vmem>> -> memref<128xi32, #tpu.memory_space<vmem>>
        %dma_wait3A_258 = arith.constant 0 : i32
        %dma_wait3A_259 = arith.constant 0 : i32
        %dma_wait3A_260 = tpu.memref_slice %arg2[%dma_wait3A_258, %dma_wait3A_259] : memref<10000x64xf32, #tpu.memory_space<hbm>> -> memref<10000x64xf32, #tpu.memory_space<hbm>>
        tpu.wait_indirect_dma semaphore(%arg17 : memref<!tpu.dma_semaphore, #tpu.memory_space<semaphore_mem>>) src(%dma_wait3A_260 : memref<10000x64xf32, #tpu.memory_space<hbm>>) dst(%arg12 : memref<128x64xf32, #tpu.memory_space<vmem>>)
        %sub3A_261 = arith.constant 2 : i32
        %sub3A_262 = arith.subi %add3A_239, %sub3A_261 : i32
        %dma_start3A_263 = arith.constant 0 : i32
        %dma_start3A_264 = tpu.memref_slice %arg9[%sub3A_262, %dma_start3A_263] : memref<157x128xi32, #tpu.memory_space<vmem>> -> memref<1x128xi32, #tpu.memory_space<vmem>>
        %dma_start3A_265 = tpu.memref_squeeze %dma_start3A_264 : memref<1x128xi32, #tpu.memory_space<vmem>> -> memref<128xi32, #tpu.memory_space<vmem>>
        %dma_start3A_266 = arith.constant 0 : i32
        %dma_start3A_267 = arith.constant 0 : i32
        %dma_start3A_268 = tpu.memref_slice %arg14[%dma_start3A_266, %dma_start3A_267] : memref<10016x64xf32, #tpu.memory_space<vmem_shared>> -> memref<10016x64xf32, #tpu.memory_space<vmem_shared>>
        tpu.enqueue_indirect_dma source(%arg12 : memref<128x64xf32, #tpu.memory_space<vmem>>) target(%dma_start3A_268 : memref<10016x64xf32, #tpu.memory_space<vmem_shared>>) offsets(%dma_start3A_265 : memref<128xi32, #tpu.memory_space<vmem>>) semaphore(%arg21 : memref<!tpu.dma_semaphore, #tpu.memory_space<semaphore_mem>>) {add = true}
        %mul3A_269 = arith.constant 4 : i32
        %mul3A_270 = arith.muli %scan3A_235, %mul3A_269 : i32
        %add3A_271 = arith.constant 1 : i32
        %add3A_272 = arith.addi %mul3A_270, %add3A_271 : i32
        %sub3A_273 = arith.constant 4 : i32
        %sub3A_274 = arith.subi %add3A_272, %sub3A_273 : i32
        %dma_wait3A_275 = arith.constant 0 : i32
        %dma_wait3A_276 = tpu.memref_slice %arg9[%sub3A_274, %dma_wait3A_275] : memref<157x128xi32, #tpu.memory_space<vmem>> -> memref<1x128xi32, #tpu.memory_space<vmem>>
        %dma_wait3A_277 = tpu.memref_squeeze %dma_wait3A_276 : memref<1x128xi32, #tpu.memory_space<vmem>> -> memref<128xi32, #tpu.memory_space<vmem>>
        %dma_wait3A_278 = arith.constant 0 : i32
        %dma_wait3A_279 = arith.constant 0 : i32
        %dma_wait3A_280 = tpu.memref_slice %arg14[%dma_wait3A_278, %dma_wait3A_279] : memref<10016x64xf32, #tpu.memory_space<vmem_shared>> -> memref<10016x64xf32, #tpu.memory_space<vmem_shared>>
        tpu.wait_indirect_dma semaphore(%arg20 : memref<!tpu.dma_semaphore, #tpu.memory_space<semaphore_mem>>) src(%arg11 : memref<128x64xf32, #tpu.memory_space<vmem>>) dst(%dma_wait3A_280 : memref<10016x64xf32, #tpu.memory_space<vmem_shared>>)
        %dma_start3A_281 = arith.constant 0 : i32
        %dma_start3A_282 = tpu.memref_slice %arg8[%add3A_272, %dma_start3A_281] : memref<157x128xi32, #tpu.memory_space<vmem>> -> memref<1x128xi32, #tpu.memory_space<vmem>>
        %dma_start3A_283 = tpu.memref_squeeze %dma_start3A_282 : memref<1x128xi32, #tpu.memory_space<vmem>> -> memref<128xi32, #tpu.memory_space<vmem>>
        %dma_start3A_284 = arith.constant 0 : i32
        %dma_start3A_285 = arith.constant 0 : i32
        %dma_start3A_286 = tpu.memref_slice %arg2[%dma_start3A_284, %dma_start3A_285] : memref<10000x64xf32, #tpu.memory_space<hbm>> -> memref<10000x64xf32, #tpu.memory_space<hbm>>
        tpu.enqueue_indirect_dma source(%dma_start3A_286 : memref<10000x64xf32, #tpu.memory_space<hbm>>) target(%arg11 : memref<128x64xf32, #tpu.memory_space<vmem>>) offsets(%dma_start3A_283 : memref<128xi32, #tpu.memory_space<vmem>>) semaphore(%arg16 : memref<!tpu.dma_semaphore, #tpu.memory_space<semaphore_mem>>)
        %sub3A_287 = arith.constant 2 : i32
        %sub3A_288 = arith.subi %add3A_272, %sub3A_287 : i32
        %dma_wait3A_289 = arith.constant 0 : i32
        %dma_wait3A_290 = tpu.memref_slice %arg8[%sub3A_288, %dma_wait3A_289] : memref<157x128xi32, #tpu.memory_space<vmem>> -> memref<1x128xi32, #tpu.memory_space<vmem>>
        %dma_wait3A_291 = tpu.memref_squeeze %dma_wait3A_290 : memref<1x128xi32, #tpu.memory_space<vmem>> -> memref<128xi32, #tpu.memory_space<vmem>>
        %dma_wait3A_292 = arith.constant 0 : i32
        %dma_wait3A_293 = arith.constant 0 : i32
        %dma_wait3A_294 = tpu.memref_slice %arg2[%dma_wait3A_292, %dma_wait3A_293] : memref<10000x64xf32, #tpu.memory_space<hbm>> -> memref<10000x64xf32, #tpu.memory_space<hbm>>
        tpu.wait_indirect_dma semaphore(%arg18 : memref<!tpu.dma_semaphore, #tpu.memory_space<semaphore_mem>>) src(%dma_wait3A_294 : memref<10000x64xf32, #tpu.memory_space<hbm>>) dst(%arg13 : memref<128x64xf32, #tpu.memory_space<vmem>>)
        %sub3A_295 = arith.constant 2 : i32
        %sub3A_296 = arith.subi %add3A_272, %sub3A_295 : i32
        %dma_start3A_297 = arith.constant 0 : i32
        %dma_start3A_298 = tpu.memref_slice %arg9[%sub3A_296, %dma_start3A_297] : memref<157x128xi32, #tpu.memory_space<vmem>> -> memref<1x128xi32, #tpu.memory_space<vmem>>
        %dma_start3A_299 = tpu.memref_squeeze %dma_start3A_298 : memref<1x128xi32, #tpu.memory_space<vmem>> -> memref<128xi32, #tpu.memory_space<vmem>>
        %dma_start3A_300 = arith.constant 0 : i32
        %dma_start3A_301 = arith.constant 0 : i32
        %dma_start3A_302 = tpu.memref_slice %arg14[%dma_start3A_300, %dma_start3A_301] : memref<10016x64xf32, #tpu.memory_space<vmem_shared>> -> memref<10016x64xf32, #tpu.memory_space<vmem_shared>>
        tpu.enqueue_indirect_dma source(%arg13 : memref<128x64xf32, #tpu.memory_space<vmem>>) target(%dma_start3A_302 : memref<10016x64xf32, #tpu.memory_space<vmem_shared>>) offsets(%dma_start3A_299 : memref<128xi32, #tpu.memory_space<vmem>>) semaphore(%arg22 : memref<!tpu.dma_semaphore, #tpu.memory_space<semaphore_mem>>) {add = true}
        %mul3A_303 = arith.constant 4 : i32
        %mul3A_304 = arith.muli %scan3A_235, %mul3A_303 : i32
        %add3A_305 = arith.constant 2 : i32
        %add3A_306 = arith.addi %mul3A_304, %add3A_305 : i32
        %sub3A_307 = arith.constant 4 : i32
        %sub3A_308 = arith.subi %add3A_306, %sub3A_307 : i32
        %dma_wait3A_309 = arith.constant 0 : i32
        %dma_wait3A_310 = tpu.memref_slice %arg9[%sub3A_308, %dma_wait3A_309] : memref<157x128xi32, #tpu.memory_space<vmem>> -> memref<1x128xi32, #tpu.memory_space<vmem>>
        %dma_wait3A_311 = tpu.memref_squeeze %dma_wait3A_310 : memref<1x128xi32, #tpu.memory_space<vmem>> -> memref<128xi32, #tpu.memory_space<vmem>>
        %dma_wait3A_312 = arith.constant 0 : i32
        %dma_wait3A_313 = arith.constant 0 : i32
        %dma_wait3A_314 = tpu.memref_slice %arg14[%dma_wait3A_312, %dma_wait3A_313] : memref<10016x64xf32, #tpu.memory_space<vmem_shared>> -> memref<10016x64xf32, #tpu.memory_space<vmem_shared>>
        tpu.wait_indirect_dma semaphore(%arg21 : memref<!tpu.dma_semaphore, #tpu.memory_space<semaphore_mem>>) src(%arg12 : memref<128x64xf32, #tpu.memory_space<vmem>>) dst(%dma_wait3A_314 : memref<10016x64xf32, #tpu.memory_space<vmem_shared>>)
        %dma_start3A_315 = arith.constant 0 : i32
        %dma_start3A_316 = tpu.memref_slice %arg8[%add3A_306, %dma_start3A_315] : memref<157x128xi32, #tpu.memory_space<vmem>> -> memref<1x128xi32, #tpu.memory_space<vmem>>
        %dma_start3A_317 = tpu.memref_squeeze %dma_start3A_316 : memref<1x128xi32, #tpu.memory_space<vmem>> -> memref<128xi32, #tpu.memory_space<vmem>>
        %dma_start3A_318 = arith.constant 0 : i32
        %dma_start3A_319 = arith.constant 0 : i32
        %dma_start3A_320 = tpu.memref_slice %arg2[%dma_start3A_318, %dma_start3A_319] : memref<10000x64xf32, #tpu.memory_space<hbm>> -> memref<10000x64xf32, #tpu.memory_space<hbm>>
        tpu.enqueue_indirect_dma source(%dma_start3A_320 : memref<10000x64xf32, #tpu.memory_space<hbm>>) target(%arg12 : memref<128x64xf32, #tpu.memory_space<vmem>>) offsets(%dma_start3A_317 : memref<128xi32, #tpu.memory_space<vmem>>) semaphore(%arg17 : memref<!tpu.dma_semaphore, #tpu.memory_space<semaphore_mem>>)
        %sub3A_321 = arith.constant 2 : i32
        %sub3A_322 = arith.subi %add3A_306, %sub3A_321 : i32
        %dma_wait3A_323 = arith.constant 0 : i32
        %dma_wait3A_324 = tpu.memref_slice %arg8[%sub3A_322, %dma_wait3A_323] : memref<157x128xi32, #tpu.memory_space<vmem>> -> memref<1x128xi32, #tpu.memory_space<vmem>>
        %dma_wait3A_325 = tpu.memref_squeeze %dma_wait3A_324 : memref<1x128xi32, #tpu.memory_space<vmem>> -> memref<128xi32, #tpu.memory_space<vmem>>
        %dma_wait3A_326 = arith.constant 0 : i32
        %dma_wait3A_327 = arith.constant 0 : i32
        %dma_wait3A_328 = tpu.memref_slice %arg2[%dma_wait3A_326, %dma_wait3A_327] : memref<10000x64xf32, #tpu.memory_space<hbm>> -> memref<10000x64xf32, #tpu.memory_space<hbm>>
        tpu.wait_indirect_dma semaphore(%arg15 : memref<!tpu.dma_semaphore, #tpu.memory_space<semaphore_mem>>) src(%dma_wait3A_328 : memref<10000x64xf32, #tpu.memory_space<hbm>>) dst(%arg10 : memref<128x64xf32, #tpu.memory_space<vmem>>)
        %sub3A_329 = arith.constant 2 : i32
        %sub3A_330 = arith.subi %add3A_306, %sub3A_329 : i32
        %dma_start3A_331 = arith.constant 0 : i32
        %dma_start3A_332 = tpu.memref_slice %arg9[%sub3A_330, %dma_start3A_331] : memref<157x128xi32, #tpu.memory_space<vmem>> -> memref<1x128xi32, #tpu.memory_space<vmem>>
        %dma_start3A_333 = tpu.memref_squeeze %dma_start3A_332 : memref<1x128xi32, #tpu.memory_space<vmem>> -> memref<128xi32, #tpu.memory_space<vmem>>
        %dma_start3A_334 = arith.constant 0 : i32
        %dma_start3A_335 = arith.constant 0 : i32
        %dma_start3A_336 = tpu.memref_slice %arg14[%dma_start3A_334, %dma_start3A_335] : memref<10016x64xf32, #tpu.memory_space<vmem_shared>> -> memref<10016x64xf32, #tpu.memory_space<vmem_shared>>
        tpu.enqueue_indirect_dma source(%arg10 : memref<128x64xf32, #tpu.memory_space<vmem>>) target(%dma_start3A_336 : memref<10016x64xf32, #tpu.memory_space<vmem_shared>>) offsets(%dma_start3A_333 : memref<128xi32, #tpu.memory_space<vmem>>) semaphore(%arg19 : memref<!tpu.dma_semaphore, #tpu.memory_space<semaphore_mem>>) {add = true}
        %mul3A_337 = arith.constant 4 : i32
        %mul3A_338 = arith.muli %scan3A_235, %mul3A_337 : i32
        %add3A_339 = arith.constant 3 : i32
        %add3A_340 = arith.addi %mul3A_338, %add3A_339 : i32
        %sub3A_341 = arith.constant 4 : i32
        %sub3A_342 = arith.subi %add3A_340, %sub3A_341 : i32
        %dma_wait3A_343 = arith.constant 0 : i32
        %dma_wait3A_344 = tpu.memref_slice %arg9[%sub3A_342, %dma_wait3A_343] : memref<157x128xi32, #tpu.memory_space<vmem>> -> memref<1x128xi32, #tpu.memory_space<vmem>>
        %dma_wait3A_345 = tpu.memref_squeeze %dma_wait3A_344 : memref<1x128xi32, #tpu.memory_space<vmem>> -> memref<128xi32, #tpu.memory_space<vmem>>
        %dma_wait3A_346 = arith.constant 0 : i32
        %dma_wait3A_347 = arith.constant 0 : i32
        %dma_wait3A_348 = tpu.memref_slice %arg14[%dma_wait3A_346, %dma_wait3A_347] : memref<10016x64xf32, #tpu.memory_space<vmem_shared>> -> memref<10016x64xf32, #tpu.memory_space<vmem_shared>>
        tpu.wait_indirect_dma semaphore(%arg22 : memref<!tpu.dma_semaphore, #tpu.memory_space<semaphore_mem>>) src(%arg13 : memref<128x64xf32, #tpu.memory_space<vmem>>) dst(%dma_wait3A_348 : memref<10016x64xf32, #tpu.memory_space<vmem_shared>>)
        %dma_start3A_349 = arith.constant 0 : i32
        %dma_start3A_350 = tpu.memref_slice %arg8[%add3A_340, %dma_start3A_349] : memref<157x128xi32, #tpu.memory_space<vmem>> -> memref<1x128xi32, #tpu.memory_space<vmem>>
        %dma_start3A_351 = tpu.memref_squeeze %dma_start3A_350 : memref<1x128xi32, #tpu.memory_space<vmem>> -> memref<128xi32, #tpu.memory_space<vmem>>
        %dma_start3A_352 = arith.constant 0 : i32
        %dma_start3A_353 = arith.constant 0 : i32
        %dma_start3A_354 = tpu.memref_slice %arg2[%dma_start3A_352, %dma_start3A_353] : memref<10000x64xf32, #tpu.memory_space<hbm>> -> memref<10000x64xf32, #tpu.memory_space<hbm>>
        tpu.enqueue_indirect_dma source(%dma_start3A_354 : memref<10000x64xf32, #tpu.memory_space<hbm>>) target(%arg13 : memref<128x64xf32, #tpu.memory_space<vmem>>) offsets(%dma_start3A_351 : memref<128xi32, #tpu.memory_space<vmem>>) semaphore(%arg18 : memref<!tpu.dma_semaphore, #tpu.memory_space<semaphore_mem>>)
        %sub3A_355 = arith.constant 2 : i32
        %sub3A_356 = arith.subi %add3A_340, %sub3A_355 : i32
        %dma_wait3A_357 = arith.constant 0 : i32
        %dma_wait3A_358 = tpu.memref_slice %arg8[%sub3A_356, %dma_wait3A_357] : memref<157x128xi32, #tpu.memory_space<vmem>> -> memref<1x128xi32, #tpu.memory_space<vmem>>
        %dma_wait3A_359 = tpu.memref_squeeze %dma_wait3A_358 : memref<1x128xi32, #tpu.memory_space<vmem>> -> memref<128xi32, #tpu.memory_space<vmem>>
        %dma_wait3A_360 = arith.constant 0 : i32
        %dma_wait3A_361 = arith.constant 0 : i32
        %dma_wait3A_362 = tpu.memref_slice %arg2[%dma_wait3A_360, %dma_wait3A_361] : memref<10000x64xf32, #tpu.memory_space<hbm>> -> memref<10000x64xf32, #tpu.memory_space<hbm>>
        tpu.wait_indirect_dma semaphore(%arg16 : memref<!tpu.dma_semaphore, #tpu.memory_space<semaphore_mem>>) src(%dma_wait3A_362 : memref<10000x64xf32, #tpu.memory_space<hbm>>) dst(%arg11 : memref<128x64xf32, #tpu.memory_space<vmem>>)
        %sub3A_363 = arith.constant 2 : i32
        %sub3A_364 = arith.subi %add3A_340, %sub3A_363 : i32
        %dma_start3A_365 = arith.constant 0 : i32
        %dma_start3A_366 = tpu.memref_slice %arg9[%sub3A_364, %dma_start3A_365] : memref<157x128xi32, #tpu.memory_space<vmem>> -> memref<1x128xi32, #tpu.memory_space<vmem>>
        %dma_start3A_367 = tpu.memref_squeeze %dma_start3A_366 : memref<1x128xi32, #tpu.memory_space<vmem>> -> memref<128xi32, #tpu.memory_space<vmem>>
        %dma_start3A_368 = arith.constant 0 : i32
        %dma_start3A_369 = arith.constant 0 : i32
        %dma_start3A_370 = tpu.memref_slice %arg14[%dma_start3A_368, %dma_start3A_369] : memref<10016x64xf32, #tpu.memory_space<vmem_shared>> -> memref<10016x64xf32, #tpu.memory_space<vmem_shared>>
        tpu.enqueue_indirect_dma source(%arg11 : memref<128x64xf32, #tpu.memory_space<vmem>>) target(%dma_start3A_370 : memref<10016x64xf32, #tpu.memory_space<vmem_shared>>) offsets(%dma_start3A_367 : memref<128xi32, #tpu.memory_space<vmem>>) semaphore(%arg20 : memref<!tpu.dma_semaphore, #tpu.memory_space<semaphore_mem>>) {add = true}
        %scan3A_371 = arith.constant 0 : i32
        scf.yield %scan3A_371 : i32
      }
      %scan3A_150 = arith.constant 38 : i32
      %dma_wait3A_151 = arith.constant 152 : i32
      %dma_wait3A_152 = arith.constant 0 : i32
      %dma_wait3A_153 = tpu.memref_slice %arg9[%dma_wait3A_151, %dma_wait3A_152] : memref<157x128xi32, #tpu.memory_space<vmem>> -> memref<1x128xi32, #tpu.memory_space<vmem>>
      %dma_wait3A_154 = tpu.memref_squeeze %dma_wait3A_153 : memref<1x128xi32, #tpu.memory_space<vmem>> -> memref<128xi32, #tpu.memory_space<vmem>>
      %dma_wait3A_155 = arith.constant 0 : i32
      %dma_wait3A_156 = arith.constant 0 : i32
      %dma_wait3A_157 = tpu.memref_slice %arg14[%dma_wait3A_155, %dma_wait3A_156] : memref<10016x64xf32, #tpu.memory_space<vmem_shared>> -> memref<10016x64xf32, #tpu.memory_space<vmem_shared>>
      tpu.wait_indirect_dma semaphore(%arg19 : memref<!tpu.dma_semaphore, #tpu.memory_space<semaphore_mem>>) src(%arg10 : memref<128x64xf32, #tpu.memory_space<vmem>>) dst(%dma_wait3A_157 : memref<10016x64xf32, #tpu.memory_space<vmem_shared>>)
      %dma_start3A_158 = arith.constant 156 : i32
      %dma_start3A_159 = arith.constant 0 : i32
      %dma_start3A_160 = tpu.memref_slice %arg8[%dma_start3A_158, %dma_start3A_159] : memref<157x128xi32, #tpu.memory_space<vmem>> -> memref<1x128xi32, #tpu.memory_space<vmem>>
      %dma_start3A_161 = tpu.memref_squeeze %dma_start3A_160 : memref<1x128xi32, #tpu.memory_space<vmem>> -> memref<128xi32, #tpu.memory_space<vmem>>
      %dma_start3A_162 = arith.constant 0 : i32
      %dma_start3A_163 = arith.constant 0 : i32
      %dma_start3A_164 = tpu.memref_slice %arg2[%dma_start3A_162, %dma_start3A_163] : memref<10000x64xf32, #tpu.memory_space<hbm>> -> memref<10000x64xf32, #tpu.memory_space<hbm>>
      tpu.enqueue_indirect_dma source(%dma_start3A_164 : memref<10000x64xf32, #tpu.memory_space<hbm>>) target(%arg10 : memref<128x64xf32, #tpu.memory_space<vmem>>) offsets(%dma_start3A_161 : memref<128xi32, #tpu.memory_space<vmem>>) semaphore(%arg15 : memref<!tpu.dma_semaphore, #tpu.memory_space<semaphore_mem>>)
      %dma_wait3A_165 = arith.constant 154 : i32
      %dma_wait3A_166 = arith.constant 0 : i32
      %dma_wait3A_167 = tpu.memref_slice %arg8[%dma_wait3A_165, %dma_wait3A_166] : memref<157x128xi32, #tpu.memory_space<vmem>> -> memref<1x128xi32, #tpu.memory_space<vmem>>
      %dma_wait3A_168 = tpu.memref_squeeze %dma_wait3A_167 : memref<1x128xi32, #tpu.memory_space<vmem>> -> memref<128xi32, #tpu.memory_space<vmem>>
      %dma_wait3A_169 = arith.constant 0 : i32
      %dma_wait3A_170 = arith.constant 0 : i32
      %dma_wait3A_171 = tpu.memref_slice %arg2[%dma_wait3A_169, %dma_wait3A_170] : memref<10000x64xf32, #tpu.memory_space<hbm>> -> memref<10000x64xf32, #tpu.memory_space<hbm>>
      tpu.wait_indirect_dma semaphore(%arg17 : memref<!tpu.dma_semaphore, #tpu.memory_space<semaphore_mem>>) src(%dma_wait3A_171 : memref<10000x64xf32, #tpu.memory_space<hbm>>) dst(%arg12 : memref<128x64xf32, #tpu.memory_space<vmem>>)
      %dma_start3A_172 = arith.constant 154 : i32
      %dma_start3A_173 = arith.constant 0 : i32
      %dma_start3A_174 = tpu.memref_slice %arg9[%dma_start3A_172, %dma_start3A_173] : memref<157x128xi32, #tpu.memory_space<vmem>> -> memref<1x128xi32, #tpu.memory_space<vmem>>
      %dma_start3A_175 = tpu.memref_squeeze %dma_start3A_174 : memref<1x128xi32, #tpu.memory_space<vmem>> -> memref<128xi32, #tpu.memory_space<vmem>>
      %dma_start3A_176 = arith.constant 0 : i32
      %dma_start3A_177 = arith.constant 0 : i32
      %dma_start3A_178 = tpu.memref_slice %arg14[%dma_start3A_176, %dma_start3A_177] : memref<10016x64xf32, #tpu.memory_space<vmem_shared>> -> memref<10016x64xf32, #tpu.memory_space<vmem_shared>>
      tpu.enqueue_indirect_dma source(%arg12 : memref<128x64xf32, #tpu.memory_space<vmem>>) target(%dma_start3A_178 : memref<10016x64xf32, #tpu.memory_space<vmem_shared>>) offsets(%dma_start3A_175 : memref<128xi32, #tpu.memory_space<vmem>>) semaphore(%arg21 : memref<!tpu.dma_semaphore, #tpu.memory_space<semaphore_mem>>) {add = true}
      %dma_wait3A_179 = arith.constant 155 : i32
      %dma_wait3A_180 = arith.constant 0 : i32
      %dma_wait3A_181 = tpu.memref_slice %arg8[%dma_wait3A_179, %dma_wait3A_180] : memref<157x128xi32, #tpu.memory_space<vmem>> -> memref<1x128xi32, #tpu.memory_space<vmem>>
      %dma_wait3A_182 = tpu.memref_squeeze %dma_wait3A_181 : memref<1x128xi32, #tpu.memory_space<vmem>> -> memref<128xi32, #tpu.memory_space<vmem>>
      %dma_wait3A_183 = arith.constant 0 : i32
      %dma_wait3A_184 = arith.constant 0 : i32
      %dma_wait3A_185 = tpu.memref_slice %arg2[%dma_wait3A_183, %dma_wait3A_184] : memref<10000x64xf32, #tpu.memory_space<hbm>> -> memref<10000x64xf32, #tpu.memory_space<hbm>>
      tpu.wait_indirect_dma semaphore(%arg18 : memref<!tpu.dma_semaphore, #tpu.memory_space<semaphore_mem>>) src(%dma_wait3A_185 : memref<10000x64xf32, #tpu.memory_space<hbm>>) dst(%arg13 : memref<128x64xf32, #tpu.memory_space<vmem>>)
      %dma_start3A_186 = arith.constant 155 : i32
      %dma_start3A_187 = arith.constant 0 : i32
      %dma_start3A_188 = tpu.memref_slice %arg9[%dma_start3A_186, %dma_start3A_187] : memref<157x128xi32, #tpu.memory_space<vmem>> -> memref<1x128xi32, #tpu.memory_space<vmem>>
      %dma_start3A_189 = tpu.memref_squeeze %dma_start3A_188 : memref<1x128xi32, #tpu.memory_space<vmem>> -> memref<128xi32, #tpu.memory_space<vmem>>
      %dma_start3A_190 = arith.constant 0 : i32
      %dma_start3A_191 = arith.constant 0 : i32
      %dma_start3A_192 = tpu.memref_slice %arg14[%dma_start3A_190, %dma_start3A_191] : memref<10016x64xf32, #tpu.memory_space<vmem_shared>> -> memref<10016x64xf32, #tpu.memory_space<vmem_shared>>
      tpu.enqueue_indirect_dma source(%arg13 : memref<128x64xf32, #tpu.memory_space<vmem>>) target(%dma_start3A_192 : memref<10016x64xf32, #tpu.memory_space<vmem_shared>>) offsets(%dma_start3A_189 : memref<128xi32, #tpu.memory_space<vmem>>) semaphore(%arg22 : memref<!tpu.dma_semaphore, #tpu.memory_space<semaphore_mem>>) {add = true}
      %dma_wait3A_193 = arith.constant 156 : i32
      %dma_wait3A_194 = arith.constant 0 : i32
      %dma_wait3A_195 = tpu.memref_slice %arg8[%dma_wait3A_193, %dma_wait3A_194] : memref<157x128xi32, #tpu.memory_space<vmem>> -> memref<1x128xi32, #tpu.memory_space<vmem>>
      %dma_wait3A_196 = tpu.memref_squeeze %dma_wait3A_195 : memref<1x128xi32, #tpu.memory_space<vmem>> -> memref<128xi32, #tpu.memory_space<vmem>>
      %dma_wait3A_197 = arith.constant 0 : i32
      %dma_wait3A_198 = arith.constant 0 : i32
      %dma_wait3A_199 = tpu.memref_slice %arg2[%dma_wait3A_197, %dma_wait3A_198] : memref<10000x64xf32, #tpu.memory_space<hbm>> -> memref<10000x64xf32, #tpu.memory_space<hbm>>
      tpu.wait_indirect_dma semaphore(%arg15 : memref<!tpu.dma_semaphore, #tpu.memory_space<semaphore_mem>>) src(%dma_wait3A_199 : memref<10000x64xf32, #tpu.memory_space<hbm>>) dst(%arg10 : memref<128x64xf32, #tpu.memory_space<vmem>>)
      %dma_start3A_200 = arith.constant 156 : i32
      %dma_start3A_201 = arith.constant 0 : i32
      %dma_start3A_202 = tpu.memref_slice %arg9[%dma_start3A_200, %dma_start3A_201] : memref<157x128xi32, #tpu.memory_space<vmem>> -> memref<1x128xi32, #tpu.memory_space<vmem>>
      %dma_start3A_203 = tpu.memref_squeeze %dma_start3A_202 : memref<1x128xi32, #tpu.memory_space<vmem>> -> memref<128xi32, #tpu.memory_space<vmem>>
      %dma_start3A_204 = arith.constant 0 : i32
      %dma_start3A_205 = arith.constant 0 : i32
      %dma_start3A_206 = tpu.memref_slice %arg14[%dma_start3A_204, %dma_start3A_205] : memref<10016x64xf32, #tpu.memory_space<vmem_shared>> -> memref<10016x64xf32, #tpu.memory_space<vmem_shared>>
      tpu.enqueue_indirect_dma source(%arg10 : memref<128x64xf32, #tpu.memory_space<vmem>>) target(%dma_start3A_206 : memref<10016x64xf32, #tpu.memory_space<vmem_shared>>) offsets(%dma_start3A_203 : memref<128xi32, #tpu.memory_space<vmem>>) semaphore(%arg19 : memref<!tpu.dma_semaphore, #tpu.memory_space<semaphore_mem>>) {add = true}
      %dma_wait3A_207 = arith.constant 153 : i32
      %dma_wait3A_208 = arith.constant 0 : i32
      %dma_wait3A_209 = tpu.memref_slice %arg9[%dma_wait3A_207, %dma_wait3A_208] : memref<157x128xi32, #tpu.memory_space<vmem>> -> memref<1x128xi32, #tpu.memory_space<vmem>>
      %dma_wait3A_210 = tpu.memref_squeeze %dma_wait3A_209 : memref<1x128xi32, #tpu.memory_space<vmem>> -> memref<128xi32, #tpu.memory_space<vmem>>
      %dma_wait3A_211 = arith.constant 0 : i32
      %dma_wait3A_212 = arith.constant 0 : i32
      %dma_wait3A_213 = tpu.memref_slice %arg14[%dma_wait3A_211, %dma_wait3A_212] : memref<10016x64xf32, #tpu.memory_space<vmem_shared>> -> memref<10016x64xf32, #tpu.memory_space<vmem_shared>>
      tpu.wait_indirect_dma semaphore(%arg20 : memref<!tpu.dma_semaphore, #tpu.memory_space<semaphore_mem>>) src(%arg11 : memref<128x64xf32, #tpu.memory_space<vmem>>) dst(%dma_wait3A_213 : memref<10016x64xf32, #tpu.memory_space<vmem_shared>>)
      %dma_wait3A_214 = arith.constant 154 : i32
      %dma_wait3A_215 = arith.constant 0 : i32
      %dma_wait3A_216 = tpu.memref_slice %arg9[%dma_wait3A_214, %dma_wait3A_215] : memref<157x128xi32, #tpu.memory_space<vmem>> -> memref<1x128xi32, #tpu.memory_space<vmem>>
      %dma_wait3A_217 = tpu.memref_squeeze %dma_wait3A_216 : memref<1x128xi32, #tpu.memory_space<vmem>> -> memref<128xi32, #tpu.memory_space<vmem>>
      %dma_wait3A_218 = arith.constant 0 : i32
      %dma_wait3A_219 = arith.constant 0 : i32
      %dma_wait3A_220 = tpu.memref_slice %arg14[%dma_wait3A_218, %dma_wait3A_219] : memref<10016x64xf32, #tpu.memory_space<vmem_shared>> -> memref<10016x64xf32, #tpu.memory_space<vmem_shared>>
      tpu.wait_indirect_dma semaphore(%arg21 : memref<!tpu.dma_semaphore, #tpu.memory_space<semaphore_mem>>) src(%arg12 : memref<128x64xf32, #tpu.memory_space<vmem>>) dst(%dma_wait3A_220 : memref<10016x64xf32, #tpu.memory_space<vmem_shared>>)
      %dma_wait3A_221 = arith.constant 155 : i32
      %dma_wait3A_222 = arith.constant 0 : i32
      %dma_wait3A_223 = tpu.memref_slice %arg9[%dma_wait3A_221, %dma_wait3A_222] : memref<157x128xi32, #tpu.memory_space<vmem>> -> memref<1x128xi32, #tpu.memory_space<vmem>>
      %dma_wait3A_224 = tpu.memref_squeeze %dma_wait3A_223 : memref<1x128xi32, #tpu.memory_space<vmem>> -> memref<128xi32, #tpu.memory_space<vmem>>
      %dma_wait3A_225 = arith.constant 0 : i32
      %dma_wait3A_226 = arith.constant 0 : i32
      %dma_wait3A_227 = tpu.memref_slice %arg14[%dma_wait3A_225, %dma_wait3A_226] : memref<10016x64xf32, #tpu.memory_space<vmem_shared>> -> memref<10016x64xf32, #tpu.memory_space<vmem_shared>>
      tpu.wait_indirect_dma semaphore(%arg22 : memref<!tpu.dma_semaphore, #tpu.memory_space<semaphore_mem>>) src(%arg13 : memref<128x64xf32, #tpu.memory_space<vmem>>) dst(%dma_wait3A_227 : memref<10016x64xf32, #tpu.memory_space<vmem_shared>>)
      %dma_wait3A_228 = arith.constant 156 : i32
      %dma_wait3A_229 = arith.constant 0 : i32
      %dma_wait3A_230 = tpu.memref_slice %arg9[%dma_wait3A_228, %dma_wait3A_229] : memref<157x128xi32, #tpu.memory_space<vmem>> -> memref<1x128xi32, #tpu.memory_space<vmem>>
      %dma_wait3A_231 = tpu.memref_squeeze %dma_wait3A_230 : memref<1x128xi32, #tpu.memory_space<vmem>> -> memref<128xi32, #tpu.memory_space<vmem>>
      %dma_wait3A_232 = arith.constant 0 : i32
      %dma_wait3A_233 = arith.constant 0 : i32
      %dma_wait3A_234 = tpu.memref_slice %arg14[%dma_wait3A_232, %dma_wait3A_233] : memref<10016x64xf32, #tpu.memory_space<vmem_shared>> -> memref<10016x64xf32, #tpu.memory_space<vmem_shared>>
      tpu.wait_indirect_dma semaphore(%arg19 : memref<!tpu.dma_semaphore, #tpu.memory_space<semaphore_mem>>) src(%arg10 : memref<128x64xf32, #tpu.memory_space<vmem>>) dst(%dma_wait3A_234 : memref<10016x64xf32, #tpu.memory_space<vmem_shared>>)
    } else {
    }
    %eq3A_64 = arith.constant 1 : i32
    %eq3A_65 = arith.cmpi eq, %arg0, %eq3A_64 : i32
    %convert_element_type3A_66 = arith.extui %eq3A_65 : i1 to i32
    %cond3A_67 = arith.constant 0 : i32
    %cond3A_68 = arith.cmpi ne, %convert_element_type3A_66, %cond3A_67 : i32
    scf.if %cond3A_68 {
      %dma_start3A_79 = arith.constant 0 : i32
      %dma_start3A_80 = arith.constant 0 : i32
      %dma_start3A_81 = tpu.memref_slice %arg8[%dma_start3A_79, %dma_start3A_80] : memref<157x128xi32, #tpu.memory_space<vmem>> -> memref<1x128xi32, #tpu.memory_space<vmem>>
      %dma_start3A_82 = tpu.memref_squeeze %dma_start3A_81 : memref<1x128xi32, #tpu.memory_space<vmem>> -> memref<128xi32, #tpu.memory_space<vmem>>
      %dma_start3A_83 = arith.constant 0 : i32
      %dma_start3A_84 = arith.constant 0 : i32
      %dma_start3A_85 = tpu.memref_slice %arg3[%dma_start3A_83, %dma_start3A_84] : memref<10000x64xf32, #tpu.memory_space<hbm>> -> memref<10000x64xf32, #tpu.memory_space<hbm>>
      tpu.enqueue_indirect_dma source(%dma_start3A_85 : memref<10000x64xf32, #tpu.memory_space<hbm>>) target(%arg10 : memref<128x64xf32, #tpu.memory_space<vmem>>) offsets(%dma_start3A_82 : memref<128xi32, #tpu.memory_space<vmem>>) semaphore(%arg15 : memref<!tpu.dma_semaphore, #tpu.memory_space<semaphore_mem>>)
      %dma_start3A_86 = arith.constant 1 : i32
      %dma_start3A_87 = arith.constant 0 : i32
      %dma_start3A_88 = tpu.memref_slice %arg8[%dma_start3A_86, %dma_start3A_87] : memref<157x128xi32, #tpu.memory_space<vmem>> -> memref<1x128xi32, #tpu.memory_space<vmem>>
      %dma_start3A_89 = tpu.memref_squeeze %dma_start3A_88 : memref<1x128xi32, #tpu.memory_space<vmem>> -> memref<128xi32, #tpu.memory_space<vmem>>
      %dma_start3A_90 = arith.constant 0 : i32
      %dma_start3A_91 = arith.constant 0 : i32
      %dma_start3A_92 = tpu.memref_slice %arg3[%dma_start3A_90, %dma_start3A_91] : memref<10000x64xf32, #tpu.memory_space<hbm>> -> memref<10000x64xf32, #tpu.memory_space<hbm>>
      tpu.enqueue_indirect_dma source(%dma_start3A_92 : memref<10000x64xf32, #tpu.memory_space<hbm>>) target(%arg11 : memref<128x64xf32, #tpu.memory_space<vmem>>) offsets(%dma_start3A_89 : memref<128xi32, #tpu.memory_space<vmem>>) semaphore(%arg16 : memref<!tpu.dma_semaphore, #tpu.memory_space<semaphore_mem>>)
      %dma_start3A_93 = arith.constant 2 : i32
      %dma_start3A_94 = arith.constant 0 : i32
      %dma_start3A_95 = tpu.memref_slice %arg8[%dma_start3A_93, %dma_start3A_94] : memref<157x128xi32, #tpu.memory_space<vmem>> -> memref<1x128xi32, #tpu.memory_space<vmem>>
      %dma_start3A_96 = tpu.memref_squeeze %dma_start3A_95 : memref<1x128xi32, #tpu.memory_space<vmem>> -> memref<128xi32, #tpu.memory_space<vmem>>
      %dma_start3A_97 = arith.constant 0 : i32
      %dma_start3A_98 = arith.constant 0 : i32
      %dma_start3A_99 = tpu.memref_slice %arg3[%dma_start3A_97, %dma_start3A_98] : memref<10000x64xf32, #tpu.memory_space<hbm>> -> memref<10000x64xf32, #tpu.memory_space<hbm>>
      tpu.enqueue_indirect_dma source(%dma_start3A_99 : memref<10000x64xf32, #tpu.memory_space<hbm>>) target(%arg12 : memref<128x64xf32, #tpu.memory_space<vmem>>) offsets(%dma_start3A_96 : memref<128xi32, #tpu.memory_space<vmem>>) semaphore(%arg17 : memref<!tpu.dma_semaphore, #tpu.memory_space<semaphore_mem>>)
      %dma_start3A_100 = arith.constant 3 : i32
      %dma_start3A_101 = arith.constant 0 : i32
      %dma_start3A_102 = tpu.memref_slice %arg8[%dma_start3A_100, %dma_start3A_101] : memref<157x128xi32, #tpu.memory_space<vmem>> -> memref<1x128xi32, #tpu.memory_space<vmem>>
      %dma_start3A_103 = tpu.memref_squeeze %dma_start3A_102 : memref<1x128xi32, #tpu.memory_space<vmem>> -> memref<128xi32, #tpu.memory_space<vmem>>
      %dma_start3A_104 = arith.constant 0 : i32
      %dma_start3A_105 = arith.constant 0 : i32
      %dma_start3A_106 = tpu.memref_slice %arg3[%dma_start3A_104, %dma_start3A_105] : memref<10000x64xf32, #tpu.memory_space<hbm>> -> memref<10000x64xf32, #tpu.memory_space<hbm>>
      tpu.enqueue_indirect_dma source(%dma_start3A_106 : memref<10000x64xf32, #tpu.memory_space<hbm>>) target(%arg13 : memref<128x64xf32, #tpu.memory_space<vmem>>) offsets(%dma_start3A_103 : memref<128xi32, #tpu.memory_space<vmem>>) semaphore(%arg18 : memref<!tpu.dma_semaphore, #tpu.memory_space<semaphore_mem>>)
      %dma_wait3A_107 = arith.constant 0 : i32
      %dma_wait3A_108 = tpu.memref_slice %arg14[%mul3A_0, %dma_wait3A_107] : memref<10016x64xf32, #tpu.memory_space<vmem_shared>> -> memref<624x64xf32, #tpu.memory_space<vmem_shared>>
      %dma_wait3A_109 = arith.constant 0 : i32
      %dma_wait3A_110 = tpu.memref_slice %arg5[%mul3A_0, %dma_wait3A_109] : memref<10000x64xf32, #tpu.memory_space<hbm>> -> memref<624x64xf32, #tpu.memory_space<hbm>>
      tpu.wait_dma2 semaphore(%arg19 : memref<!tpu.dma_semaphore, #tpu.memory_space<semaphore_mem>>) src(%dma_wait3A_110 : memref<624x64xf32, #tpu.memory_space<hbm>>) dst(%dma_wait3A_108 : memref<624x64xf32, #tpu.memory_space<vmem_shared>>)
      %eq3A_111 = arith.constant 15 : i32
      %eq3A_112 = arith.cmpi eq, %arg1, %eq3A_111 : i32
      %convert_element_type3A_113 = arith.extui %eq3A_112 : i1 to i32
      %cond3A_114 = arith.constant 0 : i32
      %cond3A_115 = arith.cmpi ne, %convert_element_type3A_113, %cond3A_114 : i32
      scf.if %cond3A_115 {
        %dma_wait3A_235 = arith.constant 9984 : i32
        %dma_wait3A_236 = arith.constant 0 : i32
        %dma_wait3A_237 = tpu.memref_slice %arg14[%dma_wait3A_235, %dma_wait3A_236] : memref<10016x64xf32, #tpu.memory_space<vmem_shared>> -> memref<16x64xf32, #tpu.memory_space<vmem_shared>>
        %dma_wait3A_238 = arith.constant 9984 : i32
        %dma_wait3A_239 = arith.constant 0 : i32
        %dma_wait3A_240 = tpu.memref_slice %arg5[%dma_wait3A_238, %dma_wait3A_239] : memref<10000x64xf32, #tpu.memory_space<hbm>> -> memref<16x64xf32, #tpu.memory_space<hbm>>
        tpu.wait_dma2 semaphore(%arg19 : memref<!tpu.dma_semaphore, #tpu.memory_space<semaphore_mem>>) src(%dma_wait3A_240 : memref<16x64xf32, #tpu.memory_space<hbm>>) dst(%dma_wait3A_237 : memref<16x64xf32, #tpu.memory_space<vmem_shared>>)
      } else {
      }
      %barrier3A_116 = arith.constant 0 : index
      tpu.barrier barrier_id(%barrier3A_116)
      %dma_wait3A_117 = arith.constant 0 : i32
      %dma_wait3A_118 = arith.constant 0 : i32
      %dma_wait3A_119 = tpu.memref_slice %arg8[%dma_wait3A_117, %dma_wait3A_118] : memref<157x128xi32, #tpu.memory_space<vmem>> -> memref<1x128xi32, #tpu.memory_space<vmem>>
      %dma_wait3A_120 = tpu.memref_squeeze %dma_wait3A_119 : memref<1x128xi32, #tpu.memory_space<vmem>> -> memref<128xi32, #tpu.memory_space<vmem>>
      %dma_wait3A_121 = arith.constant 0 : i32
      %dma_wait3A_122 = arith.constant 0 : i32
      %dma_wait3A_123 = tpu.memref_slice %arg3[%dma_wait3A_121, %dma_wait3A_122] : memref<10000x64xf32, #tpu.memory_space<hbm>> -> memref<10000x64xf32, #tpu.memory_space<hbm>>
      tpu.wait_indirect_dma semaphore(%arg15 : memref<!tpu.dma_semaphore, #tpu.memory_space<semaphore_mem>>) src(%dma_wait3A_123 : memref<10000x64xf32, #tpu.memory_space<hbm>>) dst(%arg10 : memref<128x64xf32, #tpu.memory_space<vmem>>)
      %dma_start3A_124 = arith.constant 0 : i32
      %dma_start3A_125 = arith.constant 0 : i32
      %dma_start3A_126 = tpu.memref_slice %arg9[%dma_start3A_124, %dma_start3A_125] : memref<157x128xi32, #tpu.memory_space<vmem>> -> memref<1x128xi32, #tpu.memory_space<vmem>>
      %dma_start3A_127 = tpu.memref_squeeze %dma_start3A_126 : memref<1x128xi32, #tpu.memory_space<vmem>> -> memref<128xi32, #tpu.memory_space<vmem>>
      %dma_start3A_128 = arith.constant 0 : i32
      %dma_start3A_129 = arith.constant 0 : i32
      %dma_start3A_130 = tpu.memref_slice %arg14[%dma_start3A_128, %dma_start3A_129] : memref<10016x64xf32, #tpu.memory_space<vmem_shared>> -> memref<10016x64xf32, #tpu.memory_space<vmem_shared>>
      tpu.enqueue_indirect_dma source(%arg10 : memref<128x64xf32, #tpu.memory_space<vmem>>) target(%dma_start3A_130 : memref<10016x64xf32, #tpu.memory_space<vmem_shared>>) offsets(%dma_start3A_127 : memref<128xi32, #tpu.memory_space<vmem>>) semaphore(%arg19 : memref<!tpu.dma_semaphore, #tpu.memory_space<semaphore_mem>>) {add = true}
      %dma_wait3A_131 = arith.constant 1 : i32
      %dma_wait3A_132 = arith.constant 0 : i32
      %dma_wait3A_133 = tpu.memref_slice %arg8[%dma_wait3A_131, %dma_wait3A_132] : memref<157x128xi32, #tpu.memory_space<vmem>> -> memref<1x128xi32, #tpu.memory_space<vmem>>
      %dma_wait3A_134 = tpu.memref_squeeze %dma_wait3A_133 : memref<1x128xi32, #tpu.memory_space<vmem>> -> memref<128xi32, #tpu.memory_space<vmem>>
      %dma_wait3A_135 = arith.constant 0 : i32
      %dma_wait3A_136 = arith.constant 0 : i32
      %dma_wait3A_137 = tpu.memref_slice %arg3[%dma_wait3A_135, %dma_wait3A_136] : memref<10000x64xf32, #tpu.memory_space<hbm>> -> memref<10000x64xf32, #tpu.memory_space<hbm>>
      tpu.wait_indirect_dma semaphore(%arg16 : memref<!tpu.dma_semaphore, #tpu.memory_space<semaphore_mem>>) src(%dma_wait3A_137 : memref<10000x64xf32, #tpu.memory_space<hbm>>) dst(%arg11 : memref<128x64xf32, #tpu.memory_space<vmem>>)
      %dma_start3A_138 = arith.constant 1 : i32
      %dma_start3A_139 = arith.constant 0 : i32
      %dma_start3A_140 = tpu.memref_slice %arg9[%dma_start3A_138, %dma_start3A_139] : memref<157x128xi32, #tpu.memory_space<vmem>> -> memref<1x128xi32, #tpu.memory_space<vmem>>
      %dma_start3A_141 = tpu.memref_squeeze %dma_start3A_140 : memref<1x128xi32, #tpu.memory_space<vmem>> -> memref<128xi32, #tpu.memory_space<vmem>>
      %dma_start3A_142 = arith.constant 0 : i32
      %dma_start3A_143 = arith.constant 0 : i32
      %dma_start3A_144 = tpu.memref_slice %arg14[%dma_start3A_142, %dma_start3A_143] : memref<10016x64xf32, #tpu.memory_space<vmem_shared>> -> memref<10016x64xf32, #tpu.memory_space<vmem_shared>>
      tpu.enqueue_indirect_dma source(%arg11 : memref<128x64xf32, #tpu.memory_space<vmem>>) target(%dma_start3A_144 : memref<10016x64xf32, #tpu.memory_space<vmem_shared>>) offsets(%dma_start3A_141 : memref<128xi32, #tpu.memory_space<vmem>>) semaphore(%arg20 : memref<!tpu.dma_semaphore, #tpu.memory_space<semaphore_mem>>) {add = true}
      %scan3A = arith.constant 0 : i32
      %scan3A_145 = arith.constant 1 : i32
      %scan3A_146 = arith.constant 38 : i32
      %scan3A_147 = arith.addi %scan3A_145, %scan3A_146 : i32
      %scan3A_148 = arith.constant 1 : i32
      %scan3A_149 = scf.for %scan3A_235 = %scan3A_145 to %scan3A_147 step %scan3A_148 iter_args(%scan3A_236 = %scan3A) -> (i32)  : i32 {
        %mul3A_237 = arith.constant 4 : i32
        %mul3A_238 = arith.muli %scan3A_235, %mul3A_237 : i32
        %add3A = arith.constant 0 : i32
        %add3A_239 = arith.addi %mul3A_238, %add3A : i32
        %sub3A = arith.constant 4 : i32
        %sub3A_240 = arith.subi %add3A_239, %sub3A : i32
        %dma_wait3A_241 = arith.constant 0 : i32
        %dma_wait3A_242 = tpu.memref_slice %arg9[%sub3A_240, %dma_wait3A_241] : memref<157x128xi32, #tpu.memory_space<vmem>> -> memref<1x128xi32, #tpu.memory_space<vmem>>
        %dma_wait3A_243 = tpu.memref_squeeze %dma_wait3A_242 : memref<1x128xi32, #tpu.memory_space<vmem>> -> memref<128xi32, #tpu.memory_space<vmem>>
        %dma_wait3A_244 = arith.constant 0 : i32
        %dma_wait3A_245 = arith.constant 0 : i32
        %dma_wait3A_246 = tpu.memref_slice %arg14[%dma_wait3A_244, %dma_wait3A_245] : memref<10016x64xf32, #tpu.memory_space<vmem_shared>> -> memref<10016x64xf32, #tpu.memory_space<vmem_shared>>
        tpu.wait_indirect_dma semaphore(%arg19 : memref<!tpu.dma_semaphore, #tpu.memory_space<semaphore_mem>>) src(%arg10 : memref<128x64xf32, #tpu.memory_space<vmem>>) dst(%dma_wait3A_246 : memref<10016x64xf32, #tpu.memory_space<vmem_shared>>)
        %dma_start3A_247 = arith.constant 0 : i32
        %dma_start3A_248 = tpu.memref_slice %arg8[%add3A_239, %dma_start3A_247] : memref<157x128xi32, #tpu.memory_space<vmem>> -> memref<1x128xi32, #tpu.memory_space<vmem>>
        %dma_start3A_249 = tpu.memref_squeeze %dma_start3A_248 : memref<1x128xi32, #tpu.memory_space<vmem>> -> memref<128xi32, #tpu.memory_space<vmem>>
        %dma_start3A_250 = arith.constant 0 : i32
        %dma_start3A_251 = arith.constant 0 : i32
        %dma_start3A_252 = tpu.memref_slice %arg3[%dma_start3A_250, %dma_start3A_251] : memref<10000x64xf32, #tpu.memory_space<hbm>> -> memref<10000x64xf32, #tpu.memory_space<hbm>>
        tpu.enqueue_indirect_dma source(%dma_start3A_252 : memref<10000x64xf32, #tpu.memory_space<hbm>>) target(%arg10 : memref<128x64xf32, #tpu.memory_space<vmem>>) offsets(%dma_start3A_249 : memref<128xi32, #tpu.memory_space<vmem>>) semaphore(%arg15 : memref<!tpu.dma_semaphore, #tpu.memory_space<semaphore_mem>>)
        %sub3A_253 = arith.constant 2 : i32
        %sub3A_254 = arith.subi %add3A_239, %sub3A_253 : i32
        %dma_wait3A_255 = arith.constant 0 : i32
        %dma_wait3A_256 = tpu.memref_slice %arg8[%sub3A_254, %dma_wait3A_255] : memref<157x128xi32, #tpu.memory_space<vmem>> -> memref<1x128xi32, #tpu.memory_space<vmem>>
        %dma_wait3A_257 = tpu.memref_squeeze %dma_wait3A_256 : memref<1x128xi32, #tpu.memory_space<vmem>> -> memref<128xi32, #tpu.memory_space<vmem>>
        %dma_wait3A_258 = arith.constant 0 : i32
        %dma_wait3A_259 = arith.constant 0 : i32
        %dma_wait3A_260 = tpu.memref_slice %arg3[%dma_wait3A_258, %dma_wait3A_259] : memref<10000x64xf32, #tpu.memory_space<hbm>> -> memref<10000x64xf32, #tpu.memory_space<hbm>>
        tpu.wait_indirect_dma semaphore(%arg17 : memref<!tpu.dma_semaphore, #tpu.memory_space<semaphore_mem>>) src(%dma_wait3A_260 : memref<10000x64xf32, #tpu.memory_space<hbm>>) dst(%arg12 : memref<128x64xf32, #tpu.memory_space<vmem>>)
        %sub3A_261 = arith.constant 2 : i32
        %sub3A_262 = arith.subi %add3A_239, %sub3A_261 : i32
        %dma_start3A_263 = arith.constant 0 : i32
        %dma_start3A_264 = tpu.memref_slice %arg9[%sub3A_262, %dma_start3A_263] : memref<157x128xi32, #tpu.memory_space<vmem>> -> memref<1x128xi32, #tpu.memory_space<vmem>>
        %dma_start3A_265 = tpu.memref_squeeze %dma_start3A_264 : memref<1x128xi32, #tpu.memory_space<vmem>> -> memref<128xi32, #tpu.memory_space<vmem>>
        %dma_start3A_266 = arith.constant 0 : i32
        %dma_start3A_267 = arith.constant 0 : i32
        %dma_start3A_268 = tpu.memref_slice %arg14[%dma_start3A_266, %dma_start3A_267] : memref<10016x64xf32, #tpu.memory_space<vmem_shared>> -> memref<10016x64xf32, #tpu.memory_space<vmem_shared>>
        tpu.enqueue_indirect_dma source(%arg12 : memref<128x64xf32, #tpu.memory_space<vmem>>) target(%dma_start3A_268 : memref<10016x64xf32, #tpu.memory_space<vmem_shared>>) offsets(%dma_start3A_265 : memref<128xi32, #tpu.memory_space<vmem>>) semaphore(%arg21 : memref<!tpu.dma_semaphore, #tpu.memory_space<semaphore_mem>>) {add = true}
        %mul3A_269 = arith.constant 4 : i32
        %mul3A_270 = arith.muli %scan3A_235, %mul3A_269 : i32
        %add3A_271 = arith.constant 1 : i32
        %add3A_272 = arith.addi %mul3A_270, %add3A_271 : i32
        %sub3A_273 = arith.constant 4 : i32
        %sub3A_274 = arith.subi %add3A_272, %sub3A_273 : i32
        %dma_wait3A_275 = arith.constant 0 : i32
        %dma_wait3A_276 = tpu.memref_slice %arg9[%sub3A_274, %dma_wait3A_275] : memref<157x128xi32, #tpu.memory_space<vmem>> -> memref<1x128xi32, #tpu.memory_space<vmem>>
        %dma_wait3A_277 = tpu.memref_squeeze %dma_wait3A_276 : memref<1x128xi32, #tpu.memory_space<vmem>> -> memref<128xi32, #tpu.memory_space<vmem>>
        %dma_wait3A_278 = arith.constant 0 : i32
        %dma_wait3A_279 = arith.constant 0 : i32
        %dma_wait3A_280 = tpu.memref_slice %arg14[%dma_wait3A_278, %dma_wait3A_279] : memref<10016x64xf32, #tpu.memory_space<vmem_shared>> -> memref<10016x64xf32, #tpu.memory_space<vmem_shared>>
        tpu.wait_indirect_dma semaphore(%arg20 : memref<!tpu.dma_semaphore, #tpu.memory_space<semaphore_mem>>) src(%arg11 : memref<128x64xf32, #tpu.memory_space<vmem>>) dst(%dma_wait3A_280 : memref<10016x64xf32, #tpu.memory_space<vmem_shared>>)
        %dma_start3A_281 = arith.constant 0 : i32
        %dma_start3A_282 = tpu.memref_slice %arg8[%add3A_272, %dma_start3A_281] : memref<157x128xi32, #tpu.memory_space<vmem>> -> memref<1x128xi32, #tpu.memory_space<vmem>>
        %dma_start3A_283 = tpu.memref_squeeze %dma_start3A_282 : memref<1x128xi32, #tpu.memory_space<vmem>> -> memref<128xi32, #tpu.memory_space<vmem>>
        %dma_start3A_284 = arith.constant 0 : i32
        %dma_start3A_285 = arith.constant 0 : i32
        %dma_start3A_286 = tpu.memref_slice %arg3[%dma_start3A_284, %dma_start3A_285] : memref<10000x64xf32, #tpu.memory_space<hbm>> -> memref<10000x64xf32, #tpu.memory_space<hbm>>
        tpu.enqueue_indirect_dma source(%dma_start3A_286 : memref<10000x64xf32, #tpu.memory_space<hbm>>) target(%arg11 : memref<128x64xf32, #tpu.memory_space<vmem>>) offsets(%dma_start3A_283 : memref<128xi32, #tpu.memory_space<vmem>>) semaphore(%arg16 : memref<!tpu.dma_semaphore, #tpu.memory_space<semaphore_mem>>)
        %sub3A_287 = arith.constant 2 : i32
        %sub3A_288 = arith.subi %add3A_272, %sub3A_287 : i32
        %dma_wait3A_289 = arith.constant 0 : i32
        %dma_wait3A_290 = tpu.memref_slice %arg8[%sub3A_288, %dma_wait3A_289] : memref<157x128xi32, #tpu.memory_space<vmem>> -> memref<1x128xi32, #tpu.memory_space<vmem>>
        %dma_wait3A_291 = tpu.memref_squeeze %dma_wait3A_290 : memref<1x128xi32, #tpu.memory_space<vmem>> -> memref<128xi32, #tpu.memory_space<vmem>>
        %dma_wait3A_292 = arith.constant 0 : i32
        %dma_wait3A_293 = arith.constant 0 : i32
        %dma_wait3A_294 = tpu.memref_slice %arg3[%dma_wait3A_292, %dma_wait3A_293] : memref<10000x64xf32, #tpu.memory_space<hbm>> -> memref<10000x64xf32, #tpu.memory_space<hbm>>
        tpu.wait_indirect_dma semaphore(%arg18 : memref<!tpu.dma_semaphore, #tpu.memory_space<semaphore_mem>>) src(%dma_wait3A_294 : memref<10000x64xf32, #tpu.memory_space<hbm>>) dst(%arg13 : memref<128x64xf32, #tpu.memory_space<vmem>>)
        %sub3A_295 = arith.constant 2 : i32
        %sub3A_296 = arith.subi %add3A_272, %sub3A_295 : i32
        %dma_start3A_297 = arith.constant 0 : i32
        %dma_start3A_298 = tpu.memref_slice %arg9[%sub3A_296, %dma_start3A_297] : memref<157x128xi32, #tpu.memory_space<vmem>> -> memref<1x128xi32, #tpu.memory_space<vmem>>
        %dma_start3A_299 = tpu.memref_squeeze %dma_start3A_298 : memref<1x128xi32, #tpu.memory_space<vmem>> -> memref<128xi32, #tpu.memory_space<vmem>>
        %dma_start3A_300 = arith.constant 0 : i32
        %dma_start3A_301 = arith.constant 0 : i32
        %dma_start3A_302 = tpu.memref_slice %arg14[%dma_start3A_300, %dma_start3A_301] : memref<10016x64xf32, #tpu.memory_space<vmem_shared>> -> memref<10016x64xf32, #tpu.memory_space<vmem_shared>>
        tpu.enqueue_indirect_dma source(%arg13 : memref<128x64xf32, #tpu.memory_space<vmem>>) target(%dma_start3A_302 : memref<10016x64xf32, #tpu.memory_space<vmem_shared>>) offsets(%dma_start3A_299 : memref<128xi32, #tpu.memory_space<vmem>>) semaphore(%arg22 : memref<!tpu.dma_semaphore, #tpu.memory_space<semaphore_mem>>) {add = true}
        %mul3A_303 = arith.constant 4 : i32
        %mul3A_304 = arith.muli %scan3A_235, %mul3A_303 : i32
        %add3A_305 = arith.constant 2 : i32
        %add3A_306 = arith.addi %mul3A_304, %add3A_305 : i32
        %sub3A_307 = arith.constant 4 : i32
        %sub3A_308 = arith.subi %add3A_306, %sub3A_307 : i32
        %dma_wait3A_309 = arith.constant 0 : i32
        %dma_wait3A_310 = tpu.memref_slice %arg9[%sub3A_308, %dma_wait3A_309] : memref<157x128xi32, #tpu.memory_space<vmem>> -> memref<1x128xi32, #tpu.memory_space<vmem>>
        %dma_wait3A_311 = tpu.memref_squeeze %dma_wait3A_310 : memref<1x128xi32, #tpu.memory_space<vmem>> -> memref<128xi32, #tpu.memory_space<vmem>>
        %dma_wait3A_312 = arith.constant 0 : i32
        %dma_wait3A_313 = arith.constant 0 : i32
        %dma_wait3A_314 = tpu.memref_slice %arg14[%dma_wait3A_312, %dma_wait3A_313] : memref<10016x64xf32, #tpu.memory_space<vmem_shared>> -> memref<10016x64xf32, #tpu.memory_space<vmem_shared>>
        tpu.wait_indirect_dma semaphore(%arg21 : memref<!tpu.dma_semaphore, #tpu.memory_space<semaphore_mem>>) src(%arg12 : memref<128x64xf32, #tpu.memory_space<vmem>>) dst(%dma_wait3A_314 : memref<10016x64xf32, #tpu.memory_space<vmem_shared>>)
        %dma_start3A_315 = arith.constant 0 : i32
        %dma_start3A_316 = tpu.memref_slice %arg8[%add3A_306, %dma_start3A_315] : memref<157x128xi32, #tpu.memory_space<vmem>> -> memref<1x128xi32, #tpu.memory_space<vmem>>
        %dma_start3A_317 = tpu.memref_squeeze %dma_start3A_316 : memref<1x128xi32, #tpu.memory_space<vmem>> -> memref<128xi32, #tpu.memory_space<vmem>>
        %dma_start3A_318 = arith.constant 0 : i32
        %dma_start3A_319 = arith.constant 0 : i32
        %dma_start3A_320 = tpu.memref_slice %arg3[%dma_start3A_318, %dma_start3A_319] : memref<10000x64xf32, #tpu.memory_space<hbm>> -> memref<10000x64xf32, #tpu.memory_space<hbm>>
        tpu.enqueue_indirect_dma source(%dma_start3A_320 : memref<10000x64xf32, #tpu.memory_space<hbm>>) target(%arg12 : memref<128x64xf32, #tpu.memory_space<vmem>>) offsets(%dma_start3A_317 : memref<128xi32, #tpu.memory_space<vmem>>) semaphore(%arg17 : memref<!tpu.dma_semaphore, #tpu.memory_space<semaphore_mem>>)
        %sub3A_321 = arith.constant 2 : i32
        %sub3A_322 = arith.subi %add3A_306, %sub3A_321 : i32
        %dma_wait3A_323 = arith.constant 0 : i32
        %dma_wait3A_324 = tpu.memref_slice %arg8[%sub3A_322, %dma_wait3A_323] : memref<157x128xi32, #tpu.memory_space<vmem>> -> memref<1x128xi32, #tpu.memory_space<vmem>>
        %dma_wait3A_325 = tpu.memref_squeeze %dma_wait3A_324 : memref<1x128xi32, #tpu.memory_space<vmem>> -> memref<128xi32, #tpu.memory_space<vmem>>
        %dma_wait3A_326 = arith.constant 0 : i32
        %dma_wait3A_327 = arith.constant 0 : i32
        %dma_wait3A_328 = tpu.memref_slice %arg3[%dma_wait3A_326, %dma_wait3A_327] : memref<10000x64xf32, #tpu.memory_space<hbm>> -> memref<10000x64xf32, #tpu.memory_space<hbm>>
        tpu.wait_indirect_dma semaphore(%arg15 : memref<!tpu.dma_semaphore, #tpu.memory_space<semaphore_mem>>) src(%dma_wait3A_328 : memref<10000x64xf32, #tpu.memory_space<hbm>>) dst(%arg10 : memref<128x64xf32, #tpu.memory_space<vmem>>)
        %sub3A_329 = arith.constant 2 : i32
        %sub3A_330 = arith.subi %add3A_306, %sub3A_329 : i32
        %dma_start3A_331 = arith.constant 0 : i32
        %dma_start3A_332 = tpu.memref_slice %arg9[%sub3A_330, %dma_start3A_331] : memref<157x128xi32, #tpu.memory_space<vmem>> -> memref<1x128xi32, #tpu.memory_space<vmem>>
        %dma_start3A_333 = tpu.memref_squeeze %dma_start3A_332 : memref<1x128xi32, #tpu.memory_space<vmem>> -> memref<128xi32, #tpu.memory_space<vmem>>
        %dma_start3A_334 = arith.constant 0 : i32
        %dma_start3A_335 = arith.constant 0 : i32
        %dma_start3A_336 = tpu.memref_slice %arg14[%dma_start3A_334, %dma_start3A_335] : memref<10016x64xf32, #tpu.memory_space<vmem_shared>> -> memref<10016x64xf32, #tpu.memory_space<vmem_shared>>
        tpu.enqueue_indirect_dma source(%arg10 : memref<128x64xf32, #tpu.memory_space<vmem>>) target(%dma_start3A_336 : memref<10016x64xf32, #tpu.memory_space<vmem_shared>>) offsets(%dma_start3A_333 : memref<128xi32, #tpu.memory_space<vmem>>) semaphore(%arg19 : memref<!tpu.dma_semaphore, #tpu.memory_space<semaphore_mem>>) {add = true}
        %mul3A_337 = arith.constant 4 : i32
        %mul3A_338 = arith.muli %scan3A_235, %mul3A_337 : i32
        %add3A_339 = arith.constant 3 : i32
        %add3A_340 = arith.addi %mul3A_338, %add3A_339 : i32
        %sub3A_341 = arith.constant 4 : i32
        %sub3A_342 = arith.subi %add3A_340, %sub3A_341 : i32
        %dma_wait3A_343 = arith.constant 0 : i32
        %dma_wait3A_344 = tpu.memref_slice %arg9[%sub3A_342, %dma_wait3A_343] : memref<157x128xi32, #tpu.memory_space<vmem>> -> memref<1x128xi32, #tpu.memory_space<vmem>>
        %dma_wait3A_345 = tpu.memref_squeeze %dma_wait3A_344 : memref<1x128xi32, #tpu.memory_space<vmem>> -> memref<128xi32, #tpu.memory_space<vmem>>
        %dma_wait3A_346 = arith.constant 0 : i32
        %dma_wait3A_347 = arith.constant 0 : i32
        %dma_wait3A_348 = tpu.memref_slice %arg14[%dma_wait3A_346, %dma_wait3A_347] : memref<10016x64xf32, #tpu.memory_space<vmem_shared>> -> memref<10016x64xf32, #tpu.memory_space<vmem_shared>>
        tpu.wait_indirect_dma semaphore(%arg22 : memref<!tpu.dma_semaphore, #tpu.memory_space<semaphore_mem>>) src(%arg13 : memref<128x64xf32, #tpu.memory_space<vmem>>) dst(%dma_wait3A_348 : memref<10016x64xf32, #tpu.memory_space<vmem_shared>>)
        %dma_start3A_349 = arith.constant 0 : i32
        %dma_start3A_350 = tpu.memref_slice %arg8[%add3A_340, %dma_start3A_349] : memref<157x128xi32, #tpu.memory_space<vmem>> -> memref<1x128xi32, #tpu.memory_space<vmem>>
        %dma_start3A_351 = tpu.memref_squeeze %dma_start3A_350 : memref<1x128xi32, #tpu.memory_space<vmem>> -> memref<128xi32, #tpu.memory_space<vmem>>
        %dma_start3A_352 = arith.constant 0 : i32
        %dma_start3A_353 = arith.constant 0 : i32
        %dma_start3A_354 = tpu.memref_slice %arg3[%dma_start3A_352, %dma_start3A_353] : memref<10000x64xf32, #tpu.memory_space<hbm>> -> memref<10000x64xf32, #tpu.memory_space<hbm>>
        tpu.enqueue_indirect_dma source(%dma_start3A_354 : memref<10000x64xf32, #tpu.memory_space<hbm>>) target(%arg13 : memref<128x64xf32, #tpu.memory_space<vmem>>) offsets(%dma_start3A_351 : memref<128xi32, #tpu.memory_space<vmem>>) semaphore(%arg18 : memref<!tpu.dma_semaphore, #tpu.memory_space<semaphore_mem>>)
        %sub3A_355 = arith.constant 2 : i32
        %sub3A_356 = arith.subi %add3A_340, %sub3A_355 : i32
        %dma_wait3A_357 = arith.constant 0 : i32
        %dma_wait3A_358 = tpu.memref_slice %arg8[%sub3A_356, %dma_wait3A_357] : memref<157x128xi32, #tpu.memory_space<vmem>> -> memref<1x128xi32, #tpu.memory_space<vmem>>
        %dma_wait3A_359 = tpu.memref_squeeze %dma_wait3A_358 : memref<1x128xi32, #tpu.memory_space<vmem>> -> memref<128xi32, #tpu.memory_space<vmem>>
        %dma_wait3A_360 = arith.constant 0 : i32
        %dma_wait3A_361 = arith.constant 0 : i32
        %dma_wait3A_362 = tpu.memref_slice %arg3[%dma_wait3A_360, %dma_wait3A_361] : memref<10000x64xf32, #tpu.memory_space<hbm>> -> memref<10000x64xf32, #tpu.memory_space<hbm>>
        tpu.wait_indirect_dma semaphore(%arg16 : memref<!tpu.dma_semaphore, #tpu.memory_space<semaphore_mem>>) src(%dma_wait3A_362 : memref<10000x64xf32, #tpu.memory_space<hbm>>) dst(%arg11 : memref<128x64xf32, #tpu.memory_space<vmem>>)
        %sub3A_363 = arith.constant 2 : i32
        %sub3A_364 = arith.subi %add3A_340, %sub3A_363 : i32
        %dma_start3A_365 = arith.constant 0 : i32
        %dma_start3A_366 = tpu.memref_slice %arg9[%sub3A_364, %dma_start3A_365] : memref<157x128xi32, #tpu.memory_space<vmem>> -> memref<1x128xi32, #tpu.memory_space<vmem>>
        %dma_start3A_367 = tpu.memref_squeeze %dma_start3A_366 : memref<1x128xi32, #tpu.memory_space<vmem>> -> memref<128xi32, #tpu.memory_space<vmem>>
        %dma_start3A_368 = arith.constant 0 : i32
        %dma_start3A_369 = arith.constant 0 : i32
        %dma_start3A_370 = tpu.memref_slice %arg14[%dma_start3A_368, %dma_start3A_369] : memref<10016x64xf32, #tpu.memory_space<vmem_shared>> -> memref<10016x64xf32, #tpu.memory_space<vmem_shared>>
        tpu.enqueue_indirect_dma source(%arg11 : memref<128x64xf32, #tpu.memory_space<vmem>>) target(%dma_start3A_370 : memref<10016x64xf32, #tpu.memory_space<vmem_shared>>) offsets(%dma_start3A_367 : memref<128xi32, #tpu.memory_space<vmem>>) semaphore(%arg20 : memref<!tpu.dma_semaphore, #tpu.memory_space<semaphore_mem>>) {add = true}
        %scan3A_371 = arith.constant 0 : i32
        scf.yield %scan3A_371 : i32
      }
      %scan3A_150 = arith.constant 38 : i32
      %dma_wait3A_151 = arith.constant 152 : i32
      %dma_wait3A_152 = arith.constant 0 : i32
      %dma_wait3A_153 = tpu.memref_slice %arg9[%dma_wait3A_151, %dma_wait3A_152] : memref<157x128xi32, #tpu.memory_space<vmem>> -> memref<1x128xi32, #tpu.memory_space<vmem>>
      %dma_wait3A_154 = tpu.memref_squeeze %dma_wait3A_153 : memref<1x128xi32, #tpu.memory_space<vmem>> -> memref<128xi32, #tpu.memory_space<vmem>>
      %dma_wait3A_155 = arith.constant 0 : i32
      %dma_wait3A_156 = arith.constant 0 : i32
      %dma_wait3A_157 = tpu.memref_slice %arg14[%dma_wait3A_155, %dma_wait3A_156] : memref<10016x64xf32, #tpu.memory_space<vmem_shared>> -> memref<10016x64xf32, #tpu.memory_space<vmem_shared>>
      tpu.wait_indirect_dma semaphore(%arg19 : memref<!tpu.dma_semaphore, #tpu.memory_space<semaphore_mem>>) src(%arg10 : memref<128x64xf32, #tpu.memory_space<vmem>>) dst(%dma_wait3A_157 : memref<10016x64xf32, #tpu.memory_space<vmem_shared>>)
      %dma_start3A_158 = arith.constant 156 : i32
      %dma_start3A_159 = arith.constant 0 : i32
      %dma_start3A_160 = tpu.memref_slice %arg8[%dma_start3A_158, %dma_start3A_159] : memref<157x128xi32, #tpu.memory_space<vmem>> -> memref<1x128xi32, #tpu.memory_space<vmem>>
      %dma_start3A_161 = tpu.memref_squeeze %dma_start3A_160 : memref<1x128xi32, #tpu.memory_space<vmem>> -> memref<128xi32, #tpu.memory_space<vmem>>
      %dma_start3A_162 = arith.constant 0 : i32
      %dma_start3A_163 = arith.constant 0 : i32
      %dma_start3A_164 = tpu.memref_slice %arg3[%dma_start3A_162, %dma_start3A_163] : memref<10000x64xf32, #tpu.memory_space<hbm>> -> memref<10000x64xf32, #tpu.memory_space<hbm>>
      tpu.enqueue_indirect_dma source(%dma_start3A_164 : memref<10000x64xf32, #tpu.memory_space<hbm>>) target(%arg10 : memref<128x64xf32, #tpu.memory_space<vmem>>) offsets(%dma_start3A_161 : memref<128xi32, #tpu.memory_space<vmem>>) semaphore(%arg15 : memref<!tpu.dma_semaphore, #tpu.memory_space<semaphore_mem>>)
      %dma_wait3A_165 = arith.constant 154 : i32
      %dma_wait3A_166 = arith.constant 0 : i32
      %dma_wait3A_167 = tpu.memref_slice %arg8[%dma_wait3A_165, %dma_wait3A_166] : memref<157x128xi32, #tpu.memory_space<vmem>> -> memref<1x128xi32, #tpu.memory_space<vmem>>
      %dma_wait3A_168 = tpu.memref_squeeze %dma_wait3A_167 : memref<1x128xi32, #tpu.memory_space<vmem>> -> memref<128xi32, #tpu.memory_space<vmem>>
      %dma_wait3A_169 = arith.constant 0 : i32
      %dma_wait3A_170 = arith.constant 0 : i32
      %dma_wait3A_171 = tpu.memref_slice %arg3[%dma_wait3A_169, %dma_wait3A_170] : memref<10000x64xf32, #tpu.memory_space<hbm>> -> memref<10000x64xf32, #tpu.memory_space<hbm>>
      tpu.wait_indirect_dma semaphore(%arg17 : memref<!tpu.dma_semaphore, #tpu.memory_space<semaphore_mem>>) src(%dma_wait3A_171 : memref<10000x64xf32, #tpu.memory_space<hbm>>) dst(%arg12 : memref<128x64xf32, #tpu.memory_space<vmem>>)
      %dma_start3A_172 = arith.constant 154 : i32
      %dma_start3A_173 = arith.constant 0 : i32
      %dma_start3A_174 = tpu.memref_slice %arg9[%dma_start3A_172, %dma_start3A_173] : memref<157x128xi32, #tpu.memory_space<vmem>> -> memref<1x128xi32, #tpu.memory_space<vmem>>
      %dma_start3A_175 = tpu.memref_squeeze %dma_start3A_174 : memref<1x128xi32, #tpu.memory_space<vmem>> -> memref<128xi32, #tpu.memory_space<vmem>>
      %dma_start3A_176 = arith.constant 0 : i32
      %dma_start3A_177 = arith.constant 0 : i32
      %dma_start3A_178 = tpu.memref_slice %arg14[%dma_start3A_176, %dma_start3A_177] : memref<10016x64xf32, #tpu.memory_space<vmem_shared>> -> memref<10016x64xf32, #tpu.memory_space<vmem_shared>>
      tpu.enqueue_indirect_dma source(%arg12 : memref<128x64xf32, #tpu.memory_space<vmem>>) target(%dma_start3A_178 : memref<10016x64xf32, #tpu.memory_space<vmem_shared>>) offsets(%dma_start3A_175 : memref<128xi32, #tpu.memory_space<vmem>>) semaphore(%arg21 : memref<!tpu.dma_semaphore, #tpu.memory_space<semaphore_mem>>) {add = true}
      %dma_wait3A_179 = arith.constant 155 : i32
      %dma_wait3A_180 = arith.constant 0 : i32
      %dma_wait3A_181 = tpu.memref_slice %arg8[%dma_wait3A_179, %dma_wait3A_180] : memref<157x128xi32, #tpu.memory_space<vmem>> -> memref<1x128xi32, #tpu.memory_space<vmem>>
      %dma_wait3A_182 = tpu.memref_squeeze %dma_wait3A_181 : memref<1x128xi32, #tpu.memory_space<vmem>> -> memref<128xi32, #tpu.memory_space<vmem>>
      %dma_wait3A_183 = arith.constant 0 : i32
      %dma_wait3A_184 = arith.constant 0 : i32
      %dma_wait3A_185 = tpu.memref_slice %arg3[%dma_wait3A_183, %dma_wait3A_184] : memref<10000x64xf32, #tpu.memory_space<hbm>> -> memref<10000x64xf32, #tpu.memory_space<hbm>>
      tpu.wait_indirect_dma semaphore(%arg18 : memref<!tpu.dma_semaphore, #tpu.memory_space<semaphore_mem>>) src(%dma_wait3A_185 : memref<10000x64xf32, #tpu.memory_space<hbm>>) dst(%arg13 : memref<128x64xf32, #tpu.memory_space<vmem>>)
      %dma_start3A_186 = arith.constant 155 : i32
      %dma_start3A_187 = arith.constant 0 : i32
      %dma_start3A_188 = tpu.memref_slice %arg9[%dma_start3A_186, %dma_start3A_187] : memref<157x128xi32, #tpu.memory_space<vmem>> -> memref<1x128xi32, #tpu.memory_space<vmem>>
      %dma_start3A_189 = tpu.memref_squeeze %dma_start3A_188 : memref<1x128xi32, #tpu.memory_space<vmem>> -> memref<128xi32, #tpu.memory_space<vmem>>
      %dma_start3A_190 = arith.constant 0 : i32
      %dma_start3A_191 = arith.constant 0 : i32
      %dma_start3A_192 = tpu.memref_slice %arg14[%dma_start3A_190, %dma_start3A_191] : memref<10016x64xf32, #tpu.memory_space<vmem_shared>> -> memref<10016x64xf32, #tpu.memory_space<vmem_shared>>
      tpu.enqueue_indirect_dma source(%arg13 : memref<128x64xf32, #tpu.memory_space<vmem>>) target(%dma_start3A_192 : memref<10016x64xf32, #tpu.memory_space<vmem_shared>>) offsets(%dma_start3A_189 : memref<128xi32, #tpu.memory_space<vmem>>) semaphore(%arg22 : memref<!tpu.dma_semaphore, #tpu.memory_space<semaphore_mem>>) {add = true}
      %dma_wait3A_193 = arith.constant 156 : i32
      %dma_wait3A_194 = arith.constant 0 : i32
      %dma_wait3A_195 = tpu.memref_slice %arg8[%dma_wait3A_193, %dma_wait3A_194] : memref<157x128xi32, #tpu.memory_space<vmem>> -> memref<1x128xi32, #tpu.memory_space<vmem>>
      %dma_wait3A_196 = tpu.memref_squeeze %dma_wait3A_195 : memref<1x128xi32, #tpu.memory_space<vmem>> -> memref<128xi32, #tpu.memory_space<vmem>>
      %dma_wait3A_197 = arith.constant 0 : i32
      %dma_wait3A_198 = arith.constant 0 : i32
      %dma_wait3A_199 = tpu.memref_slice %arg3[%dma_wait3A_197, %dma_wait3A_198] : memref<10000x64xf32, #tpu.memory_space<hbm>> -> memref<10000x64xf32, #tpu.memory_space<hbm>>
      tpu.wait_indirect_dma semaphore(%arg15 : memref<!tpu.dma_semaphore, #tpu.memory_space<semaphore_mem>>) src(%dma_wait3A_199 : memref<10000x64xf32, #tpu.memory_space<hbm>>) dst(%arg10 : memref<128x64xf32, #tpu.memory_space<vmem>>)
      %dma_start3A_200 = arith.constant 156 : i32
      %dma_start3A_201 = arith.constant 0 : i32
      %dma_start3A_202 = tpu.memref_slice %arg9[%dma_start3A_200, %dma_start3A_201] : memref<157x128xi32, #tpu.memory_space<vmem>> -> memref<1x128xi32, #tpu.memory_space<vmem>>
      %dma_start3A_203 = tpu.memref_squeeze %dma_start3A_202 : memref<1x128xi32, #tpu.memory_space<vmem>> -> memref<128xi32, #tpu.memory_space<vmem>>
      %dma_start3A_204 = arith.constant 0 : i32
      %dma_start3A_205 = arith.constant 0 : i32
      %dma_start3A_206 = tpu.memref_slice %arg14[%dma_start3A_204, %dma_start3A_205] : memref<10016x64xf32, #tpu.memory_space<vmem_shared>> -> memref<10016x64xf32, #tpu.memory_space<vmem_shared>>
      tpu.enqueue_indirect_dma source(%arg10 : memref<128x64xf32, #tpu.memory_space<vmem>>) target(%dma_start3A_206 : memref<10016x64xf32, #tpu.memory_space<vmem_shared>>) offsets(%dma_start3A_203 : memref<128xi32, #tpu.memory_space<vmem>>) semaphore(%arg19 : memref<!tpu.dma_semaphore, #tpu.memory_space<semaphore_mem>>) {add = true}
      %dma_wait3A_207 = arith.constant 153 : i32
      %dma_wait3A_208 = arith.constant 0 : i32
      %dma_wait3A_209 = tpu.memref_slice %arg9[%dma_wait3A_207, %dma_wait3A_208] : memref<157x128xi32, #tpu.memory_space<vmem>> -> memref<1x128xi32, #tpu.memory_space<vmem>>
      %dma_wait3A_210 = tpu.memref_squeeze %dma_wait3A_209 : memref<1x128xi32, #tpu.memory_space<vmem>> -> memref<128xi32, #tpu.memory_space<vmem>>
      %dma_wait3A_211 = arith.constant 0 : i32
      %dma_wait3A_212 = arith.constant 0 : i32
      %dma_wait3A_213 = tpu.memref_slice %arg14[%dma_wait3A_211, %dma_wait3A_212] : memref<10016x64xf32, #tpu.memory_space<vmem_shared>> -> memref<10016x64xf32, #tpu.memory_space<vmem_shared>>
      tpu.wait_indirect_dma semaphore(%arg20 : memref<!tpu.dma_semaphore, #tpu.memory_space<semaphore_mem>>) src(%arg11 : memref<128x64xf32, #tpu.memory_space<vmem>>) dst(%dma_wait3A_213 : memref<10016x64xf32, #tpu.memory_space<vmem_shared>>)
      %dma_wait3A_214 = arith.constant 154 : i32
      %dma_wait3A_215 = arith.constant 0 : i32
      %dma_wait3A_216 = tpu.memref_slice %arg9[%dma_wait3A_214, %dma_wait3A_215] : memref<157x128xi32, #tpu.memory_space<vmem>> -> memref<1x128xi32, #tpu.memory_space<vmem>>
      %dma_wait3A_217 = tpu.memref_squeeze %dma_wait3A_216 : memref<1x128xi32, #tpu.memory_space<vmem>> -> memref<128xi32, #tpu.memory_space<vmem>>
      %dma_wait3A_218 = arith.constant 0 : i32
      %dma_wait3A_219 = arith.constant 0 : i32
      %dma_wait3A_220 = tpu.memref_slice %arg14[%dma_wait3A_218, %dma_wait3A_219] : memref<10016x64xf32, #tpu.memory_space<vmem_shared>> -> memref<10016x64xf32, #tpu.memory_space<vmem_shared>>
      tpu.wait_indirect_dma semaphore(%arg21 : memref<!tpu.dma_semaphore, #tpu.memory_space<semaphore_mem>>) src(%arg12 : memref<128x64xf32, #tpu.memory_space<vmem>>) dst(%dma_wait3A_220 : memref<10016x64xf32, #tpu.memory_space<vmem_shared>>)
      %dma_wait3A_221 = arith.constant 155 : i32
      %dma_wait3A_222 = arith.constant 0 : i32
      %dma_wait3A_223 = tpu.memref_slice %arg9[%dma_wait3A_221, %dma_wait3A_222] : memref<157x128xi32, #tpu.memory_space<vmem>> -> memref<1x128xi32, #tpu.memory_space<vmem>>
      %dma_wait3A_224 = tpu.memref_squeeze %dma_wait3A_223 : memref<1x128xi32, #tpu.memory_space<vmem>> -> memref<128xi32, #tpu.memory_space<vmem>>
      %dma_wait3A_225 = arith.constant 0 : i32
      %dma_wait3A_226 = arith.constant 0 : i32
      %dma_wait3A_227 = tpu.memref_slice %arg14[%dma_wait3A_225, %dma_wait3A_226] : memref<10016x64xf32, #tpu.memory_space<vmem_shared>> -> memref<10016x64xf32, #tpu.memory_space<vmem_shared>>
      tpu.wait_indirect_dma semaphore(%arg22 : memref<!tpu.dma_semaphore, #tpu.memory_space<semaphore_mem>>) src(%arg13 : memref<128x64xf32, #tpu.memory_space<vmem>>) dst(%dma_wait3A_227 : memref<10016x64xf32, #tpu.memory_space<vmem_shared>>)
      %dma_wait3A_228 = arith.constant 156 : i32
      %dma_wait3A_229 = arith.constant 0 : i32
      %dma_wait3A_230 = tpu.memref_slice %arg9[%dma_wait3A_228, %dma_wait3A_229] : memref<157x128xi32, #tpu.memory_space<vmem>> -> memref<1x128xi32, #tpu.memory_space<vmem>>
      %dma_wait3A_231 = tpu.memref_squeeze %dma_wait3A_230 : memref<1x128xi32, #tpu.memory_space<vmem>> -> memref<128xi32, #tpu.memory_space<vmem>>
      %dma_wait3A_232 = arith.constant 0 : i32
      %dma_wait3A_233 = arith.constant 0 : i32
      %dma_wait3A_234 = tpu.memref_slice %arg14[%dma_wait3A_232, %dma_wait3A_233] : memref<10016x64xf32, #tpu.memory_space<vmem_shared>> -> memref<10016x64xf32, #tpu.memory_space<vmem_shared>>
      tpu.wait_indirect_dma semaphore(%arg19 : memref<!tpu.dma_semaphore, #tpu.memory_space<semaphore_mem>>) src(%arg10 : memref<128x64xf32, #tpu.memory_space<vmem>>) dst(%dma_wait3A_234 : memref<10016x64xf32, #tpu.memory_space<vmem_shared>>)
    } else {
    }
    %barrier3A = arith.constant 0 : index
    tpu.barrier barrier_id(%barrier3A)
    %eq3A_69 = arith.constant 0 : i32
    %eq3A_70 = arith.cmpi eq, %arg0, %eq3A_69 : i32
    %convert_element_type3A_71 = arith.extui %eq3A_70 : i1 to i32
    %cond3A_72 = arith.constant 0 : i32
    %cond3A_73 = arith.cmpi ne, %convert_element_type3A_71, %cond3A_72 : i32
    scf.if %cond3A_73 {
      "tpu.region"() ({
        %run_scoped3A = tpu.sem_alloc : memref<!tpu.dma_semaphore, #tpu.memory_space<semaphore_mem>>
        %dma_start3A_84 = arith.constant 0 : i32
        %dma_start3A_85 = tpu.memref_slice %arg6[%mul3A_0, %dma_start3A_84] : memref<10000x64xf32, #tpu.memory_space<hbm>> -> memref<624x64xf32, #tpu.memory_space<hbm>>
        %dma_start3A_86 = arith.constant 0 : i32
        %dma_start3A_87 = tpu.memref_slice %arg14[%mul3A_0, %dma_start3A_86] : memref<10016x64xf32, #tpu.memory_space<vmem_shared>> -> memref<624x64xf32, #tpu.memory_space<vmem_shared>>
        tpu.enqueue_dma source(%dma_start3A_87 : memref<624x64xf32, #tpu.memory_space<vmem_shared>>) target(%dma_start3A_85 : memref<624x64xf32, #tpu.memory_space<hbm>>) target_semaphore(%run_scoped3A : memref<!tpu.dma_semaphore, #tpu.memory_space<semaphore_mem>>)
        %dma_wait3A_88 = arith.constant 0 : i32
        %dma_wait3A_89 = tpu.memref_slice %arg6[%mul3A_0, %dma_wait3A_88] : memref<10000x64xf32, #tpu.memory_space<hbm>> -> memref<624x64xf32, #tpu.memory_space<hbm>>
        %dma_wait3A_90 = arith.constant 0 : i32
        %dma_wait3A_91 = tpu.memref_slice %arg14[%mul3A_0, %dma_wait3A_90] : memref<10016x64xf32, #tpu.memory_space<vmem_shared>> -> memref<624x64xf32, #tpu.memory_space<vmem_shared>>
        tpu.wait_dma2 semaphore(%run_scoped3A : memref<!tpu.dma_semaphore, #tpu.memory_space<semaphore_mem>>) src(%dma_wait3A_91 : memref<624x64xf32, #tpu.memory_space<vmem_shared>>) dst(%dma_wait3A_89 : memref<624x64xf32, #tpu.memory_space<hbm>>)
        tpu.yield
      }) : () -> ()
      %eq3A_79 = arith.constant 15 : i32
      %eq3A_80 = arith.cmpi eq, %arg1, %eq3A_79 : i32
      %convert_element_type3A_81 = arith.extui %eq3A_80 : i1 to i32
      %cond3A_82 = arith.constant 0 : i32
      %cond3A_83 = arith.cmpi ne, %convert_element_type3A_81, %cond3A_82 : i32
      scf.if %cond3A_83 {
        "tpu.region"() ({
          %run_scoped3A = tpu.sem_alloc : memref<!tpu.dma_semaphore, #tpu.memory_space<semaphore_mem>>
          %dma_start3A_84 = arith.constant 9984 : i32
          %dma_start3A_85 = arith.constant 0 : i32
          %dma_start3A_86 = tpu.memref_slice %arg6[%dma_start3A_84, %dma_start3A_85] : memref<10000x64xf32, #tpu.memory_space<hbm>> -> memref<16x64xf32, #tpu.memory_space<hbm>>
          %dma_start3A_87 = arith.constant 9984 : i32
          %dma_start3A_88 = arith.constant 0 : i32
          %dma_start3A_89 = tpu.memref_slice %arg14[%dma_start3A_87, %dma_start3A_88] : memref<10016x64xf32, #tpu.memory_space<vmem_shared>> -> memref<16x64xf32, #tpu.memory_space<vmem_shared>>
          tpu.enqueue_dma source(%dma_start3A_89 : memref<16x64xf32, #tpu.memory_space<vmem_shared>>) target(%dma_start3A_86 : memref<16x64xf32, #tpu.memory_space<hbm>>) target_semaphore(%run_scoped3A : memref<!tpu.dma_semaphore, #tpu.memory_space<semaphore_mem>>)
          %dma_wait3A_90 = arith.constant 9984 : i32
          %dma_wait3A_91 = arith.constant 0 : i32
          %dma_wait3A_92 = tpu.memref_slice %arg6[%dma_wait3A_90, %dma_wait3A_91] : memref<10000x64xf32, #tpu.memory_space<hbm>> -> memref<16x64xf32, #tpu.memory_space<hbm>>
          %dma_wait3A_93 = arith.constant 9984 : i32
          %dma_wait3A_94 = arith.constant 0 : i32
          %dma_wait3A_95 = tpu.memref_slice %arg14[%dma_wait3A_93, %dma_wait3A_94] : memref<10016x64xf32, #tpu.memory_space<vmem_shared>> -> memref<16x64xf32, #tpu.memory_space<vmem_shared>>
          tpu.wait_dma2 semaphore(%run_scoped3A : memref<!tpu.dma_semaphore, #tpu.memory_space<semaphore_mem>>) src(%dma_wait3A_95 : memref<16x64xf32, #tpu.memory_space<vmem_shared>>) dst(%dma_wait3A_92 : memref<16x64xf32, #tpu.memory_space<hbm>>)
          tpu.yield
        }) : () -> ()
      } else {
      }
    } else {
    }
    %eq3A_74 = arith.constant 1 : i32
    %eq3A_75 = arith.cmpi eq, %arg0, %eq3A_74 : i32
    %convert_element_type3A_76 = arith.extui %eq3A_75 : i1 to i32
    %cond3A_77 = arith.constant 0 : i32
    %cond3A_78 = arith.cmpi ne, %convert_element_type3A_76, %cond3A_77 : i32
    scf.if %cond3A_78 {
      "tpu.region"() ({
        %run_scoped3A = tpu.sem_alloc : memref<!tpu.dma_semaphore, #tpu.memory_space<semaphore_mem>>
        %dma_start3A_84 = arith.constant 0 : i32
        %dma_start3A_85 = tpu.memref_slice %arg7[%mul3A_0, %dma_start3A_84] : memref<10000x64xf32, #tpu.memory_space<hbm>> -> memref<624x64xf32, #tpu.memory_space<hbm>>
        %dma_start3A_86 = arith.constant 0 : i32
        %dma_start3A_87 = tpu.memref_slice %arg14[%mul3A_0, %dma_start3A_86] : memref<10016x64xf32, #tpu.memory_space<vmem_shared>> -> memref<624x64xf32, #tpu.memory_space<vmem_shared>>
        tpu.enqueue_dma source(%dma_start3A_87 : memref<624x64xf32, #tpu.memory_space<vmem_shared>>) target(%dma_start3A_85 : memref<624x64xf32, #tpu.memory_space<hbm>>) target_semaphore(%run_scoped3A : memref<!tpu.dma_semaphore, #tpu.memory_space<semaphore_mem>>)
        %dma_wait3A_88 = arith.constant 0 : i32
        %dma_wait3A_89 = tpu.memref_slice %arg7[%mul3A_0, %dma_wait3A_88] : memref<10000x64xf32, #tpu.memory_space<hbm>> -> memref<624x64xf32, #tpu.memory_space<hbm>>
        %dma_wait3A_90 = arith.constant 0 : i32
        %dma_wait3A_91 = tpu.memref_slice %arg14[%mul3A_0, %dma_wait3A_90] : memref<10016x64xf32, #tpu.memory_space<vmem_shared>> -> memref<624x64xf32, #tpu.memory_space<vmem_shared>>
        tpu.wait_dma2 semaphore(%run_scoped3A : memref<!tpu.dma_semaphore, #tpu.memory_space<semaphore_mem>>) src(%dma_wait3A_91 : memref<624x64xf32, #tpu.memory_space<vmem_shared>>) dst(%dma_wait3A_89 : memref<624x64xf32, #tpu.memory_space<hbm>>)
        tpu.yield
      }) : () -> ()
      %eq3A_79 = arith.constant 15 : i32
      %eq3A_80 = arith.cmpi eq, %arg1, %eq3A_79 : i32
      %convert_element_type3A_81 = arith.extui %eq3A_80 : i1 to i32
      %cond3A_82 = arith.constant 0 : i32
      %cond3A_83 = arith.cmpi ne, %convert_element_type3A_81, %cond3A_82 : i32
      scf.if %cond3A_83 {
        "tpu.region"() ({
          %run_scoped3A = tpu.sem_alloc : memref<!tpu.dma_semaphore, #tpu.memory_space<semaphore_mem>>
          %dma_start3A_84 = arith.constant 9984 : i32
          %dma_start3A_85 = arith.constant 0 : i32
          %dma_start3A_86 = tpu.memref_slice %arg7[%dma_start3A_84, %dma_start3A_85] : memref<10000x64xf32, #tpu.memory_space<hbm>> -> memref<16x64xf32, #tpu.memory_space<hbm>>
          %dma_start3A_87 = arith.constant 9984 : i32
          %dma_start3A_88 = arith.constant 0 : i32
          %dma_start3A_89 = tpu.memref_slice %arg14[%dma_start3A_87, %dma_start3A_88] : memref<10016x64xf32, #tpu.memory_space<vmem_shared>> -> memref<16x64xf32, #tpu.memory_space<vmem_shared>>
          tpu.enqueue_dma source(%dma_start3A_89 : memref<16x64xf32, #tpu.memory_space<vmem_shared>>) target(%dma_start3A_86 : memref<16x64xf32, #tpu.memory_space<hbm>>) target_semaphore(%run_scoped3A : memref<!tpu.dma_semaphore, #tpu.memory_space<semaphore_mem>>)
          %dma_wait3A_90 = arith.constant 9984 : i32
          %dma_wait3A_91 = arith.constant 0 : i32
          %dma_wait3A_92 = tpu.memref_slice %arg7[%dma_wait3A_90, %dma_wait3A_91] : memref<10000x64xf32, #tpu.memory_space<hbm>> -> memref<16x64xf32, #tpu.memory_space<hbm>>
          %dma_wait3A_93 = arith.constant 9984 : i32
          %dma_wait3A_94 = arith.constant 0 : i32
          %dma_wait3A_95 = tpu.memref_slice %arg14[%dma_wait3A_93, %dma_wait3A_94] : memref<10016x64xf32, #tpu.memory_space<vmem_shared>> -> memref<16x64xf32, #tpu.memory_space<vmem_shared>>
          tpu.wait_dma2 semaphore(%run_scoped3A : memref<!tpu.dma_semaphore, #tpu.memory_space<semaphore_mem>>) src(%dma_wait3A_95 : memref<16x64xf32, #tpu.memory_space<vmem_shared>>) dst(%dma_wait3A_92 : memref<16x64xf32, #tpu.memory_space<hbm>>)
          tpu.yield
        }) : () -> ()
      } else {
      }
    } else {
    }
    return
  }
}

module attributes {stable_mosaic.version = 14 : i64} {
  func.func @_enc_body(%arg0: i32, %arg1: memref<2000x128xf32, #tpu.memory_space<vmem>>, %arg2: memref<128x128xf32, #tpu.memory_space<vmem>>, %arg3: memref<2000x64xf32, #tpu.memory_space<vmem>>, %arg4: memref<2000x64xf32, #tpu.memory_space<vmem>>) attributes {dimension_semantics = [#tpu.dimension_semantics<arbitrary>], iteration_bounds = array<i64: 5>, scalar_prefetch = 0 : i64, scratch_operands = 0 : i64, tpu.core_type = #tpu.core_type<tc>, window_params = [{transform_indices = @transform_0, window_bounds = array<i64: 2000, 128>}, {pipeline_mode = #tpu.pipeline_mode<synchronous>, transform_indices = @transform_1, window_bounds = array<i64: 128, 128>}, {transform_indices = @transform_2, window_bounds = array<i64: 2000, 64>}, {transform_indices = @transform_3, window_bounds = array<i64: 2000, 64>}]} {
    %get3A = arith.constant 0 : index
    %get3A_0 = arith.constant 0 : index
    %get3A_1 = vector.load %arg1[%get3A, %get3A_0] : memref<2000x128xf32, #tpu.memory_space<vmem>>, vector<2000x128xf32>
    %get3A_2 = arith.constant 0 : index
    %get3A_3 = arith.constant 0 : index
    %get3A_4 = vector.load %arg2[%get3A_2, %get3A_3] : memref<128x128xf32, #tpu.memory_space<vmem>>, vector<128x128xf32>
    %dot_general3A = arith.constant dense<0.000000e+00> : vector<2000x128xf32>
    %dot_general3A_5 = tpu.matmul %get3A_1, %get3A_4, %dot_general3A {dimension_numbers = #tpu.dot_dimension_numbers<[1], [0], [0], [1], [0, 0, 1, 1], [], []>, transpose_lhs_hint = false} : vector<2000x128xf32>, vector<128x128xf32>, vector<2000x128xf32> -> vector<2000x128xf32>
    %slice3A = vector.extract_strided_slice %dot_general3A_5 {offsets = [0, 0], sizes = [2000, 64], strides = [1, 1]} : vector<2000x128xf32> to vector<2000x64xf32>
    %swap3A = arith.constant 0 : index
    %swap3A_6 = arith.constant 0 : index
    %swap3A_7 = vector.load %arg3[%swap3A, %swap3A_6] : memref<2000x64xf32, #tpu.memory_space<vmem>>, vector<2000x64xf32>
    tpu.vector_store %arg3[%swap3A, %swap3A_6], %slice3A {strides = array<i32>} : memref<2000x64xf32, #tpu.memory_space<vmem>>, vector<2000x64xf32>,
    %slice3A_8 = vector.extract_strided_slice %dot_general3A_5 {offsets = [0, 64], sizes = [2000, 64], strides = [1, 1]} : vector<2000x128xf32> to vector<2000x64xf32>
    %swap3A_9 = arith.constant 0 : index
    %swap3A_10 = arith.constant 0 : index
    %swap3A_11 = vector.load %arg4[%swap3A_9, %swap3A_10] : memref<2000x64xf32, #tpu.memory_space<vmem>>, vector<2000x64xf32>
    tpu.vector_store %arg4[%swap3A_9, %swap3A_10], %slice3A_8 {strides = array<i32>} : memref<2000x64xf32, #tpu.memory_space<vmem>>, vector<2000x64xf32>,
    return
  }
  func.func @transform_0(%arg0: i32) -> (i32, i32) {
    %c0_i32 = arith.constant 0 : i32
    %c0_i32_0 = arith.constant 0 : i32
    return %arg0, %c0_i32 : i32, i32
  }
  func.func @transform_1(%arg0: i32) -> (i32, i32) {
    %c0_i32 = arith.constant 0 : i32
    %c0_i32_0 = arith.constant 0 : i32
    %c0_i32_1 = arith.constant 0 : i32
    return %c0_i32, %c0_i32_0 : i32, i32
  }
  func.func @transform_2(%arg0: i32) -> (i32, i32) {
    %c0_i32 = arith.constant 0 : i32
    %c0_i32_0 = arith.constant 0 : i32
    return %arg0, %c0_i32 : i32, i32
  }
  func.func @transform_3(%arg0: i32) -> (i32, i32) {
    %c0_i32 = arith.constant 0 : i32
    %c0_i32_0 = arith.constant 0 : i32
    return %arg0, %c0_i32 : i32, i32
  }
}

module attributes {stable_mosaic.version = 14 : i64} {
  func.func @_mid_body(%arg0: i32, %arg1: memref<2000x64xf32, #tpu.memory_space<vmem>>, %arg2: memref<2000x64xf32, #tpu.memory_space<vmem>>, %arg3: memref<2000x16xf32, #tpu.memory_space<vmem>>, %arg4: memref<128x128xf32, #tpu.memory_space<vmem>>, %arg5: memref<2000x128xf32, #tpu.memory_space<vmem>>, %arg6: memref<2000x64xf32, #tpu.memory_space<vmem>>, %arg7: memref<2000x64xf32, #tpu.memory_space<vmem>>) attributes {dimension_semantics = [#tpu.dimension_semantics<arbitrary>], iteration_bounds = array<i64: 5>, scalar_prefetch = 0 : i64, scratch_operands = 0 : i64, tpu.core_type = #tpu.core_type<tc>, window_params = [{transform_indices = @transform_0, window_bounds = array<i64: 2000, 64>}, {transform_indices = @transform_1, window_bounds = array<i64: 2000, 64>}, {transform_indices = @transform_2, window_bounds = array<i64: 2000, 16>}, {pipeline_mode = #tpu.pipeline_mode<synchronous>, transform_indices = @transform_3, window_bounds = array<i64: 128, 128>}, {transform_indices = @transform_4, window_bounds = array<i64: 2000, 128>}, {transform_indices = @transform_5, window_bounds = array<i64: 2000, 64>}, {transform_indices = @transform_6, window_bounds = array<i64: 2000, 64>}]} {
    %get3A = arith.constant 0 : index
    %get3A_0 = arith.constant 0 : index
    %get3A_1 = vector.load %arg1[%get3A, %get3A_0] : memref<2000x64xf32, #tpu.memory_space<vmem>>, vector<2000x64xf32>
    %get3A_2 = arith.constant 0 : index
    %get3A_3 = arith.constant 0 : index
    %get3A_4 = vector.load %arg2[%get3A_2, %get3A_3] : memref<2000x64xf32, #tpu.memory_space<vmem>>, vector<2000x64xf32>
    %concatenate3A = tpu.concatenate %get3A_1, %get3A_4 in 1 : vector<2000x64xf32>, vector<2000x64xf32> -> vector<2000x128xf32>
    %get3A_5 = arith.constant 0 : index
    %get3A_6 = arith.constant 0 : index
    %get3A_7 = vector.load %arg3[%get3A_5, %get3A_6] : memref<2000x16xf32, #tpu.memory_space<vmem>>, vector<2000x1xf32>
    %max3A = arith.constant 1.000000e+00 : f32
    %max3A_8 = vector.broadcast %max3A : f32 to vector<2000x1xf32>
    %max3A_9 = arith.maximumf %get3A_7, %max3A_8 : vector<2000x1xf32>
    %div3A = vector.broadcast %max3A_9 : vector<2000x1xf32> to vector<2000x128xf32>
    %div3A_10 = arith.divf %concatenate3A, %div3A : vector<2000x128xf32>
    %broadcast_in_dim3A = arith.constant 0.000000e+00 : f32
    %broadcast_in_dim3A_11 = vector.broadcast %broadcast_in_dim3A : f32 to vector<2000x128xf32>
    %broadcast_in_dim3A_12 = arith.constant 0.000000e+00 : f32
    %broadcast_in_dim3A_13 = vector.broadcast %broadcast_in_dim3A_12 : f32 to vector<2000x128xf32>
    %add3A = arith.addf %broadcast_in_dim3A_11, %div3A_10 : vector<2000x128xf32>
    %ge3A = arith.constant 1.000000e+00 : f32
    %ge3A_14 = vector.broadcast %ge3A : f32 to vector<2000x128xf32>
    %ge3A_15 = arith.cmpf oge, %add3A, %ge3A_14 : vector<2000x128xf32>
    %convert_element_type3A = arith.extui %ge3A_15 : vector<2000x128xi1> to vector<2000x128xi32>
    %convert_element_type3A_16 = arith.sitofp %convert_element_type3A : vector<2000x128xi32> to vector<2000x128xf32>
    %mul3A = arith.constant 1.000000e+00 : f32
    %mul3A_17 = vector.broadcast %mul3A : f32 to vector<2000x128xf32>
    %mul3A_18 = arith.mulf %convert_element_type3A_16, %mul3A_17 : vector<2000x128xf32>
    %sub3A = arith.subf %add3A, %mul3A_18 : vector<2000x128xf32>
    %add3A_19 = arith.addf %broadcast_in_dim3A_13, %convert_element_type3A_16 : vector<2000x128xf32>
    %add3A_20 = arith.addf %sub3A, %div3A_10 : vector<2000x128xf32>
    %ge3A_21 = arith.constant 1.000000e+00 : f32
    %ge3A_22 = vector.broadcast %ge3A_21 : f32 to vector<2000x128xf32>
    %ge3A_23 = arith.cmpf oge, %add3A_20, %ge3A_22 : vector<2000x128xf32>
    %convert_element_type3A_24 = arith.extui %ge3A_23 : vector<2000x128xi1> to vector<2000x128xi32>
    %convert_element_type3A_25 = arith.sitofp %convert_element_type3A_24 : vector<2000x128xi32> to vector<2000x128xf32>
    %mul3A_26 = arith.constant 1.000000e+00 : f32
    %mul3A_27 = vector.broadcast %mul3A_26 : f32 to vector<2000x128xf32>
    %mul3A_28 = arith.mulf %convert_element_type3A_25, %mul3A_27 : vector<2000x128xf32>
    %sub3A_29 = arith.subf %add3A_20, %mul3A_28 : vector<2000x128xf32>
    %add3A_30 = arith.addf %add3A_19, %convert_element_type3A_25 : vector<2000x128xf32>
    %add3A_31 = arith.addf %sub3A_29, %div3A_10 : vector<2000x128xf32>
    %ge3A_32 = arith.constant 1.000000e+00 : f32
    %ge3A_33 = vector.broadcast %ge3A_32 : f32 to vector<2000x128xf32>
    %ge3A_34 = arith.cmpf oge, %add3A_31, %ge3A_33 : vector<2000x128xf32>
    %convert_element_type3A_35 = arith.extui %ge3A_34 : vector<2000x128xi1> to vector<2000x128xi32>
    %convert_element_type3A_36 = arith.sitofp %convert_element_type3A_35 : vector<2000x128xi32> to vector<2000x128xf32>
    %mul3A_37 = arith.constant 1.000000e+00 : f32
    %mul3A_38 = vector.broadcast %mul3A_37 : f32 to vector<2000x128xf32>
    %mul3A_39 = arith.mulf %convert_element_type3A_36, %mul3A_38 : vector<2000x128xf32>
    %sub3A_40 = arith.subf %add3A_31, %mul3A_39 : vector<2000x128xf32>
    %add3A_41 = arith.addf %add3A_30, %convert_element_type3A_36 : vector<2000x128xf32>
    %add3A_42 = arith.addf %sub3A_40, %div3A_10 : vector<2000x128xf32>
    %ge3A_43 = arith.constant 1.000000e+00 : f32
    %ge3A_44 = vector.broadcast %ge3A_43 : f32 to vector<2000x128xf32>
    %ge3A_45 = arith.cmpf oge, %add3A_42, %ge3A_44 : vector<2000x128xf32>
    %convert_element_type3A_46 = arith.extui %ge3A_45 : vector<2000x128xi1> to vector<2000x128xi32>
    %convert_element_type3A_47 = arith.sitofp %convert_element_type3A_46 : vector<2000x128xi32> to vector<2000x128xf32>
    %add3A_48 = arith.addf %add3A_41, %convert_element_type3A_47 : vector<2000x128xf32>
    %mul3A_49 = arith.constant 2.500000e-01 : f32
    %mul3A_50 = vector.broadcast %mul3A_49 : f32 to vector<2000x128xf32>
    %mul3A_51 = arith.mulf %add3A_48, %mul3A_50 : vector<2000x128xf32>
    %swap3A = arith.constant 0 : index
    %swap3A_52 = arith.constant 0 : index
    %swap3A_53 = vector.load %arg5[%swap3A, %swap3A_52] : memref<2000x128xf32, #tpu.memory_space<vmem>>, vector<2000x128xf32>
    tpu.vector_store %arg5[%swap3A, %swap3A_52], %mul3A_51 {strides = array<i32>} : memref<2000x128xf32, #tpu.memory_space<vmem>>, vector<2000x128xf32>,
    %get3A_54 = arith.constant 0 : index
    %get3A_55 = arith.constant 0 : index
    %get3A_56 = vector.load %arg4[%get3A_54, %get3A_55] : memref<128x128xf32, #tpu.memory_space<vmem>>, vector<128x128xf32>
    %dot_general3A = arith.constant dense<0.000000e+00> : vector<2000x128xf32>
    %dot_general3A_57 = tpu.matmul %mul3A_51, %get3A_56, %dot_general3A {dimension_numbers = #tpu.dot_dimension_numbers<[1], [0], [0], [1], [0, 0, 1, 1], [], []>, transpose_lhs_hint = false} : vector<2000x128xf32>, vector<128x128xf32>, vector<2000x128xf32> -> vector<2000x128xf32>
    %slice3A = vector.extract_strided_slice %dot_general3A_57 {offsets = [0, 0], sizes = [2000, 64], strides = [1, 1]} : vector<2000x128xf32> to vector<2000x64xf32>
    %swap3A_58 = arith.constant 0 : index
    %swap3A_59 = arith.constant 0 : index
    %swap3A_60 = vector.load %arg6[%swap3A_58, %swap3A_59] : memref<2000x64xf32, #tpu.memory_space<vmem>>, vector<2000x64xf32>
    tpu.vector_store %arg6[%swap3A_58, %swap3A_59], %slice3A {strides = array<i32>} : memref<2000x64xf32, #tpu.memory_space<vmem>>, vector<2000x64xf32>,
    %slice3A_61 = vector.extract_strided_slice %dot_general3A_57 {offsets = [0, 64], sizes = [2000, 64], strides = [1, 1]} : vector<2000x128xf32> to vector<2000x64xf32>
    %swap3A_62 = arith.constant 0 : index
    %swap3A_63 = arith.constant 0 : index
    %swap3A_64 = vector.load %arg7[%swap3A_62, %swap3A_63] : memref<2000x64xf32, #tpu.memory_space<vmem>>, vector<2000x64xf32>
    tpu.vector_store %arg7[%swap3A_62, %swap3A_63], %slice3A_61 {strides = array<i32>} : memref<2000x64xf32, #tpu.memory_space<vmem>>, vector<2000x64xf32>,
    return
  }
  func.func @transform_0(%arg0: i32) -> (i32, i32) {
    %c0_i32 = arith.constant 0 : i32
    %c0_i32_0 = arith.constant 0 : i32
    return %arg0, %c0_i32 : i32, i32
  }
  func.func @transform_1(%arg0: i32) -> (i32, i32) {
    %c0_i32 = arith.constant 0 : i32
    %c0_i32_0 = arith.constant 0 : i32
    return %arg0, %c0_i32 : i32, i32
  }
  func.func @transform_2(%arg0: i32) -> (i32, i32) {
    %c0_i32 = arith.constant 0 : i32
    %c0_i32_0 = arith.constant 0 : i32
    return %arg0, %c0_i32 : i32, i32
  }
  func.func @transform_3(%arg0: i32) -> (i32, i32) {
    %c0_i32 = arith.constant 0 : i32
    %c0_i32_0 = arith.constant 0 : i32
    %c0_i32_1 = arith.constant 0 : i32
    return %c0_i32, %c0_i32_0 : i32, i32
  }
  func.func @transform_4(%arg0: i32) -> (i32, i32) {
    %c0_i32 = arith.constant 0 : i32
    %c0_i32_0 = arith.constant 0 : i32
    return %arg0, %c0_i32 : i32, i32
  }
  func.func @transform_5(%arg0: i32) -> (i32, i32) {
    %c0_i32 = arith.constant 0 : i32
    %c0_i32_0 = arith.constant 0 : i32
    return %arg0, %c0_i32 : i32, i32
  }
  func.func @transform_6(%arg0: i32) -> (i32, i32) {
    %c0_i32 = arith.constant 0 : i32
    %c0_i32_0 = arith.constant 0 : i32
    return %arg0, %c0_i32 : i32, i32
  }
}

module attributes {stable_mosaic.version = 14 : i64} {
  func.func @_fin_body(%arg0: i32, %arg1: memref<2000x64xf32, #tpu.memory_space<vmem>>, %arg2: memref<2000x64xf32, #tpu.memory_space<vmem>>, %arg3: memref<2000x16xf32, #tpu.memory_space<vmem>>, %arg4: memref<2000x128xf32, #tpu.memory_space<vmem>>, %arg5: memref<2000x128xf32, #tpu.memory_space<vmem>>, %arg6: memref<128x40xf32, #tpu.memory_space<vmem>>, %arg7: memref<1x40xf32, #tpu.memory_space<vmem>>, %arg8: memref<2000x40xf32, #tpu.memory_space<vmem>>) attributes {dimension_semantics = [#tpu.dimension_semantics<arbitrary>], iteration_bounds = array<i64: 5>, scalar_prefetch = 0 : i64, scratch_operands = 0 : i64, tpu.core_type = #tpu.core_type<tc>, window_params = [{transform_indices = @transform_0, window_bounds = array<i64: 2000, 64>}, {transform_indices = @transform_1, window_bounds = array<i64: 2000, 64>}, {transform_indices = @transform_2, window_bounds = array<i64: 2000, 16>}, {transform_indices = @transform_3, window_bounds = array<i64: 2000, 128>}, {transform_indices = @transform_4, window_bounds = array<i64: 2000, 128>}, {pipeline_mode = #tpu.pipeline_mode<synchronous>, transform_indices = @transform_5, window_bounds = array<i64: 128, 40>}, {pipeline_mode = #tpu.pipeline_mode<synchronous>, transform_indices = @transform_6, window_bounds = array<i64: 1, 40>}, {transform_indices = @transform_7, window_bounds = array<i64: 2000, 40>}]} {
    %get3A = arith.constant 0 : index
    %get3A_0 = arith.constant 0 : index
    %get3A_1 = vector.load %arg1[%get3A, %get3A_0] : memref<2000x64xf32, #tpu.memory_space<vmem>>, vector<2000x64xf32>
    %get3A_2 = arith.constant 0 : index
    %get3A_3 = arith.constant 0 : index
    %get3A_4 = vector.load %arg2[%get3A_2, %get3A_3] : memref<2000x64xf32, #tpu.memory_space<vmem>>, vector<2000x64xf32>
    %concatenate3A = tpu.concatenate %get3A_1, %get3A_4 in 1 : vector<2000x64xf32>, vector<2000x64xf32> -> vector<2000x128xf32>
    %get3A_5 = arith.constant 0 : index
    %get3A_6 = arith.constant 0 : index
    %get3A_7 = vector.load %arg3[%get3A_5, %get3A_6] : memref<2000x16xf32, #tpu.memory_space<vmem>>, vector<2000x1xf32>
    %max3A = arith.constant 1.000000e+00 : f32
    %max3A_8 = vector.broadcast %max3A : f32 to vector<2000x1xf32>
    %max3A_9 = arith.maximumf %get3A_7, %max3A_8 : vector<2000x1xf32>
    %div3A = vector.broadcast %max3A_9 : vector<2000x1xf32> to vector<2000x128xf32>
    %div3A_10 = arith.divf %concatenate3A, %div3A : vector<2000x128xf32>
    %broadcast_in_dim3A = arith.constant 0.000000e+00 : f32
    %broadcast_in_dim3A_11 = vector.broadcast %broadcast_in_dim3A : f32 to vector<2000x128xf32>
    %broadcast_in_dim3A_12 = arith.constant 0.000000e+00 : f32
    %broadcast_in_dim3A_13 = vector.broadcast %broadcast_in_dim3A_12 : f32 to vector<2000x128xf32>
    %add3A = arith.addf %broadcast_in_dim3A_11, %div3A_10 : vector<2000x128xf32>
    %ge3A = arith.constant 1.000000e+00 : f32
    %ge3A_14 = vector.broadcast %ge3A : f32 to vector<2000x128xf32>
    %ge3A_15 = arith.cmpf oge, %add3A, %ge3A_14 : vector<2000x128xf32>
    %convert_element_type3A = arith.extui %ge3A_15 : vector<2000x128xi1> to vector<2000x128xi32>
    %convert_element_type3A_16 = arith.sitofp %convert_element_type3A : vector<2000x128xi32> to vector<2000x128xf32>
    %mul3A = arith.constant 1.000000e+00 : f32
    %mul3A_17 = vector.broadcast %mul3A : f32 to vector<2000x128xf32>
    %mul3A_18 = arith.mulf %convert_element_type3A_16, %mul3A_17 : vector<2000x128xf32>
    %sub3A = arith.subf %add3A, %mul3A_18 : vector<2000x128xf32>
    %add3A_19 = arith.addf %broadcast_in_dim3A_13, %convert_element_type3A_16 : vector<2000x128xf32>
    %add3A_20 = arith.addf %sub3A, %div3A_10 : vector<2000x128xf32>
    %ge3A_21 = arith.constant 1.000000e+00 : f32
    %ge3A_22 = vector.broadcast %ge3A_21 : f32 to vector<2000x128xf32>
    %ge3A_23 = arith.cmpf oge, %add3A_20, %ge3A_22 : vector<2000x128xf32>
    %convert_element_type3A_24 = arith.extui %ge3A_23 : vector<2000x128xi1> to vector<2000x128xi32>
    %convert_element_type3A_25 = arith.sitofp %convert_element_type3A_24 : vector<2000x128xi32> to vector<2000x128xf32>
    %mul3A_26 = arith.constant 1.000000e+00 : f32
    %mul3A_27 = vector.broadcast %mul3A_26 : f32 to vector<2000x128xf32>
    %mul3A_28 = arith.mulf %convert_element_type3A_25, %mul3A_27 : vector<2000x128xf32>
    %sub3A_29 = arith.subf %add3A_20, %mul3A_28 : vector<2000x128xf32>
    %add3A_30 = arith.addf %add3A_19, %convert_element_type3A_25 : vector<2000x128xf32>
    %add3A_31 = arith.addf %sub3A_29, %div3A_10 : vector<2000x128xf32>
    %ge3A_32 = arith.constant 1.000000e+00 : f32
    %ge3A_33 = vector.broadcast %ge3A_32 : f32 to vector<2000x128xf32>
    %ge3A_34 = arith.cmpf oge, %add3A_31, %ge3A_33 : vector<2000x128xf32>
    %convert_element_type3A_35 = arith.extui %ge3A_34 : vector<2000x128xi1> to vector<2000x128xi32>
    %convert_element_type3A_36 = arith.sitofp %convert_element_type3A_35 : vector<2000x128xi32> to vector<2000x128xf32>
    %mul3A_37 = arith.constant 1.000000e+00 : f32
    %mul3A_38 = vector.broadcast %mul3A_37 : f32 to vector<2000x128xf32>
    %mul3A_39 = arith.mulf %convert_element_type3A_36, %mul3A_38 : vector<2000x128xf32>
    %sub3A_40 = arith.subf %add3A_31, %mul3A_39 : vector<2000x128xf32>
    %add3A_41 = arith.addf %add3A_30, %convert_element_type3A_36 : vector<2000x128xf32>
    %add3A_42 = arith.addf %sub3A_40, %div3A_10 : vector<2000x128xf32>
    %ge3A_43 = arith.constant 1.000000e+00 : f32
    %ge3A_44 = vector.broadcast %ge3A_43 : f32 to vector<2000x128xf32>
    %ge3A_45 = arith.cmpf oge, %add3A_42, %ge3A_44 : vector<2000x128xf32>
    %convert_element_type3A_46 = arith.extui %ge3A_45 : vector<2000x128xi1> to vector<2000x128xi32>
    %convert_element_type3A_47 = arith.sitofp %convert_element_type3A_46 : vector<2000x128xi32> to vector<2000x128xf32>
    %add3A_48 = arith.addf %add3A_41, %convert_element_type3A_47 : vector<2000x128xf32>
    %mul3A_49 = arith.constant 2.500000e-01 : f32
    %mul3A_50 = vector.broadcast %mul3A_49 : f32 to vector<2000x128xf32>
    %mul3A_51 = arith.mulf %add3A_48, %mul3A_50 : vector<2000x128xf32>
    %get3A_52 = arith.constant 0 : index
    %get3A_53 = arith.constant 0 : index
    %get3A_54 = vector.load %arg4[%get3A_52, %get3A_53] : memref<2000x128xf32, #tpu.memory_space<vmem>>, vector<2000x128xf32>
    %get3A_55 = arith.constant 0 : index
    %get3A_56 = arith.constant 0 : index
    %get3A_57 = vector.load %arg5[%get3A_55, %get3A_56] : memref<2000x128xf32, #tpu.memory_space<vmem>>, vector<2000x128xf32>
    %add3A_58 = arith.addf %get3A_54, %get3A_57 : vector<2000x128xf32>
    %add3A_59 = arith.addf %add3A_58, %mul3A_51 : vector<2000x128xf32>
    %mul3A_60 = arith.constant 1.000000e-01 : f32
    %mul3A_61 = vector.broadcast %mul3A_60 : f32 to vector<2000x128xf32>
    %mul3A_62 = arith.mulf %add3A_59, %mul3A_61 : vector<2000x128xf32>
    %get3A_63 = arith.constant 0 : index
    %get3A_64 = arith.constant 0 : index
    %get3A_65 = vector.load %arg6[%get3A_63, %get3A_64] : memref<128x40xf32, #tpu.memory_space<vmem>>, vector<128x40xf32>
    %dot_general3A = arith.constant dense<0.000000e+00> : vector<2000x40xf32>
    %dot_general3A_66 = tpu.matmul %mul3A_62, %get3A_65, %dot_general3A {dimension_numbers = #tpu.dot_dimension_numbers<[1], [0], [0], [1], [0, 0, 1, 1], [], []>, transpose_lhs_hint = false} : vector<2000x128xf32>, vector<128x40xf32>, vector<2000x40xf32> -> vector<2000x40xf32>
    %get3A_67 = arith.constant 0 : index
    %get3A_68 = arith.constant 0 : index
    %get3A_69 = vector.load %arg7[%get3A_67, %get3A_68] : memref<1x40xf32, #tpu.memory_space<vmem>>, vector<1x40xf32>
    %add3A_70 = vector.broadcast %get3A_69 : vector<1x40xf32> to vector<2000x40xf32>
    %add3A_71 = arith.addf %dot_general3A_66, %add3A_70 : vector<2000x40xf32>
    %swap3A = arith.constant 0 : index
    %swap3A_72 = arith.constant 0 : index
    %swap3A_73 = vector.load %arg8[%swap3A, %swap3A_72] : memref<2000x40xf32, #tpu.memory_space<vmem>>, vector<2000x40xf32>
    tpu.vector_store %arg8[%swap3A, %swap3A_72], %add3A_71 {strides = array<i32>} : memref<2000x40xf32, #tpu.memory_space<vmem>>, vector<2000x40xf32>,
    return
  }
  func.func @transform_0(%arg0: i32) -> (i32, i32) {
    %c0_i32 = arith.constant 0 : i32
    %c0_i32_0 = arith.constant 0 : i32
    return %arg0, %c0_i32 : i32, i32
  }
  func.func @transform_1(%arg0: i32) -> (i32, i32) {
    %c0_i32 = arith.constant 0 : i32
    %c0_i32_0 = arith.constant 0 : i32
    return %arg0, %c0_i32 : i32, i32
  }
  func.func @transform_2(%arg0: i32) -> (i32, i32) {
    %c0_i32 = arith.constant 0 : i32
    %c0_i32_0 = arith.constant 0 : i32
    return %arg0, %c0_i32 : i32, i32
  }
  func.func @transform_3(%arg0: i32) -> (i32, i32) {
    %c0_i32 = arith.constant 0 : i32
    %c0_i32_0 = arith.constant 0 : i32
    return %arg0, %c0_i32 : i32, i32
  }
  func.func @transform_4(%arg0: i32) -> (i32, i32) {
    %c0_i32 = arith.constant 0 : i32
    %c0_i32_0 = arith.constant 0 : i32
    return %arg0, %c0_i32 : i32, i32
  }
  func.func @transform_5(%arg0: i32) -> (i32, i32) {
    %c0_i32 = arith.constant 0 : i32
    %c0_i32_0 = arith.constant 0 : i32
    %c0_i32_1 = arith.constant 0 : i32
    return %c0_i32, %c0_i32_0 : i32, i32
  }
  func.func @transform_6(%arg0: i32) -> (i32, i32) {
    %c0_i32 = arith.constant 0 : i32
    %c0_i32_0 = arith.constant 0 : i32
    %c0_i32_1 = arith.constant 0 : i32
    return %c0_i32, %c0_i32_0 : i32, i32
  }
  func.func @transform_7(%arg0: i32) -> (i32, i32) {
    %c0_i32 = arith.constant 0 : i32
    %c0_i32_0 = arith.constant 0 : i32
    return %arg0, %c0_i32 : i32, i32
  }
}

</mosaic_0001>

<sc_bundles>
// kernel: kernel.12.cloned.1.call-start
scs
__scs_entry_jumppad:
0x0: {  	(pc) =	sbr.rel $0x88, $3  }
0x1: {  	(tag) =	ssettag $0x0;
	lr =	simm.s32 $0x1  }
0x2: {  	[smem:$0x3F9B] =	sst lr;
	_ =	strace $0xD0000000  }
0x3: {  	_ = 	snop  }
0x4: {  	_ = 	snop  }
0x5: {  	_ = 	snop  }
0x6: {  	_ = 	snop  }
0x7: {  	_ = 	snop  }
__scs_overlays_trampoline_lowered:
0x8: {  	[smem:$0x3FAA] =	sst s0  }
0x9: {  	[smem:$0x3FAB] =	sst s1  }
0xa: {  	[smem:$0x3FAC] =	sst s2  }
0xb: {  	[smem:$0x3FAD] =	sst s3  }
0xc: {  	[smem:$0x3FAE] =	sst s4  }
0xd: {  	[smem:$0x3FAF] =	sst s5  }
0xe: {  	[smem:$0x3FB0] =	sst s6  }
0xf: {  	[smem:$0x3FB1] =	sst s7  }
0x10: {  	[smem:$0x3FB2] =	sst s8  }
0x11: {  	[smem:$0x3FB3] =	sst s9;
	s0 =	simm.s32 @!p0 $0x0  }
0x12: {  	s1 =	sld [smem:$0x3F99];
	s0 =	simm.s32 @p0 $0x1  }
0x13: {  	[smem:$0x3FB4] =	sst s0;
	s0 =	simm.s32 @!p1 $0x0  }
0x14: {  	s2 =	sld [smem:$0x3F98];
	s0 =	simm.s32 @p1 $0x1  }
0x15: {  	[smem:$0x3FB5] =	sst s0;
	s0 =	simm.s32 @!p2 $0x0  }
0x16: {  	s3 =	sld [smem:$0x3FDB];
	s0 =	simm.s32 @p2 $0x1  }
0x17: {  	s4 =	simm.s32 $0x1BF5;
	[smem:$0x3FB7] =	sst s0  }
0x18: {  	s0 =	sld [smem:$0x3F9A];
	_ =	swait.ge [sflag:s4], $0x0  }
0x19: {  	s7 =	sld [smem:$0x3F9B]  }
0x1a: {  	s8 =	sadd.s32 $0xFFFFE003, lr  }
0x1b: {  	s9 =	sadd.s32 $0xFFFFFEF7, lr;
	s5 =	simm.s32 $0xFFFFFFFF;
	p2 =	slt.u32 s8, $0xFFFFF086  }
0x1c: {  	p1 =	slt.u32 s9, $0xF7A;
	s5 =	simm.s32 @!p2 $0x0  }
0x1d: {  	s5 =	simm.s32 @p1 $0x1;
	p0 =	seq.s32 s7, s2  }
0x1e: {  	s7 =	smul.u32 @!p0 $0xF7A, s2;
	p2 =	seq.s32 @!p0 s5, $0x0  }
0x1f: {  	s9 =	smul.u32 $0xF7A, s1;
	s8 =	simm.s32 @!p0 $0x1BF5;
	p2 =	por !p2, p0  }
0x20: {  	[sflag:s8] =	ssyncset.s32 @!p0 $0xFFFFF086;
	s6 =	sadd.s32 @!p0 s3, s7;
	s7 =	simm.s32 @!p0 $0x108  }
0x21: {  	s3 =	sadd.s32 s3, s9;
	s6 =	sadd.s32 @!p0 $0x88, s6;
	s7 =	simm.s32 @p2 $0x1082  }
0x22: {  	[simem:s7], [sflag:s8] =	dma.local @!p0 [hbm:s6], $0xF7A  }
0x23: {  	s9 =	sor.u32 $0xD0000000, s2;
	s6 =	simm.s32 $0x108;
	_ =	swait.ge @!p0 [sflag:s8], $0x0  }
0x24: {  	s3 =	sadd.s32 $0x88, s3;
	s6 =	simm.s32 @!p1 $0x1082;
	[sflag:s4] =	ssyncset.s32 $0xFFFFF086  }
0x25: {  	[simem:s6], [sflag:s4] =	dma.local [hbm:s3], $0xF7A  }
0x26: {  	[smem:$0x3F9B] =	sst s1;
	(tag) =	ssettag s2;
	_ =	strace s9  }
0x27: {  	s1 =	sld [smem:$0x3FAB]  }
0x28: {  	s2 =	sld [smem:$0x3FAC]  }
0x29: {  	s4 =	sld [smem:$0x3FAE]  }
0x2a: {  	p0 =	seq.s32 s5, $0x0;
	s5 =	sld [smem:$0x3FAF]  }
0x2b: {  	s6 =	sld [smem:$0x3FB0]  }
0x2c: {  	s7 =	sld [smem:$0x3FB1]  }
0x2d: {  	s3 =	simm.s32 $0x108;
	s8 =	sld [smem:$0x3FB2]  }
0x2e: {  	s3 =	simm.s32 @!p0 $0x1082;
	s9 =	sld [smem:$0x3FB3]  }
0x2f: {  	lr =	sadd.s32 s0, s3;
	s0 =	sld [smem:$0x3FAA]  }
0x30: {  	s3 =	sld [smem:$0x3FAD]  }
0x31: {  	[smem:$0x3FB6] =	sst s10  }
0x32: {  	s10 =	sld [smem:$0x3FB4];
	_ =	sdelay $0x3  }
0x33: {  	p0 =	seq.s32 s10, $0x1;
	s10 =	sld [smem:$0x3FB6];
	_ =	sdelay $0x3  }
0x34: {  	[smem:$0x3FB6] =	sst s10  }
0x35: {  	s10 =	sld [smem:$0x3FB5];
	_ =	sdelay $0x3  }
0x36: {  	p1 =	seq.s32 s10, $0x1;
	s10 =	sld [smem:$0x3FB6];
	_ =	sdelay $0x3  }
0x37: {  	[smem:$0x3FB6] =	sst s10  }
0x38: {  	s10 =	sld [smem:$0x3FB7]  }
0x39: {  	_ = 	snop;
	(pc) =	sbr.ind lr, $3  }
0x3a: {  	_ = 	snop  }
0x3b: {  	_ = 	snop  }
0x3c: {  	p2 =	seq.s32 s10, $0x1;
	s10 =	sld [smem:$0x3FB6]  }
0x3d: {  	_ =	shalt  }
0x3e: {  	_ =	shalt  }
0x3f: {  	_ =	shalt  }
0x40: {  	_ =	shalt  }
0x41: {  	_ =	shalt  }
0x42: {  	_ =	shalt  }
0x43: {  	_ =	shalt  }
0x44: {  	_ =	shalt  }
0x45: {  	_ =	shalt  }
0x46: {  	_ =	shalt  }
0x47: {  	_ =	shalt  }
0x48: {  	_ =	shalt  }
0x49: {  	_ =	shalt  }
0x4a: {  	_ =	shalt  }
0x4b: {  	_ =	shalt  }
0x4c: {  	_ =	shalt  }
0x4d: {  	_ =	shalt  }
0x4e: {  	_ =	shalt  }
0x4f: {  	_ =	shalt  }
0x50: {  	_ =	shalt  }
0x51: {  	_ =	shalt  }
0x52: {  	_ =	shalt  }
0x53: {  	_ =	shalt  }
0x54: {  	_ =	shalt  }
0x55: {  	_ =	shalt  }
0x56: {  	_ =	shalt  }
0x57: {  	_ =	shalt  }
0x58: {  	_ =	shalt  }
0x59: {  	_ =	shalt  }
0x5a: {  	_ =	shalt  }
0x5b: {  	_ =	shalt  }
0x5c: {  	_ =	shalt  }
0x5d: {  	_ =	shalt  }
0x5e: {  	_ =	shalt  }
0x5f: {  	_ =	shalt  }
0x60: {  	_ =	shalt  }
0x61: {  	_ =	shalt  }
0x62: {  	_ =	shalt  }
0x63: {  	_ =	shalt  }
0x64: {  	_ =	shalt  }
0x65: {  	_ =	shalt  }
0x66: {  	_ =	shalt  }
0x67: {  	_ =	shalt  }
0x68: {  	_ =	shalt  }
0x69: {  	_ =	shalt  }
0x6a: {  	_ =	shalt  }
0x6b: {  	_ =	shalt  }
0x6c: {  	_ =	shalt  }
0x6d: {  	_ =	shalt  }
0x6e: {  	_ =	shalt  }
0x6f: {  	_ =	shalt  }
0x70: {  	_ =	shalt  }
0x71: {  	_ =	shalt  }
0x72: {  	_ =	shalt  }
0x73: {  	_ =	shalt  }
0x74: {  	_ =	shalt  }
0x75: {  	_ =	shalt  }
0x76: {  	_ =	shalt  }
0x77: {  	_ =	shalt  }
0x78: {  	_ =	shalt  }
0x79: {  	_ =	shalt  }
0x7a: {  	_ =	shalt  }
0x7b: {  	_ =	shalt  }
0x7c: {  	_ =	shalt  }
0x7d: {  	_ =	shalt  }
0x7e: {  	_ =	shalt  }
0x7f: {  	_ =	shalt  }
0x80: {  	_ =	shalt  }
0x81: {  	_ =	shalt  }
0x82: {  	_ =	shalt  }
0x83: {  	_ =	shalt  }
0x84: {  	_ =	shalt  }
0x85: {  	_ =	shalt  }
0x86: {  	_ =	shalt  }
0x87: {  	_ =	shalt  }
.Lfunc_end0:
.L_simem_size_0:
called_computation.1_lowered:
.L_overlay_start_0:
0x88: {  	s2 =	sld [smem:$0x3FD9]  }
0x89: {  	s3 =	sld [smem:$0x3FFE];
	_ =	sdelay $0x1  }
0x8a: {  	s1 =	srdreg.scid  }
0x8b: {  	s0 =	sand.u32 $0x1, s1  }
0x8c: {  	s16 =	sshll.u32 s0, $0xA;
	s2 =	sadd.s32 s3, s2  }
0x8d: {  	s2 =	sadd.s32 s2, s16  }
0x8e: {  	[smem:$0x3FC2] =	sst s2  }
0x8f: {  	_ = 	snop  }
0x90: {  	(tm) =	ssettm $0x1  }
0x91: {  	s17 =	sld [smem:$0x3FFB];
	_ =	sdelay $0x3  }
0x92: {  	_ =	strace s17  }
0x93: {  	s2 =	sld [smem:$0x3FFC];
	_ =	sdelay $0x3  }
0x94: {  	_ =	strace s2  }
0x95: {  	s2 =	sld [smem:$0x3FFD];
	_ =	sdelay $0x3  }
0x96: {  	_ =	strace s2  }
0x97: {  	_ =	strace $0x8FFFFFFF  }
0x98: {  	s18 =	sld [smem:$0x3FDB];
	_ =	sdelay $0x1  }
0x99: {  	s19 =	simm.s32 $_scs_section_size  }
0x9a: {  	s4 =	simm.s32 $_size__tile_overlayer_lowered;
	s5 =	simm.s32 $_tile_overlayer_lowered  }
0x9b: {  	s22 =	simm.s32 $0x1BFF;
	s21 =	sshll.u32 s5, $0x1;
	s2 =	sadd.s32 s19, s18  }
0x9c: {  	s6 =	simm.s32 $0x0;
	s20 =	sshll.u32 s4, $0x1;
	s4 =	sadd.s32 s21, s2  }
0x9d: {  	[timem:s6], [sflag:s22] =	dma.local [hbm:s4], s20  }
0x9e: {  	_ =	swait.ge [sflag:s22], s20  }
0x9f: {  	s3 =	ssub.s32 $0x0, s20;
	[sflag:s22] =	ssyncset.done $0x0  }
0xa0: {  	[sflag:s22] =	ssyncadd.s32 s3;
	_ =	sdelay $0x1  }
0xa1: {  	s23 =	simm.s32 $0x1B8B  }
0xa2: {  	_ =	swait.ge [sflag:s23], $0x1  }
0xa3: {  	[sflag:s23] =	ssyncset.done $0x0  }
0xa4: {  	s25 =	simm.s32 $0x1B8E;
	s24 =	sld [smem:$0x3FFE];
	[sflag:s23] =	ssyncadd.s32 $0xFFFFFFFF  }
0xa5: {  	s26 =	simm.s32 $execute0_lowered;
	[smem:$0x3FD2] =	sst s25  }
0xa6: {  	s4 =	sshll.u32 s26, $0x1;
	_ =	strace $0x80000049;
	[dreg:$0x1] =	wrdreg $0xFFFFFFFF  }
0xa7: {  	s28 =	simm.s32 $_size_execute0_lowered;
	s2 =	sadd.s32 s2, s4;
	[dreg:$0x0] =	wrdreg $0x0  }
0xa8: {  	s4 =	sshll.u32 s28, $0x1;
	[dreg:$0x2] =	wrdreg s2  }
0xa9: {  	[dreg:$0x3] =	wrdreg s4  }
0xaa: {  	[dreg:$0x4] =	wrdreg $0xC0  }
0xab: {  	_ =	task [dreg:s6], $0x5FFFF  }
0xac: {  	[dreg:$0x1] =	wrdreg $0xFFFFFFFF  }
0xad: {  	[dreg:$0x0] =	wrdreg $0x60  }
0xae: {  	[dreg:$0x2] =	wrdreg s24  }
0xaf: {  	[dreg:$0x3] =	wrdreg $0x11D000  }
0xb0: {  	[dreg:$0x4] =	wrdreg $0x9  }
0xb1: {  	_ =	task.clear_ibuf [dreg:s6], $0x5FFFF;
	_ =	strace $0x90000049  }
0xb2: {  	s29 =	simm.s32 $0x9;
	_ =	strace $0x8000004B  }
0xb3: {  	_ =	swait.ge [sflag:s29], $0x1  }
0xb4: {  	[sflag:s29] =	ssyncadd.s32 $0xFFFFFFFF  }
0xb5: {  	_ =	strace $0x9000004B  }
0xb6: {  	_ =	sfence  }
0xb7: {  	s30 =	sld [smem:$0x0];
	_ =	sdelay $0x2  }
0xb8: {  	s31 =	sshll.u32 s1, $0xD;
	s1 =	sshrl.u32 s1, $0x2  }
0xb9: {  	s3 =	sand.u32 $0x4000, s31;
	s1 =	sadd.s32 s1, s30  }
0xba: {  	s0 =	sor.u32 s3, s0;
	s1 =	sshll.u32 s1, $0x11  }
0xbb: {  	s0 =	sor.u32 s1, s0  }
0xbc: {  	s0 =	sadd.s32 $0x8F2B, s0  }
0xbd: {  	[sflag:s0] =	ssyncadd.remote.s32 $0x1  }
0xbe: {  	_ =	sfence.sel $0xFFFF  }
0xbf: {  	[dreg:$0x0] =	wrdreg $0xFFFFFFFF;
	(pc) =	sbr.abs _section_cstart, $3  }
0xc0: {  	[dreg:$0x1] =	wrdreg $0xFFFFFFFF  }
0xc1: {  	_ =	task.clear_ibuf [dreg:s6], $0x2FFFF;
	_ =	strace $0x9FFFFFFF  }
0xc2: {  	(tm) =	ssettm $0x7FFFFFFF  }
0xc3: {  	_ =	shalt  }
tec
execute0_lowered:
.L_overlay_start_1:
0x0: {  	(tag) =	ssettag $0x1  }
0x1: {  	s0 =	rddreg [dreg:$0x0]  }
0x2: {  	s2 =	rddreg [dreg:$0x1]  }
0x3: {  	s3 =	simm.s32 $0x0;
	s16 =	stileid.u32;
	s5 =	srdreg.scid  }
0x4: {  	s21 =	simm.s32 $0x1;
	s22 =	simm.s32 $0x2;
	s23 =	simm.s32 $0x80  }
0x5: {  	s28 =	simm.s32 $0xDD00;
	s30 =	simm.s32 $0xFD00;
	s31 =	simm.s32 $0x5  }
0x6: {  	s29 =	simm.s32 $0x8;
	[smem:$0x7FF] =	sst s3;
	s1 =	smul.u32 $0x9C00, s16  }
0x7: {  	s4 =	sadd.s32 $0x8D200, s0;
	s6 =	smul.u32 $0x9D0, s16;
	s7 =	sand.u32 $0x1, s5  }
0x8: {  	s5 =	sadd.s32 $0x79800, s0;
	s17 =	sadd.s32 $0xB4600, s0;
	s18 =	sadd.s32 $0xA0C00, s0  }
0x9: {  	s10 =	sshll.u32 s16, $0x6;
	s14 =	sadd.s32 $0x52400, s0;
	p0 =	sne.s32 s16, $0xF  }
0xa: {  	p2 =	seq.s32 s16, $0xF;
	s16 =	simm.s32 $0x4;
	_ =	strace $0x8000004A  }
0xb: {  	s8 =	ssub.s32 $0x2, s7;
	s12 =	sor.u32 $0x1C05, s10;
	[dreg:$0x4] =	wrdreg s18  }
0xc: {  	[dreg:$0x3] =	wrdreg s17;
	p1 =	sne.s32 s7, $0x0;
	s13 =	sshrl.u32 s1, $0x3  }
0xd: {  	s6 =	sadd.s32 s6, s0;
	s9 =	sshrl.u32 s8, $0x1;
	s1 =	sadd.s32 s1, s2  }
0xe: {  	s11 =	sadd.s32 s13, s0;
	s15 =	ssub.s32 s8, s9;
	s24 =	sadd.s32 $0x3E00, s6  }
0xf: {  	s9 =	sadd.s32 $0xDB00, s6;
	s6 =	sadd.s32 $0x9C000, s2;
	s25 =	sadd.s32 s18, s13  }
0x10: {  	s26 =	sadd.s32 s17, s13;
	s18 =	simm.s32 $0x4E80;
	[dreg:$0x5] =	wrdreg s24  }
.Ltmp0:
0x11: {  	s19 =	sshrl.u32 s1, $0x3;
	[dreg:$0x7] =	wrdreg s25;
	(pc) =	sbr.rel .LBB2_1-.Ltmp0, $4  }
0x12: {  	s1 =	simm.s32 $0x3;
	s0 =	simm.s32 $0x9;
	[dreg:$0x8] =	wrdreg s26  }
0x13: {  	s11 =	sadd.s32 $0x3EC00, s11;
	s17 =	smax.u32 s15, $0x1;
	[dreg:$0x6] =	wrdreg s6  }
0x14: {  	s20 =	sshrl.u32 @!p0 s6, $0x3;
	s24 =	simm.s32 $0x9D00;
	s25 =	simm.s32 $0xBD00  }
0x15: {  	s15 =	simm.s32 $0x6;
	s26 =	simm.s32 $0x7;
	s6 =	simm.s32 $0x0  }
.LBB2_8:
0x16: {  	s8 =	sadd.s32 $0x13800, s13;
	s13 =	rddreg [dreg:$0x6]  }
0x17: {  	s13 =	sshrl.u32 s13, $0x3  }
0x18: {  	[hbm:s8], [sflag:s7] =	dma.local [spmem:s13], $0x80  }
0x19: {  	_ =	swait.ge [sflag:s0], $0x80  }
0x1a: {  	[sflag:s0] =	ssyncset.done $0x0  }
0x1b: {  	[sflag:s0] =	ssyncadd.s32 $0xFFFFFF80  }
.LBB2_9:
0x1c: {  	s6 =	sadd.s32 $0x1, s6  }
0x1d: {  	p3 =	sne.s32 s6, s17  }
.Ltmp1:
0x1e: {  	_ = 	snop;
	(pc) =	sbr.rel @!p3 .LBB2_10-.Ltmp1, $1  }
0x1f: {  	_ =	sdelay $0x3  }
.LBB2_1:
0x20: {  	s7 =	rddreg [dreg:$0x5]  }
0x21: {  	[tilespmem:s3], [sflag:$0x1] =	stream.linear.gather [hbm4b:s7+s3], $0x4E80, $0x38;
	[tilespmem:$0x1B980] =	vst v63  }
0x22: {  	_ = 	snop  }
0x23: {  	[tilespmem:s18], [sflag:$0x2] =	stream.linear.gather [hbm4b:s9+s3], $0x4E80, $0x38;
	[tilespmem:$0x1B980] =	vst v63  }
0x24: {  	[spmem:s19], [sflag:s12] =	dma.local [hbm:s11], $0x1380  }
0x25: {  	[spmem:s20], [sflag:s12] =	dma.local @!p0 [hbm:s14], $0x80  }
0x26: {  	_ =	swait.ge [sflag:s21], $0x4E80  }
.Ltmp2:
0x27: {  	[sflag:s21] =	ssyncset.done $0x0;
	(pc) =	sbr.rel @p1 .LBB2_5-.Ltmp2, $4  }
0x28: {  	[sflag:s21] =	ssyncadd.s32 $0xFFFFB180  }
0x29: {  	_ =	swait.ge [sflag:s22], $0x4E80  }
0x2a: {  	[sflag:s22] =	ssyncset.done $0x0  }
0x2b: {  	[sflag:s22] =	ssyncadd.s32 $0xFFFFB180  }
0x2c: {  	[tilespmem:s24], [sflag:$0x1] =	stream.indirect.gather [hbm4b:s4+s23], $0x40, s3, s23, $0xb8;
	[tilespmem:$0x1B980] =	vst v63  }
0x2d: {  	_ = 	snop  }
0x2e: {  	[tilespmem:s25], [sflag:$0x2] =	stream.indirect.gather [hbm4b:s4+s23], $0x40, s23, s23, $0xb8;
	[tilespmem:$0x1B980] =	vst v63  }
0x2f: {  	s7 =	simm.s32 $0x100  }
0x30: {  	[tilespmem:s28], [sflag:$0x3] =	stream.indirect.gather [hbm4b:s4+s23], $0x40, s7, s23, $0xb8;
	[tilespmem:$0x1B980] =	vst v63  }
0x31: {  	s13 =	simm.s32 $0x180  }
0x32: {  	[tilespmem:s30], [sflag:$0x4] =	stream.indirect.gather [hbm4b:s4+s23], $0x40, s13, s23, $0xb8;
	[tilespmem:$0x1B980] =	vst v63  }
0x33: {  	_ =	swait.ge [sflag:s31], $0x1380  }
0x34: {  	[sflag:s31] =	ssyncset.done $0x0  }
0x35: {  	s7 =	simm.s32 @!p0 $0x5;
	[sflag:s31] =	ssyncadd.s32 $0xFFFFEC80  }
0x36: {  	_ =	swait.ge @!p0 [sflag:s7], $0x80  }
0x37: {  	[sflag:s7] =	ssyncset.done @!p0 $0x0  }
0x38: {  	[sflag:s7] =	ssyncadd.s32 @!p0 $0xFFFFFF80  }
0x39: {  	[bflag:$0x0] =	sbarrier.arrive $0xFFFF  }
0x3a: {  	_ =	swait.ge [sflag:s21], $0x2000  }
0x3b: {  	[sflag:s21] =	ssyncset.done $0x0  }
0x3c: {  	[sflag:s21] =	ssyncadd.s32 $0xFFFFE000  }
0x3d: {  	[spmem:s2] =	stream.indirect.scatter.add.f32 [tilespmem:s24], [sflag:$0x5], $0x40, s18, s23, $0xb8;
	[tilespmem:$0x1B980] =	vst v63  }
0x3e: {  	_ =	swait.ge [sflag:s22], $0x2000  }
0x3f: {  	[sflag:s22] =	ssyncset.done $0x0  }
0x40: {  	s8 =	simm.s32 $0x4F00;
	[sflag:s22] =	ssyncadd.s32 $0xFFFFE000  }
0x41: {  	[spmem:s2] =	stream.indirect.scatter.add.f32 [tilespmem:s25], [sflag:$0x6], $0x40, s8, s23, $0xb8;
	[tilespmem:$0x1B980] =	vst v63  }
0x42: {  	_ =	swait.ge [sflag:s31], $0x2000  }
0x43: {  	[sflag:s31] =	ssyncset.done $0x0  }
0x44: {  	s13 =	simm.s32 $0x200;
	[sflag:s31] =	ssyncadd.s32 $0xFFFFE000  }
0x45: {  	[tilespmem:s24], [sflag:$0x1] =	stream.indirect.gather [hbm4b:s4+s23], $0x40, s13, s23, $0xb8;
	[tilespmem:$0x1B980] =	vst v63  }
0x46: {  	_ =	swait.ge [sflag:s1], $0x2000  }
0x47: {  	[sflag:s1] =	ssyncset.done $0x0  }
0x48: {  	s8 =	simm.s32 $0x4F80;
	[sflag:s1] =	ssyncadd.s32 $0xFFFFE000  }
0x49: {  	[spmem:s2] =	stream.indirect.scatter.add.f32 [tilespmem:s28], [sflag:$0x7], $0x40, s8, s23, $0xb8;
	[tilespmem:$0x1B980] =	vst v63  }
0x4a: {  	_ =	swait.ge [sflag:s15], $0x2000  }
0x4b: {  	[sflag:s15] =	ssyncset.done $0x0  }
0x4c: {  	s13 =	simm.s32 $0x280;
	[sflag:s15] =	ssyncadd.s32 $0xFFFFE000  }
0x4d: {  	[tilespmem:s25], [sflag:$0x2] =	stream.indirect.gather [hbm4b:s4+s23], $0x40, s13, s23, $0xb8;
	[tilespmem:$0x1B980] =	vst v63  }
0x4e: {  	_ =	swait.ge [sflag:s16], $0x2000  }
0x4f: {  	[sflag:s16] =	ssyncset.done $0x0  }
0x50: {  	s8 =	simm.s32 $0x5000;
	[sflag:s16] =	ssyncadd.s32 $0xFFFFE000  }
0x51: {  	[spmem:s2] =	stream.indirect.scatter.add.f32 [tilespmem:s30], [sflag:$0x8], $0x40, s8, s23, $0xb8;
	[tilespmem:$0x1B980] =	vst v63  }
0x52: {  	_ =	swait.ge [sflag:s26], $0x2000  }
0x53: {  	[sflag:s26] =	ssyncset.done $0x0  }
0x54: {  	s13 =	simm.s32 $0x300;
	[sflag:s26] =	ssyncadd.s32 $0xFFFFE000  }
0x55: {  	[tilespmem:s28], [sflag:$0x3] =	stream.indirect.gather [hbm4b:s4+s23], $0x40, s13, s23, $0xb8;
	[tilespmem:$0x1B980] =	vst v63  }
0x56: {  	_ =	swait.ge [sflag:s21], $0x2000  }
0x57: {  	[sflag:s21] =	ssyncset.done $0x0  }
0x58: {  	s8 =	simm.s32 $0x5080;
	[sflag:s21] =	ssyncadd.s32 $0xFFFFE000  }
0x59: {  	[spmem:s2] =	stream.indirect.scatter.add.f32 [tilespmem:s24], [sflag:$0x5], $0x40, s8, s23, $0xb8;
	[tilespmem:$0x1B980] =	vst v63  }
0x5a: {  	_ =	swait.ge [sflag:s29], $0x2000  }
0x5b: {  	[sflag:s29] =	ssyncset.done $0x0  }
0x5c: {  	s13 =	simm.s32 $0x380;
	[sflag:s29] =	ssyncadd.s32 $0xFFFFE000  }
0x5d: {  	[tilespmem:s30], [sflag:$0x4] =	stream.indirect.gather [hbm4b:s4+s23], $0x40, s13, s23, $0xb8;
	[tilespmem:$0x1B980] =	vst v63  }
0x5e: {  	_ =	swait.ge [sflag:s22], $0x2000  }
0x5f: {  	[sflag:s22] =	ssyncset.done $0x0  }
0x60: {  	s7 =	simm.s32 $0x800;
	s13 =	simm.s32 $0x5100;
	[sflag:s22] =	ssyncadd.s32 $0xFFFFE000  }
.LBB2_3:
0x61: {  	[spmem:s2] =	stream.indirect.scatter.add.f32 [tilespmem:s25], [sflag:$0x6], $0x40, s13, s23, $0xb8;
	[tilespmem:$0x1B980] =	vst v63  }
0x62: {  	s13 =	smov.u32 s7  }
0x63: {  	p3 =	sne.s32 s7, $0x12800;
	s7 =	sadd.s32 $0x800, s7;
	_ =	swait.ge [sflag:s31], $0x2000  }
0x64: {  	s13 =	sshra.s32 s13, $0x2;
	[sflag:s31] =	ssyncset.done $0x0  }
0x65: {  	s8 =	sadd.s32 $0x200, s13;
	[sflag:s31] =	ssyncadd.s32 $0xFFFFE000  }
0x66: {  	[tilespmem:s24], [sflag:$0x1] =	stream.indirect.gather [hbm4b:s4+s23], $0x40, s8, s23, $0xb8;
	[tilespmem:$0x1B980] =	vst v63  }
0x67: {  	_ =	swait.ge [sflag:s1], $0x2000  }
0x68: {  	[sflag:s1] =	ssyncset.done $0x0  }
0x69: {  	s8 =	sadd.s32 $0x4F80, s13;
	[sflag:s1] =	ssyncadd.s32 $0xFFFFE000  }
0x6a: {  	[spmem:s2] =	stream.indirect.scatter.add.f32 [tilespmem:s28], [sflag:$0x7], $0x40, s8, s23, $0xb8;
	[tilespmem:$0x1B980] =	vst v63  }
0x6b: {  	_ =	swait.ge [sflag:s15], $0x2000  }
0x6c: {  	[sflag:s15] =	ssyncset.done $0x0  }
0x6d: {  	s8 =	sadd.s32 $0x280, s13;
	[sflag:s15] =	ssyncadd.s32 $0xFFFFE000  }
0x6e: {  	[tilespmem:s25], [sflag:$0x2] =	stream.indirect.gather [hbm4b:s4+s23], $0x40, s8, s23, $0xb8;
	[tilespmem:$0x1B980] =	vst v63  }
0x6f: {  	_ =	swait.ge [sflag:s16], $0x2000  }
0x70: {  	[sflag:s16] =	ssyncset.done $0x0  }
0x71: {  	s8 =	sadd.s32 $0x5000, s13;
	[sflag:s16] =	ssyncadd.s32 $0xFFFFE000  }
0x72: {  	[spmem:s2] =	stream.indirect.scatter.add.f32 [tilespmem:s30], [sflag:$0x8], $0x40, s8, s23, $0xb8;
	[tilespmem:$0x1B980] =	vst v63  }
0x73: {  	_ =	swait.ge [sflag:s26], $0x2000  }
0x74: {  	[sflag:s26] =	ssyncset.done $0x0  }
0x75: {  	s8 =	sadd.s32 $0x300, s13;
	[sflag:s26] =	ssyncadd.s32 $0xFFFFE000  }
0x76: {  	[tilespmem:s28], [sflag:$0x3] =	stream.indirect.gather [hbm4b:s4+s23], $0x40, s8, s23, $0xb8;
	[tilespmem:$0x1B980] =	vst v63  }
0x77: {  	_ =	swait.ge [sflag:s21], $0x2000  }
0x78: {  	[sflag:s21] =	ssyncset.done $0x0  }
0x79: {  	s8 =	sadd.s32 $0x5080, s13;
	[sflag:s21] =	ssyncadd.s32 $0xFFFFE000  }
0x7a: {  	[spmem:s2] =	stream.indirect.scatter.add.f32 [tilespmem:s24], [sflag:$0x5], $0x40, s8, s23, $0xb8;
	[tilespmem:$0x1B980] =	vst v63  }
0x7b: {  	_ =	swait.ge [sflag:s29], $0x2000  }
0x7c: {  	[sflag:s29] =	ssyncset.done $0x0  }
.Ltmp3:
0x7d: {  	s8 =	sadd.s32 $0x380, s13;
	[sflag:s29] =	ssyncadd.s32 $0xFFFFE000;
	(pc) =	sbr.rel @p3 .LBB2_3-.Ltmp3, $4  }
0x7e: {  	[tilespmem:s30], [sflag:$0x4] =	stream.indirect.gather [hbm4b:s4+s23], $0x40, s8, s23, $0xb8;
	[tilespmem:$0x1B980] =	vst v63  }
0x7f: {  	_ =	swait.ge [sflag:s22], $0x2000  }
0x80: {  	[sflag:s22] =	ssyncset.done $0x0  }
0x81: {  	s13 =	sadd.s32 $0x5100, s13;
	[sflag:s22] =	ssyncadd.s32 $0xFFFFE000  }
0x82: {  	[spmem:s2] =	stream.indirect.scatter.add.f32 [tilespmem:s25], [sflag:$0x6], $0x40, s13, s23, $0xb8;
	[tilespmem:$0x1B980] =	vst v63  }
0x83: {  	_ =	swait.ge [sflag:s31], $0x2000  }
0x84: {  	[sflag:s31] =	ssyncset.done $0x0  }
0x85: {  	s7 =	simm.s32 $0x4E00;
	[sflag:s31] =	ssyncadd.s32 $0xFFFFE000  }
0x86: {  	[tilespmem:s24], [sflag:$0x1] =	stream.indirect.gather [hbm4b:s4+s23], $0x40, s7, s23, $0xb8;
	[tilespmem:$0x1B980] =	vst v63  }
0x87: {  	_ =	swait.ge [sflag:s1], $0x2000  }
0x88: {  	[sflag:s1] =	ssyncset.done $0x0  }
0x89: {  	s13 =	simm.s32 $0x9B80;
	[sflag:s1] =	ssyncadd.s32 $0xFFFFE000  }
0x8a: {  	[spmem:s2] =	stream.indirect.scatter.add.f32 [tilespmem:s28], [sflag:$0x7], $0x40, s13, s23, $0xb8;
	[tilespmem:$0x1B980] =	vst v63  }
0x8b: {  	_ =	swait.ge [sflag:s16], $0x2000  }
0x8c: {  	[sflag:s16] =	ssyncset.done $0x0  }
0x8d: {  	s8 =	simm.s32 $0x9C00;
	[sflag:s16] =	ssyncadd.s32 $0xFFFFE000  }
0x8e: {  	[spmem:s2] =	stream.indirect.scatter.add.f32 [tilespmem:s30], [sflag:$0x8], $0x40, s8, s23, $0xb8;
	[tilespmem:$0x1B980] =	vst v63  }
0x8f: {  	_ =	swait.ge [sflag:s21], $0x2000  }
0x90: {  	[sflag:s21] =	ssyncset.done $0x0  }
0x91: {  	s13 =	simm.s32 $0x9C80;
	[sflag:s21] =	ssyncadd.s32 $0xFFFFE000  }
0x92: {  	[spmem:s2] =	stream.indirect.scatter.add.f32 [tilespmem:s24], [sflag:$0x5], $0x40, s13, s23, $0xb8;
	[tilespmem:$0x1B980] =	vst v63  }
0x93: {  	_ =	swait.ge [sflag:s15], $0x2000  }
0x94: {  	[sflag:s15] =	ssyncset.done $0x0  }
0x95: {  	[sflag:s15] =	ssyncadd.s32 $0xFFFFE000  }
0x96: {  	_ =	swait.ge [sflag:s26], $0x2000  }
0x97: {  	[sflag:s26] =	ssyncset.done $0x0  }
0x98: {  	[sflag:s26] =	ssyncadd.s32 $0xFFFFE000  }
0x99: {  	_ =	swait.ge [sflag:s29], $0x2000  }
0x9a: {  	[sflag:s29] =	ssyncset.done $0x0  }
0x9b: {  	[sflag:s29] =	ssyncadd.s32 $0xFFFFE000  }
0x9c: {  	_ =	swait.ge [sflag:s31], $0x2000  }
0x9d: {  	[sflag:s31] =	ssyncset.done $0x0  }
0x9e: {  	[sflag:s31] =	ssyncadd.s32 $0xFFFFE000  }
0x9f: {  	[bflag:$0x0] =	sbarrier.arrive $0xFFFF  }
0xa0: {  	s7 =	sor.u32 $0x1C09, s10;
	s8 =	rddreg [dreg:$0x8]  }
0xa1: {  	[hbm:s8], [sflag:s7] =	dma.local [spmem:s19], $0x1380  }
.Ltmp4:
0xa2: {  	_ = 	snop;
	(pc) =	sbr.rel @p2 .LBB2_8-.Ltmp4, $4  }
.Ltmp5:
0xa3: {  	_ = 	snop;
	(pc) =	sbr.rel @!p2 .LBB2_9-.Ltmp5, $4  }
0xa4: {  	_ =	swait.ge [sflag:s0], $0x1380  }
0xa5: {  	[sflag:s0] =	ssyncset.done $0x0  }
0xa6: {  	s13 =	rddreg [dreg:$0x3];
	[sflag:s0] =	ssyncadd.s32 $0xFFFFEC80  }
0xa7: {  	_ = 	snop  }
.LBB2_5:
0xa8: {  	[tilespmem:s24], [sflag:$0x1] =	stream.indirect.gather [hbm4b:s5+s23], $0x40, s3, s23, $0xb8;
	[tilespmem:$0x1B980] =	vst v63  }
0xa9: {  	_ = 	snop  }
0xaa: {  	[tilespmem:s25], [sflag:$0x2] =	stream.indirect.gather [hbm4b:s5+s23], $0x40, s23, s23, $0xb8;
	[tilespmem:$0x1B980] =	vst v63  }
0xab: {  	s7 =	simm.s32 $0x100  }
0xac: {  	[tilespmem:s28], [sflag:$0x3] =	stream.indirect.gather [hbm4b:s5+s23], $0x40, s7, s23, $0xb8;
	[tilespmem:$0x1B980] =	vst v63  }
0xad: {  	s13 =	simm.s32 $0x180  }
0xae: {  	[tilespmem:s30], [sflag:$0x4] =	stream.indirect.gather [hbm4b:s5+s23], $0x40, s13, s23, $0xb8;
	[tilespmem:$0x1B980] =	vst v63  }
0xaf: {  	_ =	swait.ge [sflag:s31], $0x1380  }
0xb0: {  	[sflag:s31] =	ssyncset.done $0x0  }
0xb1: {  	s7 =	simm.s32 @!p0 $0x5;
	[sflag:s31] =	ssyncadd.s32 $0xFFFFEC80  }
0xb2: {  	_ =	swait.ge @!p0 [sflag:s7], $0x80  }
0xb3: {  	[sflag:s7] =	ssyncset.done @!p0 $0x0  }
0xb4: {  	[sflag:s7] =	ssyncadd.s32 @!p0 $0xFFFFFF80  }
0xb5: {  	[bflag:$0x0] =	sbarrier.arrive $0xFFFF  }
0xb6: {  	_ =	swait.ge [sflag:s21], $0x2000  }
0xb7: {  	[sflag:s21] =	ssyncset.done $0x0  }
0xb8: {  	[sflag:s21] =	ssyncadd.s32 $0xFFFFE000  }
0xb9: {  	[spmem:s2] =	stream.indirect.scatter.add.f32 [tilespmem:s24], [sflag:$0x5], $0x40, s18, s23, $0xb8;
	[tilespmem:$0x1B980] =	vst v63  }
0xba: {  	_ =	swait.ge [sflag:s22], $0x2000  }
0xbb: {  	[sflag:s22] =	ssyncset.done $0x0  }
0xbc: {  	s8 =	simm.s32 $0x4F00;
	[sflag:s22] =	ssyncadd.s32 $0xFFFFE000  }
0xbd: {  	[spmem:s2] =	stream.indirect.scatter.add.f32 [tilespmem:s25], [sflag:$0x6], $0x40, s8, s23, $0xb8;
	[tilespmem:$0x1B980] =	vst v63  }
0xbe: {  	_ =	swait.ge [sflag:s31], $0x2000  }
0xbf: {  	[sflag:s31] =	ssyncset.done $0x0  }
0xc0: {  	s13 =	simm.s32 $0x200;
	[sflag:s31] =	ssyncadd.s32 $0xFFFFE000  }
0xc1: {  	[tilespmem:s24], [sflag:$0x1] =	stream.indirect.gather [hbm4b:s5+s23], $0x40, s13, s23, $0xb8;
	[tilespmem:$0x1B980] =	vst v63  }
0xc2: {  	_ =	swait.ge [sflag:s1], $0x2000  }
0xc3: {  	[sflag:s1] =	ssyncset.done $0x0  }
0xc4: {  	s8 =	simm.s32 $0x4F80;
	[sflag:s1] =	ssyncadd.s32 $0xFFFFE000  }
0xc5: {  	[spmem:s2] =	stream.indirect.scatter.add.f32 [tilespmem:s28], [sflag:$0x7], $0x40, s8, s23, $0xb8;
	[tilespmem:$0x1B980] =	vst v63  }
0xc6: {  	_ =	swait.ge [sflag:s15], $0x2000  }
0xc7: {  	[sflag:s15] =	ssyncset.done $0x0  }
0xc8: {  	s13 =	simm.s32 $0x280;
	[sflag:s15] =	ssyncadd.s32 $0xFFFFE000  }
0xc9: {  	[tilespmem:s25], [sflag:$0x2] =	stream.indirect.gather [hbm4b:s5+s23], $0x40, s13, s23, $0xb8;
	[tilespmem:$0x1B980] =	vst v63  }
0xca: {  	_ =	swait.ge [sflag:s16], $0x2000  }
0xcb: {  	[sflag:s16] =	ssyncset.done $0x0  }
0xcc: {  	s8 =	simm.s32 $0x5000;
	[sflag:s16] =	ssyncadd.s32 $0xFFFFE000  }
0xcd: {  	[spmem:s2] =	stream.indirect.scatter.add.f32 [tilespmem:s30], [sflag:$0x8], $0x40, s8, s23, $0xb8;
	[tilespmem:$0x1B980] =	vst v63  }
0xce: {  	_ =	swait.ge [sflag:s26], $0x2000  }
0xcf: {  	[sflag:s26] =	ssyncset.done $0x0  }
0xd0: {  	s13 =	simm.s32 $0x300;
	[sflag:s26] =	ssyncadd.s32 $0xFFFFE000  }
0xd1: {  	[tilespmem:s28], [sflag:$0x3] =	stream.indirect.gather [hbm4b:s5+s23], $0x40, s13, s23, $0xb8;
	[tilespmem:$0x1B980] =	vst v63  }
0xd2: {  	_ =	swait.ge [sflag:s21], $0x2000  }
0xd3: {  	[sflag:s21] =	ssyncset.done $0x0  }
0xd4: {  	s8 =	simm.s32 $0x5080;
	[sflag:s21] =	ssyncadd.s32 $0xFFFFE000  }
0xd5: {  	[spmem:s2] =	stream.indirect.scatter.add.f32 [tilespmem:s24], [sflag:$0x5], $0x40, s8, s23, $0xb8;
	[tilespmem:$0x1B980] =	vst v63  }
0xd6: {  	_ =	swait.ge [sflag:s29], $0x2000  }
0xd7: {  	[sflag:s29] =	ssyncset.done $0x0  }
0xd8: {  	s13 =	simm.s32 $0x380;
	[sflag:s29] =	ssyncadd.s32 $0xFFFFE000  }
0xd9: {  	[tilespmem:s30], [sflag:$0x4] =	stream.indirect.gather [hbm4b:s5+s23], $0x40, s13, s23, $0xb8;
	[tilespmem:$0x1B980] =	vst v63  }
0xda: {  	_ =	swait.ge [sflag:s22], $0x2000  }
0xdb: {  	[sflag:s22] =	ssyncset.done $0x0  }
0xdc: {  	s7 =	simm.s32 $0x800;
	s13 =	simm.s32 $0x5100;
	[sflag:s22] =	ssyncadd.s32 $0xFFFFE000  }
.LBB2_6:
0xdd: {  	[spmem:s2] =	stream.indirect.scatter.add.f32 [tilespmem:s25], [sflag:$0x6], $0x40, s13, s23, $0xb8;
	[tilespmem:$0x1B980] =	vst v63  }
0xde: {  	s8 =	smov.u32 s7  }
0xdf: {  	p3 =	sne.s32 s7, $0x12800;
	s7 =	sadd.s32 $0x800, s7;
	_ =	swait.ge [sflag:s31], $0x2000  }
0xe0: {  	s13 =	sshra.s32 s8, $0x2;
	[sflag:s31] =	ssyncset.done $0x0  }
0xe1: {  	s8 =	sadd.s32 $0x200, s13;
	[sflag:s31] =	ssyncadd.s32 $0xFFFFE000  }
0xe2: {  	[tilespmem:s24], [sflag:$0x1] =	stream.indirect.gather [hbm4b:s5+s23], $0x40, s8, s23, $0xb8;
	[tilespmem:$0x1B980] =	vst v63  }
0xe3: {  	_ =	swait.ge [sflag:s1], $0x2000  }
0xe4: {  	[sflag:s1] =	ssyncset.done $0x0  }
0xe5: {  	s8 =	sadd.s32 $0x4F80, s13;
	[sflag:s1] =	ssyncadd.s32 $0xFFFFE000  }
0xe6: {  	[spmem:s2] =	stream.indirect.scatter.add.f32 [tilespmem:s28], [sflag:$0x7], $0x40, s8, s23, $0xb8;
	[tilespmem:$0x1B980] =	vst v63  }
0xe7: {  	_ =	swait.ge [sflag:s15], $0x2000  }
0xe8: {  	[sflag:s15] =	ssyncset.done $0x0  }
0xe9: {  	s8 =	sadd.s32 $0x280, s13;
	[sflag:s15] =	ssyncadd.s32 $0xFFFFE000  }
0xea: {  	[tilespmem:s25], [sflag:$0x2] =	stream.indirect.gather [hbm4b:s5+s23], $0x40, s8, s23, $0xb8;
	[tilespmem:$0x1B980] =	vst v63  }
0xeb: {  	_ =	swait.ge [sflag:s16], $0x2000  }
0xec: {  	[sflag:s16] =	ssyncset.done $0x0  }
0xed: {  	s8 =	sadd.s32 $0x5000, s13;
	[sflag:s16] =	ssyncadd.s32 $0xFFFFE000  }
0xee: {  	[spmem:s2] =	stream.indirect.scatter.add.f32 [tilespmem:s30], [sflag:$0x8], $0x40, s8, s23, $0xb8;
	[tilespmem:$0x1B980] =	vst v63  }
0xef: {  	_ =	swait.ge [sflag:s26], $0x2000  }
0xf0: {  	[sflag:s26] =	ssyncset.done $0x0  }
0xf1: {  	s8 =	sadd.s32 $0x300, s13;
	[sflag:s26] =	ssyncadd.s32 $0xFFFFE000  }
0xf2: {  	[tilespmem:s28], [sflag:$0x3] =	stream.indirect.gather [hbm4b:s5+s23], $0x40, s8, s23, $0xb8;
	[tilespmem:$0x1B980] =	vst v63  }
0xf3: {  	_ =	swait.ge [sflag:s21], $0x2000  }
0xf4: {  	[sflag:s21] =	ssyncset.done $0x0  }
0xf5: {  	s8 =	sadd.s32 $0x5080, s13;
	[sflag:s21] =	ssyncadd.s32 $0xFFFFE000  }
0xf6: {  	[spmem:s2] =	stream.indirect.scatter.add.f32 [tilespmem:s24], [sflag:$0x5], $0x40, s8, s23, $0xb8;
	[tilespmem:$0x1B980] =	vst v63  }
0xf7: {  	_ =	swait.ge [sflag:s29], $0x2000  }
0xf8: {  	[sflag:s29] =	ssyncset.done $0x0  }
.Ltmp6:
0xf9: {  	s8 =	sadd.s32 $0x380, s13;
	[sflag:s29] =	ssyncadd.s32 $0xFFFFE000;
	(pc) =	sbr.rel @p3 .LBB2_6-.Ltmp6, $4  }
0xfa: {  	[tilespmem:s30], [sflag:$0x4] =	stream.indirect.gather [hbm4b:s5+s23], $0x40, s8, s23, $0xb8;
	[tilespmem:$0x1B980] =	vst v63  }
0xfb: {  	_ =	swait.ge [sflag:s22], $0x2000  }
0xfc: {  	[sflag:s22] =	ssyncset.done $0x0  }
0xfd: {  	s13 =	sadd.s32 $0x5100, s13;
	[sflag:s22] =	ssyncadd.s32 $0xFFFFE000  }
0xfe: {  	[spmem:s2] =	stream.indirect.scatter.add.f32 [tilespmem:s25], [sflag:$0x6], $0x40, s13, s23, $0xb8;
	[tilespmem:$0x1B980] =	vst v63  }
0xff: {  	_ =	swait.ge [sflag:s31], $0x2000  }
0x100: {  	[sflag:s31] =	ssyncset.done $0x0  }
0x101: {  	s7 =	simm.s32 $0x4E00;
	[sflag:s31] =	ssyncadd.s32 $0xFFFFE000  }
0x102: {  	[tilespmem:s24], [sflag:$0x1] =	stream.indirect.gather [hbm4b:s5+s23], $0x40, s7, s23, $0xb8;
	[tilespmem:$0x1B980] =	vst v63  }
0x103: {  	_ =	swait.ge [sflag:s1], $0x2000  }
0x104: {  	[sflag:s1] =	ssyncset.done $0x0  }
0x105: {  	s13 =	simm.s32 $0x9B80;
	[sflag:s1] =	ssyncadd.s32 $0xFFFFE000  }
0x106: {  	[spmem:s2] =	stream.indirect.scatter.add.f32 [tilespmem:s28], [sflag:$0x7], $0x40, s13, s23, $0xb8;
	[tilespmem:$0x1B980] =	vst v63  }
0x107: {  	_ =	swait.ge [sflag:s16], $0x2000  }
0x108: {  	[sflag:s16] =	ssyncset.done $0x0  }
0x109: {  	s8 =	simm.s32 $0x9C00;
	[sflag:s16] =	ssyncadd.s32 $0xFFFFE000  }
0x10a: {  	[spmem:s2] =	stream.indirect.scatter.add.f32 [tilespmem:s30], [sflag:$0x8], $0x40, s8, s23, $0xb8;
	[tilespmem:$0x1B980] =	vst v63  }
0x10b: {  	_ =	swait.ge [sflag:s21], $0x2000  }
0x10c: {  	[sflag:s21] =	ssyncset.done $0x0  }
0x10d: {  	s13 =	simm.s32 $0x9C80;
	[sflag:s21] =	ssyncadd.s32 $0xFFFFE000  }
0x10e: {  	[spmem:s2] =	stream.indirect.scatter.add.f32 [tilespmem:s24], [sflag:$0x5], $0x40, s13, s23, $0xb8;
	[tilespmem:$0x1B980] =	vst v63  }
0x10f: {  	_ =	swait.ge [sflag:s15], $0x2000  }
0x110: {  	[sflag:s15] =	ssyncset.done $0x0  }
0x111: {  	[sflag:s15] =	ssyncadd.s32 $0xFFFFE000  }
0x112: {  	_ =	swait.ge [sflag:s26], $0x2000  }
0x113: {  	[sflag:s26] =	ssyncset.done $0x0  }
0x114: {  	[sflag:s26] =	ssyncadd.s32 $0xFFFFE000  }
0x115: {  	_ =	swait.ge [sflag:s29], $0x2000  }
0x116: {  	[sflag:s29] =	ssyncset.done $0x0  }
0x117: {  	[sflag:s29] =	ssyncadd.s32 $0xFFFFE000  }
0x118: {  	_ =	swait.ge [sflag:s31], $0x2000  }
0x119: {  	[sflag:s31] =	ssyncset.done $0x0  }
0x11a: {  	[sflag:s31] =	ssyncadd.s32 $0xFFFFE000  }
0x11b: {  	[bflag:$0x0] =	sbarrier.arrive $0xFFFF  }
0x11c: {  	s7 =	sor.u32 $0x1C09, s10;
	s8 =	rddreg [dreg:$0x7]  }
0x11d: {  	[hbm:s8], [sflag:s7] =	dma.local [spmem:s19], $0x1380  }
.Ltmp7:
0x11e: {  	_ = 	snop;
	(pc) =	sbr.rel @p0 .LBB2_9-.Ltmp7, $4  }
.Ltmp8:
0x11f: {  	_ = 	snop;
	(pc) =	sbr.rel @!p0 .LBB2_8-.Ltmp8, $4  }
0x120: {  	_ =	swait.ge [sflag:s0], $0x1380  }
0x121: {  	[sflag:s0] =	ssyncset.done $0x0  }
0x122: {  	s13 =	rddreg [dreg:$0x4];
	[sflag:s0] =	ssyncadd.s32 $0xFFFFEC80  }
0x123: {  	_ = 	snop  }
.LBB2_10:
0x124: {  	_ =	sfence.sel $0x180000  }
0x125: {  	[bflag:$0x0] =	sbarrier.arrive $0xFFFF  }
0x126: {  	_ =	strace $0x9000004A  }
0x127: {  	s0 =	stileid.u32;
	[bflag:$0x2] =	sbarrier.arrive $0xFFFF  }
0x128: {  	p0 =	sne.s32 s0, $0x0;
	s0 =	rddreg [dreg:$0x2]  }
0x129: {  	s0 =	sadd.s32 @!p0 $0x100000, s0  }
0x12a: {  	[sflag:s0] =	ssyncadd.tile.s32 @!p0 $0x1;
	_ =	shalt  }
.Lfunc_end2:
_tile_overlayer_lowered:
.L_overlay_start_2:
0x12b: {  	(tag) =	ssettag $0x2  }
0x12c: {  	s0 =	rddreg [dreg:$0x0];
	s2 =	stileid.u32  }
0x12d: {  	s1 =	rddreg [dreg:$0x1];
	p0 =	sne.s32 s2, $0x0  }
0x12e: {  	s3 =	rddreg [dreg:$0x2];
	[bflag:$0x3] =	sbarrier.arrive $0xFFFF;
	s2 =	simm.s32 @!p0 $0x1C09  }
0x12f: {  	[timem:s3], [sflag:s2] =	dma.local @!p0 [hbm:s0], s1  }
0x130: {  	s0 =	simm.s32 @!p0 $0x9  }
0x131: {  	_ =	swait.ge @!p0 [sflag:s0], s1  }
0x132: {  	s1 =	ssub.s32 @!p0 $0x0, s1;
	[sflag:s0] =	ssyncset.done @!p0 $0x0  }
0x133: {  	[sflag:s0] =	ssyncadd.s32 @!p0 s1  }
0x134: {  	[bflag:$0x3] =	sbarrier.arrive $0xFFFF  }
0x135: {  	_ =	shalt  }

// kernel: kernel.15.cloned.1.call-start
scs
__scs_entry_jumppad:
0x0: {  	(pc) =	sbr.rel $0x88, $3  }
0x1: {  	(tag) =	ssettag $0x0;
	lr =	simm.s32 $0x1  }
0x2: {  	[smem:$0x3F9B] =	sst lr;
	_ =	strace $0xD0000000  }
0x3: {  	_ = 	snop  }
0x4: {  	_ = 	snop  }
0x5: {  	_ = 	snop  }
0x6: {  	_ = 	snop  }
0x7: {  	_ = 	snop  }
__scs_overlays_trampoline_lowered:
0x8: {  	[smem:$0x3FAA] =	sst s0  }
0x9: {  	[smem:$0x3FAB] =	sst s1  }
0xa: {  	[smem:$0x3FAC] =	sst s2  }
0xb: {  	[smem:$0x3FAD] =	sst s3  }
0xc: {  	[smem:$0x3FAE] =	sst s4  }
0xd: {  	[smem:$0x3FAF] =	sst s5  }
0xe: {  	[smem:$0x3FB0] =	sst s6  }
0xf: {  	[smem:$0x3FB1] =	sst s7  }
0x10: {  	[smem:$0x3FB2] =	sst s8  }
0x11: {  	[smem:$0x3FB3] =	sst s9;
	s0 =	simm.s32 @!p0 $0x0  }
0x12: {  	s1 =	sld [smem:$0x3F99];
	s0 =	simm.s32 @p0 $0x1  }
0x13: {  	[smem:$0x3FB4] =	sst s0;
	s0 =	simm.s32 @!p1 $0x0  }
0x14: {  	s2 =	sld [smem:$0x3F98];
	s0 =	simm.s32 @p1 $0x1  }
0x15: {  	[smem:$0x3FB5] =	sst s0;
	s0 =	simm.s32 @!p2 $0x0  }
0x16: {  	s3 =	sld [smem:$0x3FDB];
	s0 =	simm.s32 @p2 $0x1  }
0x17: {  	s4 =	simm.s32 $0x1BF5;
	[smem:$0x3FB7] =	sst s0  }
0x18: {  	s0 =	sld [smem:$0x3F9A];
	_ =	swait.ge [sflag:s4], $0x0  }
0x19: {  	s7 =	sld [smem:$0x3F9B]  }
0x1a: {  	s8 =	sadd.s32 $0xFFFFE003, lr  }
0x1b: {  	s9 =	sadd.s32 $0xFFFFFEF7, lr;
	s5 =	simm.s32 $0xFFFFFFFF;
	p2 =	slt.u32 s8, $0xFFFFF086  }
0x1c: {  	p1 =	slt.u32 s9, $0xF7A;
	s5 =	simm.s32 @!p2 $0x0  }
0x1d: {  	s5 =	simm.s32 @p1 $0x1;
	p0 =	seq.s32 s7, s2  }
0x1e: {  	s7 =	smul.u32 @!p0 $0xF7A, s2;
	p2 =	seq.s32 @!p0 s5, $0x0  }
0x1f: {  	s9 =	smul.u32 $0xF7A, s1;
	s8 =	simm.s32 @!p0 $0x1BF5;
	p2 =	por !p2, p0  }
0x20: {  	[sflag:s8] =	ssyncset.s32 @!p0 $0xFFFFF086;
	s6 =	sadd.s32 @!p0 s3, s7;
	s7 =	simm.s32 @!p0 $0x108  }
0x21: {  	s3 =	sadd.s32 s3, s9;
	s6 =	sadd.s32 @!p0 $0x88, s6;
	s7 =	simm.s32 @p2 $0x1082  }
0x22: {  	[simem:s7], [sflag:s8] =	dma.local @!p0 [hbm:s6], $0xF7A  }
0x23: {  	s9 =	sor.u32 $0xD0000000, s2;
	s6 =	simm.s32 $0x108;
	_ =	swait.ge @!p0 [sflag:s8], $0x0  }
0x24: {  	s3 =	sadd.s32 $0x88, s3;
	s6 =	simm.s32 @!p1 $0x1082;
	[sflag:s4] =	ssyncset.s32 $0xFFFFF086  }
0x25: {  	[simem:s6], [sflag:s4] =	dma.local [hbm:s3], $0xF7A  }
0x26: {  	[smem:$0x3F9B] =	sst s1;
	(tag) =	ssettag s2;
	_ =	strace s9  }
0x27: {  	s1 =	sld [smem:$0x3FAB]  }
0x28: {  	s2 =	sld [smem:$0x3FAC]  }
0x29: {  	s4 =	sld [smem:$0x3FAE]  }
0x2a: {  	p0 =	seq.s32 s5, $0x0;
	s5 =	sld [smem:$0x3FAF]  }
0x2b: {  	s6 =	sld [smem:$0x3FB0]  }
0x2c: {  	s7 =	sld [smem:$0x3FB1]  }
0x2d: {  	s3 =	simm.s32 $0x108;
	s8 =	sld [smem:$0x3FB2]  }
0x2e: {  	s3 =	simm.s32 @!p0 $0x1082;
	s9 =	sld [smem:$0x3FB3]  }
0x2f: {  	lr =	sadd.s32 s0, s3;
	s0 =	sld [smem:$0x3FAA]  }
0x30: {  	s3 =	sld [smem:$0x3FAD]  }
0x31: {  	[smem:$0x3FB6] =	sst s10  }
0x32: {  	s10 =	sld [smem:$0x3FB4];
	_ =	sdelay $0x3  }
0x33: {  	p0 =	seq.s32 s10, $0x1;
	s10 =	sld [smem:$0x3FB6];
	_ =	sdelay $0x3  }
0x34: {  	[smem:$0x3FB6] =	sst s10  }
0x35: {  	s10 =	sld [smem:$0x3FB5];
	_ =	sdelay $0x3  }
0x36: {  	p1 =	seq.s32 s10, $0x1;
	s10 =	sld [smem:$0x3FB6];
	_ =	sdelay $0x3  }
0x37: {  	[smem:$0x3FB6] =	sst s10  }
0x38: {  	s10 =	sld [smem:$0x3FB7]  }
0x39: {  	_ = 	snop;
	(pc) =	sbr.ind lr, $3  }
0x3a: {  	_ = 	snop  }
0x3b: {  	_ = 	snop  }
0x3c: {  	p2 =	seq.s32 s10, $0x1;
	s10 =	sld [smem:$0x3FB6]  }
0x3d: {  	_ =	shalt  }
0x3e: {  	_ =	shalt  }
0x3f: {  	_ =	shalt  }
0x40: {  	_ =	shalt  }
0x41: {  	_ =	shalt  }
0x42: {  	_ =	shalt  }
0x43: {  	_ =	shalt  }
0x44: {  	_ =	shalt  }
0x45: {  	_ =	shalt  }
0x46: {  	_ =	shalt  }
0x47: {  	_ =	shalt  }
0x48: {  	_ =	shalt  }
0x49: {  	_ =	shalt  }
0x4a: {  	_ =	shalt  }
0x4b: {  	_ =	shalt  }
0x4c: {  	_ =	shalt  }
0x4d: {  	_ =	shalt  }
0x4e: {  	_ =	shalt  }
0x4f: {  	_ =	shalt  }
0x50: {  	_ =	shalt  }
0x51: {  	_ =	shalt  }
0x52: {  	_ =	shalt  }
0x53: {  	_ =	shalt  }
0x54: {  	_ =	shalt  }
0x55: {  	_ =	shalt  }
0x56: {  	_ =	shalt  }
0x57: {  	_ =	shalt  }
0x58: {  	_ =	shalt  }
0x59: {  	_ =	shalt  }
0x5a: {  	_ =	shalt  }
0x5b: {  	_ =	shalt  }
0x5c: {  	_ =	shalt  }
0x5d: {  	_ =	shalt  }
0x5e: {  	_ =	shalt  }
0x5f: {  	_ =	shalt  }
0x60: {  	_ =	shalt  }
0x61: {  	_ =	shalt  }
0x62: {  	_ =	shalt  }
0x63: {  	_ =	shalt  }
0x64: {  	_ =	shalt  }
0x65: {  	_ =	shalt  }
0x66: {  	_ =	shalt  }
0x67: {  	_ =	shalt  }
0x68: {  	_ =	shalt  }
0x69: {  	_ =	shalt  }
0x6a: {  	_ =	shalt  }
0x6b: {  	_ =	shalt  }
0x6c: {  	_ =	shalt  }
0x6d: {  	_ =	shalt  }
0x6e: {  	_ =	shalt  }
0x6f: {  	_ =	shalt  }
0x70: {  	_ =	shalt  }
0x71: {  	_ =	shalt  }
0x72: {  	_ =	shalt  }
0x73: {  	_ =	shalt  }
0x74: {  	_ =	shalt  }
0x75: {  	_ =	shalt  }
0x76: {  	_ =	shalt  }
0x77: {  	_ =	shalt  }
0x78: {  	_ =	shalt  }
0x79: {  	_ =	shalt  }
0x7a: {  	_ =	shalt  }
0x7b: {  	_ =	shalt  }
0x7c: {  	_ =	shalt  }
0x7d: {  	_ =	shalt  }
0x7e: {  	_ =	shalt  }
0x7f: {  	_ =	shalt  }
0x80: {  	_ =	shalt  }
0x81: {  	_ =	shalt  }
0x82: {  	_ =	shalt  }
0x83: {  	_ =	shalt  }
0x84: {  	_ =	shalt  }
0x85: {  	_ =	shalt  }
0x86: {  	_ =	shalt  }
0x87: {  	_ =	shalt  }
.Lfunc_end0:
.L_simem_size_0:
called_computation.2_lowered:
.L_overlay_start_0:
0x88: {  	s2 =	sld [smem:$0x3FD9]  }
0x89: {  	s3 =	sld [smem:$0x3FFE];
	_ =	sdelay $0x1  }
0x8a: {  	s1 =	srdreg.scid  }
0x8b: {  	s0 =	sand.u32 $0x1, s1  }
0x8c: {  	s16 =	sshll.u32 s0, $0xA;
	s2 =	sadd.s32 s3, s2  }
0x8d: {  	s2 =	sadd.s32 s2, s16  }
0x8e: {  	[smem:$0x3FC2] =	sst s2  }
0x8f: {  	_ = 	snop  }
0x90: {  	(tm) =	ssettm $0x1  }
0x91: {  	s17 =	sld [smem:$0x3FFB];
	_ =	sdelay $0x3  }
0x92: {  	_ =	strace s17  }
0x93: {  	s2 =	sld [smem:$0x3FFC];
	_ =	sdelay $0x3  }
0x94: {  	_ =	strace s2  }
0x95: {  	s2 =	sld [smem:$0x3FFD];
	_ =	sdelay $0x3  }
0x96: {  	_ =	strace s2  }
0x97: {  	_ =	strace $0x8FFFFFFF  }
0x98: {  	s18 =	sld [smem:$0x3FDB];
	_ =	sdelay $0x1  }
0x99: {  	s19 =	simm.s32 $_scs_section_size  }
0x9a: {  	s4 =	simm.s32 $_size__tile_overlayer_lowered;
	s5 =	simm.s32 $_tile_overlayer_lowered  }
0x9b: {  	s22 =	simm.s32 $0x1BFF;
	s21 =	sshll.u32 s5, $0x1;
	s2 =	sadd.s32 s19, s18  }
0x9c: {  	s6 =	simm.s32 $0x0;
	s20 =	sshll.u32 s4, $0x1;
	s4 =	sadd.s32 s21, s2  }
0x9d: {  	[timem:s6], [sflag:s22] =	dma.local [hbm:s4], s20  }
0x9e: {  	_ =	swait.ge [sflag:s22], s20  }
0x9f: {  	s3 =	ssub.s32 $0x0, s20;
	[sflag:s22] =	ssyncset.done $0x0  }
0xa0: {  	[sflag:s22] =	ssyncadd.s32 s3;
	_ =	sdelay $0x1  }
0xa1: {  	s23 =	simm.s32 $0x1B8B  }
0xa2: {  	_ =	swait.ge [sflag:s23], $0x1  }
0xa3: {  	[sflag:s23] =	ssyncset.done $0x0  }
0xa4: {  	s25 =	simm.s32 $0x1B8E;
	s24 =	sld [smem:$0x3FFE];
	[sflag:s23] =	ssyncadd.s32 $0xFFFFFFFF  }
0xa5: {  	s26 =	simm.s32 $execute0_lowered;
	[smem:$0x3FD2] =	sst s25  }
0xa6: {  	s4 =	sshll.u32 s26, $0x1;
	_ =	strace $0x8000004C;
	[dreg:$0x1] =	wrdreg $0xFFFFFFFF  }
0xa7: {  	s28 =	simm.s32 $_size_execute0_lowered;
	s2 =	sadd.s32 s2, s4;
	[dreg:$0x0] =	wrdreg $0x0  }
0xa8: {  	s4 =	sshll.u32 s28, $0x1;
	[dreg:$0x2] =	wrdreg s2  }
0xa9: {  	[dreg:$0x3] =	wrdreg s4  }
0xaa: {  	[dreg:$0x4] =	wrdreg $0xC0  }
0xab: {  	_ =	task [dreg:s6], $0x5FFFF  }
0xac: {  	[dreg:$0x1] =	wrdreg $0xFFFFFFFF  }
0xad: {  	[dreg:$0x0] =	wrdreg $0x60  }
0xae: {  	[dreg:$0x2] =	wrdreg s24  }
0xaf: {  	[dreg:$0x3] =	wrdreg $0x11D000  }
0xb0: {  	[dreg:$0x4] =	wrdreg $0x9  }
0xb1: {  	_ =	task.clear_ibuf [dreg:s6], $0x5FFFF;
	_ =	strace $0x9000004C  }
0xb2: {  	s29 =	simm.s32 $0x9;
	_ =	strace $0x8000004E  }
0xb3: {  	_ =	swait.ge [sflag:s29], $0x1  }
0xb4: {  	[sflag:s29] =	ssyncadd.s32 $0xFFFFFFFF  }
0xb5: {  	_ =	strace $0x9000004E  }
0xb6: {  	_ =	sfence  }
0xb7: {  	s30 =	sld [smem:$0x0];
	_ =	sdelay $0x2  }
0xb8: {  	s31 =	sshll.u32 s1, $0xD;
	s1 =	sshrl.u32 s1, $0x2  }
0xb9: {  	s3 =	sand.u32 $0x4000, s31;
	s1 =	sadd.s32 s1, s30  }
0xba: {  	s0 =	sor.u32 s3, s0;
	s1 =	sshll.u32 s1, $0x11  }
0xbb: {  	s0 =	sor.u32 s1, s0  }
0xbc: {  	s0 =	sadd.s32 $0x8F2B, s0  }
0xbd: {  	[sflag:s0] =	ssyncadd.remote.s32 $0x1  }
0xbe: {  	_ =	sfence.sel $0xFFFF  }
0xbf: {  	[dreg:$0x0] =	wrdreg $0xFFFFFFFF;
	(pc) =	sbr.abs _section_cstart, $3  }
0xc0: {  	[dreg:$0x1] =	wrdreg $0xFFFFFFFF  }
0xc1: {  	_ =	task.clear_ibuf [dreg:s6], $0x2FFFF;
	_ =	strace $0x9FFFFFFF  }
0xc2: {  	(tm) =	ssettm $0x7FFFFFFF  }
0xc3: {  	_ =	shalt  }
tec
execute0_lowered:
.L_overlay_start_1:
0x0: {  	(tag) =	ssettag $0x1  }
0x1: {  	s0 =	rddreg [dreg:$0x0]  }
0x2: {  	s2 =	rddreg [dreg:$0x1]  }
0x3: {  	s3 =	simm.s32 $0x0;
	s16 =	stileid.u32;
	s5 =	srdreg.scid  }
0x4: {  	s21 =	simm.s32 $0x1;
	s22 =	simm.s32 $0x2;
	s23 =	simm.s32 $0x80  }
0x5: {  	s28 =	simm.s32 $0xDD00;
	s30 =	simm.s32 $0xFD00;
	s31 =	simm.s32 $0x5  }
0x6: {  	s29 =	simm.s32 $0x8;
	[smem:$0x7FF] =	sst s3;
	s1 =	smul.u32 $0x9C00, s16  }
0x7: {  	s4 =	sadd.s32 $0xB4400, s0;
	s6 =	smul.u32 $0x9D0, s16;
	s7 =	sand.u32 $0x1, s5  }
0x8: {  	s5 =	sadd.s32 $0xA0A00, s0;
	s17 =	sadd.s32 $0xDB800, s0;
	s18 =	sadd.s32 $0xC7E00, s0  }
0x9: {  	s10 =	sshll.u32 s16, $0x6;
	s14 =	sadd.s32 $0x52400, s0;
	p0 =	sne.s32 s16, $0xF  }
0xa: {  	p2 =	seq.s32 s16, $0xF;
	s16 =	simm.s32 $0x4;
	_ =	strace $0x8000004D  }
0xb: {  	s8 =	ssub.s32 $0x2, s7;
	s12 =	sor.u32 $0x1C05, s10;
	[dreg:$0x4] =	wrdreg s18  }
0xc: {  	[dreg:$0x3] =	wrdreg s17;
	p1 =	sne.s32 s7, $0x0;
	s13 =	sshrl.u32 s1, $0x3  }
0xd: {  	s6 =	sadd.s32 s6, s0;
	s9 =	sshrl.u32 s8, $0x1;
	s1 =	sadd.s32 s1, s2  }
0xe: {  	s11 =	sadd.s32 s13, s0;
	s15 =	ssub.s32 s8, s9;
	s24 =	sadd.s32 $0x3E00, s6  }
0xf: {  	s9 =	sadd.s32 $0xDB00, s6;
	s6 =	sadd.s32 $0x9C000, s2;
	s25 =	sadd.s32 s18, s13  }
0x10: {  	s26 =	sadd.s32 s17, s13;
	s18 =	simm.s32 $0x4E80;
	[dreg:$0x5] =	wrdreg s24  }
.Ltmp0:
0x11: {  	s19 =	sshrl.u32 s1, $0x3;
	[dreg:$0x7] =	wrdreg s25;
	(pc) =	sbr.rel .LBB2_1-.Ltmp0, $4  }
0x12: {  	s1 =	simm.s32 $0x3;
	s0 =	simm.s32 $0x9;
	[dreg:$0x8] =	wrdreg s26  }
0x13: {  	s11 =	sadd.s32 $0x3EC00, s11;
	s17 =	smax.u32 s15, $0x1;
	[dreg:$0x6] =	wrdreg s6  }
0x14: {  	s20 =	sshrl.u32 @!p0 s6, $0x3;
	s24 =	simm.s32 $0x9D00;
	s25 =	simm.s32 $0xBD00  }
0x15: {  	s15 =	simm.s32 $0x6;
	s26 =	simm.s32 $0x7;
	s6 =	simm.s32 $0x0  }
.LBB2_8:
0x16: {  	s8 =	sadd.s32 $0x13800, s13;
	s13 =	rddreg [dreg:$0x6]  }
0x17: {  	s13 =	sshrl.u32 s13, $0x3  }
0x18: {  	[hbm:s8], [sflag:s7] =	dma.local [spmem:s13], $0x80  }
0x19: {  	_ =	swait.ge [sflag:s0], $0x80  }
0x1a: {  	[sflag:s0] =	ssyncset.done $0x0  }
0x1b: {  	[sflag:s0] =	ssyncadd.s32 $0xFFFFFF80  }
.LBB2_9:
0x1c: {  	s6 =	sadd.s32 $0x1, s6  }
0x1d: {  	p3 =	sne.s32 s6, s17  }
.Ltmp1:
0x1e: {  	_ = 	snop;
	(pc) =	sbr.rel @!p3 .LBB2_10-.Ltmp1, $1  }
0x1f: {  	_ =	sdelay $0x3  }
.LBB2_1:
0x20: {  	s7 =	rddreg [dreg:$0x5]  }
0x21: {  	[tilespmem:s3], [sflag:$0x1] =	stream.linear.gather [hbm4b:s7+s3], $0x4E80, $0x38;
	[tilespmem:$0x1B980] =	vst v63  }
0x22: {  	_ = 	snop  }
0x23: {  	[tilespmem:s18], [sflag:$0x2] =	stream.linear.gather [hbm4b:s9+s3], $0x4E80, $0x38;
	[tilespmem:$0x1B980] =	vst v63  }
0x24: {  	[spmem:s19], [sflag:s12] =	dma.local [hbm:s11], $0x1380  }
0x25: {  	[spmem:s20], [sflag:s12] =	dma.local @!p0 [hbm:s14], $0x80  }
0x26: {  	_ =	swait.ge [sflag:s21], $0x4E80  }
.Ltmp2:
0x27: {  	[sflag:s21] =	ssyncset.done $0x0;
	(pc) =	sbr.rel @p1 .LBB2_5-.Ltmp2, $4  }
0x28: {  	[sflag:s21] =	ssyncadd.s32 $0xFFFFB180  }
0x29: {  	_ =	swait.ge [sflag:s22], $0x4E80  }
0x2a: {  	[sflag:s22] =	ssyncset.done $0x0  }
0x2b: {  	[sflag:s22] =	ssyncadd.s32 $0xFFFFB180  }
0x2c: {  	[tilespmem:s24], [sflag:$0x1] =	stream.indirect.gather [hbm4b:s4+s23], $0x40, s3, s23, $0xb8;
	[tilespmem:$0x1B980] =	vst v63  }
0x2d: {  	_ = 	snop  }
0x2e: {  	[tilespmem:s25], [sflag:$0x2] =	stream.indirect.gather [hbm4b:s4+s23], $0x40, s23, s23, $0xb8;
	[tilespmem:$0x1B980] =	vst v63  }
0x2f: {  	s7 =	simm.s32 $0x100  }
0x30: {  	[tilespmem:s28], [sflag:$0x3] =	stream.indirect.gather [hbm4b:s4+s23], $0x40, s7, s23, $0xb8;
	[tilespmem:$0x1B980] =	vst v63  }
0x31: {  	s13 =	simm.s32 $0x180  }
0x32: {  	[tilespmem:s30], [sflag:$0x4] =	stream.indirect.gather [hbm4b:s4+s23], $0x40, s13, s23, $0xb8;
	[tilespmem:$0x1B980] =	vst v63  }
0x33: {  	_ =	swait.ge [sflag:s31], $0x1380  }
0x34: {  	[sflag:s31] =	ssyncset.done $0x0  }
0x35: {  	s7 =	simm.s32 @!p0 $0x5;
	[sflag:s31] =	ssyncadd.s32 $0xFFFFEC80  }
0x36: {  	_ =	swait.ge @!p0 [sflag:s7], $0x80  }
0x37: {  	[sflag:s7] =	ssyncset.done @!p0 $0x0  }
0x38: {  	[sflag:s7] =	ssyncadd.s32 @!p0 $0xFFFFFF80  }
0x39: {  	[bflag:$0x0] =	sbarrier.arrive $0xFFFF  }
0x3a: {  	_ =	swait.ge [sflag:s21], $0x2000  }
0x3b: {  	[sflag:s21] =	ssyncset.done $0x0  }
0x3c: {  	[sflag:s21] =	ssyncadd.s32 $0xFFFFE000  }
0x3d: {  	[spmem:s2] =	stream.indirect.scatter.add.f32 [tilespmem:s24], [sflag:$0x5], $0x40, s18, s23, $0xb8;
	[tilespmem:$0x1B980] =	vst v63  }
0x3e: {  	_ =	swait.ge [sflag:s22], $0x2000  }
0x3f: {  	[sflag:s22] =	ssyncset.done $0x0  }
0x40: {  	s8 =	simm.s32 $0x4F00;
	[sflag:s22] =	ssyncadd.s32 $0xFFFFE000  }
0x41: {  	[spmem:s2] =	stream.indirect.scatter.add.f32 [tilespmem:s25], [sflag:$0x6], $0x40, s8, s23, $0xb8;
	[tilespmem:$0x1B980] =	vst v63  }
0x42: {  	_ =	swait.ge [sflag:s31], $0x2000  }
0x43: {  	[sflag:s31] =	ssyncset.done $0x0  }
0x44: {  	s13 =	simm.s32 $0x200;
	[sflag:s31] =	ssyncadd.s32 $0xFFFFE000  }
0x45: {  	[tilespmem:s24], [sflag:$0x1] =	stream.indirect.gather [hbm4b:s4+s23], $0x40, s13, s23, $0xb8;
	[tilespmem:$0x1B980] =	vst v63  }
0x46: {  	_ =	swait.ge [sflag:s1], $0x2000  }
0x47: {  	[sflag:s1] =	ssyncset.done $0x0  }
0x48: {  	s8 =	simm.s32 $0x4F80;
	[sflag:s1] =	ssyncadd.s32 $0xFFFFE000  }
0x49: {  	[spmem:s2] =	stream.indirect.scatter.add.f32 [tilespmem:s28], [sflag:$0x7], $0x40, s8, s23, $0xb8;
	[tilespmem:$0x1B980] =	vst v63  }
0x4a: {  	_ =	swait.ge [sflag:s15], $0x2000  }
0x4b: {  	[sflag:s15] =	ssyncset.done $0x0  }
0x4c: {  	s13 =	simm.s32 $0x280;
	[sflag:s15] =	ssyncadd.s32 $0xFFFFE000  }
0x4d: {  	[tilespmem:s25], [sflag:$0x2] =	stream.indirect.gather [hbm4b:s4+s23], $0x40, s13, s23, $0xb8;
	[tilespmem:$0x1B980] =	vst v63  }
0x4e: {  	_ =	swait.ge [sflag:s16], $0x2000  }
0x4f: {  	[sflag:s16] =	ssyncset.done $0x0  }
0x50: {  	s8 =	simm.s32 $0x5000;
	[sflag:s16] =	ssyncadd.s32 $0xFFFFE000  }
0x51: {  	[spmem:s2] =	stream.indirect.scatter.add.f32 [tilespmem:s30], [sflag:$0x8], $0x40, s8, s23, $0xb8;
	[tilespmem:$0x1B980] =	vst v63  }
0x52: {  	_ =	swait.ge [sflag:s26], $0x2000  }
0x53: {  	[sflag:s26] =	ssyncset.done $0x0  }
0x54: {  	s13 =	simm.s32 $0x300;
	[sflag:s26] =	ssyncadd.s32 $0xFFFFE000  }
0x55: {  	[tilespmem:s28], [sflag:$0x3] =	stream.indirect.gather [hbm4b:s4+s23], $0x40, s13, s23, $0xb8;
	[tilespmem:$0x1B980] =	vst v63  }
0x56: {  	_ =	swait.ge [sflag:s21], $0x2000  }
0x57: {  	[sflag:s21] =	ssyncset.done $0x0  }
0x58: {  	s8 =	simm.s32 $0x5080;
	[sflag:s21] =	ssyncadd.s32 $0xFFFFE000  }
0x59: {  	[spmem:s2] =	stream.indirect.scatter.add.f32 [tilespmem:s24], [sflag:$0x5], $0x40, s8, s23, $0xb8;
	[tilespmem:$0x1B980] =	vst v63  }
0x5a: {  	_ =	swait.ge [sflag:s29], $0x2000  }
0x5b: {  	[sflag:s29] =	ssyncset.done $0x0  }
0x5c: {  	s13 =	simm.s32 $0x380;
	[sflag:s29] =	ssyncadd.s32 $0xFFFFE000  }
0x5d: {  	[tilespmem:s30], [sflag:$0x4] =	stream.indirect.gather [hbm4b:s4+s23], $0x40, s13, s23, $0xb8;
	[tilespmem:$0x1B980] =	vst v63  }
0x5e: {  	_ =	swait.ge [sflag:s22], $0x2000  }
0x5f: {  	[sflag:s22] =	ssyncset.done $0x0  }
0x60: {  	s7 =	simm.s32 $0x800;
	s13 =	simm.s32 $0x5100;
	[sflag:s22] =	ssyncadd.s32 $0xFFFFE000  }
.LBB2_3:
0x61: {  	[spmem:s2] =	stream.indirect.scatter.add.f32 [tilespmem:s25], [sflag:$0x6], $0x40, s13, s23, $0xb8;
	[tilespmem:$0x1B980] =	vst v63  }
0x62: {  	s13 =	smov.u32 s7  }
0x63: {  	p3 =	sne.s32 s7, $0x12800;
	s7 =	sadd.s32 $0x800, s7;
	_ =	swait.ge [sflag:s31], $0x2000  }
0x64: {  	s13 =	sshra.s32 s13, $0x2;
	[sflag:s31] =	ssyncset.done $0x0  }
0x65: {  	s8 =	sadd.s32 $0x200, s13;
	[sflag:s31] =	ssyncadd.s32 $0xFFFFE000  }
0x66: {  	[tilespmem:s24], [sflag:$0x1] =	stream.indirect.gather [hbm4b:s4+s23], $0x40, s8, s23, $0xb8;
	[tilespmem:$0x1B980] =	vst v63  }
0x67: {  	_ =	swait.ge [sflag:s1], $0x2000  }
0x68: {  	[sflag:s1] =	ssyncset.done $0x0  }
0x69: {  	s8 =	sadd.s32 $0x4F80, s13;
	[sflag:s1] =	ssyncadd.s32 $0xFFFFE000  }
0x6a: {  	[spmem:s2] =	stream.indirect.scatter.add.f32 [tilespmem:s28], [sflag:$0x7], $0x40, s8, s23, $0xb8;
	[tilespmem:$0x1B980] =	vst v63  }
0x6b: {  	_ =	swait.ge [sflag:s15], $0x2000  }
0x6c: {  	[sflag:s15] =	ssyncset.done $0x0  }
0x6d: {  	s8 =	sadd.s32 $0x280, s13;
	[sflag:s15] =	ssyncadd.s32 $0xFFFFE000  }
0x6e: {  	[tilespmem:s25], [sflag:$0x2] =	stream.indirect.gather [hbm4b:s4+s23], $0x40, s8, s23, $0xb8;
	[tilespmem:$0x1B980] =	vst v63  }
0x6f: {  	_ =	swait.ge [sflag:s16], $0x2000  }
0x70: {  	[sflag:s16] =	ssyncset.done $0x0  }
0x71: {  	s8 =	sadd.s32 $0x5000, s13;
	[sflag:s16] =	ssyncadd.s32 $0xFFFFE000  }
0x72: {  	[spmem:s2] =	stream.indirect.scatter.add.f32 [tilespmem:s30], [sflag:$0x8], $0x40, s8, s23, $0xb8;
	[tilespmem:$0x1B980] =	vst v63  }
0x73: {  	_ =	swait.ge [sflag:s26], $0x2000  }
0x74: {  	[sflag:s26] =	ssyncset.done $0x0  }
0x75: {  	s8 =	sadd.s32 $0x300, s13;
	[sflag:s26] =	ssyncadd.s32 $0xFFFFE000  }
0x76: {  	[tilespmem:s28], [sflag:$0x3] =	stream.indirect.gather [hbm4b:s4+s23], $0x40, s8, s23, $0xb8;
	[tilespmem:$0x1B980] =	vst v63  }
0x77: {  	_ =	swait.ge [sflag:s21], $0x2000  }
0x78: {  	[sflag:s21] =	ssyncset.done $0x0  }
0x79: {  	s8 =	sadd.s32 $0x5080, s13;
	[sflag:s21] =	ssyncadd.s32 $0xFFFFE000  }
0x7a: {  	[spmem:s2] =	stream.indirect.scatter.add.f32 [tilespmem:s24], [sflag:$0x5], $0x40, s8, s23, $0xb8;
	[tilespmem:$0x1B980] =	vst v63  }
0x7b: {  	_ =	swait.ge [sflag:s29], $0x2000  }
0x7c: {  	[sflag:s29] =	ssyncset.done $0x0  }
.Ltmp3:
0x7d: {  	s8 =	sadd.s32 $0x380, s13;
	[sflag:s29] =	ssyncadd.s32 $0xFFFFE000;
	(pc) =	sbr.rel @p3 .LBB2_3-.Ltmp3, $4  }
0x7e: {  	[tilespmem:s30], [sflag:$0x4] =	stream.indirect.gather [hbm4b:s4+s23], $0x40, s8, s23, $0xb8;
	[tilespmem:$0x1B980] =	vst v63  }
0x7f: {  	_ =	swait.ge [sflag:s22], $0x2000  }
0x80: {  	[sflag:s22] =	ssyncset.done $0x0  }
0x81: {  	s13 =	sadd.s32 $0x5100, s13;
	[sflag:s22] =	ssyncadd.s32 $0xFFFFE000  }
0x82: {  	[spmem:s2] =	stream.indirect.scatter.add.f32 [tilespmem:s25], [sflag:$0x6], $0x40, s13, s23, $0xb8;
	[tilespmem:$0x1B980] =	vst v63  }
0x83: {  	_ =	swait.ge [sflag:s31], $0x2000  }
0x84: {  	[sflag:s31] =	ssyncset.done $0x0  }
0x85: {  	s7 =	simm.s32 $0x4E00;
	[sflag:s31] =	ssyncadd.s32 $0xFFFFE000  }
0x86: {  	[tilespmem:s24], [sflag:$0x1] =	stream.indirect.gather [hbm4b:s4+s23], $0x40, s7, s23, $0xb8;
	[tilespmem:$0x1B980] =	vst v63  }
0x87: {  	_ =	swait.ge [sflag:s1], $0x2000  }
0x88: {  	[sflag:s1] =	ssyncset.done $0x0  }
0x89: {  	s13 =	simm.s32 $0x9B80;
	[sflag:s1] =	ssyncadd.s32 $0xFFFFE000  }
0x8a: {  	[spmem:s2] =	stream.indirect.scatter.add.f32 [tilespmem:s28], [sflag:$0x7], $0x40, s13, s23, $0xb8;
	[tilespmem:$0x1B980] =	vst v63  }
0x8b: {  	_ =	swait.ge [sflag:s16], $0x2000  }
0x8c: {  	[sflag:s16] =	ssyncset.done $0x0  }
0x8d: {  	s8 =	simm.s32 $0x9C00;
	[sflag:s16] =	ssyncadd.s32 $0xFFFFE000  }
0x8e: {  	[spmem:s2] =	stream.indirect.scatter.add.f32 [tilespmem:s30], [sflag:$0x8], $0x40, s8, s23, $0xb8;
	[tilespmem:$0x1B980] =	vst v63  }
0x8f: {  	_ =	swait.ge [sflag:s21], $0x2000  }
0x90: {  	[sflag:s21] =	ssyncset.done $0x0  }
0x91: {  	s13 =	simm.s32 $0x9C80;
	[sflag:s21] =	ssyncadd.s32 $0xFFFFE000  }
0x92: {  	[spmem:s2] =	stream.indirect.scatter.add.f32 [tilespmem:s24], [sflag:$0x5], $0x40, s13, s23, $0xb8;
	[tilespmem:$0x1B980] =	vst v63  }
0x93: {  	_ =	swait.ge [sflag:s15], $0x2000  }
0x94: {  	[sflag:s15] =	ssyncset.done $0x0  }
0x95: {  	[sflag:s15] =	ssyncadd.s32 $0xFFFFE000  }
0x96: {  	_ =	swait.ge [sflag:s26], $0x2000  }
0x97: {  	[sflag:s26] =	ssyncset.done $0x0  }
0x98: {  	[sflag:s26] =	ssyncadd.s32 $0xFFFFE000  }
0x99: {  	_ =	swait.ge [sflag:s29], $0x2000  }
0x9a: {  	[sflag:s29] =	ssyncset.done $0x0  }
0x9b: {  	[sflag:s29] =	ssyncadd.s32 $0xFFFFE000  }
0x9c: {  	_ =	swait.ge [sflag:s31], $0x2000  }
0x9d: {  	[sflag:s31] =	ssyncset.done $0x0  }
0x9e: {  	[sflag:s31] =	ssyncadd.s32 $0xFFFFE000  }
0x9f: {  	[bflag:$0x0] =	sbarrier.arrive $0xFFFF  }
0xa0: {  	s7 =	sor.u32 $0x1C09, s10;
	s8 =	rddreg [dreg:$0x8]  }
0xa1: {  	[hbm:s8], [sflag:s7] =	dma.local [spmem:s19], $0x1380  }
.Ltmp4:
0xa2: {  	_ = 	snop;
	(pc) =	sbr.rel @p2 .LBB2_8-.Ltmp4, $4  }
.Ltmp5:
0xa3: {  	_ = 	snop;
	(pc) =	sbr.rel @!p2 .LBB2_9-.Ltmp5, $4  }
0xa4: {  	_ =	swait.ge [sflag:s0], $0x1380  }
0xa5: {  	[sflag:s0] =	ssyncset.done $0x0  }
0xa6: {  	s13 =	rddreg [dreg:$0x3];
	[sflag:s0] =	ssyncadd.s32 $0xFFFFEC80  }
0xa7: {  	_ = 	snop  }
.LBB2_5:
0xa8: {  	[tilespmem:s24], [sflag:$0x1] =	stream.indirect.gather [hbm4b:s5+s23], $0x40, s3, s23, $0xb8;
	[tilespmem:$0x1B980] =	vst v63  }
0xa9: {  	_ = 	snop  }
0xaa: {  	[tilespmem:s25], [sflag:$0x2] =	stream.indirect.gather [hbm4b:s5+s23], $0x40, s23, s23, $0xb8;
	[tilespmem:$0x1B980] =	vst v63  }
0xab: {  	s7 =	simm.s32 $0x100  }
0xac: {  	[tilespmem:s28], [sflag:$0x3] =	stream.indirect.gather [hbm4b:s5+s23], $0x40, s7, s23, $0xb8;
	[tilespmem:$0x1B980] =	vst v63  }
0xad: {  	s13 =	simm.s32 $0x180  }
0xae: {  	[tilespmem:s30], [sflag:$0x4] =	stream.indirect.gather [hbm4b:s5+s23], $0x40, s13, s23, $0xb8;
	[tilespmem:$0x1B980] =	vst v63  }
0xaf: {  	_ =	swait.ge [sflag:s31], $0x1380  }
0xb0: {  	[sflag:s31] =	ssyncset.done $0x0  }
0xb1: {  	s7 =	simm.s32 @!p0 $0x5;
	[sflag:s31] =	ssyncadd.s32 $0xFFFFEC80  }
0xb2: {  	_ =	swait.ge @!p0 [sflag:s7], $0x80  }
0xb3: {  	[sflag:s7] =	ssyncset.done @!p0 $0x0  }
0xb4: {  	[sflag:s7] =	ssyncadd.s32 @!p0 $0xFFFFFF80  }
0xb5: {  	[bflag:$0x0] =	sbarrier.arrive $0xFFFF  }
0xb6: {  	_ =	swait.ge [sflag:s21], $0x2000  }
0xb7: {  	[sflag:s21] =	ssyncset.done $0x0  }
0xb8: {  	[sflag:s21] =	ssyncadd.s32 $0xFFFFE000  }
0xb9: {  	[spmem:s2] =	stream.indirect.scatter.add.f32 [tilespmem:s24], [sflag:$0x5], $0x40, s18, s23, $0xb8;
	[tilespmem:$0x1B980] =	vst v63  }
0xba: {  	_ =	swait.ge [sflag:s22], $0x2000  }
0xbb: {  	[sflag:s22] =	ssyncset.done $0x0  }
0xbc: {  	s8 =	simm.s32 $0x4F00;
	[sflag:s22] =	ssyncadd.s32 $0xFFFFE000  }
0xbd: {  	[spmem:s2] =	stream.indirect.scatter.add.f32 [tilespmem:s25], [sflag:$0x6], $0x40, s8, s23, $0xb8;
	[tilespmem:$0x1B980] =	vst v63  }
0xbe: {  	_ =	swait.ge [sflag:s31], $0x2000  }
0xbf: {  	[sflag:s31] =	ssyncset.done $0x0  }
0xc0: {  	s13 =	simm.s32 $0x200;
	[sflag:s31] =	ssyncadd.s32 $0xFFFFE000  }
0xc1: {  	[tilespmem:s24], [sflag:$0x1] =	stream.indirect.gather [hbm4b:s5+s23], $0x40, s13, s23, $0xb8;
	[tilespmem:$0x1B980] =	vst v63  }
0xc2: {  	_ =	swait.ge [sflag:s1], $0x2000  }
0xc3: {  	[sflag:s1] =	ssyncset.done $0x0  }
0xc4: {  	s8 =	simm.s32 $0x4F80;
	[sflag:s1] =	ssyncadd.s32 $0xFFFFE000  }
0xc5: {  	[spmem:s2] =	stream.indirect.scatter.add.f32 [tilespmem:s28], [sflag:$0x7], $0x40, s8, s23, $0xb8;
	[tilespmem:$0x1B980] =	vst v63  }
0xc6: {  	_ =	swait.ge [sflag:s15], $0x2000  }
0xc7: {  	[sflag:s15] =	ssyncset.done $0x0  }
0xc8: {  	s13 =	simm.s32 $0x280;
	[sflag:s15] =	ssyncadd.s32 $0xFFFFE000  }
0xc9: {  	[tilespmem:s25], [sflag:$0x2] =	stream.indirect.gather [hbm4b:s5+s23], $0x40, s13, s23, $0xb8;
	[tilespmem:$0x1B980] =	vst v63  }
0xca: {  	_ =	swait.ge [sflag:s16], $0x2000  }
0xcb: {  	[sflag:s16] =	ssyncset.done $0x0  }
0xcc: {  	s8 =	simm.s32 $0x5000;
	[sflag:s16] =	ssyncadd.s32 $0xFFFFE000  }
0xcd: {  	[spmem:s2] =	stream.indirect.scatter.add.f32 [tilespmem:s30], [sflag:$0x8], $0x40, s8, s23, $0xb8;
	[tilespmem:$0x1B980] =	vst v63  }
0xce: {  	_ =	swait.ge [sflag:s26], $0x2000  }
0xcf: {  	[sflag:s26] =	ssyncset.done $0x0  }
0xd0: {  	s13 =	simm.s32 $0x300;
	[sflag:s26] =	ssyncadd.s32 $0xFFFFE000  }
0xd1: {  	[tilespmem:s28], [sflag:$0x3] =	stream.indirect.gather [hbm4b:s5+s23], $0x40, s13, s23, $0xb8;
	[tilespmem:$0x1B980] =	vst v63  }
0xd2: {  	_ =	swait.ge [sflag:s21], $0x2000  }
0xd3: {  	[sflag:s21] =	ssyncset.done $0x0  }
0xd4: {  	s8 =	simm.s32 $0x5080;
	[sflag:s21] =	ssyncadd.s32 $0xFFFFE000  }
0xd5: {  	[spmem:s2] =	stream.indirect.scatter.add.f32 [tilespmem:s24], [sflag:$0x5], $0x40, s8, s23, $0xb8;
	[tilespmem:$0x1B980] =	vst v63  }
0xd6: {  	_ =	swait.ge [sflag:s29], $0x2000  }
0xd7: {  	[sflag:s29] =	ssyncset.done $0x0  }
0xd8: {  	s13 =	simm.s32 $0x380;
	[sflag:s29] =	ssyncadd.s32 $0xFFFFE000  }
0xd9: {  	[tilespmem:s30], [sflag:$0x4] =	stream.indirect.gather [hbm4b:s5+s23], $0x40, s13, s23, $0xb8;
	[tilespmem:$0x1B980] =	vst v63  }
0xda: {  	_ =	swait.ge [sflag:s22], $0x2000  }
0xdb: {  	[sflag:s22] =	ssyncset.done $0x0  }
0xdc: {  	s7 =	simm.s32 $0x800;
	s13 =	simm.s32 $0x5100;
	[sflag:s22] =	ssyncadd.s32 $0xFFFFE000  }
.LBB2_6:
0xdd: {  	[spmem:s2] =	stream.indirect.scatter.add.f32 [tilespmem:s25], [sflag:$0x6], $0x40, s13, s23, $0xb8;
	[tilespmem:$0x1B980] =	vst v63  }
0xde: {  	s8 =	smov.u32 s7  }
0xdf: {  	p3 =	sne.s32 s7, $0x12800;
	s7 =	sadd.s32 $0x800, s7;
	_ =	swait.ge [sflag:s31], $0x2000  }
0xe0: {  	s13 =	sshra.s32 s8, $0x2;
	[sflag:s31] =	ssyncset.done $0x0  }
0xe1: {  	s8 =	sadd.s32 $0x200, s13;
	[sflag:s31] =	ssyncadd.s32 $0xFFFFE000  }
0xe2: {  	[tilespmem:s24], [sflag:$0x1] =	stream.indirect.gather [hbm4b:s5+s23], $0x40, s8, s23, $0xb8;
	[tilespmem:$0x1B980] =	vst v63  }
0xe3: {  	_ =	swait.ge [sflag:s1], $0x2000  }
0xe4: {  	[sflag:s1] =	ssyncset.done $0x0  }
0xe5: {  	s8 =	sadd.s32 $0x4F80, s13;
	[sflag:s1] =	ssyncadd.s32 $0xFFFFE000  }
0xe6: {  	[spmem:s2] =	stream.indirect.scatter.add.f32 [tilespmem:s28], [sflag:$0x7], $0x40, s8, s23, $0xb8;
	[tilespmem:$0x1B980] =	vst v63  }
0xe7: {  	_ =	swait.ge [sflag:s15], $0x2000  }
0xe8: {  	[sflag:s15] =	ssyncset.done $0x0  }
0xe9: {  	s8 =	sadd.s32 $0x280, s13;
	[sflag:s15] =	ssyncadd.s32 $0xFFFFE000  }
0xea: {  	[tilespmem:s25], [sflag:$0x2] =	stream.indirect.gather [hbm4b:s5+s23], $0x40, s8, s23, $0xb8;
	[tilespmem:$0x1B980] =	vst v63  }
0xeb: {  	_ =	swait.ge [sflag:s16], $0x2000  }
0xec: {  	[sflag:s16] =	ssyncset.done $0x0  }
0xed: {  	s8 =	sadd.s32 $0x5000, s13;
	[sflag:s16] =	ssyncadd.s32 $0xFFFFE000  }
0xee: {  	[spmem:s2] =	stream.indirect.scatter.add.f32 [tilespmem:s30], [sflag:$0x8], $0x40, s8, s23, $0xb8;
	[tilespmem:$0x1B980] =	vst v63  }
0xef: {  	_ =	swait.ge [sflag:s26], $0x2000  }
0xf0: {  	[sflag:s26] =	ssyncset.done $0x0  }
0xf1: {  	s8 =	sadd.s32 $0x300, s13;
	[sflag:s26] =	ssyncadd.s32 $0xFFFFE000  }
0xf2: {  	[tilespmem:s28], [sflag:$0x3] =	stream.indirect.gather [hbm4b:s5+s23], $0x40, s8, s23, $0xb8;
	[tilespmem:$0x1B980] =	vst v63  }
0xf3: {  	_ =	swait.ge [sflag:s21], $0x2000  }
0xf4: {  	[sflag:s21] =	ssyncset.done $0x0  }
0xf5: {  	s8 =	sadd.s32 $0x5080, s13;
	[sflag:s21] =	ssyncadd.s32 $0xFFFFE000  }
0xf6: {  	[spmem:s2] =	stream.indirect.scatter.add.f32 [tilespmem:s24], [sflag:$0x5], $0x40, s8, s23, $0xb8;
	[tilespmem:$0x1B980] =	vst v63  }
0xf7: {  	_ =	swait.ge [sflag:s29], $0x2000  }
0xf8: {  	[sflag:s29] =	ssyncset.done $0x0  }
.Ltmp6:
0xf9: {  	s8 =	sadd.s32 $0x380, s13;
	[sflag:s29] =	ssyncadd.s32 $0xFFFFE000;
	(pc) =	sbr.rel @p3 .LBB2_6-.Ltmp6, $4  }
0xfa: {  	[tilespmem:s30], [sflag:$0x4] =	stream.indirect.gather [hbm4b:s5+s23], $0x40, s8, s23, $0xb8;
	[tilespmem:$0x1B980] =	vst v63  }
0xfb: {  	_ =	swait.ge [sflag:s22], $0x2000  }
0xfc: {  	[sflag:s22] =	ssyncset.done $0x0  }
0xfd: {  	s13 =	sadd.s32 $0x5100, s13;
	[sflag:s22] =	ssyncadd.s32 $0xFFFFE000  }
0xfe: {  	[spmem:s2] =	stream.indirect.scatter.add.f32 [tilespmem:s25], [sflag:$0x6], $0x40, s13, s23, $0xb8;
	[tilespmem:$0x1B980] =	vst v63  }
0xff: {  	_ =	swait.ge [sflag:s31], $0x2000  }
0x100: {  	[sflag:s31] =	ssyncset.done $0x0  }
0x101: {  	s7 =	simm.s32 $0x4E00;
	[sflag:s31] =	ssyncadd.s32 $0xFFFFE000  }
0x102: {  	[tilespmem:s24], [sflag:$0x1] =	stream.indirect.gather [hbm4b:s5+s23], $0x40, s7, s23, $0xb8;
	[tilespmem:$0x1B980] =	vst v63  }
0x103: {  	_ =	swait.ge [sflag:s1], $0x2000  }
0x104: {  	[sflag:s1] =	ssyncset.done $0x0  }
0x105: {  	s13 =	simm.s32 $0x9B80;
	[sflag:s1] =	ssyncadd.s32 $0xFFFFE000  }
0x106: {  	[spmem:s2] =	stream.indirect.scatter.add.f32 [tilespmem:s28], [sflag:$0x7], $0x40, s13, s23, $0xb8;
	[tilespmem:$0x1B980] =	vst v63  }
0x107: {  	_ =	swait.ge [sflag:s16], $0x2000  }
0x108: {  	[sflag:s16] =	ssyncset.done $0x0  }
0x109: {  	s8 =	simm.s32 $0x9C00;
	[sflag:s16] =	ssyncadd.s32 $0xFFFFE000  }
0x10a: {  	[spmem:s2] =	stream.indirect.scatter.add.f32 [tilespmem:s30], [sflag:$0x8], $0x40, s8, s23, $0xb8;
	[tilespmem:$0x1B980] =	vst v63  }
0x10b: {  	_ =	swait.ge [sflag:s21], $0x2000  }
0x10c: {  	[sflag:s21] =	ssyncset.done $0x0  }
0x10d: {  	s13 =	simm.s32 $0x9C80;
	[sflag:s21] =	ssyncadd.s32 $0xFFFFE000  }
0x10e: {  	[spmem:s2] =	stream.indirect.scatter.add.f32 [tilespmem:s24], [sflag:$0x5], $0x40, s13, s23, $0xb8;
	[tilespmem:$0x1B980] =	vst v63  }
0x10f: {  	_ =	swait.ge [sflag:s15], $0x2000  }
0x110: {  	[sflag:s15] =	ssyncset.done $0x0  }
0x111: {  	[sflag:s15] =	ssyncadd.s32 $0xFFFFE000  }
0x112: {  	_ =	swait.ge [sflag:s26], $0x2000  }
0x113: {  	[sflag:s26] =	ssyncset.done $0x0  }
0x114: {  	[sflag:s26] =	ssyncadd.s32 $0xFFFFE000  }
0x115: {  	_ =	swait.ge [sflag:s29], $0x2000  }
0x116: {  	[sflag:s29] =	ssyncset.done $0x0  }
0x117: {  	[sflag:s29] =	ssyncadd.s32 $0xFFFFE000  }
0x118: {  	_ =	swait.ge [sflag:s31], $0x2000  }
0x119: {  	[sflag:s31] =	ssyncset.done $0x0  }
0x11a: {  	[sflag:s31] =	ssyncadd.s32 $0xFFFFE000  }
0x11b: {  	[bflag:$0x0] =	sbarrier.arrive $0xFFFF  }
0x11c: {  	s7 =	sor.u32 $0x1C09, s10;
	s8 =	rddreg [dreg:$0x7]  }
0x11d: {  	[hbm:s8], [sflag:s7] =	dma.local [spmem:s19], $0x1380  }
.Ltmp7:
0x11e: {  	_ = 	snop;
	(pc) =	sbr.rel @p0 .LBB2_9-.Ltmp7, $4  }
.Ltmp8:
0x11f: {  	_ = 	snop;
	(pc) =	sbr.rel @!p0 .LBB2_8-.Ltmp8, $4  }
0x120: {  	_ =	swait.ge [sflag:s0], $0x1380  }
0x121: {  	[sflag:s0] =	ssyncset.done $0x0  }
0x122: {  	s13 =	rddreg [dreg:$0x4];
	[sflag:s0] =	ssyncadd.s32 $0xFFFFEC80  }
0x123: {  	_ = 	snop  }
.LBB2_10:
0x124: {  	_ =	sfence.sel $0x180000  }
0x125: {  	[bflag:$0x0] =	sbarrier.arrive $0xFFFF  }
0x126: {  	_ =	strace $0x9000004D  }
0x127: {  	s0 =	stileid.u32;
	[bflag:$0x2] =	sbarrier.arrive $0xFFFF  }
0x128: {  	p0 =	sne.s32 s0, $0x0;
	s0 =	rddreg [dreg:$0x2]  }
0x129: {  	s0 =	sadd.s32 @!p0 $0x100000, s0  }
0x12a: {  	[sflag:s0] =	ssyncadd.tile.s32 @!p0 $0x1;
	_ =	shalt  }
.Lfunc_end2:
_tile_overlayer_lowered:
.L_overlay_start_2:
0x12b: {  	(tag) =	ssettag $0x2  }
0x12c: {  	s0 =	rddreg [dreg:$0x0];
	s2 =	stileid.u32  }
0x12d: {  	s1 =	rddreg [dreg:$0x1];
	p0 =	sne.s32 s2, $0x0  }
0x12e: {  	s3 =	rddreg [dreg:$0x2];
	[bflag:$0x3] =	sbarrier.arrive $0xFFFF;
	s2 =	simm.s32 @!p0 $0x1C09  }
0x12f: {  	[timem:s3], [sflag:s2] =	dma.local @!p0 [hbm:s0], s1  }
0x130: {  	s0 =	simm.s32 @!p0 $0x9  }
0x131: {  	_ =	swait.ge @!p0 [sflag:s0], s1  }
0x132: {  	s1 =	ssub.s32 @!p0 $0x0, s1;
	[sflag:s0] =	ssyncset.done @!p0 $0x0  }
0x133: {  	[sflag:s0] =	ssyncadd.s32 @!p0 s1  }
0x134: {  	[bflag:$0x3] =	sbarrier.arrive $0xFFFF  }
0x135: {  	_ =	shalt  }

// kernel: kernel.9.cloned.1.call-start
scs
__scs_entry_jumppad:
0x0: {  	(pc) =	sbr.rel $0x88, $3  }
0x1: {  	(tag) =	ssettag $0x0;
	lr =	simm.s32 $0x1  }
0x2: {  	[smem:$0x3F9B] =	sst lr;
	_ =	strace $0xD0000000  }
0x3: {  	_ = 	snop  }
0x4: {  	_ = 	snop  }
0x5: {  	_ = 	snop  }
0x6: {  	_ = 	snop  }
0x7: {  	_ = 	snop  }
__scs_overlays_trampoline_lowered:
0x8: {  	[smem:$0x3FAA] =	sst s0  }
0x9: {  	[smem:$0x3FAB] =	sst s1  }
0xa: {  	[smem:$0x3FAC] =	sst s2  }
0xb: {  	[smem:$0x3FAD] =	sst s3  }
0xc: {  	[smem:$0x3FAE] =	sst s4  }
0xd: {  	[smem:$0x3FAF] =	sst s5  }
0xe: {  	[smem:$0x3FB0] =	sst s6  }
0xf: {  	[smem:$0x3FB1] =	sst s7  }
0x10: {  	[smem:$0x3FB2] =	sst s8  }
0x11: {  	[smem:$0x3FB3] =	sst s9;
	s0 =	simm.s32 @!p0 $0x0  }
0x12: {  	s1 =	sld [smem:$0x3F99];
	s0 =	simm.s32 @p0 $0x1  }
0x13: {  	[smem:$0x3FB4] =	sst s0;
	s0 =	simm.s32 @!p1 $0x0  }
0x14: {  	s2 =	sld [smem:$0x3F98];
	s0 =	simm.s32 @p1 $0x1  }
0x15: {  	[smem:$0x3FB5] =	sst s0;
	s0 =	simm.s32 @!p2 $0x0  }
0x16: {  	s3 =	sld [smem:$0x3FDB];
	s0 =	simm.s32 @p2 $0x1  }
0x17: {  	s4 =	simm.s32 $0x1BF5;
	[smem:$0x3FB7] =	sst s0  }
0x18: {  	s0 =	sld [smem:$0x3F9A];
	_ =	swait.ge [sflag:s4], $0x0  }
0x19: {  	s7 =	sld [smem:$0x3F9B]  }
0x1a: {  	s8 =	sadd.s32 $0xFFFFE003, lr  }
0x1b: {  	s9 =	sadd.s32 $0xFFFFFEF7, lr;
	s5 =	simm.s32 $0xFFFFFFFF;
	p2 =	slt.u32 s8, $0xFFFFF086  }
0x1c: {  	p1 =	slt.u32 s9, $0xF7A;
	s5 =	simm.s32 @!p2 $0x0  }
0x1d: {  	s5 =	simm.s32 @p1 $0x1;
	p0 =	seq.s32 s7, s2  }
0x1e: {  	s7 =	smul.u32 @!p0 $0xF7A, s2;
	p2 =	seq.s32 @!p0 s5, $0x0  }
0x1f: {  	s9 =	smul.u32 $0xF7A, s1;
	s8 =	simm.s32 @!p0 $0x1BF5;
	p2 =	por !p2, p0  }
0x20: {  	[sflag:s8] =	ssyncset.s32 @!p0 $0xFFFFF086;
	s6 =	sadd.s32 @!p0 s3, s7;
	s7 =	simm.s32 @!p0 $0x108  }
0x21: {  	s3 =	sadd.s32 s3, s9;
	s6 =	sadd.s32 @!p0 $0x88, s6;
	s7 =	simm.s32 @p2 $0x1082  }
0x22: {  	[simem:s7], [sflag:s8] =	dma.local @!p0 [hbm:s6], $0xF7A  }
0x23: {  	s9 =	sor.u32 $0xD0000000, s2;
	s6 =	simm.s32 $0x108;
	_ =	swait.ge @!p0 [sflag:s8], $0x0  }
0x24: {  	s3 =	sadd.s32 $0x88, s3;
	s6 =	simm.s32 @!p1 $0x1082;
	[sflag:s4] =	ssyncset.s32 $0xFFFFF086  }
0x25: {  	[simem:s6], [sflag:s4] =	dma.local [hbm:s3], $0xF7A  }
0x26: {  	[smem:$0x3F9B] =	sst s1;
	(tag) =	ssettag s2;
	_ =	strace s9  }
0x27: {  	s1 =	sld [smem:$0x3FAB]  }
0x28: {  	s2 =	sld [smem:$0x3FAC]  }
0x29: {  	s4 =	sld [smem:$0x3FAE]  }
0x2a: {  	p0 =	seq.s32 s5, $0x0;
	s5 =	sld [smem:$0x3FAF]  }
0x2b: {  	s6 =	sld [smem:$0x3FB0]  }
0x2c: {  	s7 =	sld [smem:$0x3FB1]  }
0x2d: {  	s3 =	simm.s32 $0x108;
	s8 =	sld [smem:$0x3FB2]  }
0x2e: {  	s3 =	simm.s32 @!p0 $0x1082;
	s9 =	sld [smem:$0x3FB3]  }
0x2f: {  	lr =	sadd.s32 s0, s3;
	s0 =	sld [smem:$0x3FAA]  }
0x30: {  	s3 =	sld [smem:$0x3FAD]  }
0x31: {  	[smem:$0x3FB6] =	sst s10  }
0x32: {  	s10 =	sld [smem:$0x3FB4];
	_ =	sdelay $0x3  }
0x33: {  	p0 =	seq.s32 s10, $0x1;
	s10 =	sld [smem:$0x3FB6];
	_ =	sdelay $0x3  }
0x34: {  	[smem:$0x3FB6] =	sst s10  }
0x35: {  	s10 =	sld [smem:$0x3FB5];
	_ =	sdelay $0x3  }
0x36: {  	p1 =	seq.s32 s10, $0x1;
	s10 =	sld [smem:$0x3FB6];
	_ =	sdelay $0x3  }
0x37: {  	[smem:$0x3FB6] =	sst s10  }
0x38: {  	s10 =	sld [smem:$0x3FB7]  }
0x39: {  	_ = 	snop;
	(pc) =	sbr.ind lr, $3  }
0x3a: {  	_ = 	snop  }
0x3b: {  	_ = 	snop  }
0x3c: {  	p2 =	seq.s32 s10, $0x1;
	s10 =	sld [smem:$0x3FB6]  }
0x3d: {  	_ =	shalt  }
0x3e: {  	_ =	shalt  }
0x3f: {  	_ =	shalt  }
0x40: {  	_ =	shalt  }
0x41: {  	_ =	shalt  }
0x42: {  	_ =	shalt  }
0x43: {  	_ =	shalt  }
0x44: {  	_ =	shalt  }
0x45: {  	_ =	shalt  }
0x46: {  	_ =	shalt  }
0x47: {  	_ =	shalt  }
0x48: {  	_ =	shalt  }
0x49: {  	_ =	shalt  }
0x4a: {  	_ =	shalt  }
0x4b: {  	_ =	shalt  }
0x4c: {  	_ =	shalt  }
0x4d: {  	_ =	shalt  }
0x4e: {  	_ =	shalt  }
0x4f: {  	_ =	shalt  }
0x50: {  	_ =	shalt  }
0x51: {  	_ =	shalt  }
0x52: {  	_ =	shalt  }
0x53: {  	_ =	shalt  }
0x54: {  	_ =	shalt  }
0x55: {  	_ =	shalt  }
0x56: {  	_ =	shalt  }
0x57: {  	_ =	shalt  }
0x58: {  	_ =	shalt  }
0x59: {  	_ =	shalt  }
0x5a: {  	_ =	shalt  }
0x5b: {  	_ =	shalt  }
0x5c: {  	_ =	shalt  }
0x5d: {  	_ =	shalt  }
0x5e: {  	_ =	shalt  }
0x5f: {  	_ =	shalt  }
0x60: {  	_ =	shalt  }
0x61: {  	_ =	shalt  }
0x62: {  	_ =	shalt  }
0x63: {  	_ =	shalt  }
0x64: {  	_ =	shalt  }
0x65: {  	_ =	shalt  }
0x66: {  	_ =	shalt  }
0x67: {  	_ =	shalt  }
0x68: {  	_ =	shalt  }
0x69: {  	_ =	shalt  }
0x6a: {  	_ =	shalt  }
0x6b: {  	_ =	shalt  }
0x6c: {  	_ =	shalt  }
0x6d: {  	_ =	shalt  }
0x6e: {  	_ =	shalt  }
0x6f: {  	_ =	shalt  }
0x70: {  	_ =	shalt  }
0x71: {  	_ =	shalt  }
0x72: {  	_ =	shalt  }
0x73: {  	_ =	shalt  }
0x74: {  	_ =	shalt  }
0x75: {  	_ =	shalt  }
0x76: {  	_ =	shalt  }
0x77: {  	_ =	shalt  }
0x78: {  	_ =	shalt  }
0x79: {  	_ =	shalt  }
0x7a: {  	_ =	shalt  }
0x7b: {  	_ =	shalt  }
0x7c: {  	_ =	shalt  }
0x7d: {  	_ =	shalt  }
0x7e: {  	_ =	shalt  }
0x7f: {  	_ =	shalt  }
0x80: {  	_ =	shalt  }
0x81: {  	_ =	shalt  }
0x82: {  	_ =	shalt  }
0x83: {  	_ =	shalt  }
0x84: {  	_ =	shalt  }
0x85: {  	_ =	shalt  }
0x86: {  	_ =	shalt  }
0x87: {  	_ =	shalt  }
.Lfunc_end0:
.L_simem_size_0:
called_computation_lowered:
.L_overlay_start_0:
0x88: {  	s2 =	sld [smem:$0x3FD9]  }
0x89: {  	s3 =	sld [smem:$0x3FFE];
	_ =	sdelay $0x1  }
0x8a: {  	s1 =	srdreg.scid  }
0x8b: {  	s0 =	sand.u32 $0x1, s1  }
0x8c: {  	s17 =	sshll.u32 s0, $0xA;
	s2 =	sadd.s32 s3, s2  }
0x8d: {  	s2 =	sadd.s32 s2, s17  }
0x8e: {  	[smem:$0x3FC2] =	sst s2  }
0x8f: {  	_ = 	snop  }
0x90: {  	s2 =	sld [smem:$0x3FD0];
	(tm) =	ssettm $0x1  }
0x91: {  	s18 =	sld [smem:$0x3FFB];
	_ =	sdelay $0x3  }
0x92: {  	_ =	strace s18  }
0x93: {  	s3 =	sld [smem:$0x3FFC];
	_ =	sdelay $0x3  }
0x94: {  	_ =	strace s3  }
0x95: {  	s3 =	sld [smem:$0x3FFD];
	_ =	sdelay $0x3  }
0x96: {  	_ =	strace s3  }
0x97: {  	_ =	strace $0x8FFFFFFF  }
0x98: {  	s19 =	sld [smem:$0x3FDB];
	_ =	sdelay $0x1  }
0x99: {  	s4 =	simm.s32 $_scs_section_size  }
0x9a: {  	s5 =	simm.s32 $_size__tile_overlayer_lowered;
	s6 =	simm.s32 $_tile_overlayer_lowered  }
0x9b: {  	s22 =	simm.s32 $0x1BFF;
	s21 =	sshll.u32 s6, $0x1;
	s3 =	sadd.s32 s4, s19  }
0x9c: {  	s7 =	simm.s32 $0x0;
	s20 =	sshll.u32 s5, $0x1;
	s5 =	sadd.s32 s21, s3  }
0x9d: {  	[timem:s7], [sflag:s22] =	dma.local [hbm:s5], s20  }
0x9e: {  	_ =	swait.ge [sflag:s22], s20  }
0x9f: {  	s4 =	ssub.s32 $0x0, s20;
	[sflag:s22] =	ssyncset.done $0x0  }
0xa0: {  	[sflag:s22] =	ssyncadd.s32 s4;
	_ =	sdelay $0x1  }
0xa1: {  	s23 =	simm.s32 $0x1B8B  }
0xa2: {  	_ =	swait.ge [sflag:s23], $0x1  }
0xa3: {  	[sflag:s23] =	ssyncset.done $0x0  }
0xa4: {  	s25 =	simm.s32 $0x1B8E;
	s24 =	sld [smem:$0x3FFE];
	[sflag:s23] =	ssyncadd.s32 $0xFFFFFFFF  }
0xa5: {  	s26 =	simm.s32 $execute0_lowered;
	[smem:$0x3FD2] =	sst s25  }
0xa6: {  	s5 =	sshll.u32 s26, $0x1;
	_ =	strace $0x80000046;
	[dreg:$0x1] =	wrdreg $0xFFFFFFFF  }
0xa7: {  	s28 =	simm.s32 $_size_execute0_lowered;
	s3 =	sadd.s32 s3, s5;
	[dreg:$0x0] =	wrdreg $0x0  }
0xa8: {  	s5 =	sshll.u32 s28, $0x1;
	[dreg:$0x2] =	wrdreg s3  }
0xa9: {  	[dreg:$0x3] =	wrdreg s5  }
0xaa: {  	[dreg:$0x4] =	wrdreg $0xC0  }
0xab: {  	_ =	task [dreg:s7], $0x5FFFF  }
0xac: {  	[dreg:$0x1] =	wrdreg $0xFFFFFFFF  }
0xad: {  	[dreg:$0x0] =	wrdreg $0x60  }
0xae: {  	[dreg:$0x2] =	wrdreg s24  }
0xaf: {  	[dreg:$0x3] =	wrdreg s2  }
0xb0: {  	[dreg:$0x4] =	wrdreg $0x11D000  }
0xb1: {  	[dreg:$0x5] =	wrdreg $0x1C1800  }
0xb2: {  	[dreg:$0x6] =	wrdreg $0x9  }
0xb3: {  	_ =	task.clear_ibuf [dreg:s7], $0x7FFFF;
	_ =	strace $0x90000046  }
0xb4: {  	s29 =	simm.s32 $0x9;
	_ =	strace $0x80000048  }
0xb5: {  	_ =	swait.ge [sflag:s29], $0x1  }
0xb6: {  	[sflag:s29] =	ssyncadd.s32 $0xFFFFFFFF  }
0xb7: {  	_ =	strace $0x90000048  }
0xb8: {  	_ =	sfence  }
0xb9: {  	s30 =	sld [smem:$0x0];
	_ =	sdelay $0x2  }
0xba: {  	s31 =	sshll.u32 s1, $0xD;
	s1 =	sshrl.u32 s1, $0x2  }
0xbb: {  	s3 =	sand.u32 $0x4000, s31;
	s1 =	sadd.s32 s1, s30  }
0xbc: {  	s0 =	sor.u32 s3, s0;
	s1 =	sshll.u32 s1, $0x11  }
0xbd: {  	s0 =	sor.u32 s1, s0  }
0xbe: {  	s0 =	sadd.s32 $0x8F2B, s0  }
0xbf: {  	[sflag:s0] =	ssyncadd.remote.s32 $0x1  }
0xc0: {  	_ =	sfence.sel $0xFFFF  }
0xc1: {  	[dreg:$0x0] =	wrdreg $0xFFFFFFFF;
	(pc) =	sbr.abs _section_cstart, $3  }
0xc2: {  	[dreg:$0x1] =	wrdreg $0xFFFFFFFF  }
0xc3: {  	_ =	task.clear_ibuf [dreg:s7], $0x2FFFF;
	_ =	strace $0x9FFFFFFF  }
0xc4: {  	(tm) =	ssettm $0x7FFFFFFF  }
0xc5: {  	_ =	shalt  }
tec
execute0_lowered:
.L_overlay_start_1:
0x0: {  	(tag) =	ssettag $0x1  }
0x1: {  	s0 =	rddreg [dreg:$0x0]  }
0x2: {  	s1 =	rddreg [dreg:$0x1]  }
0x3: {  	s2 =	rddreg [dreg:$0x2]  }
0x4: {  	s3 =	rddreg [dreg:$0x3];
	s4 =	simm.s32 $0x0  }
0x5: {  	s17 =	stileid.u32;
	s10 =	srdreg.scid;
	s31 =	simm.s32 $0x1B980  }
0x6: {  	s30 =	simm.s32 $0x9C00;
	s29 =	simm.s32 $0x0;
	s7 =	smul.u32 $0x9D0, s17  }
0x7: {  	[smem:$0x7FF] =	sst s4;
	s5 =	sadd.s32 $0x2B200, s0;
	s8 =	smul.u32 $0x9C00, s17  }
0x8: {  	s6 =	sadd.s32 $0x17800, s0;
	s9 =	smul.u32 $0x2700, s17;
	s11 =	sadd.s32 $0x52600, s0  }
0x9: {  	s10 =	sand.u32 $0x1, s10;
	s26 =	sshll.u32 s17, $0x6;
	s19 =	sadd.s32 $0x6B000, s0  }
0xa: {  	p1 =	sne.s32 s17, $0xF;
	_ =	strace $0x80000047;
	[dreg:$0x5] =	wrdreg s11  }
0xb: {  	p2 =	seq.s32 s17, $0xF;
	s28 =	sadd.s32 $0x9C000, s2;
	[dreg:$0xf] =	wrdreg s19  }
0xc: {  	s17 =	simm.s32 $0x3;
	s12 =	ssub.s32 $0x2, s10;
	[dreg:$0x18] =	wrdreg s26  }
0xd: {  	p0 =	sne.s32 s10, $0x0;
	s19 =	simm.s32 $0x2;
	[dreg:$0x1a] =	wrdreg s28  }
0xe: {  	s7 =	sadd.s32 s7, s0;
	s21 =	sshrl.u32 s8, $0x3;
	s24 =	sadd.s32 s8, s2  }
0xf: {  	s13 =	sshrl.u32 s9, $0x3;
	s9 =	sadd.s32 s9, s3;
	[dreg:$0x8] =	wrdreg s24  }
0x10: {  	s22 =	sshrl.u32 s12, $0x1;
	s23 =	sadd.s32 $0x3E00, s7;
	[dreg:$0xa] =	wrdreg s9  }
0x11: {  	s14 =	sadd.s32 s21, s0;
	s7 =	sadd.s32 $0xDB00, s7;
	[dreg:$0x6] =	wrdreg s23  }
0x12: {  	s16 =	ssub.s32 s12, s22;
	s12 =	sadd.s32 s1, s13;
	[dreg:$0x7] =	wrdreg s7  }
0x13: {  	s15 =	sadd.s32 s13, s0;
	s13 =	sadd.s32 $0x52400, s0;
	[dreg:$0xb] =	wrdreg s12  }
0x14: {  	s1 =	sadd.s32 $0x4E00, s1;
	s22 =	sadd.s32 $0x7EA00, s0;
	[dreg:$0xc] =	wrdreg s13  }
0x15: {  	s24 =	sshrl.u32 s8, $0x2;
	s25 =	sadd.s32 $0x3EC00, s14;
	[dreg:$0xd] =	wrdreg s1  }
0x16: {  	s18 =	sadd.s32 $0x57800, s14;
	s20 =	sadd.s32 $0x6B200, s14;
	[dreg:$0x12] =	wrdreg s22  }
0x17: {  	s21 =	sadd.s32 $0x52800, s15;
	s23 =	sadd.s32 $0x57120, s0;
	[dreg:$0x9] =	wrdreg s25  }
0x18: {  	s1 =	sadd.s32 s24, s3;
	s0 =	sadd.s32 $0x57600, s0;
	[dreg:$0xe] =	wrdreg s18  }
0x19: {  	s24 =	sor.u32 $0x1C05, s26;
	s26 =	sadd.s32 $0x27000, s3;
	[dreg:$0x10] =	wrdreg s20  }
0x1a: {  	s12 =	simm.s32 $0x4E80;
	s22 =	simm.s32 $0xBD00;
	[dreg:$0x11] =	wrdreg s21  }
0x1b: {  	s14 =	simm.s32 $0x4;
	s15 =	simm.s32 $0x7;
	[dreg:$0x13] =	wrdreg s23  }
0x1c: {  	s13 =	simm.s32 $0x8;
	[dreg:$0x14] =	wrdreg s0;
	s25 =	smax.u32 s16, $0x1  }
.Ltmp0:
0x1d: {  	s0 =	sshrl.u32 @!p1 s1, $0x3;
	[dreg:$0x16] =	wrdreg s26;
	(pc) =	sbr.rel .LBB2_1-.Ltmp0, $4  }
0x1e: {  	s1 =	simm.s32 $0x1;
	s20 =	simm.s32 $0x80;
	s21 =	simm.s32 $0x9D00  }
0x1f: {  	s16 =	simm.s32 $0xFD00;
	s23 =	simm.s32 $0x5;
	[dreg:$0x19] =	wrdreg s24  }
0x20: {  	s18 =	simm.s32 $0x6;
	s26 =	simm.s32 $0x9C80;
	[dreg:$0x17] =	wrdreg s25  }
0x21: {  	[dreg:$0x15] =	wrdreg s0;
	s0 =	simm.s32 $0x9;
	s25 =	simm.s32 $0xDD00  }
.LBB2_12:
0x22: {  	s29 =	sadd.s32 $0x1, s29;
	s7 =	rddreg [dreg:$0x17]  }
0x23: {  	p3 =	sne.s32 s29, s7  }
.Ltmp1:
0x24: {  	_ = 	snop;
	(pc) =	sbr.rel @!p3 .LBB2_13-.Ltmp1, $2  }
0x25: {  	_ =	sdelay $0x2  }
0x26: {  	s24 =	rddreg [dreg:$0x19]  }
.LBB2_1:
0x27: {  	s7 =	rddreg [dreg:$0x6]  }
0x28: {  	s9 =	rddreg [dreg:$0x7]  }
0x29: {  	s10 =	rddreg [dreg:$0x8]  }
0x2a: {  	[tilespmem:s4], [sflag:$0x1] =	stream.linear.gather [hbm4b:s7+s4], $0x4E80, $0x38;
	[tilespmem:$0x1E8A0] =	vst v63  }
0x2b: {  	s11 =	rddreg [dreg:$0x9];
	s8 =	sshrl.u32 s10, $0x3  }
0x2c: {  	[tilespmem:s12], [sflag:$0x2] =	stream.linear.gather [hbm4b:s9+s4], $0x4E80, $0x38;
	[tilespmem:$0x1E8A0] =	vst v63  }
0x2d: {  	[spmem:s8], [sflag:s24] =	dma.local [hbm:s11], $0x1380  }
.Ltmp2:
0x2e: {  	s7 =	rddreg [dreg:$0x5];
	(pc) =	sbr.rel @p0 .LBB2_3-.Ltmp2, $4  }
0x2f: {  	[tilespmem:s31], [sflag:$0x9] =	stream.linear.gather [hbm4b:s7+s4], $0x800, $0x38;
	[tilespmem:$0x1E8A0] =	vst v63  }
0x30: {  	_ =	swait.ge [sflag:s0], $0x800  }
0x31: {  	[sflag:s0] =	ssyncset.done $0x0  }
0x32: {  	s7 =	sshrl.u32 @!p1 s28, $0x3;
	[sflag:s0] =	ssyncadd.s32 $0xFFFFF800  }
0x33: {  	s9 =	rddreg [dreg:$0x18]  }
0x34: {  	s10 =	rddreg [dreg:$0xa]  }
0x35: {  	s11 =	rddreg [dreg:$0xb];
	s9 =	sor.u32 $0x1C06, s9;
	s10 =	sshrl.u32 s10, $0x3  }
0x36: {  	[spmem:s10], [sflag:s9] =	dma.local [hbm:s11], $0x4E0  }
.Ltmp3:
0x37: {  	s9 =	sshrl.u32 @p2 s28, $0x3;
	s10 =	rddreg [dreg:$0xc];
	(pc) =	sbr.rel .LBB2_4-.Ltmp3, $4  }
0x38: {  	[spmem:s9], [sflag:s24] =	dma.local @p2 [hbm:s10], $0x80  }
0x39: {  	s9 =	rddreg [dreg:$0x16]  }
0x3a: {  	s10 =	simm.s32 @p2 $0x1FC6;
	s11 =	rddreg [dreg:$0xd];
	s9 =	sshrl.u32 @p2 s9, $0x3  }
0x3b: {  	[spmem:s9], [sflag:s10] =	dma.local @p2 [hbm:s11], $0x20  }
.LBB2_3:
.Ltmp4:
0x3c: {  	(pc) =	sbr.rel @!p2 .LBB2_4-.Ltmp4, $1  }
0x3d: {  	_ =	sdelay $0x3  }
0x3e: {  	s28 =	rddreg [dreg:$0x1a]  }
0x3f: {  	s10 =	rddreg [dreg:$0xc]  }
0x40: {  	s11 =	rddreg [dreg:$0x19];
	s9 =	sshrl.u32 s28, $0x3  }
0x41: {  	[spmem:s9], [sflag:s11] =	dma.local [hbm:s10], $0x80  }
0x42: {  	_ =	swait.ge [sflag:s1], $0x4E80  }
.Ltmp5:
0x43: {  	[sflag:s1] =	ssyncset.done $0x0;
	(pc) =	sbr.rel .LBB2_9-.Ltmp5, $4  }
0x44: {  	[sflag:s1] =	ssyncadd.s32 $0xFFFFB180  }
0x45: {  	_ =	swait.ge [sflag:s19], $0x4E80  }
0x46: {  	[sflag:s19] =	ssyncset.done $0x0  }
0x47: {  	[sflag:s19] =	ssyncadd.s32 $0xFFFFB180  }
.LBB2_4:
0x48: {  	_ =	swait.ge [sflag:s1], $0x4E80  }
.Ltmp6:
0x49: {  	[sflag:s1] =	ssyncset.done $0x0;
	(pc) =	sbr.rel @p0 .LBB2_9-.Ltmp6, $4  }
0x4a: {  	[sflag:s1] =	ssyncadd.s32 $0xFFFFB180  }
0x4b: {  	_ =	swait.ge [sflag:s19], $0x4E80  }
0x4c: {  	[sflag:s19] =	ssyncset.done $0x0  }
0x4d: {  	s28 =	rddreg [dreg:$0x1a];
	[sflag:s19] =	ssyncadd.s32 $0xFFFFB180  }
0x4e: {  	[tilespmem:s21], [sflag:$0x1] =	stream.indirect.gather [hbm4b:s5+s20], $0x40, s4, s20, $0xb8;
	[tilespmem:$0x1E8A0] =	vst v63  }
0x4f: {  	_ = 	snop  }
0x50: {  	[tilespmem:s22], [sflag:$0x2] =	stream.indirect.gather [hbm4b:s5+s20], $0x40, s20, s20, $0xb8;
	[tilespmem:$0x1E8A0] =	vst v63  }
0x51: {  	s9 =	simm.s32 $0x100  }
0x52: {  	[tilespmem:s25], [sflag:$0x3] =	stream.indirect.gather [hbm4b:s5+s20], $0x40, s9, s20, $0xb8;
	[tilespmem:$0x1E8A0] =	vst v63  }
0x53: {  	s30 =	simm.s32 $0x180  }
0x54: {  	[tilespmem:s16], [sflag:$0x4] =	stream.indirect.gather [hbm4b:s5+s20], $0x40, s30, s20, $0xb8;
	[tilespmem:$0x1E8A0] =	vst v63  }
0x55: {  	_ =	swait.ge [sflag:s23], $0x1380  }
0x56: {  	[sflag:s23] =	ssyncset.done $0x0  }
0x57: {  	s9 =	simm.s32 @p1 $0x6;
	[sflag:s23] =	ssyncadd.s32 $0xFFFFEC80  }
0x58: {  	_ =	swait.ge @p1 [sflag:s9], $0x4E0  }
0x59: {  	[sflag:s9] =	ssyncset.done @p1 $0x0  }
0x5a: {  	[sflag:s9] =	ssyncadd.s32 @p1 $0xFFFFFB20;
	s9 =	simm.s32 @!p1 $0x5  }
0x5b: {  	_ =	swait.ge @!p1 [sflag:s9], $0x80  }
0x5c: {  	[sflag:s9] =	ssyncset.done @!p1 $0x0  }
0x5d: {  	[sflag:s9] =	ssyncadd.s32 @!p1 $0xFFFFFF80;
	s9 =	simm.s32 @!p1 $0x6  }
0x5e: {  	_ =	swait.ge @!p1 [sflag:s9], $0x4E0  }
0x5f: {  	[sflag:s9] =	ssyncset.done @!p1 $0x0  }
0x60: {  	[sflag:s9] =	ssyncadd.s32 @!p1 $0xFFFFFB20  }
0x61: {  	_ =	swait.ge @!p1 [sflag:s9], $0x20  }
0x62: {  	[sflag:s9] =	ssyncset.done @!p1 $0x0  }
0x63: {  	[sflag:s9] =	ssyncadd.s32 @!p1 $0xFFFFFFE0  }
0x64: {  	[bflag:$0x0] =	sbarrier.arrive $0xFFFF  }
0x65: {  	_ =	swait.ge [sflag:s1], $0x2000  }
0x66: {  	[sflag:s1] =	ssyncset.done $0x0  }
0x67: {  	s10 =	simm.s32 $0x4E80;
	[sflag:s1] =	ssyncadd.s32 $0xFFFFE000  }
0x68: {  	[spmem:s2] =	stream.indirect.scatter.add.f32 [tilespmem:s21], [sflag:$0x5], $0x40, s10, s20, $0xb8;
	[tilespmem:$0x1E8A0] =	vst v63  }
0x69: {  	_ = 	snop  }
0x6a: {  	[spmem:s3] =	stream.indirect.scatter.add.f32 [tilespmem:s31], [sflag:$0x9], $0x10, s10, s20, $0xb8;
	[tilespmem:$0x1E8A0] =	vst v63  }
0x6b: {  	_ =	swait.ge [sflag:s0], $0x800  }
0x6c: {  	[sflag:s0] =	ssyncset.done $0x0  }
0x6d: {  	[sflag:s0] =	ssyncadd.s32 $0xFFFFF800  }
0x6e: {  	_ =	swait.ge [sflag:s19], $0x2000  }
0x6f: {  	[sflag:s19] =	ssyncset.done $0x0  }
0x70: {  	s11 =	simm.s32 $0x4F00;
	[sflag:s19] =	ssyncadd.s32 $0xFFFFE000  }
0x71: {  	[spmem:s2] =	stream.indirect.scatter.add.f32 [tilespmem:s22], [sflag:$0x6], $0x40, s11, s20, $0xb8;
	[tilespmem:$0x1E8A0] =	vst v63  }
0x72: {  	_ = 	snop  }
0x73: {  	[spmem:s3] =	stream.indirect.scatter.add.f32 [tilespmem:s31], [sflag:$0x9], $0x10, s11, s20, $0xb8;
	[tilespmem:$0x1E8A0] =	vst v63  }
0x74: {  	_ =	swait.ge [sflag:s0], $0x800  }
0x75: {  	[sflag:s0] =	ssyncset.done $0x0  }
0x76: {  	[sflag:s0] =	ssyncadd.s32 $0xFFFFF800  }
0x77: {  	_ =	swait.ge [sflag:s23], $0x2000  }
0x78: {  	[sflag:s23] =	ssyncset.done $0x0  }
0x79: {  	s24 =	simm.s32 $0x200;
	[sflag:s23] =	ssyncadd.s32 $0xFFFFE000  }
0x7a: {  	[tilespmem:s21], [sflag:$0x1] =	stream.indirect.gather [hbm4b:s5+s20], $0x40, s24, s20, $0xb8;
	[tilespmem:$0x1E8A0] =	vst v63  }
0x7b: {  	_ =	swait.ge [sflag:s17], $0x2000  }
0x7c: {  	[sflag:s17] =	ssyncset.done $0x0  }
0x7d: {  	s26 =	simm.s32 $0x4F80;
	[sflag:s17] =	ssyncadd.s32 $0xFFFFE000  }
0x7e: {  	[spmem:s2] =	stream.indirect.scatter.add.f32 [tilespmem:s25], [sflag:$0x7], $0x40, s26, s20, $0xb8;
	[tilespmem:$0x1E8A0] =	vst v63  }
0x7f: {  	_ = 	snop  }
0x80: {  	[spmem:s3] =	stream.indirect.scatter.add.f32 [tilespmem:s31], [sflag:$0x9], $0x10, s26, s20, $0xb8;
	[tilespmem:$0x1E8A0] =	vst v63  }
0x81: {  	_ =	swait.ge [sflag:s0], $0x800  }
0x82: {  	[sflag:s0] =	ssyncset.done $0x0  }
0x83: {  	[sflag:s0] =	ssyncadd.s32 $0xFFFFF800  }
0x84: {  	_ =	swait.ge [sflag:s18], $0x2000  }
0x85: {  	[sflag:s18] =	ssyncset.done $0x0  }
0x86: {  	s30 =	simm.s32 $0x280;
	[sflag:s18] =	ssyncadd.s32 $0xFFFFE000  }
0x87: {  	[tilespmem:s22], [sflag:$0x2] =	stream.indirect.gather [hbm4b:s5+s20], $0x40, s30, s20, $0xb8;
	[tilespmem:$0x1E8A0] =	vst v63  }
0x88: {  	_ =	swait.ge [sflag:s14], $0x2000  }
0x89: {  	[sflag:s14] =	ssyncset.done $0x0  }
0x8a: {  	s10 =	simm.s32 $0x5000;
	[sflag:s14] =	ssyncadd.s32 $0xFFFFE000  }
0x8b: {  	[spmem:s2] =	stream.indirect.scatter.add.f32 [tilespmem:s16], [sflag:$0x8], $0x40, s10, s20, $0xb8;
	[tilespmem:$0x1E8A0] =	vst v63  }
0x8c: {  	_ = 	snop  }
0x8d: {  	[spmem:s3] =	stream.indirect.scatter.add.f32 [tilespmem:s31], [sflag:$0x9], $0x10, s10, s20, $0xb8;
	[tilespmem:$0x1E8A0] =	vst v63  }
0x8e: {  	_ =	swait.ge [sflag:s0], $0x800  }
0x8f: {  	[sflag:s0] =	ssyncset.done $0x0  }
0x90: {  	[sflag:s0] =	ssyncadd.s32 $0xFFFFF800  }
0x91: {  	_ =	swait.ge [sflag:s15], $0x2000  }
0x92: {  	[sflag:s15] =	ssyncset.done $0x0  }
0x93: {  	s11 =	simm.s32 $0x300;
	[sflag:s15] =	ssyncadd.s32 $0xFFFFE000  }
0x94: {  	[tilespmem:s25], [sflag:$0x3] =	stream.indirect.gather [hbm4b:s5+s20], $0x40, s11, s20, $0xb8;
	[tilespmem:$0x1E8A0] =	vst v63  }
0x95: {  	_ =	swait.ge [sflag:s1], $0x2000  }
0x96: {  	[sflag:s1] =	ssyncset.done $0x0  }
0x97: {  	s24 =	simm.s32 $0x5080;
	[sflag:s1] =	ssyncadd.s32 $0xFFFFE000  }
0x98: {  	[spmem:s2] =	stream.indirect.scatter.add.f32 [tilespmem:s21], [sflag:$0x5], $0x40, s24, s20, $0xb8;
	[tilespmem:$0x1E8A0] =	vst v63  }
0x99: {  	_ = 	snop  }
0x9a: {  	[spmem:s3] =	stream.indirect.scatter.add.f32 [tilespmem:s31], [sflag:$0x9], $0x10, s24, s20, $0xb8;
	[tilespmem:$0x1E8A0] =	vst v63  }
0x9b: {  	_ =	swait.ge [sflag:s0], $0x800  }
0x9c: {  	[sflag:s0] =	ssyncset.done $0x0  }
0x9d: {  	[sflag:s0] =	ssyncadd.s32 $0xFFFFF800  }
0x9e: {  	_ =	swait.ge [sflag:s13], $0x2000  }
0x9f: {  	[sflag:s13] =	ssyncset.done $0x0  }
0xa0: {  	s26 =	simm.s32 $0x380;
	[sflag:s13] =	ssyncadd.s32 $0xFFFFE000  }
0xa1: {  	[tilespmem:s16], [sflag:$0x4] =	stream.indirect.gather [hbm4b:s5+s20], $0x40, s26, s20, $0xb8;
	[tilespmem:$0x1E8A0] =	vst v63  }
0xa2: {  	_ =	swait.ge [sflag:s19], $0x2000  }
0xa3: {  	[sflag:s19] =	ssyncset.done $0x0  }
0xa4: {  	s30 =	simm.s32 $0x5100;
	[sflag:s19] =	ssyncadd.s32 $0xFFFFE000  }
0xa5: {  	[spmem:s2] =	stream.indirect.scatter.add.f32 [tilespmem:s22], [sflag:$0x6], $0x40, s30, s20, $0xb8;
	[tilespmem:$0x1E8A0] =	vst v63  }
0xa6: {  	_ = 	snop  }
0xa7: {  	[spmem:s3] =	stream.indirect.scatter.add.f32 [tilespmem:s31], [sflag:$0x9], $0x10, s30, s20, $0xb8;
	[tilespmem:$0x1E8A0] =	vst v63  }
0xa8: {  	_ =	swait.ge [sflag:s0], $0x800  }
0xa9: {  	s12 =	simm.s32 $0x4E80;
	s9 =	simm.s32 $0x800;
	[sflag:s0] =	ssyncset.done $0x0  }
.LBB2_6:
0xaa: {  	p3 =	seq.s32 s9, $0x12800  }
0xab: {  	[sflag:s0] =	ssyncadd.s32 $0xFFFFF800;
	s10 =	smov.u32 s9;
	s9 =	sadd.s32 $0x800, s9  }
0xac: {  	_ = 	snop  }
0xad: {  	_ =	swait.ge [sflag:s23], $0x2000  }
0xae: {  	s10 =	sshra.s32 s10, $0x2;
	[sflag:s23] =	ssyncset.done $0x0  }
0xaf: {  	s11 =	sadd.s32 $0x200, s10;
	[sflag:s23] =	ssyncadd.s32 $0xFFFFE000  }
0xb0: {  	[tilespmem:s21], [sflag:$0x1] =	stream.indirect.gather [hbm4b:s5+s20], $0x40, s11, s20, $0xb8;
	[tilespmem:$0x1E8A0] =	vst v63  }
0xb1: {  	_ =	swait.ge [sflag:s17], $0x2000  }
0xb2: {  	[sflag:s17] =	ssyncset.done $0x0  }
0xb3: {  	s11 =	sadd.s32 $0x4F80, s10;
	[sflag:s17] =	ssyncadd.s32 $0xFFFFE000  }
0xb4: {  	[spmem:s2] =	stream.indirect.scatter.add.f32 [tilespmem:s25], [sflag:$0x7], $0x40, s11, s20, $0xb8;
	[tilespmem:$0x1E8A0] =	vst v63  }
0xb5: {  	_ = 	snop  }
0xb6: {  	[spmem:s3] =	stream.indirect.scatter.add.f32 [tilespmem:s31], [sflag:$0x9], $0x10, s11, s20, $0xb8;
	[tilespmem:$0x1E8A0] =	vst v63  }
0xb7: {  	_ =	swait.ge [sflag:s0], $0x800  }
0xb8: {  	[sflag:s0] =	ssyncset.done $0x0  }
0xb9: {  	[sflag:s0] =	ssyncadd.s32 $0xFFFFF800  }
0xba: {  	_ =	swait.ge [sflag:s18], $0x2000  }
0xbb: {  	[sflag:s18] =	ssyncset.done $0x0  }
0xbc: {  	s11 =	sadd.s32 $0x280, s10;
	[sflag:s18] =	ssyncadd.s32 $0xFFFFE000  }
0xbd: {  	[tilespmem:s22], [sflag:$0x2] =	stream.indirect.gather [hbm4b:s5+s20], $0x40, s11, s20, $0xb8;
	[tilespmem:$0x1E8A0] =	vst v63  }
0xbe: {  	_ =	swait.ge [sflag:s14], $0x2000  }
0xbf: {  	[sflag:s14] =	ssyncset.done $0x0  }
0xc0: {  	s11 =	sadd.s32 $0x5000, s10;
	[sflag:s14] =	ssyncadd.s32 $0xFFFFE000  }
0xc1: {  	[spmem:s2] =	stream.indirect.scatter.add.f32 [tilespmem:s16], [sflag:$0x8], $0x40, s11, s20, $0xb8;
	[tilespmem:$0x1E8A0] =	vst v63  }
0xc2: {  	_ = 	snop  }
0xc3: {  	[spmem:s3] =	stream.indirect.scatter.add.f32 [tilespmem:s31], [sflag:$0x9], $0x10, s11, s20, $0xb8;
	[tilespmem:$0x1E8A0] =	vst v63  }
0xc4: {  	_ =	swait.ge [sflag:s0], $0x800  }
0xc5: {  	[sflag:s0] =	ssyncset.done $0x0  }
0xc6: {  	[sflag:s0] =	ssyncadd.s32 $0xFFFFF800  }
0xc7: {  	_ =	swait.ge [sflag:s15], $0x2000  }
0xc8: {  	[sflag:s15] =	ssyncset.done $0x0  }
0xc9: {  	s11 =	sadd.s32 $0x300, s10;
	[sflag:s15] =	ssyncadd.s32 $0xFFFFE000  }
0xca: {  	[tilespmem:s25], [sflag:$0x3] =	stream.indirect.gather [hbm4b:s5+s20], $0x40, s11, s20, $0xb8;
	[tilespmem:$0x1E8A0] =	vst v63  }
0xcb: {  	_ =	swait.ge [sflag:s1], $0x2000  }
0xcc: {  	[sflag:s1] =	ssyncset.done $0x0  }
0xcd: {  	s11 =	sadd.s32 $0x5080, s10;
	[sflag:s1] =	ssyncadd.s32 $0xFFFFE000  }
0xce: {  	[spmem:s2] =	stream.indirect.scatter.add.f32 [tilespmem:s21], [sflag:$0x5], $0x40, s11, s20, $0xb8;
	[tilespmem:$0x1E8A0] =	vst v63  }
0xcf: {  	_ = 	snop  }
0xd0: {  	[spmem:s3] =	stream.indirect.scatter.add.f32 [tilespmem:s31], [sflag:$0x9], $0x10, s11, s20, $0xb8;
	[tilespmem:$0x1E8A0] =	vst v63  }
0xd1: {  	_ =	swait.ge [sflag:s0], $0x800  }
0xd2: {  	[sflag:s0] =	ssyncset.done $0x0  }
0xd3: {  	[sflag:s0] =	ssyncadd.s32 $0xFFFFF800  }
0xd4: {  	_ =	swait.ge [sflag:s13], $0x2000  }
0xd5: {  	[sflag:s13] =	ssyncset.done $0x0  }
0xd6: {  	s11 =	sadd.s32 $0x380, s10;
	[sflag:s13] =	ssyncadd.s32 $0xFFFFE000  }
0xd7: {  	[tilespmem:s16], [sflag:$0x4] =	stream.indirect.gather [hbm4b:s5+s20], $0x40, s11, s20, $0xb8;
	[tilespmem:$0x1E8A0] =	vst v63  }
0xd8: {  	_ =	swait.ge [sflag:s19], $0x2000  }
0xd9: {  	[sflag:s19] =	ssyncset.done $0x0  }
0xda: {  	s10 =	sadd.s32 $0x5100, s10;
	[sflag:s19] =	ssyncadd.s32 $0xFFFFE000  }
0xdb: {  	[spmem:s2] =	stream.indirect.scatter.add.f32 [tilespmem:s22], [sflag:$0x6], $0x40, s10, s20, $0xb8;
	[tilespmem:$0x1E8A0] =	vst v63  }
.Ltmp7:
0xdc: {  	_ = 	snop;
	(pc) =	sbr.rel @!p3 .LBB2_6-.Ltmp7, $4  }
0xdd: {  	_ = 	snop  }
0xde: {  	[spmem:s3] =	stream.indirect.scatter.add.f32 [tilespmem:s31], [sflag:$0x9], $0x10, s10, s20, $0xb8;
	[tilespmem:$0x1E8A0] =	vst v63  }
0xdf: {  	_ =	swait.ge [sflag:s0], $0x800  }
0xe0: {  	[sflag:s0] =	ssyncset.done $0x0  }
0xe1: {  	[sflag:s0] =	ssyncadd.s32 $0xFFFFF800  }
0xe2: {  	_ =	swait.ge [sflag:s23], $0x2000  }
0xe3: {  	[sflag:s23] =	ssyncset.done $0x0  }
0xe4: {  	s9 =	simm.s32 $0x4E00;
	[sflag:s23] =	ssyncadd.s32 $0xFFFFE000  }
0xe5: {  	[tilespmem:s21], [sflag:$0x1] =	stream.indirect.gather [hbm4b:s5+s20], $0x40, s9, s20, $0xb8;
	[tilespmem:$0x1E8A0] =	vst v63  }
0xe6: {  	_ =	swait.ge [sflag:s17], $0x2000  }
0xe7: {  	[sflag:s17] =	ssyncset.done $0x0  }
0xe8: {  	s26 =	simm.s32 $0x9B80;
	[sflag:s17] =	ssyncadd.s32 $0xFFFFE000  }
0xe9: {  	[spmem:s2] =	stream.indirect.scatter.add.f32 [tilespmem:s25], [sflag:$0x7], $0x40, s26, s20, $0xb8;
	[tilespmem:$0x1E8A0] =	vst v63  }
0xea: {  	_ = 	snop  }
0xeb: {  	[spmem:s3] =	stream.indirect.scatter.add.f32 [tilespmem:s31], [sflag:$0x9], $0x10, s26, s20, $0xb8;
	[tilespmem:$0x1E8A0] =	vst v63  }
0xec: {  	_ =	swait.ge [sflag:s0], $0x800  }
0xed: {  	[sflag:s0] =	ssyncset.done $0x0  }
0xee: {  	[sflag:s0] =	ssyncadd.s32 $0xFFFFF800  }
0xef: {  	_ =	swait.ge [sflag:s14], $0x2000  }
0xf0: {  	[sflag:s14] =	ssyncset.done $0x0  }
0xf1: {  	s10 =	simm.s32 $0x9C00;
	[sflag:s14] =	ssyncadd.s32 $0xFFFFE000  }
0xf2: {  	[spmem:s2] =	stream.indirect.scatter.add.f32 [tilespmem:s16], [sflag:$0x8], $0x40, s10, s20, $0xb8;
	[tilespmem:$0x1E8A0] =	vst v63  }
0xf3: {  	_ = 	snop  }
0xf4: {  	[spmem:s3] =	stream.indirect.scatter.add.f32 [tilespmem:s31], [sflag:$0x9], $0x10, s10, s20, $0xb8;
	[tilespmem:$0x1E8A0] =	vst v63  }
0xf5: {  	_ =	swait.ge [sflag:s0], $0x800  }
0xf6: {  	[sflag:s0] =	ssyncset.done $0x0  }
0xf7: {  	[sflag:s0] =	ssyncadd.s32 $0xFFFFF800  }
0xf8: {  	_ =	swait.ge [sflag:s1], $0x2000  }
0xf9: {  	[sflag:s1] =	ssyncset.done $0x0  }
0xfa: {  	s11 =	simm.s32 $0x9C80;
	[sflag:s1] =	ssyncadd.s32 $0xFFFFE000  }
0xfb: {  	[spmem:s2] =	stream.indirect.scatter.add.f32 [tilespmem:s21], [sflag:$0x5], $0x40, s11, s20, $0xb8;
	[tilespmem:$0x1E8A0] =	vst v63  }
0xfc: {  	_ = 	snop  }
0xfd: {  	[spmem:s3] =	stream.indirect.scatter.add.f32 [tilespmem:s31], [sflag:$0x9], $0x10, s11, s20, $0xb8;
	[tilespmem:$0x1E8A0] =	vst v63  }
0xfe: {  	_ =	swait.ge [sflag:s0], $0x800  }
0xff: {  	[sflag:s0] =	ssyncset.done $0x0  }
0x100: {  	[sflag:s0] =	ssyncadd.s32 $0xFFFFF800  }
0x101: {  	_ =	swait.ge [sflag:s18], $0x2000  }
0x102: {  	[sflag:s18] =	ssyncset.done $0x0  }
0x103: {  	[sflag:s18] =	ssyncadd.s32 $0xFFFFE000  }
0x104: {  	_ =	swait.ge [sflag:s15], $0x2000  }
0x105: {  	[sflag:s15] =	ssyncset.done $0x0  }
0x106: {  	[sflag:s15] =	ssyncadd.s32 $0xFFFFE000  }
0x107: {  	_ =	swait.ge [sflag:s13], $0x2000  }
0x108: {  	[sflag:s13] =	ssyncset.done $0x0  }
0x109: {  	[sflag:s13] =	ssyncadd.s32 $0xFFFFE000  }
0x10a: {  	_ =	swait.ge [sflag:s23], $0x2000  }
0x10b: {  	[sflag:s23] =	ssyncset.done $0x0  }
0x10c: {  	[sflag:s23] =	ssyncadd.s32 $0xFFFFE000  }
0x10d: {  	[bflag:$0x0] =	sbarrier.arrive $0xFFFF  }
0x10e: {  	s24 =	rddreg [dreg:$0x18]  }
0x10f: {  	s10 =	rddreg [dreg:$0x10];
	s9 =	sor.u32 $0x1C09, s24  }
0x110: {  	[hbm:s10], [sflag:s9] =	dma.local [spmem:s8], $0x1380  }
0x111: {  	_ =	swait.ge [sflag:s0], $0x1380  }
0x112: {  	[sflag:s0] =	ssyncset.done $0x0;
	s8 =	rddreg [dreg:$0xa]  }
0x113: {  	s10 =	rddreg [dreg:$0x11];
	[sflag:s0] =	ssyncadd.s32 $0xFFFFEC80;
	s8 =	sshrl.u32 @p1 s8, $0x3  }
0x114: {  	[hbm:s10], [sflag:s9] =	dma.local @p1 [spmem:s8], $0x4E0  }
0x115: {  	s8 =	simm.s32 @p1 $0x9  }
0x116: {  	_ =	swait.ge @p1 [sflag:s8], $0x4E0  }
0x117: {  	[sflag:s8] =	ssyncset.done @p1 $0x0  }
0x118: {  	[sflag:s8] =	ssyncadd.s32 @p1 $0xFFFFFB20;
	s8 =	rddreg [dreg:$0x12]  }
0x119: {  	[hbm:s8], [sflag:s9] =	dma.local @!p1 [spmem:s7], $0x80  }
0x11a: {  	s7 =	simm.s32 @!p1 $0x9  }
0x11b: {  	_ =	swait.ge @!p1 [sflag:s7], $0x80  }
0x11c: {  	[sflag:s7] =	ssyncset.done @!p1 $0x0;
	s8 =	rddreg [dreg:$0x13]  }
0x11d: {  	s10 =	rddreg [dreg:$0x15];
	[sflag:s7] =	ssyncadd.s32 @!p1 $0xFFFFFF80  }
0x11e: {  	[hbm:s8], [sflag:s9] =	dma.local @!p1 [spmem:s10], $0x4E0  }
0x11f: {  	_ =	swait.ge @!p1 [sflag:s7], $0x4E0  }
0x120: {  	s8 =	rddreg [dreg:$0x16]  }
0x121: {  	[sflag:s7] =	ssyncset.done @!p1 $0x0;
	s10 =	rddreg [dreg:$0x14]  }
.Ltmp8:
0x122: {  	[sflag:s7] =	ssyncadd.s32 @!p1 $0xFFFFFB20;
	s8 =	sshrl.u32 @!p1 s8, $0x3;
	(pc) =	sbr.rel .LBB2_12-.Ltmp8, $4  }
0x123: {  	[hbm:s10], [sflag:s9] =	dma.local @!p1 [spmem:s8], $0x20  }
0x124: {  	_ =	swait.ge @!p1 [sflag:s7], $0x20  }
0x125: {  	[sflag:s7] =	ssyncset.done @!p1 $0x0  }
0x126: {  	s30 =	simm.s32 $0x9C00;
	s26 =	simm.s32 $0x9C80;
	[sflag:s7] =	ssyncadd.s32 @!p1 $0xFFFFFFE0  }
.LBB2_9:
0x127: {  	[tilespmem:s21], [sflag:$0x1] =	stream.indirect.gather [hbm4b:s6+s20], $0x40, s4, s20, $0xb8;
	[tilespmem:$0x1E8A0] =	vst v63  }
0x128: {  	_ = 	snop  }
0x129: {  	[tilespmem:s22], [sflag:$0x2] =	stream.indirect.gather [hbm4b:s6+s20], $0x40, s20, s20, $0xb8;
	[tilespmem:$0x1E8A0] =	vst v63  }
0x12a: {  	s9 =	simm.s32 $0x100  }
0x12b: {  	[tilespmem:s25], [sflag:$0x3] =	stream.indirect.gather [hbm4b:s6+s20], $0x40, s9, s20, $0xb8;
	[tilespmem:$0x1E8A0] =	vst v63  }
0x12c: {  	s10 =	simm.s32 $0x180  }
0x12d: {  	[tilespmem:s16], [sflag:$0x4] =	stream.indirect.gather [hbm4b:s6+s20], $0x40, s10, s20, $0xb8;
	[tilespmem:$0x1E8A0] =	vst v63  }
0x12e: {  	_ =	swait.ge [sflag:s23], $0x1380  }
0x12f: {  	[sflag:s23] =	ssyncset.done $0x0  }
0x130: {  	s9 =	simm.s32 @!p1 $0x5;
	[sflag:s23] =	ssyncadd.s32 $0xFFFFEC80  }
0x131: {  	_ =	swait.ge @!p1 [sflag:s9], $0x80  }
0x132: {  	[sflag:s9] =	ssyncset.done @!p1 $0x0  }
0x133: {  	[sflag:s9] =	ssyncadd.s32 @!p1 $0xFFFFFF80  }
0x134: {  	[bflag:$0x0] =	sbarrier.arrive $0xFFFF  }
0x135: {  	_ =	swait.ge [sflag:s1], $0x2000  }
0x136: {  	[sflag:s1] =	ssyncset.done $0x0  }
0x137: {  	[sflag:s1] =	ssyncadd.s32 $0xFFFFE000  }
0x138: {  	[spmem:s2] =	stream.indirect.scatter.add.f32 [tilespmem:s21], [sflag:$0x5], $0x40, s12, s20, $0xb8;
	[tilespmem:$0x1E8A0] =	vst v63  }
0x139: {  	_ =	swait.ge [sflag:s19], $0x2000  }
0x13a: {  	[sflag:s19] =	ssyncset.done $0x0  }
0x13b: {  	s11 =	simm.s32 $0x4F00;
	[sflag:s19] =	ssyncadd.s32 $0xFFFFE000  }
0x13c: {  	[spmem:s2] =	stream.indirect.scatter.add.f32 [tilespmem:s22], [sflag:$0x6], $0x40, s11, s20, $0xb8;
	[tilespmem:$0x1E8A0] =	vst v63  }
0x13d: {  	_ =	swait.ge [sflag:s23], $0x2000  }
0x13e: {  	[sflag:s23] =	ssyncset.done $0x0  }
0x13f: {  	s24 =	simm.s32 $0x200;
	[sflag:s23] =	ssyncadd.s32 $0xFFFFE000  }
0x140: {  	[tilespmem:s21], [sflag:$0x1] =	stream.indirect.gather [hbm4b:s6+s20], $0x40, s24, s20, $0xb8;
	[tilespmem:$0x1E8A0] =	vst v63  }
0x141: {  	_ =	swait.ge [sflag:s17], $0x2000  }
0x142: {  	[sflag:s17] =	ssyncset.done $0x0  }
0x143: {  	s10 =	simm.s32 $0x4F80;
	[sflag:s17] =	ssyncadd.s32 $0xFFFFE000  }
0x144: {  	[spmem:s2] =	stream.indirect.scatter.add.f32 [tilespmem:s25], [sflag:$0x7], $0x40, s10, s20, $0xb8;
	[tilespmem:$0x1E8A0] =	vst v63  }
0x145: {  	_ =	swait.ge [sflag:s18], $0x2000  }
0x146: {  	[sflag:s18] =	ssyncset.done $0x0  }
0x147: {  	s11 =	simm.s32 $0x280;
	[sflag:s18] =	ssyncadd.s32 $0xFFFFE000  }
0x148: {  	[tilespmem:s22], [sflag:$0x2] =	stream.indirect.gather [hbm4b:s6+s20], $0x40, s11, s20, $0xb8;
	[tilespmem:$0x1E8A0] =	vst v63  }
0x149: {  	_ =	swait.ge [sflag:s14], $0x2000  }
0x14a: {  	[sflag:s14] =	ssyncset.done $0x0  }
0x14b: {  	s24 =	simm.s32 $0x5000;
	[sflag:s14] =	ssyncadd.s32 $0xFFFFE000  }
0x14c: {  	[spmem:s2] =	stream.indirect.scatter.add.f32 [tilespmem:s16], [sflag:$0x8], $0x40, s24, s20, $0xb8;
	[tilespmem:$0x1E8A0] =	vst v63  }
0x14d: {  	_ =	swait.ge [sflag:s15], $0x2000  }
0x14e: {  	[sflag:s15] =	ssyncset.done $0x0  }
0x14f: {  	s10 =	simm.s32 $0x300;
	[sflag:s15] =	ssyncadd.s32 $0xFFFFE000  }
0x150: {  	[tilespmem:s25], [sflag:$0x3] =	stream.indirect.gather [hbm4b:s6+s20], $0x40, s10, s20, $0xb8;
	[tilespmem:$0x1E8A0] =	vst v63  }
0x151: {  	_ =	swait.ge [sflag:s1], $0x2000  }
0x152: {  	[sflag:s1] =	ssyncset.done $0x0  }
0x153: {  	s11 =	simm.s32 $0x5080;
	[sflag:s1] =	ssyncadd.s32 $0xFFFFE000  }
0x154: {  	[spmem:s2] =	stream.indirect.scatter.add.f32 [tilespmem:s21], [sflag:$0x5], $0x40, s11, s20, $0xb8;
	[tilespmem:$0x1E8A0] =	vst v63  }
0x155: {  	_ =	swait.ge [sflag:s13], $0x2000  }
0x156: {  	[sflag:s13] =	ssyncset.done $0x0  }
0x157: {  	s24 =	simm.s32 $0x380;
	[sflag:s13] =	ssyncadd.s32 $0xFFFFE000  }
0x158: {  	[tilespmem:s16], [sflag:$0x4] =	stream.indirect.gather [hbm4b:s6+s20], $0x40, s24, s20, $0xb8;
	[tilespmem:$0x1E8A0] =	vst v63  }
0x159: {  	_ =	swait.ge [sflag:s19], $0x2000  }
0x15a: {  	[sflag:s19] =	ssyncset.done $0x0  }
0x15b: {  	s9 =	simm.s32 $0x800;
	s10 =	simm.s32 $0x5100;
	[sflag:s19] =	ssyncadd.s32 $0xFFFFE000  }
.LBB2_10:
0x15c: {  	[spmem:s2] =	stream.indirect.scatter.add.f32 [tilespmem:s22], [sflag:$0x6], $0x40, s10, s20, $0xb8;
	[tilespmem:$0x1E8A0] =	vst v63  }
0x15d: {  	s10 =	smov.u32 s9  }
0x15e: {  	p3 =	seq.s32 s9, $0x12800;
	s9 =	sadd.s32 $0x800, s9;
	_ =	swait.ge [sflag:s23], $0x2000  }
0x15f: {  	s10 =	sshra.s32 s10, $0x2;
	[sflag:s23] =	ssyncset.done $0x0  }
0x160: {  	s11 =	sadd.s32 $0x200, s10;
	[sflag:s23] =	ssyncadd.s32 $0xFFFFE000  }
0x161: {  	[tilespmem:s21], [sflag:$0x1] =	stream.indirect.gather [hbm4b:s6+s20], $0x40, s11, s20, $0xb8;
	[tilespmem:$0x1E8A0] =	vst v63  }
0x162: {  	_ =	swait.ge [sflag:s17], $0x2000  }
0x163: {  	[sflag:s17] =	ssyncset.done $0x0  }
0x164: {  	s11 =	sadd.s32 $0x4F80, s10;
	[sflag:s17] =	ssyncadd.s32 $0xFFFFE000  }
0x165: {  	[spmem:s2] =	stream.indirect.scatter.add.f32 [tilespmem:s25], [sflag:$0x7], $0x40, s11, s20, $0xb8;
	[tilespmem:$0x1E8A0] =	vst v63  }
0x166: {  	_ =	swait.ge [sflag:s18], $0x2000  }
0x167: {  	[sflag:s18] =	ssyncset.done $0x0  }
0x168: {  	s11 =	sadd.s32 $0x280, s10;
	[sflag:s18] =	ssyncadd.s32 $0xFFFFE000  }
0x169: {  	[tilespmem:s22], [sflag:$0x2] =	stream.indirect.gather [hbm4b:s6+s20], $0x40, s11, s20, $0xb8;
	[tilespmem:$0x1E8A0] =	vst v63  }
0x16a: {  	_ =	swait.ge [sflag:s14], $0x2000  }
0x16b: {  	[sflag:s14] =	ssyncset.done $0x0  }
0x16c: {  	s11 =	sadd.s32 $0x5000, s10;
	[sflag:s14] =	ssyncadd.s32 $0xFFFFE000  }
0x16d: {  	[spmem:s2] =	stream.indirect.scatter.add.f32 [tilespmem:s16], [sflag:$0x8], $0x40, s11, s20, $0xb8;
	[tilespmem:$0x1E8A0] =	vst v63  }
0x16e: {  	_ =	swait.ge [sflag:s15], $0x2000  }
0x16f: {  	[sflag:s15] =	ssyncset.done $0x0  }
0x170: {  	s11 =	sadd.s32 $0x300, s10;
	[sflag:s15] =	ssyncadd.s32 $0xFFFFE000  }
0x171: {  	[tilespmem:s25], [sflag:$0x3] =	stream.indirect.gather [hbm4b:s6+s20], $0x40, s11, s20, $0xb8;
	[tilespmem:$0x1E8A0] =	vst v63  }
0x172: {  	_ =	swait.ge [sflag:s1], $0x2000  }
0x173: {  	[sflag:s1] =	ssyncset.done $0x0  }
0x174: {  	s11 =	sadd.s32 $0x5080, s10;
	[sflag:s1] =	ssyncadd.s32 $0xFFFFE000  }
0x175: {  	[spmem:s2] =	stream.indirect.scatter.add.f32 [tilespmem:s21], [sflag:$0x5], $0x40, s11, s20, $0xb8;
	[tilespmem:$0x1E8A0] =	vst v63  }
0x176: {  	_ =	swait.ge [sflag:s13], $0x2000  }
0x177: {  	[sflag:s13] =	ssyncset.done $0x0  }
.Ltmp9:
0x178: {  	s11 =	sadd.s32 $0x380, s10;
	[sflag:s13] =	ssyncadd.s32 $0xFFFFE000;
	(pc) =	sbr.rel @!p3 .LBB2_10-.Ltmp9, $4  }
0x179: {  	[tilespmem:s16], [sflag:$0x4] =	stream.indirect.gather [hbm4b:s6+s20], $0x40, s11, s20, $0xb8;
	[tilespmem:$0x1E8A0] =	vst v63  }
0x17a: {  	_ =	swait.ge [sflag:s19], $0x2000  }
0x17b: {  	[sflag:s19] =	ssyncset.done $0x0  }
0x17c: {  	s10 =	sadd.s32 $0x5100, s10;
	[sflag:s19] =	ssyncadd.s32 $0xFFFFE000  }
0x17d: {  	[spmem:s2] =	stream.indirect.scatter.add.f32 [tilespmem:s22], [sflag:$0x6], $0x40, s10, s20, $0xb8;
	[tilespmem:$0x1E8A0] =	vst v63  }
0x17e: {  	_ =	swait.ge [sflag:s23], $0x2000  }
0x17f: {  	[sflag:s23] =	ssyncset.done $0x0  }
0x180: {  	s9 =	simm.s32 $0x4E00;
	[sflag:s23] =	ssyncadd.s32 $0xFFFFE000  }
0x181: {  	[tilespmem:s21], [sflag:$0x1] =	stream.indirect.gather [hbm4b:s6+s20], $0x40, s9, s20, $0xb8;
	[tilespmem:$0x1E8A0] =	vst v63  }
0x182: {  	_ =	swait.ge [sflag:s17], $0x2000  }
0x183: {  	[sflag:s17] =	ssyncset.done $0x0  }
0x184: {  	s10 =	simm.s32 $0x9B80;
	[sflag:s17] =	ssyncadd.s32 $0xFFFFE000  }
0x185: {  	[spmem:s2] =	stream.indirect.scatter.add.f32 [tilespmem:s25], [sflag:$0x7], $0x40, s10, s20, $0xb8;
	[tilespmem:$0x1E8A0] =	vst v63  }
0x186: {  	_ =	swait.ge [sflag:s14], $0x2000  }
0x187: {  	[sflag:s14] =	ssyncset.done $0x0  }
0x188: {  	[sflag:s14] =	ssyncadd.s32 $0xFFFFE000  }
0x189: {  	[spmem:s2] =	stream.indirect.scatter.add.f32 [tilespmem:s16], [sflag:$0x8], $0x40, s30, s20, $0xb8;
	[tilespmem:$0x1E8A0] =	vst v63  }
0x18a: {  	_ =	swait.ge [sflag:s1], $0x2000  }
0x18b: {  	[sflag:s1] =	ssyncset.done $0x0  }
0x18c: {  	[sflag:s1] =	ssyncadd.s32 $0xFFFFE000  }
0x18d: {  	[spmem:s2] =	stream.indirect.scatter.add.f32 [tilespmem:s21], [sflag:$0x5], $0x40, s26, s20, $0xb8;
	[tilespmem:$0x1E8A0] =	vst v63  }
0x18e: {  	_ =	swait.ge [sflag:s18], $0x2000  }
0x18f: {  	[sflag:s18] =	ssyncset.done $0x0  }
0x190: {  	[sflag:s18] =	ssyncadd.s32 $0xFFFFE000  }
0x191: {  	_ =	swait.ge [sflag:s15], $0x2000  }
0x192: {  	[sflag:s15] =	ssyncset.done $0x0  }
0x193: {  	[sflag:s15] =	ssyncadd.s32 $0xFFFFE000  }
0x194: {  	_ =	swait.ge [sflag:s13], $0x2000  }
0x195: {  	[sflag:s13] =	ssyncset.done $0x0  }
0x196: {  	[sflag:s13] =	ssyncadd.s32 $0xFFFFE000  }
0x197: {  	_ =	swait.ge [sflag:s23], $0x2000  }
0x198: {  	[sflag:s23] =	ssyncset.done $0x0  }
0x199: {  	[sflag:s23] =	ssyncadd.s32 $0xFFFFE000  }
0x19a: {  	[bflag:$0x0] =	sbarrier.arrive $0xFFFF  }
0x19b: {  	s11 =	rddreg [dreg:$0x18]  }
0x19c: {  	s24 =	rddreg [dreg:$0xe];
	s9 =	sor.u32 $0x1C09, s11  }
0x19d: {  	[hbm:s24], [sflag:s9] =	dma.local [spmem:s8], $0x1380  }
0x19e: {  	_ =	swait.ge [sflag:s0], $0x1380  }
0x19f: {  	[sflag:s0] =	ssyncset.done $0x0  }
0x1a0: {  	s8 =	rddreg [dreg:$0xf];
	[sflag:s0] =	ssyncadd.s32 $0xFFFFEC80  }
0x1a1: {  	[hbm:s8], [sflag:s9] =	dma.local @!p1 [spmem:s7], $0x80  }
.Ltmp10:
0x1a2: {  	_ = 	snop;
	(pc) =	sbr.rel .LBB2_12-.Ltmp10, $4  }
0x1a3: {  	s7 =	simm.s32 @!p1 $0x9  }
0x1a4: {  	_ =	swait.ge @!p1 [sflag:s7], $0x80  }
0x1a5: {  	[sflag:s7] =	ssyncset.done @!p1 $0x0  }
0x1a6: {  	[sflag:s7] =	ssyncadd.s32 @!p1 $0xFFFFFF80  }
.LBB2_13:
0x1a7: {  	_ =	sfence.sel $0x180000  }
0x1a8: {  	[bflag:$0x0] =	sbarrier.arrive $0xFFFF  }
0x1a9: {  	_ =	strace $0x90000047  }
0x1aa: {  	s0 =	stileid.u32;
	[bflag:$0x2] =	sbarrier.arrive $0xFFFF  }
0x1ab: {  	p0 =	sne.s32 s0, $0x0;
	s0 =	rddreg [dreg:$0x4]  }
0x1ac: {  	s0 =	sadd.s32 @!p0 $0x100000, s0  }
0x1ad: {  	[sflag:s0] =	ssyncadd.tile.s32 @!p0 $0x1;
	_ =	shalt  }
.Lfunc_end2:
_tile_overlayer_lowered:
.L_overlay_start_2:
0x1ae: {  	(tag) =	ssettag $0x2  }
0x1af: {  	s0 =	rddreg [dreg:$0x0];
	s2 =	stileid.u32  }
0x1b0: {  	s1 =	rddreg [dreg:$0x1];
	p0 =	sne.s32 s2, $0x0  }
0x1b1: {  	s3 =	rddreg [dreg:$0x2];
	[bflag:$0x3] =	sbarrier.arrive $0xFFFF;
	s2 =	simm.s32 @!p0 $0x1C09  }
0x1b2: {  	[timem:s3], [sflag:s2] =	dma.local @!p0 [hbm:s0], s1  }
0x1b3: {  	s0 =	simm.s32 @!p0 $0x9  }
0x1b4: {  	_ =	swait.ge @!p0 [sflag:s0], s1  }
0x1b5: {  	s1 =	ssub.s32 @!p0 $0x0, s1;
	[sflag:s0] =	ssyncset.done @!p0 $0x0  }
0x1b6: {  	[sflag:s0] =	ssyncadd.s32 @!p0 s1  }
0x1b7: {  	[bflag:$0x3] =	sbarrier.arrive $0xFFFF  }
0x1b8: {  	_ =	shalt  }

</sc_bundles>
